<compile_context>
chip_gen: v7x
topology: tpu7x:2x2x1
jax: 0.10.2.dev20260603
libtpu: 0.0.44.dev20260713+nightly
codegen_flags: <defaults>
</compile_context>

<pallas_src>
import functools

import jax
import jax.numpy as jnp
from jax import lax
from jax.experimental import pallas as pl
from jax.experimental.pallas import tpu as pltpu
from jax.experimental.pallas import tpu_sc as plsc

N_NODES = 10000
N_EDGES = 320000
D = 128
DH = D // 2

NC = 2
NS = 16
NW = NC * NS

CHUNK = 64
NBUF = 4
E_PAD = 327680
E_PER_TILE = E_PAD // NS
CHUNKS_PER_TILE = E_PER_TILE // CHUNK
IDX_PARTS = 8
IDX_PART = CHUNKS_PER_TILE // IDX_PARTS
N_PAD = 10240
ROWS_PER_TILE = N_PAD // NS

_mesh = plsc.VectorSubcoreMesh(
    core_axis_name="c", subcore_axis_name="s", num_cores=NC, num_subcores=NS
)


@functools.partial(
    pl.kernel,
    out_type=jax.ShapeDtypeStruct((NC, N_PAD, DH), jnp.float32),
    mesh=_mesh,
    scratch_types=[
        pltpu.VMEM_SHARED((N_PAD, DH), jnp.float32),
        pltpu.VMEM_SHARED((N_PAD, DH), jnp.float32),
        pltpu.VMEM((IDX_PART, CHUNK), jnp.int32),
        pltpu.VMEM((IDX_PART, CHUNK), jnp.int32),
        pltpu.VMEM((NBUF, CHUNK, DH), jnp.float32),
        [pltpu.SemaphoreType.DMA] * NBUF,
        [pltpu.SemaphoreType.DMA] * NBUF,
    ],
    compiler_params=pltpu.CompilerParams(use_tc_tiling_on_sc=False),
)
def _sc_aggregate(x_hbm, src_hbm, dst_hbm, out_hbm, acc, x_sp, src_v, dst_v,
                  rows_v, gsems, ssems):
    cid = lax.axis_index("c")
    sid = lax.axis_index("s")

    def _zero_row(r, _):
        for j in range(DH // 16):
            rows_v[0, r, pl.ds(j * 16, 16)] = jnp.zeros((16,), jnp.float32)
        return 0

    with jax.named_scope("p_zerobuf"):
        lax.fori_loop(0, CHUNK, _zero_row, 0)

    base_rows = sid * ROWS_PER_TILE
    col0 = cid * DH
    with jax.named_scope("p_stage_x"):
        pltpu.sync_copy(
            x_hbm.at[pl.ds(base_rows, 400), pl.ds(col0, DH)],
            x_sp.at[pl.ds(base_rows, 400)],
        )

    @pl.when(sid < NS - 1)
    def _():
        pltpu.sync_copy(
            x_hbm.at[pl.ds(base_rows + 400, ROWS_PER_TILE - 400), pl.ds(col0, DH)],
            x_sp.at[pl.ds(base_rows + 400, ROWS_PER_TILE - 400)],
        )

    @pl.when(sid == NS - 1)
    def _():
        for r0 in range(N_NODES, N_PAD, CHUNK):
            n = min(CHUNK, N_PAD - r0)
            pltpu.sync_copy(rows_v.at[0, pl.ds(0, n)], x_sp.at[pl.ds(r0, n)])

    for r0 in range(0, ROWS_PER_TILE, CHUNK):
        pltpu.sync_copy(
            rows_v.at[0, pl.ds(0, CHUNK)], acc.at[pl.ds(base_rows + r0, CHUNK)]
        )

    with jax.named_scope("p_barrier1"):
        plsc.subcore_barrier()

    base_chunk = sid * CHUNKS_PER_TILE
    for h in range(IDX_PARTS):
        hbase = base_chunk + h * IDX_PART
        pltpu.sync_copy(src_hbm.at[pl.ds(hbase, IDX_PART)], src_v)
        pltpu.sync_copy(dst_hbm.at[pl.ds(hbase, IDX_PART)], dst_v)

        for b in range(NBUF - 2):
            pltpu.async_copy(x_sp.at[src_v.at[b]], rows_v.at[b], gsems[b])

        def _edge_group(g, _):
            c0 = g * NBUF
            for b in range(NBUF):
                c = c0 + b
                bp = (b + NBUF - 2) % NBUF
                pltpu.make_async_copy(
                    x_sp.at[src_v.at[c]], rows_v.at[b], gsems[b]
                ).wait()

                @pl.when(c > 1)
                def _():
                    pltpu.make_async_copy(
                        rows_v.at[bp], acc.at[dst_v.at[c - 2]], ssems[bp]
                    ).wait()

                pltpu.async_copy(rows_v.at[b], acc.at[dst_v.at[c]], ssems[b], add=True)
                nxt = c + NBUF - 2

                @pl.when(nxt < IDX_PART)
                def _():
                    pltpu.async_copy(x_sp.at[src_v.at[nxt]], rows_v.at[bp], gsems[bp])

            return 0

        with jax.named_scope("p_edge_loop"):
            lax.fori_loop(0, IDX_PART // NBUF, _edge_group, 0)

        for cl in (IDX_PART - 2, IDX_PART - 1):
            pltpu.make_async_copy(
                rows_v.at[cl % NBUF],
                acc.at[dst_v.at[cl]],
                ssems[cl % NBUF],
            ).wait()

    with jax.named_scope("p_barrier2"):
        plsc.subcore_barrier()

    with jax.named_scope("p_writeout"):
        pltpu.sync_copy(
            acc.at[pl.ds(base_rows, ROWS_PER_TILE)],
            out_hbm.at[cid, pl.ds(base_rows, ROWS_PER_TILE)],
        )


_BLK = 1000


def _combine_matmul_body(p_ref, w_ref, b_ref, o_ref):
    p = jnp.concatenate([p_ref[0], p_ref[1]], axis=-1)
    o_ref[...] = (
        jnp.dot(p, w_ref[...], preferred_element_type=jnp.float32) + b_ref[...]
    )


def _combine_matmul(partials, W, b2d):
    return pl.pallas_call(
        _combine_matmul_body,
        grid=(N_NODES // _BLK,),
        in_specs=[
            pl.BlockSpec((NC, _BLK, DH), lambda i: (0, i, 0)),
            pl.BlockSpec((D, D), lambda i: (0, 0)),
            pl.BlockSpec((1, D), lambda i: (0, 0)),
        ],
        out_specs=pl.BlockSpec((_BLK, D), lambda i: (i, 0)),
        out_shape=jax.ShapeDtypeStruct((N_NODES, D), jnp.float32),
    )(partials, W, b2d)


def kernel(x, edge_index, W, b):
    src = edge_index[0].astype(jnp.int32)
    dst = edge_index[1].astype(jnp.int32)

    pad = E_PAD - N_EDGES
    pad_idx = jnp.full((pad,), N_NODES, dtype=jnp.int32)
    src2d = jnp.concatenate([src, pad_idx]).reshape(E_PAD // CHUNK, CHUNK)
    dst2d = jnp.concatenate([dst, pad_idx]).reshape(E_PAD // CHUNK, CHUNK)

    partials = _sc_aggregate(x, src2d, dst2d)
    out = _combine_matmul(partials, W, b.reshape(1, D))
    return (out,)

# --- scband reference (transcript-rebuilt; emitter-appended) ---
"""Pipeline reference for scband-gcn-model-3822520893927 (READ-ONLY COPY).

The authoritative reference and input builder live on the scoring server;
editing this copy changes nothing except your own understanding.
"""

import jax, jax.numpy as jnp
import numpy as np

N_NODES = 10000
N_EDGES = 320000
D_IN = 128
D_OUT = 128

def setup_inputs(seed: int = 0) -> dict:
    key = jax.random.key(seed)
    k1, k2, k3, k4 = jax.random.split(key, 4)
    x = jax.random.normal(k1, (N_NODES, D_IN), dtype=jnp.float32)
    edge_index = jax.random.randint(k2, (2, N_EDGES), 0, N_NODES, dtype=jnp.int64)
    # GCNConv(normalize=False): lin weight (no bias in lin) + separate additive bias
    W = jax.random.normal(k3, (D_IN, D_OUT), dtype=jnp.float32) * (1.0 / np.sqrt(D_IN))
    b = jnp.zeros((D_OUT,), dtype=jnp.float32)
    return {"x": x, "edge_index": edge_index, "W": W, "b": b}

def reference(x, edge_index, W, b):
    # GCN_Model with layer_count=1: single GCNConv(in, out, normalize=False)
    # normalize=False => no symmetric degree normalization, no added self-loops.
    # out_i = sum_{(j->i) in E} (x_j @ W) + b
    h = x @ W                       # linear transform (dense)
    src = edge_index[0]
    dst = edge_index[1]
    msgs = jnp.take(h, src, axis=0)  # gather messages from source nodes
    out = jax.ops.segment_sum(msgs, dst, num_segments=x.shape[0])  # scatter-add at dst
    out = out + b
    # model returns list of per-layer outputs; one layer -> tuple of one array
    return (out,)

if __name__ == "__main__":
    import jax
    _d = setup_inputs()
    print(jax.jit(kernel)(*tuple(_d.values())))

</pallas_src>

<mosaic_0001>
#map = affine_map<(d0, d1) -> (0, 0)>
#map1 = affine_map<(d0, d1) -> (0, 0, 0)>
module attributes {stable_mosaic.version = 14 : i64} {
  func.func @_sc_aggregate(%arg0: i32, %arg1: i32, %arg2: memref<10000x128xf32, #tpu.memory_space<hbm>>, %arg3: memref<5120x64xi32, #tpu.memory_space<hbm>>, %arg4: memref<5120x64xi32, #tpu.memory_space<hbm>>, %arg5: memref<2x10240x64xf32, #tpu.memory_space<hbm>>, %arg6: memref<10240x64xf32, #tpu.memory_space<vmem_shared>>, %arg7: memref<10240x64xf32, #tpu.memory_space<vmem_shared>>, %arg8: memref<40x64xi32, #tpu.memory_space<vmem>>, %arg9: memref<40x64xi32, #tpu.memory_space<vmem>>, %arg10: memref<4x64x64xf32, #tpu.memory_space<vmem>>, %arg11: memref<!tpu.dma_semaphore, #tpu.memory_space<semaphore_mem>>, %arg12: memref<!tpu.dma_semaphore, #tpu.memory_space<semaphore_mem>>, %arg13: memref<!tpu.dma_semaphore, #tpu.memory_space<semaphore_mem>>, %arg14: memref<!tpu.dma_semaphore, #tpu.memory_space<semaphore_mem>>, %arg15: memref<!tpu.dma_semaphore, #tpu.memory_space<semaphore_mem>>, %arg16: memref<!tpu.dma_semaphore, #tpu.memory_space<semaphore_mem>>, %arg17: memref<!tpu.dma_semaphore, #tpu.memory_space<semaphore_mem>>, %arg18: memref<!tpu.dma_semaphore, #tpu.memory_space<semaphore_mem>>) attributes {dimension_semantics = [#tpu.dimension_semantics<core_parallel>, #tpu.dimension_semantics<subcore_parallel>], iteration_bounds = array<i64: 2, 16>, scalar_prefetch = 0 : i64, scratch_operands = 13 : i64, tpu.core_type = #tpu.core_type<sc_vector_subcore>, window_params = [{transform_indices = #map}, {transform_indices = #map}, {transform_indices = #map}, {transform_indices = #map1}]} {
    "tpu.trace_start"() <{level = 10 : i32, message = "p_zerobuf"}> : () -> ()
    %scan3A = arith.constant 0 : i32
    %scan3A_0 = arith.constant 0 : i32
    %scan3A_1 = arith.constant 64 : i32
    %scan3A_2 = arith.addi %scan3A_0, %scan3A_1 : i32
    %scan3A_3 = arith.constant 1 : i32
    %scan3A_4 = scf.for %scan3A_500 = %scan3A_0 to %scan3A_2 step %scan3A_3 iter_args(%scan3A_501 = %scan3A) -> (i32)  : i32 {
      %broadcast_in_dim3A = arith.constant 0.000000e+00 : f32
      %broadcast_in_dim3A_502 = vector.broadcast %broadcast_in_dim3A : f32 to vector<16xf32>
      %swap3A = arith.constant 0 : i32
      %swap3A_503 = arith.index_cast %swap3A : i32 to index
      %swap3A_504 = arith.index_cast %scan3A_500 : i32 to index
      %swap3A_505 = arith.constant 0 : index
      %swap3A_506 = tpu.vector_load %arg10[%swap3A_503, %swap3A_504, %swap3A_505] {strides = array<i32>} : memref<4x64x64xf32, #tpu.memory_space<vmem>>, vector<1x1x16xf32>,
      %swap3A_507 = vector.shape_cast %swap3A_506 : vector<1x1x16xf32> to vector<16xf32>
      %swap3A_508 = vector.shape_cast %broadcast_in_dim3A_502 : vector<16xf32> to vector<1x1x16xf32>
      tpu.vector_store %arg10[%swap3A_503, %swap3A_504, %swap3A_505], %swap3A_508 {strides = array<i32>} : memref<4x64x64xf32, #tpu.memory_space<vmem>>, vector<1x1x16xf32>,
      %broadcast_in_dim3A_509 = arith.constant 0.000000e+00 : f32
      %broadcast_in_dim3A_510 = vector.broadcast %broadcast_in_dim3A_509 : f32 to vector<16xf32>
      %swap3A_511 = arith.constant 0 : i32
      %swap3A_512 = arith.index_cast %swap3A_511 : i32 to index
      %swap3A_513 = arith.index_cast %scan3A_500 : i32 to index
      %swap3A_514 = arith.constant 16 : index
      %swap3A_515 = tpu.vector_load %arg10[%swap3A_512, %swap3A_513, %swap3A_514] {strides = array<i32>} : memref<4x64x64xf32, #tpu.memory_space<vmem>>, vector<1x1x16xf32>,
      %swap3A_516 = vector.shape_cast %swap3A_515 : vector<1x1x16xf32> to vector<16xf32>
      %swap3A_517 = vector.shape_cast %broadcast_in_dim3A_510 : vector<16xf32> to vector<1x1x16xf32>
      tpu.vector_store %arg10[%swap3A_512, %swap3A_513, %swap3A_514], %swap3A_517 {strides = array<i32>} : memref<4x64x64xf32, #tpu.memory_space<vmem>>, vector<1x1x16xf32>,
      %broadcast_in_dim3A_518 = arith.constant 0.000000e+00 : f32
      %broadcast_in_dim3A_519 = vector.broadcast %broadcast_in_dim3A_518 : f32 to vector<16xf32>
      %swap3A_520 = arith.constant 0 : i32
      %swap3A_521 = arith.index_cast %swap3A_520 : i32 to index
      %swap3A_522 = arith.index_cast %scan3A_500 : i32 to index
      %swap3A_523 = arith.constant 32 : index
      %swap3A_524 = tpu.vector_load %arg10[%swap3A_521, %swap3A_522, %swap3A_523] {strides = array<i32>} : memref<4x64x64xf32, #tpu.memory_space<vmem>>, vector<1x1x16xf32>,
      %swap3A_525 = vector.shape_cast %swap3A_524 : vector<1x1x16xf32> to vector<16xf32>
      %swap3A_526 = vector.shape_cast %broadcast_in_dim3A_519 : vector<16xf32> to vector<1x1x16xf32>
      tpu.vector_store %arg10[%swap3A_521, %swap3A_522, %swap3A_523], %swap3A_526 {strides = array<i32>} : memref<4x64x64xf32, #tpu.memory_space<vmem>>, vector<1x1x16xf32>,
      %broadcast_in_dim3A_527 = arith.constant 0.000000e+00 : f32
      %broadcast_in_dim3A_528 = vector.broadcast %broadcast_in_dim3A_527 : f32 to vector<16xf32>
      %swap3A_529 = arith.constant 0 : i32
      %swap3A_530 = arith.index_cast %swap3A_529 : i32 to index
      %swap3A_531 = arith.index_cast %scan3A_500 : i32 to index
      %swap3A_532 = arith.constant 48 : index
      %swap3A_533 = tpu.vector_load %arg10[%swap3A_530, %swap3A_531, %swap3A_532] {strides = array<i32>} : memref<4x64x64xf32, #tpu.memory_space<vmem>>, vector<1x1x16xf32>,
      %swap3A_534 = vector.shape_cast %swap3A_533 : vector<1x1x16xf32> to vector<16xf32>
      %swap3A_535 = vector.shape_cast %broadcast_in_dim3A_528 : vector<16xf32> to vector<1x1x16xf32>
      tpu.vector_store %arg10[%swap3A_530, %swap3A_531, %swap3A_532], %swap3A_535 {strides = array<i32>} : memref<4x64x64xf32, #tpu.memory_space<vmem>>, vector<1x1x16xf32>,
      %scan3A_536 = arith.constant 0 : i32
      scf.yield %scan3A_536 : i32
    }
    %scan3A_5 = arith.constant 64 : i32
    "tpu.trace_stop"() : () -> ()
    %mul3A = arith.constant 640 : i32
    %mul3A_6 = arith.muli %arg1, %mul3A : i32
    %mul3A_7 = arith.constant 64 : i32
    %mul3A_8 = arith.muli %arg0, %mul3A_7 : i32
    "tpu.trace_start"() <{level = 10 : i32, message = "p_stage_x"}> : () -> ()
    "tpu.region"() ({
      %run_scoped3A_500 = tpu.sem_alloc : memref<!tpu.dma_semaphore, #tpu.memory_space<semaphore_mem>>
      %dma_start3A_501 = arith.constant 0 : i32
      %dma_start3A_502 = tpu.memref_slice %arg7[%mul3A_6, %dma_start3A_501] : memref<10240x64xf32, #tpu.memory_space<vmem_shared>> -> memref<400x64xf32, #tpu.memory_space<vmem_shared>>
      %dma_start3A_503 = tpu.memref_slice %arg2[%mul3A_6, %mul3A_8] : memref<10000x128xf32, #tpu.memory_space<hbm>> -> memref<400x64xf32, #tpu.memory_space<hbm>>
      tpu.enqueue_dma source(%dma_start3A_503 : memref<400x64xf32, #tpu.memory_space<hbm>>) target(%dma_start3A_502 : memref<400x64xf32, #tpu.memory_space<vmem_shared>>) target_semaphore(%run_scoped3A_500 : memref<!tpu.dma_semaphore, #tpu.memory_space<semaphore_mem>>)
      %dma_wait3A_504 = arith.constant 0 : i32
      %dma_wait3A_505 = tpu.memref_slice %arg7[%mul3A_6, %dma_wait3A_504] : memref<10240x64xf32, #tpu.memory_space<vmem_shared>> -> memref<400x64xf32, #tpu.memory_space<vmem_shared>>
      %dma_wait3A_506 = tpu.memref_slice %arg2[%mul3A_6, %mul3A_8] : memref<10000x128xf32, #tpu.memory_space<hbm>> -> memref<400x64xf32, #tpu.memory_space<hbm>>
      tpu.wait_dma2 semaphore(%run_scoped3A_500 : memref<!tpu.dma_semaphore, #tpu.memory_space<semaphore_mem>>) src(%dma_wait3A_506 : memref<400x64xf32, #tpu.memory_space<hbm>>) dst(%dma_wait3A_505 : memref<400x64xf32, #tpu.memory_space<vmem_shared>>)
      tpu.yield
    }) : () -> ()
    %lt3A = arith.constant 15 : i32
    "tpu.trace_stop"() : () -> ()
    %lt3A_9 = arith.cmpi slt, %arg1, %lt3A : i32
    %convert_element_type3A = arith.extui %lt3A_9 : i1 to i32
    %cond3A = arith.constant 0 : i32
    %cond3A_10 = arith.cmpi ne, %convert_element_type3A, %cond3A : i32
    scf.if %cond3A_10 {
      %add3A_500 = arith.constant 400 : i32
      %add3A_501 = arith.addi %mul3A_6, %add3A_500 : i32
      %add3A_502 = arith.constant 400 : i32
      %add3A_503 = arith.addi %mul3A_6, %add3A_502 : i32
      "tpu.region"() ({
        %run_scoped3A_504 = tpu.sem_alloc : memref<!tpu.dma_semaphore, #tpu.memory_space<semaphore_mem>>
        %dma_start3A_505 = arith.constant 0 : i32
        %dma_start3A_506 = tpu.memref_slice %arg7[%add3A_503, %dma_start3A_505] : memref<10240x64xf32, #tpu.memory_space<vmem_shared>> -> memref<240x64xf32, #tpu.memory_space<vmem_shared>>
        %dma_start3A_507 = tpu.memref_slice %arg2[%add3A_501, %mul3A_8] : memref<10000x128xf32, #tpu.memory_space<hbm>> -> memref<240x64xf32, #tpu.memory_space<hbm>>
        tpu.enqueue_dma source(%dma_start3A_507 : memref<240x64xf32, #tpu.memory_space<hbm>>) target(%dma_start3A_506 : memref<240x64xf32, #tpu.memory_space<vmem_shared>>) target_semaphore(%run_scoped3A_504 : memref<!tpu.dma_semaphore, #tpu.memory_space<semaphore_mem>>)
        %dma_wait3A_508 = arith.constant 0 : i32
        %dma_wait3A_509 = tpu.memref_slice %arg7[%add3A_503, %dma_wait3A_508] : memref<10240x64xf32, #tpu.memory_space<vmem_shared>> -> memref<240x64xf32, #tpu.memory_space<vmem_shared>>
        %dma_wait3A_510 = tpu.memref_slice %arg2[%add3A_501, %mul3A_8] : memref<10000x128xf32, #tpu.memory_space<hbm>> -> memref<240x64xf32, #tpu.memory_space<hbm>>
        tpu.wait_dma2 semaphore(%run_scoped3A_504 : memref<!tpu.dma_semaphore, #tpu.memory_space<semaphore_mem>>) src(%dma_wait3A_510 : memref<240x64xf32, #tpu.memory_space<hbm>>) dst(%dma_wait3A_509 : memref<240x64xf32, #tpu.memory_space<vmem_shared>>)
        tpu.yield
      }) : () -> ()
    } else {
    }
    %eq3A = arith.constant 15 : i32
    %eq3A_11 = arith.cmpi eq, %arg1, %eq3A : i32
    %convert_element_type3A_12 = arith.extui %eq3A_11 : i1 to i32
    %cond3A_13 = arith.constant 0 : i32
    %cond3A_14 = arith.cmpi ne, %convert_element_type3A_12, %cond3A_13 : i32
    scf.if %cond3A_14 {
      %run_scoped3A_500 = arith.constant 0 : i32
      "tpu.region"() ({
        %run_scoped3A_504 = tpu.sem_alloc : memref<!tpu.dma_semaphore, #tpu.memory_space<semaphore_mem>>
        %dma_start3A_505 = arith.constant 0 : i32
        %dma_start3A_506 = arith.constant 0 : i32
        %dma_start3A_507 = tpu.memref_slice %arg10[%run_scoped3A_500, %dma_start3A_505, %dma_start3A_506] : memref<4x64x64xf32, #tpu.memory_space<vmem>> -> memref<1x64x64xf32, #tpu.memory_space<vmem>>
        %dma_start3A_508 = tpu.memref_squeeze %dma_start3A_507 : memref<1x64x64xf32, #tpu.memory_space<vmem>> -> memref<64x64xf32, #tpu.memory_space<vmem>>
        %dma_start3A_509 = arith.constant 10000 : i32
        %dma_start3A_510 = arith.constant 0 : i32
        %dma_start3A_511 = tpu.memref_slice %arg7[%dma_start3A_509, %dma_start3A_510] : memref<10240x64xf32, #tpu.memory_space<vmem_shared>> -> memref<64x64xf32, #tpu.memory_space<vmem_shared>>
        %dma_start3A_512 = arith.constant 10000 : i32
        %dma_start3A_513 = arith.constant 0 : i32
        %dma_start3A_514 = tpu.memref_slice %arg7[%dma_start3A_512, %dma_start3A_513] : memref<10240x64xf32, #tpu.memory_space<vmem_shared>> -> memref<64x64xf32, #tpu.memory_space<vmem_shared>>
        %dma_start3A_515 = arith.constant 0 : i32
        %dma_start3A_516 = arith.constant 0 : i32
        %dma_start3A_517 = tpu.memref_slice %arg10[%run_scoped3A_500, %dma_start3A_515, %dma_start3A_516] : memref<4x64x64xf32, #tpu.memory_space<vmem>> -> memref<1x64x64xf32, #tpu.memory_space<vmem>>
        %dma_start3A_518 = tpu.memref_squeeze %dma_start3A_517 : memref<1x64x64xf32, #tpu.memory_space<vmem>> -> memref<64x64xf32, #tpu.memory_space<vmem>>
        tpu.enqueue_dma source(%dma_start3A_518 : memref<64x64xf32, #tpu.memory_space<vmem>>) target(%dma_start3A_514 : memref<64x64xf32, #tpu.memory_space<vmem_shared>>) target_semaphore(%run_scoped3A_504 : memref<!tpu.dma_semaphore, #tpu.memory_space<semaphore_mem>>)
        %dma_wait3A_519 = arith.constant 0 : i32
        %dma_wait3A_520 = arith.constant 0 : i32
        %dma_wait3A_521 = tpu.memref_slice %arg10[%run_scoped3A_500, %dma_wait3A_519, %dma_wait3A_520] : memref<4x64x64xf32, #tpu.memory_space<vmem>> -> memref<1x64x64xf32, #tpu.memory_space<vmem>>
        %dma_wait3A_522 = tpu.memref_squeeze %dma_wait3A_521 : memref<1x64x64xf32, #tpu.memory_space<vmem>> -> memref<64x64xf32, #tpu.memory_space<vmem>>
        %dma_wait3A_523 = arith.constant 10000 : i32
        %dma_wait3A_524 = arith.constant 0 : i32
        %dma_wait3A_525 = tpu.memref_slice %arg7[%dma_wait3A_523, %dma_wait3A_524] : memref<10240x64xf32, #tpu.memory_space<vmem_shared>> -> memref<64x64xf32, #tpu.memory_space<vmem_shared>>
        %dma_wait3A_526 = arith.constant 10000 : i32
        %dma_wait3A_527 = arith.constant 0 : i32
        %dma_wait3A_528 = tpu.memref_slice %arg7[%dma_wait3A_526, %dma_wait3A_527] : memref<10240x64xf32, #tpu.memory_space<vmem_shared>> -> memref<64x64xf32, #tpu.memory_space<vmem_shared>>
        %dma_wait3A_529 = arith.constant 0 : i32
        %dma_wait3A_530 = arith.constant 0 : i32
        %dma_wait3A_531 = tpu.memref_slice %arg10[%run_scoped3A_500, %dma_wait3A_529, %dma_wait3A_530] : memref<4x64x64xf32, #tpu.memory_space<vmem>> -> memref<1x64x64xf32, #tpu.memory_space<vmem>>
        %dma_wait3A_532 = tpu.memref_squeeze %dma_wait3A_531 : memref<1x64x64xf32, #tpu.memory_space<vmem>> -> memref<64x64xf32, #tpu.memory_space<vmem>>
        tpu.wait_dma2 semaphore(%run_scoped3A_504 : memref<!tpu.dma_semaphore, #tpu.memory_space<semaphore_mem>>) src(%dma_wait3A_532 : memref<64x64xf32, #tpu.memory_space<vmem>>) dst(%dma_wait3A_528 : memref<64x64xf32, #tpu.memory_space<vmem_shared>>)
        tpu.yield
      }) : () -> ()
      %run_scoped3A_501 = arith.constant 0 : i32
      "tpu.region"() ({
        %run_scoped3A_504 = tpu.sem_alloc : memref<!tpu.dma_semaphore, #tpu.memory_space<semaphore_mem>>
        %dma_start3A_505 = arith.constant 0 : i32
        %dma_start3A_506 = arith.constant 0 : i32
        %dma_start3A_507 = tpu.memref_slice %arg10[%run_scoped3A_501, %dma_start3A_505, %dma_start3A_506] : memref<4x64x64xf32, #tpu.memory_space<vmem>> -> memref<1x64x64xf32, #tpu.memory_space<vmem>>
        %dma_start3A_508 = tpu.memref_squeeze %dma_start3A_507 : memref<1x64x64xf32, #tpu.memory_space<vmem>> -> memref<64x64xf32, #tpu.memory_space<vmem>>
        %dma_start3A_509 = arith.constant 10064 : i32
        %dma_start3A_510 = arith.constant 0 : i32
        %dma_start3A_511 = tpu.memref_slice %arg7[%dma_start3A_509, %dma_start3A_510] : memref<10240x64xf32, #tpu.memory_space<vmem_shared>> -> memref<64x64xf32, #tpu.memory_space<vmem_shared>>
        %dma_start3A_512 = arith.constant 10064 : i32
        %dma_start3A_513 = arith.constant 0 : i32
        %dma_start3A_514 = tpu.memref_slice %arg7[%dma_start3A_512, %dma_start3A_513] : memref<10240x64xf32, #tpu.memory_space<vmem_shared>> -> memref<64x64xf32, #tpu.memory_space<vmem_shared>>
        %dma_start3A_515 = arith.constant 0 : i32
        %dma_start3A_516 = arith.constant 0 : i32
        %dma_start3A_517 = tpu.memref_slice %arg10[%run_scoped3A_501, %dma_start3A_515, %dma_start3A_516] : memref<4x64x64xf32, #tpu.memory_space<vmem>> -> memref<1x64x64xf32, #tpu.memory_space<vmem>>
        %dma_start3A_518 = tpu.memref_squeeze %dma_start3A_517 : memref<1x64x64xf32, #tpu.memory_space<vmem>> -> memref<64x64xf32, #tpu.memory_space<vmem>>
        tpu.enqueue_dma source(%dma_start3A_518 : memref<64x64xf32, #tpu.memory_space<vmem>>) target(%dma_start3A_514 : memref<64x64xf32, #tpu.memory_space<vmem_shared>>) target_semaphore(%run_scoped3A_504 : memref<!tpu.dma_semaphore, #tpu.memory_space<semaphore_mem>>)
        %dma_wait3A_519 = arith.constant 0 : i32
        %dma_wait3A_520 = arith.constant 0 : i32
        %dma_wait3A_521 = tpu.memref_slice %arg10[%run_scoped3A_501, %dma_wait3A_519, %dma_wait3A_520] : memref<4x64x64xf32, #tpu.memory_space<vmem>> -> memref<1x64x64xf32, #tpu.memory_space<vmem>>
        %dma_wait3A_522 = tpu.memref_squeeze %dma_wait3A_521 : memref<1x64x64xf32, #tpu.memory_space<vmem>> -> memref<64x64xf32, #tpu.memory_space<vmem>>
        %dma_wait3A_523 = arith.constant 10064 : i32
        %dma_wait3A_524 = arith.constant 0 : i32
        %dma_wait3A_525 = tpu.memref_slice %arg7[%dma_wait3A_523, %dma_wait3A_524] : memref<10240x64xf32, #tpu.memory_space<vmem_shared>> -> memref<64x64xf32, #tpu.memory_space<vmem_shared>>
        %dma_wait3A_526 = arith.constant 10064 : i32
        %dma_wait3A_527 = arith.constant 0 : i32
        %dma_wait3A_528 = tpu.memref_slice %arg7[%dma_wait3A_526, %dma_wait3A_527] : memref<10240x64xf32, #tpu.memory_space<vmem_shared>> -> memref<64x64xf32, #tpu.memory_space<vmem_shared>>
        %dma_wait3A_529 = arith.constant 0 : i32
        %dma_wait3A_530 = arith.constant 0 : i32
        %dma_wait3A_531 = tpu.memref_slice %arg10[%run_scoped3A_501, %dma_wait3A_529, %dma_wait3A_530] : memref<4x64x64xf32, #tpu.memory_space<vmem>> -> memref<1x64x64xf32, #tpu.memory_space<vmem>>
        %dma_wait3A_532 = tpu.memref_squeeze %dma_wait3A_531 : memref<1x64x64xf32, #tpu.memory_space<vmem>> -> memref<64x64xf32, #tpu.memory_space<vmem>>
        tpu.wait_dma2 semaphore(%run_scoped3A_504 : memref<!tpu.dma_semaphore, #tpu.memory_space<semaphore_mem>>) src(%dma_wait3A_532 : memref<64x64xf32, #tpu.memory_space<vmem>>) dst(%dma_wait3A_528 : memref<64x64xf32, #tpu.memory_space<vmem_shared>>)
        tpu.yield
      }) : () -> ()
      %run_scoped3A_502 = arith.constant 0 : i32
      "tpu.region"() ({
        %run_scoped3A_504 = tpu.sem_alloc : memref<!tpu.dma_semaphore, #tpu.memory_space<semaphore_mem>>
        %dma_start3A_505 = arith.constant 0 : i32
        %dma_start3A_506 = arith.constant 0 : i32
        %dma_start3A_507 = tpu.memref_slice %arg10[%run_scoped3A_502, %dma_start3A_505, %dma_start3A_506] : memref<4x64x64xf32, #tpu.memory_space<vmem>> -> memref<1x64x64xf32, #tpu.memory_space<vmem>>
        %dma_start3A_508 = tpu.memref_squeeze %dma_start3A_507 : memref<1x64x64xf32, #tpu.memory_space<vmem>> -> memref<64x64xf32, #tpu.memory_space<vmem>>
        %dma_start3A_509 = arith.constant 10128 : i32
        %dma_start3A_510 = arith.constant 0 : i32
        %dma_start3A_511 = tpu.memref_slice %arg7[%dma_start3A_509, %dma_start3A_510] : memref<10240x64xf32, #tpu.memory_space<vmem_shared>> -> memref<64x64xf32, #tpu.memory_space<vmem_shared>>
        %dma_start3A_512 = arith.constant 10128 : i32
        %dma_start3A_513 = arith.constant 0 : i32
        %dma_start3A_514 = tpu.memref_slice %arg7[%dma_start3A_512, %dma_start3A_513] : memref<10240x64xf32, #tpu.memory_space<vmem_shared>> -> memref<64x64xf32, #tpu.memory_space<vmem_shared>>
        %dma_start3A_515 = arith.constant 0 : i32
        %dma_start3A_516 = arith.constant 0 : i32
        %dma_start3A_517 = tpu.memref_slice %arg10[%run_scoped3A_502, %dma_start3A_515, %dma_start3A_516] : memref<4x64x64xf32, #tpu.memory_space<vmem>> -> memref<1x64x64xf32, #tpu.memory_space<vmem>>
        %dma_start3A_518 = tpu.memref_squeeze %dma_start3A_517 : memref<1x64x64xf32, #tpu.memory_space<vmem>> -> memref<64x64xf32, #tpu.memory_space<vmem>>
        tpu.enqueue_dma source(%dma_start3A_518 : memref<64x64xf32, #tpu.memory_space<vmem>>) target(%dma_start3A_514 : memref<64x64xf32, #tpu.memory_space<vmem_shared>>) target_semaphore(%run_scoped3A_504 : memref<!tpu.dma_semaphore, #tpu.memory_space<semaphore_mem>>)
        %dma_wait3A_519 = arith.constant 0 : i32
        %dma_wait3A_520 = arith.constant 0 : i32
        %dma_wait3A_521 = tpu.memref_slice %arg10[%run_scoped3A_502, %dma_wait3A_519, %dma_wait3A_520] : memref<4x64x64xf32, #tpu.memory_space<vmem>> -> memref<1x64x64xf32, #tpu.memory_space<vmem>>
        %dma_wait3A_522 = tpu.memref_squeeze %dma_wait3A_521 : memref<1x64x64xf32, #tpu.memory_space<vmem>> -> memref<64x64xf32, #tpu.memory_space<vmem>>
        %dma_wait3A_523 = arith.constant 10128 : i32
        %dma_wait3A_524 = arith.constant 0 : i32
        %dma_wait3A_525 = tpu.memref_slice %arg7[%dma_wait3A_523, %dma_wait3A_524] : memref<10240x64xf32, #tpu.memory_space<vmem_shared>> -> memref<64x64xf32, #tpu.memory_space<vmem_shared>>
        %dma_wait3A_526 = arith.constant 10128 : i32
        %dma_wait3A_527 = arith.constant 0 : i32
        %dma_wait3A_528 = tpu.memref_slice %arg7[%dma_wait3A_526, %dma_wait3A_527] : memref<10240x64xf32, #tpu.memory_space<vmem_shared>> -> memref<64x64xf32, #tpu.memory_space<vmem_shared>>
        %dma_wait3A_529 = arith.constant 0 : i32
        %dma_wait3A_530 = arith.constant 0 : i32
        %dma_wait3A_531 = tpu.memref_slice %arg10[%run_scoped3A_502, %dma_wait3A_529, %dma_wait3A_530] : memref<4x64x64xf32, #tpu.memory_space<vmem>> -> memref<1x64x64xf32, #tpu.memory_space<vmem>>
        %dma_wait3A_532 = tpu.memref_squeeze %dma_wait3A_531 : memref<1x64x64xf32, #tpu.memory_space<vmem>> -> memref<64x64xf32, #tpu.memory_space<vmem>>
        tpu.wait_dma2 semaphore(%run_scoped3A_504 : memref<!tpu.dma_semaphore, #tpu.memory_space<semaphore_mem>>) src(%dma_wait3A_532 : memref<64x64xf32, #tpu.memory_space<vmem>>) dst(%dma_wait3A_528 : memref<64x64xf32, #tpu.memory_space<vmem_shared>>)
        tpu.yield
      }) : () -> ()
      %run_scoped3A_503 = arith.constant 0 : i32
      "tpu.region"() ({
        %run_scoped3A_504 = tpu.sem_alloc : memref<!tpu.dma_semaphore, #tpu.memory_space<semaphore_mem>>
        %dma_start3A_505 = arith.constant 0 : i32
        %dma_start3A_506 = arith.constant 0 : i32
        %dma_start3A_507 = tpu.memref_slice %arg10[%run_scoped3A_503, %dma_start3A_505, %dma_start3A_506] : memref<4x64x64xf32, #tpu.memory_space<vmem>> -> memref<1x48x64xf32, #tpu.memory_space<vmem>>
        %dma_start3A_508 = tpu.memref_squeeze %dma_start3A_507 : memref<1x48x64xf32, #tpu.memory_space<vmem>> -> memref<48x64xf32, #tpu.memory_space<vmem>>
        %dma_start3A_509 = arith.constant 10192 : i32
        %dma_start3A_510 = arith.constant 0 : i32
        %dma_start3A_511 = tpu.memref_slice %arg7[%dma_start3A_509, %dma_start3A_510] : memref<10240x64xf32, #tpu.memory_space<vmem_shared>> -> memref<48x64xf32, #tpu.memory_space<vmem_shared>>
        %dma_start3A_512 = arith.constant 10192 : i32
        %dma_start3A_513 = arith.constant 0 : i32
        %dma_start3A_514 = tpu.memref_slice %arg7[%dma_start3A_512, %dma_start3A_513] : memref<10240x64xf32, #tpu.memory_space<vmem_shared>> -> memref<48x64xf32, #tpu.memory_space<vmem_shared>>
        %dma_start3A_515 = arith.constant 0 : i32
        %dma_start3A_516 = arith.constant 0 : i32
        %dma_start3A_517 = tpu.memref_slice %arg10[%run_scoped3A_503, %dma_start3A_515, %dma_start3A_516] : memref<4x64x64xf32, #tpu.memory_space<vmem>> -> memref<1x48x64xf32, #tpu.memory_space<vmem>>
        %dma_start3A_518 = tpu.memref_squeeze %dma_start3A_517 : memref<1x48x64xf32, #tpu.memory_space<vmem>> -> memref<48x64xf32, #tpu.memory_space<vmem>>
        tpu.enqueue_dma source(%dma_start3A_518 : memref<48x64xf32, #tpu.memory_space<vmem>>) target(%dma_start3A_514 : memref<48x64xf32, #tpu.memory_space<vmem_shared>>) target_semaphore(%run_scoped3A_504 : memref<!tpu.dma_semaphore, #tpu.memory_space<semaphore_mem>>)
        %dma_wait3A_519 = arith.constant 0 : i32
        %dma_wait3A_520 = arith.constant 0 : i32
        %dma_wait3A_521 = tpu.memref_slice %arg10[%run_scoped3A_503, %dma_wait3A_519, %dma_wait3A_520] : memref<4x64x64xf32, #tpu.memory_space<vmem>> -> memref<1x48x64xf32, #tpu.memory_space<vmem>>
        %dma_wait3A_522 = tpu.memref_squeeze %dma_wait3A_521 : memref<1x48x64xf32, #tpu.memory_space<vmem>> -> memref<48x64xf32, #tpu.memory_space<vmem>>
        %dma_wait3A_523 = arith.constant 10192 : i32
        %dma_wait3A_524 = arith.constant 0 : i32
        %dma_wait3A_525 = tpu.memref_slice %arg7[%dma_wait3A_523, %dma_wait3A_524] : memref<10240x64xf32, #tpu.memory_space<vmem_shared>> -> memref<48x64xf32, #tpu.memory_space<vmem_shared>>
        %dma_wait3A_526 = arith.constant 10192 : i32
        %dma_wait3A_527 = arith.constant 0 : i32
        %dma_wait3A_528 = tpu.memref_slice %arg7[%dma_wait3A_526, %dma_wait3A_527] : memref<10240x64xf32, #tpu.memory_space<vmem_shared>> -> memref<48x64xf32, #tpu.memory_space<vmem_shared>>
        %dma_wait3A_529 = arith.constant 0 : i32
        %dma_wait3A_530 = arith.constant 0 : i32
        %dma_wait3A_531 = tpu.memref_slice %arg10[%run_scoped3A_503, %dma_wait3A_529, %dma_wait3A_530] : memref<4x64x64xf32, #tpu.memory_space<vmem>> -> memref<1x48x64xf32, #tpu.memory_space<vmem>>
        %dma_wait3A_532 = tpu.memref_squeeze %dma_wait3A_531 : memref<1x48x64xf32, #tpu.memory_space<vmem>> -> memref<48x64xf32, #tpu.memory_space<vmem>>
        tpu.wait_dma2 semaphore(%run_scoped3A_504 : memref<!tpu.dma_semaphore, #tpu.memory_space<semaphore_mem>>) src(%dma_wait3A_532 : memref<48x64xf32, #tpu.memory_space<vmem>>) dst(%dma_wait3A_528 : memref<48x64xf32, #tpu.memory_space<vmem_shared>>)
        tpu.yield
      }) : () -> ()
    } else {
    }
    %add3A = arith.constant 0 : i32
    %add3A_15 = arith.addi %mul3A_6, %add3A : i32
    %run_scoped3A = arith.constant 0 : i32
    "tpu.region"() ({
      %run_scoped3A_500 = tpu.sem_alloc : memref<!tpu.dma_semaphore, #tpu.memory_space<semaphore_mem>>
      %dma_start3A_501 = arith.constant 0 : i32
      %dma_start3A_502 = arith.constant 0 : i32
      %dma_start3A_503 = tpu.memref_slice %arg10[%run_scoped3A, %dma_start3A_501, %dma_start3A_502] : memref<4x64x64xf32, #tpu.memory_space<vmem>> -> memref<1x64x64xf32, #tpu.memory_space<vmem>>
      %dma_start3A_504 = tpu.memref_squeeze %dma_start3A_503 : memref<1x64x64xf32, #tpu.memory_space<vmem>> -> memref<64x64xf32, #tpu.memory_space<vmem>>
      %dma_start3A_505 = arith.constant 0 : i32
      %dma_start3A_506 = tpu.memref_slice %arg6[%add3A_15, %dma_start3A_505] : memref<10240x64xf32, #tpu.memory_space<vmem_shared>> -> memref<64x64xf32, #tpu.memory_space<vmem_shared>>
      %dma_start3A_507 = arith.constant 0 : i32
      %dma_start3A_508 = tpu.memref_slice %arg6[%add3A_15, %dma_start3A_507] : memref<10240x64xf32, #tpu.memory_space<vmem_shared>> -> memref<64x64xf32, #tpu.memory_space<vmem_shared>>
      %dma_start3A_509 = arith.constant 0 : i32
      %dma_start3A_510 = arith.constant 0 : i32
      %dma_start3A_511 = tpu.memref_slice %arg10[%run_scoped3A, %dma_start3A_509, %dma_start3A_510] : memref<4x64x64xf32, #tpu.memory_space<vmem>> -> memref<1x64x64xf32, #tpu.memory_space<vmem>>
      %dma_start3A_512 = tpu.memref_squeeze %dma_start3A_511 : memref<1x64x64xf32, #tpu.memory_space<vmem>> -> memref<64x64xf32, #tpu.memory_space<vmem>>
      tpu.enqueue_dma source(%dma_start3A_512 : memref<64x64xf32, #tpu.memory_space<vmem>>) target(%dma_start3A_508 : memref<64x64xf32, #tpu.memory_space<vmem_shared>>) target_semaphore(%run_scoped3A_500 : memref<!tpu.dma_semaphore, #tpu.memory_space<semaphore_mem>>)
      %dma_wait3A_513 = arith.constant 0 : i32
      %dma_wait3A_514 = arith.constant 0 : i32
      %dma_wait3A_515 = tpu.memref_slice %arg10[%run_scoped3A, %dma_wait3A_513, %dma_wait3A_514] : memref<4x64x64xf32, #tpu.memory_space<vmem>> -> memref<1x64x64xf32, #tpu.memory_space<vmem>>
      %dma_wait3A_516 = tpu.memref_squeeze %dma_wait3A_515 : memref<1x64x64xf32, #tpu.memory_space<vmem>> -> memref<64x64xf32, #tpu.memory_space<vmem>>
      %dma_wait3A_517 = arith.constant 0 : i32
      %dma_wait3A_518 = tpu.memref_slice %arg6[%add3A_15, %dma_wait3A_517] : memref<10240x64xf32, #tpu.memory_space<vmem_shared>> -> memref<64x64xf32, #tpu.memory_space<vmem_shared>>
      %dma_wait3A_519 = arith.constant 0 : i32
      %dma_wait3A_520 = tpu.memref_slice %arg6[%add3A_15, %dma_wait3A_519] : memref<10240x64xf32, #tpu.memory_space<vmem_shared>> -> memref<64x64xf32, #tpu.memory_space<vmem_shared>>
      %dma_wait3A_521 = arith.constant 0 : i32
      %dma_wait3A_522 = arith.constant 0 : i32
      %dma_wait3A_523 = tpu.memref_slice %arg10[%run_scoped3A, %dma_wait3A_521, %dma_wait3A_522] : memref<4x64x64xf32, #tpu.memory_space<vmem>> -> memref<1x64x64xf32, #tpu.memory_space<vmem>>
      %dma_wait3A_524 = tpu.memref_squeeze %dma_wait3A_523 : memref<1x64x64xf32, #tpu.memory_space<vmem>> -> memref<64x64xf32, #tpu.memory_space<vmem>>
      tpu.wait_dma2 semaphore(%run_scoped3A_500 : memref<!tpu.dma_semaphore, #tpu.memory_space<semaphore_mem>>) src(%dma_wait3A_524 : memref<64x64xf32, #tpu.memory_space<vmem>>) dst(%dma_wait3A_520 : memref<64x64xf32, #tpu.memory_space<vmem_shared>>)
      tpu.yield
    }) : () -> ()
    %add3A_16 = arith.constant 64 : i32
    %add3A_17 = arith.addi %mul3A_6, %add3A_16 : i32
    %run_scoped3A_18 = arith.constant 0 : i32
    "tpu.region"() ({
      %run_scoped3A_500 = tpu.sem_alloc : memref<!tpu.dma_semaphore, #tpu.memory_space<semaphore_mem>>
      %dma_start3A_501 = arith.constant 0 : i32
      %dma_start3A_502 = arith.constant 0 : i32
      %dma_start3A_503 = tpu.memref_slice %arg10[%run_scoped3A_18, %dma_start3A_501, %dma_start3A_502] : memref<4x64x64xf32, #tpu.memory_space<vmem>> -> memref<1x64x64xf32, #tpu.memory_space<vmem>>
      %dma_start3A_504 = tpu.memref_squeeze %dma_start3A_503 : memref<1x64x64xf32, #tpu.memory_space<vmem>> -> memref<64x64xf32, #tpu.memory_space<vmem>>
      %dma_start3A_505 = arith.constant 0 : i32
      %dma_start3A_506 = tpu.memref_slice %arg6[%add3A_17, %dma_start3A_505] : memref<10240x64xf32, #tpu.memory_space<vmem_shared>> -> memref<64x64xf32, #tpu.memory_space<vmem_shared>>
      %dma_start3A_507 = arith.constant 0 : i32
      %dma_start3A_508 = tpu.memref_slice %arg6[%add3A_17, %dma_start3A_507] : memref<10240x64xf32, #tpu.memory_space<vmem_shared>> -> memref<64x64xf32, #tpu.memory_space<vmem_shared>>
      %dma_start3A_509 = arith.constant 0 : i32
      %dma_start3A_510 = arith.constant 0 : i32
      %dma_start3A_511 = tpu.memref_slice %arg10[%run_scoped3A_18, %dma_start3A_509, %dma_start3A_510] : memref<4x64x64xf32, #tpu.memory_space<vmem>> -> memref<1x64x64xf32, #tpu.memory_space<vmem>>
      %dma_start3A_512 = tpu.memref_squeeze %dma_start3A_511 : memref<1x64x64xf32, #tpu.memory_space<vmem>> -> memref<64x64xf32, #tpu.memory_space<vmem>>
      tpu.enqueue_dma source(%dma_start3A_512 : memref<64x64xf32, #tpu.memory_space<vmem>>) target(%dma_start3A_508 : memref<64x64xf32, #tpu.memory_space<vmem_shared>>) target_semaphore(%run_scoped3A_500 : memref<!tpu.dma_semaphore, #tpu.memory_space<semaphore_mem>>)
      %dma_wait3A_513 = arith.constant 0 : i32
      %dma_wait3A_514 = arith.constant 0 : i32
      %dma_wait3A_515 = tpu.memref_slice %arg10[%run_scoped3A_18, %dma_wait3A_513, %dma_wait3A_514] : memref<4x64x64xf32, #tpu.memory_space<vmem>> -> memref<1x64x64xf32, #tpu.memory_space<vmem>>
      %dma_wait3A_516 = tpu.memref_squeeze %dma_wait3A_515 : memref<1x64x64xf32, #tpu.memory_space<vmem>> -> memref<64x64xf32, #tpu.memory_space<vmem>>
      %dma_wait3A_517 = arith.constant 0 : i32
      %dma_wait3A_518 = tpu.memref_slice %arg6[%add3A_17, %dma_wait3A_517] : memref<10240x64xf32, #tpu.memory_space<vmem_shared>> -> memref<64x64xf32, #tpu.memory_space<vmem_shared>>
      %dma_wait3A_519 = arith.constant 0 : i32
      %dma_wait3A_520 = tpu.memref_slice %arg6[%add3A_17, %dma_wait3A_519] : memref<10240x64xf32, #tpu.memory_space<vmem_shared>> -> memref<64x64xf32, #tpu.memory_space<vmem_shared>>
      %dma_wait3A_521 = arith.constant 0 : i32
      %dma_wait3A_522 = arith.constant 0 : i32
      %dma_wait3A_523 = tpu.memref_slice %arg10[%run_scoped3A_18, %dma_wait3A_521, %dma_wait3A_522] : memref<4x64x64xf32, #tpu.memory_space<vmem>> -> memref<1x64x64xf32, #tpu.memory_space<vmem>>
      %dma_wait3A_524 = tpu.memref_squeeze %dma_wait3A_523 : memref<1x64x64xf32, #tpu.memory_space<vmem>> -> memref<64x64xf32, #tpu.memory_space<vmem>>
      tpu.wait_dma2 semaphore(%run_scoped3A_500 : memref<!tpu.dma_semaphore, #tpu.memory_space<semaphore_mem>>) src(%dma_wait3A_524 : memref<64x64xf32, #tpu.memory_space<vmem>>) dst(%dma_wait3A_520 : memref<64x64xf32, #tpu.memory_space<vmem_shared>>)
      tpu.yield
    }) : () -> ()
    %add3A_19 = arith.constant 128 : i32
    %add3A_20 = arith.addi %mul3A_6, %add3A_19 : i32
    %run_scoped3A_21 = arith.constant 0 : i32
    "tpu.region"() ({
      %run_scoped3A_500 = tpu.sem_alloc : memref<!tpu.dma_semaphore, #tpu.memory_space<semaphore_mem>>
      %dma_start3A_501 = arith.constant 0 : i32
      %dma_start3A_502 = arith.constant 0 : i32
      %dma_start3A_503 = tpu.memref_slice %arg10[%run_scoped3A_21, %dma_start3A_501, %dma_start3A_502] : memref<4x64x64xf32, #tpu.memory_space<vmem>> -> memref<1x64x64xf32, #tpu.memory_space<vmem>>
      %dma_start3A_504 = tpu.memref_squeeze %dma_start3A_503 : memref<1x64x64xf32, #tpu.memory_space<vmem>> -> memref<64x64xf32, #tpu.memory_space<vmem>>
      %dma_start3A_505 = arith.constant 0 : i32
      %dma_start3A_506 = tpu.memref_slice %arg6[%add3A_20, %dma_start3A_505] : memref<10240x64xf32, #tpu.memory_space<vmem_shared>> -> memref<64x64xf32, #tpu.memory_space<vmem_shared>>
      %dma_start3A_507 = arith.constant 0 : i32
      %dma_start3A_508 = tpu.memref_slice %arg6[%add3A_20, %dma_start3A_507] : memref<10240x64xf32, #tpu.memory_space<vmem_shared>> -> memref<64x64xf32, #tpu.memory_space<vmem_shared>>
      %dma_start3A_509 = arith.constant 0 : i32
      %dma_start3A_510 = arith.constant 0 : i32
      %dma_start3A_511 = tpu.memref_slice %arg10[%run_scoped3A_21, %dma_start3A_509, %dma_start3A_510] : memref<4x64x64xf32, #tpu.memory_space<vmem>> -> memref<1x64x64xf32, #tpu.memory_space<vmem>>
      %dma_start3A_512 = tpu.memref_squeeze %dma_start3A_511 : memref<1x64x64xf32, #tpu.memory_space<vmem>> -> memref<64x64xf32, #tpu.memory_space<vmem>>
      tpu.enqueue_dma source(%dma_start3A_512 : memref<64x64xf32, #tpu.memory_space<vmem>>) target(%dma_start3A_508 : memref<64x64xf32, #tpu.memory_space<vmem_shared>>) target_semaphore(%run_scoped3A_500 : memref<!tpu.dma_semaphore, #tpu.memory_space<semaphore_mem>>)
      %dma_wait3A_513 = arith.constant 0 : i32
      %dma_wait3A_514 = arith.constant 0 : i32
      %dma_wait3A_515 = tpu.memref_slice %arg10[%run_scoped3A_21, %dma_wait3A_513, %dma_wait3A_514] : memref<4x64x64xf32, #tpu.memory_space<vmem>> -> memref<1x64x64xf32, #tpu.memory_space<vmem>>
      %dma_wait3A_516 = tpu.memref_squeeze %dma_wait3A_515 : memref<1x64x64xf32, #tpu.memory_space<vmem>> -> memref<64x64xf32, #tpu.memory_space<vmem>>
      %dma_wait3A_517 = arith.constant 0 : i32
      %dma_wait3A_518 = tpu.memref_slice %arg6[%add3A_20, %dma_wait3A_517] : memref<10240x64xf32, #tpu.memory_space<vmem_shared>> -> memref<64x64xf32, #tpu.memory_space<vmem_shared>>
      %dma_wait3A_519 = arith.constant 0 : i32
      %dma_wait3A_520 = tpu.memref_slice %arg6[%add3A_20, %dma_wait3A_519] : memref<10240x64xf32, #tpu.memory_space<vmem_shared>> -> memref<64x64xf32, #tpu.memory_space<vmem_shared>>
      %dma_wait3A_521 = arith.constant 0 : i32
      %dma_wait3A_522 = arith.constant 0 : i32
      %dma_wait3A_523 = tpu.memref_slice %arg10[%run_scoped3A_21, %dma_wait3A_521, %dma_wait3A_522] : memref<4x64x64xf32, #tpu.memory_space<vmem>> -> memref<1x64x64xf32, #tpu.memory_space<vmem>>
      %dma_wait3A_524 = tpu.memref_squeeze %dma_wait3A_523 : memref<1x64x64xf32, #tpu.memory_space<vmem>> -> memref<64x64xf32, #tpu.memory_space<vmem>>
      tpu.wait_dma2 semaphore(%run_scoped3A_500 : memref<!tpu.dma_semaphore, #tpu.memory_space<semaphore_mem>>) src(%dma_wait3A_524 : memref<64x64xf32, #tpu.memory_space<vmem>>) dst(%dma_wait3A_520 : memref<64x64xf32, #tpu.memory_space<vmem_shared>>)
      tpu.yield
    }) : () -> ()
    %add3A_22 = arith.constant 192 : i32
    %add3A_23 = arith.addi %mul3A_6, %add3A_22 : i32
    %run_scoped3A_24 = arith.constant 0 : i32
    "tpu.region"() ({
      %run_scoped3A_500 = tpu.sem_alloc : memref<!tpu.dma_semaphore, #tpu.memory_space<semaphore_mem>>
      %dma_start3A_501 = arith.constant 0 : i32
      %dma_start3A_502 = arith.constant 0 : i32
      %dma_start3A_503 = tpu.memref_slice %arg10[%run_scoped3A_24, %dma_start3A_501, %dma_start3A_502] : memref<4x64x64xf32, #tpu.memory_space<vmem>> -> memref<1x64x64xf32, #tpu.memory_space<vmem>>
      %dma_start3A_504 = tpu.memref_squeeze %dma_start3A_503 : memref<1x64x64xf32, #tpu.memory_space<vmem>> -> memref<64x64xf32, #tpu.memory_space<vmem>>
      %dma_start3A_505 = arith.constant 0 : i32
      %dma_start3A_506 = tpu.memref_slice %arg6[%add3A_23, %dma_start3A_505] : memref<10240x64xf32, #tpu.memory_space<vmem_shared>> -> memref<64x64xf32, #tpu.memory_space<vmem_shared>>
      %dma_start3A_507 = arith.constant 0 : i32
      %dma_start3A_508 = tpu.memref_slice %arg6[%add3A_23, %dma_start3A_507] : memref<10240x64xf32, #tpu.memory_space<vmem_shared>> -> memref<64x64xf32, #tpu.memory_space<vmem_shared>>
      %dma_start3A_509 = arith.constant 0 : i32
      %dma_start3A_510 = arith.constant 0 : i32
      %dma_start3A_511 = tpu.memref_slice %arg10[%run_scoped3A_24, %dma_start3A_509, %dma_start3A_510] : memref<4x64x64xf32, #tpu.memory_space<vmem>> -> memref<1x64x64xf32, #tpu.memory_space<vmem>>
      %dma_start3A_512 = tpu.memref_squeeze %dma_start3A_511 : memref<1x64x64xf32, #tpu.memory_space<vmem>> -> memref<64x64xf32, #tpu.memory_space<vmem>>
      tpu.enqueue_dma source(%dma_start3A_512 : memref<64x64xf32, #tpu.memory_space<vmem>>) target(%dma_start3A_508 : memref<64x64xf32, #tpu.memory_space<vmem_shared>>) target_semaphore(%run_scoped3A_500 : memref<!tpu.dma_semaphore, #tpu.memory_space<semaphore_mem>>)
      %dma_wait3A_513 = arith.constant 0 : i32
      %dma_wait3A_514 = arith.constant 0 : i32
      %dma_wait3A_515 = tpu.memref_slice %arg10[%run_scoped3A_24, %dma_wait3A_513, %dma_wait3A_514] : memref<4x64x64xf32, #tpu.memory_space<vmem>> -> memref<1x64x64xf32, #tpu.memory_space<vmem>>
      %dma_wait3A_516 = tpu.memref_squeeze %dma_wait3A_515 : memref<1x64x64xf32, #tpu.memory_space<vmem>> -> memref<64x64xf32, #tpu.memory_space<vmem>>
      %dma_wait3A_517 = arith.constant 0 : i32
      %dma_wait3A_518 = tpu.memref_slice %arg6[%add3A_23, %dma_wait3A_517] : memref<10240x64xf32, #tpu.memory_space<vmem_shared>> -> memref<64x64xf32, #tpu.memory_space<vmem_shared>>
      %dma_wait3A_519 = arith.constant 0 : i32
      %dma_wait3A_520 = tpu.memref_slice %arg6[%add3A_23, %dma_wait3A_519] : memref<10240x64xf32, #tpu.memory_space<vmem_shared>> -> memref<64x64xf32, #tpu.memory_space<vmem_shared>>
      %dma_wait3A_521 = arith.constant 0 : i32
      %dma_wait3A_522 = arith.constant 0 : i32
      %dma_wait3A_523 = tpu.memref_slice %arg10[%run_scoped3A_24, %dma_wait3A_521, %dma_wait3A_522] : memref<4x64x64xf32, #tpu.memory_space<vmem>> -> memref<1x64x64xf32, #tpu.memory_space<vmem>>
      %dma_wait3A_524 = tpu.memref_squeeze %dma_wait3A_523 : memref<1x64x64xf32, #tpu.memory_space<vmem>> -> memref<64x64xf32, #tpu.memory_space<vmem>>
      tpu.wait_dma2 semaphore(%run_scoped3A_500 : memref<!tpu.dma_semaphore, #tpu.memory_space<semaphore_mem>>) src(%dma_wait3A_524 : memref<64x64xf32, #tpu.memory_space<vmem>>) dst(%dma_wait3A_520 : memref<64x64xf32, #tpu.memory_space<vmem_shared>>)
      tpu.yield
    }) : () -> ()
    %add3A_25 = arith.constant 256 : i32
    %add3A_26 = arith.addi %mul3A_6, %add3A_25 : i32
    %run_scoped3A_27 = arith.constant 0 : i32
    "tpu.region"() ({
      %run_scoped3A_500 = tpu.sem_alloc : memref<!tpu.dma_semaphore, #tpu.memory_space<semaphore_mem>>
      %dma_start3A_501 = arith.constant 0 : i32
      %dma_start3A_502 = arith.constant 0 : i32
      %dma_start3A_503 = tpu.memref_slice %arg10[%run_scoped3A_27, %dma_start3A_501, %dma_start3A_502] : memref<4x64x64xf32, #tpu.memory_space<vmem>> -> memref<1x64x64xf32, #tpu.memory_space<vmem>>
      %dma_start3A_504 = tpu.memref_squeeze %dma_start3A_503 : memref<1x64x64xf32, #tpu.memory_space<vmem>> -> memref<64x64xf32, #tpu.memory_space<vmem>>
      %dma_start3A_505 = arith.constant 0 : i32
      %dma_start3A_506 = tpu.memref_slice %arg6[%add3A_26, %dma_start3A_505] : memref<10240x64xf32, #tpu.memory_space<vmem_shared>> -> memref<64x64xf32, #tpu.memory_space<vmem_shared>>
      %dma_start3A_507 = arith.constant 0 : i32
      %dma_start3A_508 = tpu.memref_slice %arg6[%add3A_26, %dma_start3A_507] : memref<10240x64xf32, #tpu.memory_space<vmem_shared>> -> memref<64x64xf32, #tpu.memory_space<vmem_shared>>
      %dma_start3A_509 = arith.constant 0 : i32
      %dma_start3A_510 = arith.constant 0 : i32
      %dma_start3A_511 = tpu.memref_slice %arg10[%run_scoped3A_27, %dma_start3A_509, %dma_start3A_510] : memref<4x64x64xf32, #tpu.memory_space<vmem>> -> memref<1x64x64xf32, #tpu.memory_space<vmem>>
      %dma_start3A_512 = tpu.memref_squeeze %dma_start3A_511 : memref<1x64x64xf32, #tpu.memory_space<vmem>> -> memref<64x64xf32, #tpu.memory_space<vmem>>
      tpu.enqueue_dma source(%dma_start3A_512 : memref<64x64xf32, #tpu.memory_space<vmem>>) target(%dma_start3A_508 : memref<64x64xf32, #tpu.memory_space<vmem_shared>>) target_semaphore(%run_scoped3A_500 : memref<!tpu.dma_semaphore, #tpu.memory_space<semaphore_mem>>)
      %dma_wait3A_513 = arith.constant 0 : i32
      %dma_wait3A_514 = arith.constant 0 : i32
      %dma_wait3A_515 = tpu.memref_slice %arg10[%run_scoped3A_27, %dma_wait3A_513, %dma_wait3A_514] : memref<4x64x64xf32, #tpu.memory_space<vmem>> -> memref<1x64x64xf32, #tpu.memory_space<vmem>>
      %dma_wait3A_516 = tpu.memref_squeeze %dma_wait3A_515 : memref<1x64x64xf32, #tpu.memory_space<vmem>> -> memref<64x64xf32, #tpu.memory_space<vmem>>
      %dma_wait3A_517 = arith.constant 0 : i32
      %dma_wait3A_518 = tpu.memref_slice %arg6[%add3A_26, %dma_wait3A_517] : memref<10240x64xf32, #tpu.memory_space<vmem_shared>> -> memref<64x64xf32, #tpu.memory_space<vmem_shared>>
      %dma_wait3A_519 = arith.constant 0 : i32
      %dma_wait3A_520 = tpu.memref_slice %arg6[%add3A_26, %dma_wait3A_519] : memref<10240x64xf32, #tpu.memory_space<vmem_shared>> -> memref<64x64xf32, #tpu.memory_space<vmem_shared>>
      %dma_wait3A_521 = arith.constant 0 : i32
      %dma_wait3A_522 = arith.constant 0 : i32
      %dma_wait3A_523 = tpu.memref_slice %arg10[%run_scoped3A_27, %dma_wait3A_521, %dma_wait3A_522] : memref<4x64x64xf32, #tpu.memory_space<vmem>> -> memref<1x64x64xf32, #tpu.memory_space<vmem>>
      %dma_wait3A_524 = tpu.memref_squeeze %dma_wait3A_523 : memref<1x64x64xf32, #tpu.memory_space<vmem>> -> memref<64x64xf32, #tpu.memory_space<vmem>>
      tpu.wait_dma2 semaphore(%run_scoped3A_500 : memref<!tpu.dma_semaphore, #tpu.memory_space<semaphore_mem>>) src(%dma_wait3A_524 : memref<64x64xf32, #tpu.memory_space<vmem>>) dst(%dma_wait3A_520 : memref<64x64xf32, #tpu.memory_space<vmem_shared>>)
      tpu.yield
    }) : () -> ()
    %add3A_28 = arith.constant 320 : i32
    %add3A_29 = arith.addi %mul3A_6, %add3A_28 : i32
    %run_scoped3A_30 = arith.constant 0 : i32
    "tpu.region"() ({
      %run_scoped3A_500 = tpu.sem_alloc : memref<!tpu.dma_semaphore, #tpu.memory_space<semaphore_mem>>
      %dma_start3A_501 = arith.constant 0 : i32
      %dma_start3A_502 = arith.constant 0 : i32
      %dma_start3A_503 = tpu.memref_slice %arg10[%run_scoped3A_30, %dma_start3A_501, %dma_start3A_502] : memref<4x64x64xf32, #tpu.memory_space<vmem>> -> memref<1x64x64xf32, #tpu.memory_space<vmem>>
      %dma_start3A_504 = tpu.memref_squeeze %dma_start3A_503 : memref<1x64x64xf32, #tpu.memory_space<vmem>> -> memref<64x64xf32, #tpu.memory_space<vmem>>
      %dma_start3A_505 = arith.constant 0 : i32
      %dma_start3A_506 = tpu.memref_slice %arg6[%add3A_29, %dma_start3A_505] : memref<10240x64xf32, #tpu.memory_space<vmem_shared>> -> memref<64x64xf32, #tpu.memory_space<vmem_shared>>
      %dma_start3A_507 = arith.constant 0 : i32
      %dma_start3A_508 = tpu.memref_slice %arg6[%add3A_29, %dma_start3A_507] : memref<10240x64xf32, #tpu.memory_space<vmem_shared>> -> memref<64x64xf32, #tpu.memory_space<vmem_shared>>
      %dma_start3A_509 = arith.constant 0 : i32
      %dma_start3A_510 = arith.constant 0 : i32
      %dma_start3A_511 = tpu.memref_slice %arg10[%run_scoped3A_30, %dma_start3A_509, %dma_start3A_510] : memref<4x64x64xf32, #tpu.memory_space<vmem>> -> memref<1x64x64xf32, #tpu.memory_space<vmem>>
      %dma_start3A_512 = tpu.memref_squeeze %dma_start3A_511 : memref<1x64x64xf32, #tpu.memory_space<vmem>> -> memref<64x64xf32, #tpu.memory_space<vmem>>
      tpu.enqueue_dma source(%dma_start3A_512 : memref<64x64xf32, #tpu.memory_space<vmem>>) target(%dma_start3A_508 : memref<64x64xf32, #tpu.memory_space<vmem_shared>>) target_semaphore(%run_scoped3A_500 : memref<!tpu.dma_semaphore, #tpu.memory_space<semaphore_mem>>)
      %dma_wait3A_513 = arith.constant 0 : i32
      %dma_wait3A_514 = arith.constant 0 : i32
      %dma_wait3A_515 = tpu.memref_slice %arg10[%run_scoped3A_30, %dma_wait3A_513, %dma_wait3A_514] : memref<4x64x64xf32, #tpu.memory_space<vmem>> -> memref<1x64x64xf32, #tpu.memory_space<vmem>>
      %dma_wait3A_516 = tpu.memref_squeeze %dma_wait3A_515 : memref<1x64x64xf32, #tpu.memory_space<vmem>> -> memref<64x64xf32, #tpu.memory_space<vmem>>
      %dma_wait3A_517 = arith.constant 0 : i32
      %dma_wait3A_518 = tpu.memref_slice %arg6[%add3A_29, %dma_wait3A_517] : memref<10240x64xf32, #tpu.memory_space<vmem_shared>> -> memref<64x64xf32, #tpu.memory_space<vmem_shared>>
      %dma_wait3A_519 = arith.constant 0 : i32
      %dma_wait3A_520 = tpu.memref_slice %arg6[%add3A_29, %dma_wait3A_519] : memref<10240x64xf32, #tpu.memory_space<vmem_shared>> -> memref<64x64xf32, #tpu.memory_space<vmem_shared>>
      %dma_wait3A_521 = arith.constant 0 : i32
      %dma_wait3A_522 = arith.constant 0 : i32
      %dma_wait3A_523 = tpu.memref_slice %arg10[%run_scoped3A_30, %dma_wait3A_521, %dma_wait3A_522] : memref<4x64x64xf32, #tpu.memory_space<vmem>> -> memref<1x64x64xf32, #tpu.memory_space<vmem>>
      %dma_wait3A_524 = tpu.memref_squeeze %dma_wait3A_523 : memref<1x64x64xf32, #tpu.memory_space<vmem>> -> memref<64x64xf32, #tpu.memory_space<vmem>>
      tpu.wait_dma2 semaphore(%run_scoped3A_500 : memref<!tpu.dma_semaphore, #tpu.memory_space<semaphore_mem>>) src(%dma_wait3A_524 : memref<64x64xf32, #tpu.memory_space<vmem>>) dst(%dma_wait3A_520 : memref<64x64xf32, #tpu.memory_space<vmem_shared>>)
      tpu.yield
    }) : () -> ()
    %add3A_31 = arith.constant 384 : i32
    %add3A_32 = arith.addi %mul3A_6, %add3A_31 : i32
    %run_scoped3A_33 = arith.constant 0 : i32
    "tpu.region"() ({
      %run_scoped3A_500 = tpu.sem_alloc : memref<!tpu.dma_semaphore, #tpu.memory_space<semaphore_mem>>
      %dma_start3A_501 = arith.constant 0 : i32
      %dma_start3A_502 = arith.constant 0 : i32
      %dma_start3A_503 = tpu.memref_slice %arg10[%run_scoped3A_33, %dma_start3A_501, %dma_start3A_502] : memref<4x64x64xf32, #tpu.memory_space<vmem>> -> memref<1x64x64xf32, #tpu.memory_space<vmem>>
      %dma_start3A_504 = tpu.memref_squeeze %dma_start3A_503 : memref<1x64x64xf32, #tpu.memory_space<vmem>> -> memref<64x64xf32, #tpu.memory_space<vmem>>
      %dma_start3A_505 = arith.constant 0 : i32
      %dma_start3A_506 = tpu.memref_slice %arg6[%add3A_32, %dma_start3A_505] : memref<10240x64xf32, #tpu.memory_space<vmem_shared>> -> memref<64x64xf32, #tpu.memory_space<vmem_shared>>
      %dma_start3A_507 = arith.constant 0 : i32
      %dma_start3A_508 = tpu.memref_slice %arg6[%add3A_32, %dma_start3A_507] : memref<10240x64xf32, #tpu.memory_space<vmem_shared>> -> memref<64x64xf32, #tpu.memory_space<vmem_shared>>
      %dma_start3A_509 = arith.constant 0 : i32
      %dma_start3A_510 = arith.constant 0 : i32
      %dma_start3A_511 = tpu.memref_slice %arg10[%run_scoped3A_33, %dma_start3A_509, %dma_start3A_510] : memref<4x64x64xf32, #tpu.memory_space<vmem>> -> memref<1x64x64xf32, #tpu.memory_space<vmem>>
      %dma_start3A_512 = tpu.memref_squeeze %dma_start3A_511 : memref<1x64x64xf32, #tpu.memory_space<vmem>> -> memref<64x64xf32, #tpu.memory_space<vmem>>
      tpu.enqueue_dma source(%dma_start3A_512 : memref<64x64xf32, #tpu.memory_space<vmem>>) target(%dma_start3A_508 : memref<64x64xf32, #tpu.memory_space<vmem_shared>>) target_semaphore(%run_scoped3A_500 : memref<!tpu.dma_semaphore, #tpu.memory_space<semaphore_mem>>)
      %dma_wait3A_513 = arith.constant 0 : i32
      %dma_wait3A_514 = arith.constant 0 : i32
      %dma_wait3A_515 = tpu.memref_slice %arg10[%run_scoped3A_33, %dma_wait3A_513, %dma_wait3A_514] : memref<4x64x64xf32, #tpu.memory_space<vmem>> -> memref<1x64x64xf32, #tpu.memory_space<vmem>>
      %dma_wait3A_516 = tpu.memref_squeeze %dma_wait3A_515 : memref<1x64x64xf32, #tpu.memory_space<vmem>> -> memref<64x64xf32, #tpu.memory_space<vmem>>
      %dma_wait3A_517 = arith.constant 0 : i32
      %dma_wait3A_518 = tpu.memref_slice %arg6[%add3A_32, %dma_wait3A_517] : memref<10240x64xf32, #tpu.memory_space<vmem_shared>> -> memref<64x64xf32, #tpu.memory_space<vmem_shared>>
      %dma_wait3A_519 = arith.constant 0 : i32
      %dma_wait3A_520 = tpu.memref_slice %arg6[%add3A_32, %dma_wait3A_519] : memref<10240x64xf32, #tpu.memory_space<vmem_shared>> -> memref<64x64xf32, #tpu.memory_space<vmem_shared>>
      %dma_wait3A_521 = arith.constant 0 : i32
      %dma_wait3A_522 = arith.constant 0 : i32
      %dma_wait3A_523 = tpu.memref_slice %arg10[%run_scoped3A_33, %dma_wait3A_521, %dma_wait3A_522] : memref<4x64x64xf32, #tpu.memory_space<vmem>> -> memref<1x64x64xf32, #tpu.memory_space<vmem>>
      %dma_wait3A_524 = tpu.memref_squeeze %dma_wait3A_523 : memref<1x64x64xf32, #tpu.memory_space<vmem>> -> memref<64x64xf32, #tpu.memory_space<vmem>>
      tpu.wait_dma2 semaphore(%run_scoped3A_500 : memref<!tpu.dma_semaphore, #tpu.memory_space<semaphore_mem>>) src(%dma_wait3A_524 : memref<64x64xf32, #tpu.memory_space<vmem>>) dst(%dma_wait3A_520 : memref<64x64xf32, #tpu.memory_space<vmem_shared>>)
      tpu.yield
    }) : () -> ()
    %add3A_34 = arith.constant 448 : i32
    %add3A_35 = arith.addi %mul3A_6, %add3A_34 : i32
    %run_scoped3A_36 = arith.constant 0 : i32
    "tpu.region"() ({
      %run_scoped3A_500 = tpu.sem_alloc : memref<!tpu.dma_semaphore, #tpu.memory_space<semaphore_mem>>
      %dma_start3A_501 = arith.constant 0 : i32
      %dma_start3A_502 = arith.constant 0 : i32
      %dma_start3A_503 = tpu.memref_slice %arg10[%run_scoped3A_36, %dma_start3A_501, %dma_start3A_502] : memref<4x64x64xf32, #tpu.memory_space<vmem>> -> memref<1x64x64xf32, #tpu.memory_space<vmem>>
      %dma_start3A_504 = tpu.memref_squeeze %dma_start3A_503 : memref<1x64x64xf32, #tpu.memory_space<vmem>> -> memref<64x64xf32, #tpu.memory_space<vmem>>
      %dma_start3A_505 = arith.constant 0 : i32
      %dma_start3A_506 = tpu.memref_slice %arg6[%add3A_35, %dma_start3A_505] : memref<10240x64xf32, #tpu.memory_space<vmem_shared>> -> memref<64x64xf32, #tpu.memory_space<vmem_shared>>
      %dma_start3A_507 = arith.constant 0 : i32
      %dma_start3A_508 = tpu.memref_slice %arg6[%add3A_35, %dma_start3A_507] : memref<10240x64xf32, #tpu.memory_space<vmem_shared>> -> memref<64x64xf32, #tpu.memory_space<vmem_shared>>
      %dma_start3A_509 = arith.constant 0 : i32
      %dma_start3A_510 = arith.constant 0 : i32
      %dma_start3A_511 = tpu.memref_slice %arg10[%run_scoped3A_36, %dma_start3A_509, %dma_start3A_510] : memref<4x64x64xf32, #tpu.memory_space<vmem>> -> memref<1x64x64xf32, #tpu.memory_space<vmem>>
      %dma_start3A_512 = tpu.memref_squeeze %dma_start3A_511 : memref<1x64x64xf32, #tpu.memory_space<vmem>> -> memref<64x64xf32, #tpu.memory_space<vmem>>
      tpu.enqueue_dma source(%dma_start3A_512 : memref<64x64xf32, #tpu.memory_space<vmem>>) target(%dma_start3A_508 : memref<64x64xf32, #tpu.memory_space<vmem_shared>>) target_semaphore(%run_scoped3A_500 : memref<!tpu.dma_semaphore, #tpu.memory_space<semaphore_mem>>)
      %dma_wait3A_513 = arith.constant 0 : i32
      %dma_wait3A_514 = arith.constant 0 : i32
      %dma_wait3A_515 = tpu.memref_slice %arg10[%run_scoped3A_36, %dma_wait3A_513, %dma_wait3A_514] : memref<4x64x64xf32, #tpu.memory_space<vmem>> -> memref<1x64x64xf32, #tpu.memory_space<vmem>>
      %dma_wait3A_516 = tpu.memref_squeeze %dma_wait3A_515 : memref<1x64x64xf32, #tpu.memory_space<vmem>> -> memref<64x64xf32, #tpu.memory_space<vmem>>
      %dma_wait3A_517 = arith.constant 0 : i32
      %dma_wait3A_518 = tpu.memref_slice %arg6[%add3A_35, %dma_wait3A_517] : memref<10240x64xf32, #tpu.memory_space<vmem_shared>> -> memref<64x64xf32, #tpu.memory_space<vmem_shared>>
      %dma_wait3A_519 = arith.constant 0 : i32
      %dma_wait3A_520 = tpu.memref_slice %arg6[%add3A_35, %dma_wait3A_519] : memref<10240x64xf32, #tpu.memory_space<vmem_shared>> -> memref<64x64xf32, #tpu.memory_space<vmem_shared>>
      %dma_wait3A_521 = arith.constant 0 : i32
      %dma_wait3A_522 = arith.constant 0 : i32
      %dma_wait3A_523 = tpu.memref_slice %arg10[%run_scoped3A_36, %dma_wait3A_521, %dma_wait3A_522] : memref<4x64x64xf32, #tpu.memory_space<vmem>> -> memref<1x64x64xf32, #tpu.memory_space<vmem>>
      %dma_wait3A_524 = tpu.memref_squeeze %dma_wait3A_523 : memref<1x64x64xf32, #tpu.memory_space<vmem>> -> memref<64x64xf32, #tpu.memory_space<vmem>>
      tpu.wait_dma2 semaphore(%run_scoped3A_500 : memref<!tpu.dma_semaphore, #tpu.memory_space<semaphore_mem>>) src(%dma_wait3A_524 : memref<64x64xf32, #tpu.memory_space<vmem>>) dst(%dma_wait3A_520 : memref<64x64xf32, #tpu.memory_space<vmem_shared>>)
      tpu.yield
    }) : () -> ()
    %add3A_37 = arith.constant 512 : i32
    %add3A_38 = arith.addi %mul3A_6, %add3A_37 : i32
    %run_scoped3A_39 = arith.constant 0 : i32
    "tpu.region"() ({
      %run_scoped3A_500 = tpu.sem_alloc : memref<!tpu.dma_semaphore, #tpu.memory_space<semaphore_mem>>
      %dma_start3A_501 = arith.constant 0 : i32
      %dma_start3A_502 = arith.constant 0 : i32
      %dma_start3A_503 = tpu.memref_slice %arg10[%run_scoped3A_39, %dma_start3A_501, %dma_start3A_502] : memref<4x64x64xf32, #tpu.memory_space<vmem>> -> memref<1x64x64xf32, #tpu.memory_space<vmem>>
      %dma_start3A_504 = tpu.memref_squeeze %dma_start3A_503 : memref<1x64x64xf32, #tpu.memory_space<vmem>> -> memref<64x64xf32, #tpu.memory_space<vmem>>
      %dma_start3A_505 = arith.constant 0 : i32
      %dma_start3A_506 = tpu.memref_slice %arg6[%add3A_38, %dma_start3A_505] : memref<10240x64xf32, #tpu.memory_space<vmem_shared>> -> memref<64x64xf32, #tpu.memory_space<vmem_shared>>
      %dma_start3A_507 = arith.constant 0 : i32
      %dma_start3A_508 = tpu.memref_slice %arg6[%add3A_38, %dma_start3A_507] : memref<10240x64xf32, #tpu.memory_space<vmem_shared>> -> memref<64x64xf32, #tpu.memory_space<vmem_shared>>
      %dma_start3A_509 = arith.constant 0 : i32
      %dma_start3A_510 = arith.constant 0 : i32
      %dma_start3A_511 = tpu.memref_slice %arg10[%run_scoped3A_39, %dma_start3A_509, %dma_start3A_510] : memref<4x64x64xf32, #tpu.memory_space<vmem>> -> memref<1x64x64xf32, #tpu.memory_space<vmem>>
      %dma_start3A_512 = tpu.memref_squeeze %dma_start3A_511 : memref<1x64x64xf32, #tpu.memory_space<vmem>> -> memref<64x64xf32, #tpu.memory_space<vmem>>
      tpu.enqueue_dma source(%dma_start3A_512 : memref<64x64xf32, #tpu.memory_space<vmem>>) target(%dma_start3A_508 : memref<64x64xf32, #tpu.memory_space<vmem_shared>>) target_semaphore(%run_scoped3A_500 : memref<!tpu.dma_semaphore, #tpu.memory_space<semaphore_mem>>)
      %dma_wait3A_513 = arith.constant 0 : i32
      %dma_wait3A_514 = arith.constant 0 : i32
      %dma_wait3A_515 = tpu.memref_slice %arg10[%run_scoped3A_39, %dma_wait3A_513, %dma_wait3A_514] : memref<4x64x64xf32, #tpu.memory_space<vmem>> -> memref<1x64x64xf32, #tpu.memory_space<vmem>>
      %dma_wait3A_516 = tpu.memref_squeeze %dma_wait3A_515 : memref<1x64x64xf32, #tpu.memory_space<vmem>> -> memref<64x64xf32, #tpu.memory_space<vmem>>
      %dma_wait3A_517 = arith.constant 0 : i32
      %dma_wait3A_518 = tpu.memref_slice %arg6[%add3A_38, %dma_wait3A_517] : memref<10240x64xf32, #tpu.memory_space<vmem_shared>> -> memref<64x64xf32, #tpu.memory_space<vmem_shared>>
      %dma_wait3A_519 = arith.constant 0 : i32
      %dma_wait3A_520 = tpu.memref_slice %arg6[%add3A_38, %dma_wait3A_519] : memref<10240x64xf32, #tpu.memory_space<vmem_shared>> -> memref<64x64xf32, #tpu.memory_space<vmem_shared>>
      %dma_wait3A_521 = arith.constant 0 : i32
      %dma_wait3A_522 = arith.constant 0 : i32
      %dma_wait3A_523 = tpu.memref_slice %arg10[%run_scoped3A_39, %dma_wait3A_521, %dma_wait3A_522] : memref<4x64x64xf32, #tpu.memory_space<vmem>> -> memref<1x64x64xf32, #tpu.memory_space<vmem>>
      %dma_wait3A_524 = tpu.memref_squeeze %dma_wait3A_523 : memref<1x64x64xf32, #tpu.memory_space<vmem>> -> memref<64x64xf32, #tpu.memory_space<vmem>>
      tpu.wait_dma2 semaphore(%run_scoped3A_500 : memref<!tpu.dma_semaphore, #tpu.memory_space<semaphore_mem>>) src(%dma_wait3A_524 : memref<64x64xf32, #tpu.memory_space<vmem>>) dst(%dma_wait3A_520 : memref<64x64xf32, #tpu.memory_space<vmem_shared>>)
      tpu.yield
    }) : () -> ()
    %add3A_40 = arith.constant 576 : i32
    %add3A_41 = arith.addi %mul3A_6, %add3A_40 : i32
    %run_scoped3A_42 = arith.constant 0 : i32
    "tpu.region"() ({
      %run_scoped3A_500 = tpu.sem_alloc : memref<!tpu.dma_semaphore, #tpu.memory_space<semaphore_mem>>
      %dma_start3A_501 = arith.constant 0 : i32
      %dma_start3A_502 = arith.constant 0 : i32
      %dma_start3A_503 = tpu.memref_slice %arg10[%run_scoped3A_42, %dma_start3A_501, %dma_start3A_502] : memref<4x64x64xf32, #tpu.memory_space<vmem>> -> memref<1x64x64xf32, #tpu.memory_space<vmem>>
      %dma_start3A_504 = tpu.memref_squeeze %dma_start3A_503 : memref<1x64x64xf32, #tpu.memory_space<vmem>> -> memref<64x64xf32, #tpu.memory_space<vmem>>
      %dma_start3A_505 = arith.constant 0 : i32
      %dma_start3A_506 = tpu.memref_slice %arg6[%add3A_41, %dma_start3A_505] : memref<10240x64xf32, #tpu.memory_space<vmem_shared>> -> memref<64x64xf32, #tpu.memory_space<vmem_shared>>
      %dma_start3A_507 = arith.constant 0 : i32
      %dma_start3A_508 = tpu.memref_slice %arg6[%add3A_41, %dma_start3A_507] : memref<10240x64xf32, #tpu.memory_space<vmem_shared>> -> memref<64x64xf32, #tpu.memory_space<vmem_shared>>
      %dma_start3A_509 = arith.constant 0 : i32
      %dma_start3A_510 = arith.constant 0 : i32
      %dma_start3A_511 = tpu.memref_slice %arg10[%run_scoped3A_42, %dma_start3A_509, %dma_start3A_510] : memref<4x64x64xf32, #tpu.memory_space<vmem>> -> memref<1x64x64xf32, #tpu.memory_space<vmem>>
      %dma_start3A_512 = tpu.memref_squeeze %dma_start3A_511 : memref<1x64x64xf32, #tpu.memory_space<vmem>> -> memref<64x64xf32, #tpu.memory_space<vmem>>
      tpu.enqueue_dma source(%dma_start3A_512 : memref<64x64xf32, #tpu.memory_space<vmem>>) target(%dma_start3A_508 : memref<64x64xf32, #tpu.memory_space<vmem_shared>>) target_semaphore(%run_scoped3A_500 : memref<!tpu.dma_semaphore, #tpu.memory_space<semaphore_mem>>)
      %dma_wait3A_513 = arith.constant 0 : i32
      %dma_wait3A_514 = arith.constant 0 : i32
      %dma_wait3A_515 = tpu.memref_slice %arg10[%run_scoped3A_42, %dma_wait3A_513, %dma_wait3A_514] : memref<4x64x64xf32, #tpu.memory_space<vmem>> -> memref<1x64x64xf32, #tpu.memory_space<vmem>>
      %dma_wait3A_516 = tpu.memref_squeeze %dma_wait3A_515 : memref<1x64x64xf32, #tpu.memory_space<vmem>> -> memref<64x64xf32, #tpu.memory_space<vmem>>
      %dma_wait3A_517 = arith.constant 0 : i32
      %dma_wait3A_518 = tpu.memref_slice %arg6[%add3A_41, %dma_wait3A_517] : memref<10240x64xf32, #tpu.memory_space<vmem_shared>> -> memref<64x64xf32, #tpu.memory_space<vmem_shared>>
      %dma_wait3A_519 = arith.constant 0 : i32
      %dma_wait3A_520 = tpu.memref_slice %arg6[%add3A_41, %dma_wait3A_519] : memref<10240x64xf32, #tpu.memory_space<vmem_shared>> -> memref<64x64xf32, #tpu.memory_space<vmem_shared>>
      %dma_wait3A_521 = arith.constant 0 : i32
      %dma_wait3A_522 = arith.constant 0 : i32
      %dma_wait3A_523 = tpu.memref_slice %arg10[%run_scoped3A_42, %dma_wait3A_521, %dma_wait3A_522] : memref<4x64x64xf32, #tpu.memory_space<vmem>> -> memref<1x64x64xf32, #tpu.memory_space<vmem>>
      %dma_wait3A_524 = tpu.memref_squeeze %dma_wait3A_523 : memref<1x64x64xf32, #tpu.memory_space<vmem>> -> memref<64x64xf32, #tpu.memory_space<vmem>>
      tpu.wait_dma2 semaphore(%run_scoped3A_500 : memref<!tpu.dma_semaphore, #tpu.memory_space<semaphore_mem>>) src(%dma_wait3A_524 : memref<64x64xf32, #tpu.memory_space<vmem>>) dst(%dma_wait3A_520 : memref<64x64xf32, #tpu.memory_space<vmem_shared>>)
      tpu.yield
    }) : () -> ()
    "tpu.trace_start"() <{level = 10 : i32, message = "p_barrier1"}> : () -> ()
    %barrier3A = arith.constant 0 : index
    tpu.barrier barrier_id(%barrier3A)
    "tpu.trace_stop"() : () -> ()
    %mul3A_43 = arith.constant 320 : i32
    %mul3A_44 = arith.muli %arg1, %mul3A_43 : i32
    %add3A_45 = arith.constant 0 : i32
    %add3A_46 = arith.addi %mul3A_44, %add3A_45 : i32
    "tpu.region"() ({
      %run_scoped3A_500 = tpu.sem_alloc : memref<!tpu.dma_semaphore, #tpu.memory_space<semaphore_mem>>
      %dma_start3A_501 = arith.constant 0 : i32
      %dma_start3A_502 = tpu.memref_slice %arg3[%add3A_46, %dma_start3A_501] : memref<5120x64xi32, #tpu.memory_space<hbm>> -> memref<40x64xi32, #tpu.memory_space<hbm>>
      %dma_start3A_503 = arith.constant 0 : i32
      %dma_start3A_504 = tpu.memref_slice %arg3[%add3A_46, %dma_start3A_503] : memref<5120x64xi32, #tpu.memory_space<hbm>> -> memref<40x64xi32, #tpu.memory_space<hbm>>
      tpu.enqueue_dma source(%dma_start3A_504 : memref<40x64xi32, #tpu.memory_space<hbm>>) target(%arg8 : memref<40x64xi32, #tpu.memory_space<vmem>>) target_semaphore(%run_scoped3A_500 : memref<!tpu.dma_semaphore, #tpu.memory_space<semaphore_mem>>)
      %dma_wait3A_505 = arith.constant 0 : i32
      %dma_wait3A_506 = tpu.memref_slice %arg3[%add3A_46, %dma_wait3A_505] : memref<5120x64xi32, #tpu.memory_space<hbm>> -> memref<40x64xi32, #tpu.memory_space<hbm>>
      %dma_wait3A_507 = arith.constant 0 : i32
      %dma_wait3A_508 = tpu.memref_slice %arg3[%add3A_46, %dma_wait3A_507] : memref<5120x64xi32, #tpu.memory_space<hbm>> -> memref<40x64xi32, #tpu.memory_space<hbm>>
      tpu.wait_dma2 semaphore(%run_scoped3A_500 : memref<!tpu.dma_semaphore, #tpu.memory_space<semaphore_mem>>) src(%dma_wait3A_508 : memref<40x64xi32, #tpu.memory_space<hbm>>) dst(%arg8 : memref<40x64xi32, #tpu.memory_space<vmem>>)
      tpu.yield
    }) : () -> ()
    "tpu.region"() ({
      %run_scoped3A_500 = tpu.sem_alloc : memref<!tpu.dma_semaphore, #tpu.memory_space<semaphore_mem>>
      %dma_start3A_501 = arith.constant 0 : i32
      %dma_start3A_502 = tpu.memref_slice %arg4[%add3A_46, %dma_start3A_501] : memref<5120x64xi32, #tpu.memory_space<hbm>> -> memref<40x64xi32, #tpu.memory_space<hbm>>
      %dma_start3A_503 = arith.constant 0 : i32
      %dma_start3A_504 = tpu.memref_slice %arg4[%add3A_46, %dma_start3A_503] : memref<5120x64xi32, #tpu.memory_space<hbm>> -> memref<40x64xi32, #tpu.memory_space<hbm>>
      tpu.enqueue_dma source(%dma_start3A_504 : memref<40x64xi32, #tpu.memory_space<hbm>>) target(%arg9 : memref<40x64xi32, #tpu.memory_space<vmem>>) target_semaphore(%run_scoped3A_500 : memref<!tpu.dma_semaphore, #tpu.memory_space<semaphore_mem>>)
      %dma_wait3A_505 = arith.constant 0 : i32
      %dma_wait3A_506 = tpu.memref_slice %arg4[%add3A_46, %dma_wait3A_505] : memref<5120x64xi32, #tpu.memory_space<hbm>> -> memref<40x64xi32, #tpu.memory_space<hbm>>
      %dma_wait3A_507 = arith.constant 0 : i32
      %dma_wait3A_508 = tpu.memref_slice %arg4[%add3A_46, %dma_wait3A_507] : memref<5120x64xi32, #tpu.memory_space<hbm>> -> memref<40x64xi32, #tpu.memory_space<hbm>>
      tpu.wait_dma2 semaphore(%run_scoped3A_500 : memref<!tpu.dma_semaphore, #tpu.memory_space<semaphore_mem>>) src(%dma_wait3A_508 : memref<40x64xi32, #tpu.memory_space<hbm>>) dst(%arg9 : memref<40x64xi32, #tpu.memory_space<vmem>>)
      tpu.yield
    }) : () -> ()
    %dma_start3A = arith.constant 0 : i32
    %dma_start3A_47 = arith.constant 0 : i32
    %dma_start3A_48 = arith.constant 0 : i32
    %dma_start3A_49 = arith.constant 0 : i32
    %dma_start3A_50 = tpu.memref_slice %arg10[%dma_start3A_47, %dma_start3A_48, %dma_start3A_49] : memref<4x64x64xf32, #tpu.memory_space<vmem>> -> memref<1x64x64xf32, #tpu.memory_space<vmem>>
    %dma_start3A_51 = tpu.memref_squeeze %dma_start3A_50 : memref<1x64x64xf32, #tpu.memory_space<vmem>> -> memref<64x64xf32, #tpu.memory_space<vmem>>
    %dma_start3A_52 = arith.constant 0 : i32
    %dma_start3A_53 = tpu.memref_slice %arg8[%dma_start3A, %dma_start3A_52] : memref<40x64xi32, #tpu.memory_space<vmem>> -> memref<1x64xi32, #tpu.memory_space<vmem>>
    %dma_start3A_54 = tpu.memref_squeeze %dma_start3A_53 : memref<1x64xi32, #tpu.memory_space<vmem>> -> memref<64xi32, #tpu.memory_space<vmem>>
    %dma_start3A_55 = arith.constant 0 : i32
    %dma_start3A_56 = arith.constant 0 : i32
    %dma_start3A_57 = tpu.memref_slice %arg7[%dma_start3A_55, %dma_start3A_56] : memref<10240x64xf32, #tpu.memory_space<vmem_shared>> -> memref<10240x64xf32, #tpu.memory_space<vmem_shared>>
    tpu.enqueue_indirect_dma source(%dma_start3A_57 : memref<10240x64xf32, #tpu.memory_space<vmem_shared>>) target(%dma_start3A_51 : memref<64x64xf32, #tpu.memory_space<vmem>>) offsets(%dma_start3A_54 : memref<64xi32, #tpu.memory_space<vmem>>) semaphore(%arg11 : memref<!tpu.dma_semaphore, #tpu.memory_space<semaphore_mem>>)
    %dma_start3A_58 = arith.constant 1 : i32
    %dma_start3A_59 = arith.constant 1 : i32
    %dma_start3A_60 = arith.constant 0 : i32
    %dma_start3A_61 = arith.constant 0 : i32
    %dma_start3A_62 = tpu.memref_slice %arg10[%dma_start3A_59, %dma_start3A_60, %dma_start3A_61] : memref<4x64x64xf32, #tpu.memory_space<vmem>> -> memref<1x64x64xf32, #tpu.memory_space<vmem>>
    %dma_start3A_63 = tpu.memref_squeeze %dma_start3A_62 : memref<1x64x64xf32, #tpu.memory_space<vmem>> -> memref<64x64xf32, #tpu.memory_space<vmem>>
    %dma_start3A_64 = arith.constant 0 : i32
    %dma_start3A_65 = tpu.memref_slice %arg8[%dma_start3A_58, %dma_start3A_64] : memref<40x64xi32, #tpu.memory_space<vmem>> -> memref<1x64xi32, #tpu.memory_space<vmem>>
    %dma_start3A_66 = tpu.memref_squeeze %dma_start3A_65 : memref<1x64xi32, #tpu.memory_space<vmem>> -> memref<64xi32, #tpu.memory_space<vmem>>
    %dma_start3A_67 = arith.constant 0 : i32
    %dma_start3A_68 = arith.constant 0 : i32
    %dma_start3A_69 = tpu.memref_slice %arg7[%dma_start3A_67, %dma_start3A_68] : memref<10240x64xf32, #tpu.memory_space<vmem_shared>> -> memref<10240x64xf32, #tpu.memory_space<vmem_shared>>
    tpu.enqueue_indirect_dma source(%dma_start3A_69 : memref<10240x64xf32, #tpu.memory_space<vmem_shared>>) target(%dma_start3A_63 : memref<64x64xf32, #tpu.memory_space<vmem>>) offsets(%dma_start3A_66 : memref<64xi32, #tpu.memory_space<vmem>>) semaphore(%arg12 : memref<!tpu.dma_semaphore, #tpu.memory_space<semaphore_mem>>)
    "tpu.trace_start"() <{level = 10 : i32, message = "p_edge_loop"}> : () -> ()
    %scan3A_70 = arith.constant 0 : i32
    %scan3A_71 = arith.constant 0 : i32
    %scan3A_72 = arith.constant 10 : i32
    %scan3A_73 = arith.addi %scan3A_71, %scan3A_72 : i32
    %scan3A_74 = arith.constant 1 : i32
    %scan3A_75 = scf.for %scan3A_500 = %scan3A_71 to %scan3A_73 step %scan3A_74 iter_args(%scan3A_501 = %scan3A_70) -> (i32)  : i32 {
      %mul3A_502 = arith.constant 4 : i32
      %mul3A_503 = arith.muli %scan3A_500, %mul3A_502 : i32
      %add3A_504 = arith.constant 0 : i32
      %add3A_505 = arith.addi %mul3A_503, %add3A_504 : i32
      %dma_wait3A_506 = arith.constant 0 : i32
      %dma_wait3A_507 = arith.constant 0 : i32
      %dma_wait3A_508 = arith.constant 0 : i32
      %dma_wait3A_509 = tpu.memref_slice %arg10[%dma_wait3A_506, %dma_wait3A_507, %dma_wait3A_508] : memref<4x64x64xf32, #tpu.memory_space<vmem>> -> memref<1x64x64xf32, #tpu.memory_space<vmem>>
      %dma_wait3A_510 = tpu.memref_squeeze %dma_wait3A_509 : memref<1x64x64xf32, #tpu.memory_space<vmem>> -> memref<64x64xf32, #tpu.memory_space<vmem>>
      %dma_wait3A_511 = arith.constant 0 : i32
      %dma_wait3A_512 = tpu.memref_slice %arg8[%add3A_505, %dma_wait3A_511] : memref<40x64xi32, #tpu.memory_space<vmem>> -> memref<1x64xi32, #tpu.memory_space<vmem>>
      %dma_wait3A_513 = tpu.memref_squeeze %dma_wait3A_512 : memref<1x64xi32, #tpu.memory_space<vmem>> -> memref<64xi32, #tpu.memory_space<vmem>>
      %dma_wait3A_514 = arith.constant 0 : i32
      %dma_wait3A_515 = arith.constant 0 : i32
      %dma_wait3A_516 = tpu.memref_slice %arg7[%dma_wait3A_514, %dma_wait3A_515] : memref<10240x64xf32, #tpu.memory_space<vmem_shared>> -> memref<10240x64xf32, #tpu.memory_space<vmem_shared>>
      tpu.wait_indirect_dma semaphore(%arg11 : memref<!tpu.dma_semaphore, #tpu.memory_space<semaphore_mem>>) src(%dma_wait3A_516 : memref<10240x64xf32, #tpu.memory_space<vmem_shared>>) dst(%dma_wait3A_510 : memref<64x64xf32, #tpu.memory_space<vmem>>)
      %gt3A = arith.constant 1 : i32
      %gt3A_517 = arith.cmpi sgt, %add3A_505, %gt3A : i32
      %convert_element_type3A_518 = arith.extui %gt3A_517 : i1 to i32
      %cond3A_519 = arith.constant 0 : i32
      %cond3A_520 = arith.cmpi ne, %convert_element_type3A_518, %cond3A_519 : i32
      scf.if %cond3A_520 {
        %sub3A_655 = arith.constant 2 : i32
        %sub3A_656 = arith.subi %add3A_505, %sub3A_655 : i32
        %dma_wait3A_657 = arith.constant 2 : i32
        %dma_wait3A_658 = arith.constant 0 : i32
        %dma_wait3A_659 = arith.constant 0 : i32
        %dma_wait3A_660 = tpu.memref_slice %arg10[%dma_wait3A_657, %dma_wait3A_658, %dma_wait3A_659] : memref<4x64x64xf32, #tpu.memory_space<vmem>> -> memref<1x64x64xf32, #tpu.memory_space<vmem>>
        %dma_wait3A_661 = tpu.memref_squeeze %dma_wait3A_660 : memref<1x64x64xf32, #tpu.memory_space<vmem>> -> memref<64x64xf32, #tpu.memory_space<vmem>>
        %dma_wait3A_662 = arith.constant 0 : i32
        %dma_wait3A_663 = tpu.memref_slice %arg9[%sub3A_656, %dma_wait3A_662] : memref<40x64xi32, #tpu.memory_space<vmem>> -> memref<1x64xi32, #tpu.memory_space<vmem>>
        %dma_wait3A_664 = tpu.memref_squeeze %dma_wait3A_663 : memref<1x64xi32, #tpu.memory_space<vmem>> -> memref<64xi32, #tpu.memory_space<vmem>>
        %dma_wait3A_665 = arith.constant 0 : i32
        %dma_wait3A_666 = arith.constant 0 : i32
        %dma_wait3A_667 = tpu.memref_slice %arg6[%dma_wait3A_665, %dma_wait3A_666] : memref<10240x64xf32, #tpu.memory_space<vmem_shared>> -> memref<10240x64xf32, #tpu.memory_space<vmem_shared>>
        tpu.wait_indirect_dma semaphore(%arg17 : memref<!tpu.dma_semaphore, #tpu.memory_space<semaphore_mem>>) src(%dma_wait3A_661 : memref<64x64xf32, #tpu.memory_space<vmem>>) dst(%dma_wait3A_667 : memref<10240x64xf32, #tpu.memory_space<vmem_shared>>)
      } else {
      }
      %dma_start3A_521 = arith.constant 0 : i32
      %dma_start3A_522 = arith.constant 0 : i32
      %dma_start3A_523 = arith.constant 0 : i32
      %dma_start3A_524 = tpu.memref_slice %arg10[%dma_start3A_521, %dma_start3A_522, %dma_start3A_523] : memref<4x64x64xf32, #tpu.memory_space<vmem>> -> memref<1x64x64xf32, #tpu.memory_space<vmem>>
      %dma_start3A_525 = tpu.memref_squeeze %dma_start3A_524 : memref<1x64x64xf32, #tpu.memory_space<vmem>> -> memref<64x64xf32, #tpu.memory_space<vmem>>
      %dma_start3A_526 = arith.constant 0 : i32
      %dma_start3A_527 = tpu.memref_slice %arg9[%add3A_505, %dma_start3A_526] : memref<40x64xi32, #tpu.memory_space<vmem>> -> memref<1x64xi32, #tpu.memory_space<vmem>>
      %dma_start3A_528 = tpu.memref_squeeze %dma_start3A_527 : memref<1x64xi32, #tpu.memory_space<vmem>> -> memref<64xi32, #tpu.memory_space<vmem>>
      %dma_start3A_529 = arith.constant 0 : i32
      %dma_start3A_530 = arith.constant 0 : i32
      %dma_start3A_531 = tpu.memref_slice %arg6[%dma_start3A_529, %dma_start3A_530] : memref<10240x64xf32, #tpu.memory_space<vmem_shared>> -> memref<10240x64xf32, #tpu.memory_space<vmem_shared>>
      tpu.enqueue_indirect_dma source(%dma_start3A_525 : memref<64x64xf32, #tpu.memory_space<vmem>>) target(%dma_start3A_531 : memref<10240x64xf32, #tpu.memory_space<vmem_shared>>) offsets(%dma_start3A_528 : memref<64xi32, #tpu.memory_space<vmem>>) semaphore(%arg15 : memref<!tpu.dma_semaphore, #tpu.memory_space<semaphore_mem>>) {add = true}
      %add3A_532 = arith.constant 4 : i32
      %add3A_533 = arith.addi %add3A_505, %add3A_532 : i32
      %sub3A = arith.constant 2 : i32
      %sub3A_534 = arith.subi %add3A_533, %sub3A : i32
      %lt3A_535 = arith.constant 40 : i32
      %lt3A_536 = arith.cmpi slt, %sub3A_534, %lt3A_535 : i32
      %convert_element_type3A_537 = arith.extui %lt3A_536 : i1 to i32
      %cond3A_538 = arith.constant 0 : i32
      %cond3A_539 = arith.cmpi ne, %convert_element_type3A_537, %cond3A_538 : i32
      scf.if %cond3A_539 {
        %dma_start3A_655 = arith.constant 2 : i32
        %dma_start3A_656 = arith.constant 0 : i32
        %dma_start3A_657 = arith.constant 0 : i32
        %dma_start3A_658 = tpu.memref_slice %arg10[%dma_start3A_655, %dma_start3A_656, %dma_start3A_657] : memref<4x64x64xf32, #tpu.memory_space<vmem>> -> memref<1x64x64xf32, #tpu.memory_space<vmem>>
        %dma_start3A_659 = tpu.memref_squeeze %dma_start3A_658 : memref<1x64x64xf32, #tpu.memory_space<vmem>> -> memref<64x64xf32, #tpu.memory_space<vmem>>
        %dma_start3A_660 = arith.constant 0 : i32
        %dma_start3A_661 = tpu.memref_slice %arg8[%sub3A_534, %dma_start3A_660] : memref<40x64xi32, #tpu.memory_space<vmem>> -> memref<1x64xi32, #tpu.memory_space<vmem>>
        %dma_start3A_662 = tpu.memref_squeeze %dma_start3A_661 : memref<1x64xi32, #tpu.memory_space<vmem>> -> memref<64xi32, #tpu.memory_space<vmem>>
        %dma_start3A_663 = arith.constant 0 : i32
        %dma_start3A_664 = arith.constant 0 : i32
        %dma_start3A_665 = tpu.memref_slice %arg7[%dma_start3A_663, %dma_start3A_664] : memref<10240x64xf32, #tpu.memory_space<vmem_shared>> -> memref<10240x64xf32, #tpu.memory_space<vmem_shared>>
        tpu.enqueue_indirect_dma source(%dma_start3A_665 : memref<10240x64xf32, #tpu.memory_space<vmem_shared>>) target(%dma_start3A_659 : memref<64x64xf32, #tpu.memory_space<vmem>>) offsets(%dma_start3A_662 : memref<64xi32, #tpu.memory_space<vmem>>) semaphore(%arg13 : memref<!tpu.dma_semaphore, #tpu.memory_space<semaphore_mem>>)
      } else {
      }
      %add3A_540 = arith.constant 1 : i32
      %add3A_541 = arith.addi %mul3A_503, %add3A_540 : i32
      %dma_wait3A_542 = arith.constant 1 : i32
      %dma_wait3A_543 = arith.constant 0 : i32
      %dma_wait3A_544 = arith.constant 0 : i32
      %dma_wait3A_545 = tpu.memref_slice %arg10[%dma_wait3A_542, %dma_wait3A_543, %dma_wait3A_544] : memref<4x64x64xf32, #tpu.memory_space<vmem>> -> memref<1x64x64xf32, #tpu.memory_space<vmem>>
      %dma_wait3A_546 = tpu.memref_squeeze %dma_wait3A_545 : memref<1x64x64xf32, #tpu.memory_space<vmem>> -> memref<64x64xf32, #tpu.memory_space<vmem>>
      %dma_wait3A_547 = arith.constant 0 : i32
      %dma_wait3A_548 = tpu.memref_slice %arg8[%add3A_541, %dma_wait3A_547] : memref<40x64xi32, #tpu.memory_space<vmem>> -> memref<1x64xi32, #tpu.memory_space<vmem>>
      %dma_wait3A_549 = tpu.memref_squeeze %dma_wait3A_548 : memref<1x64xi32, #tpu.memory_space<vmem>> -> memref<64xi32, #tpu.memory_space<vmem>>
      %dma_wait3A_550 = arith.constant 0 : i32
      %dma_wait3A_551 = arith.constant 0 : i32
      %dma_wait3A_552 = tpu.memref_slice %arg7[%dma_wait3A_550, %dma_wait3A_551] : memref<10240x64xf32, #tpu.memory_space<vmem_shared>> -> memref<10240x64xf32, #tpu.memory_space<vmem_shared>>
      tpu.wait_indirect_dma semaphore(%arg12 : memref<!tpu.dma_semaphore, #tpu.memory_space<semaphore_mem>>) src(%dma_wait3A_552 : memref<10240x64xf32, #tpu.memory_space<vmem_shared>>) dst(%dma_wait3A_546 : memref<64x64xf32, #tpu.memory_space<vmem>>)
      %gt3A_553 = arith.constant 1 : i32
      %gt3A_554 = arith.cmpi sgt, %add3A_541, %gt3A_553 : i32
      %convert_element_type3A_555 = arith.extui %gt3A_554 : i1 to i32
      %cond3A_556 = arith.constant 0 : i32
      %cond3A_557 = arith.cmpi ne, %convert_element_type3A_555, %cond3A_556 : i32
      scf.if %cond3A_557 {
        %sub3A_655 = arith.constant 2 : i32
        %sub3A_656 = arith.subi %add3A_541, %sub3A_655 : i32
        %dma_wait3A_657 = arith.constant 3 : i32
        %dma_wait3A_658 = arith.constant 0 : i32
        %dma_wait3A_659 = arith.constant 0 : i32
        %dma_wait3A_660 = tpu.memref_slice %arg10[%dma_wait3A_657, %dma_wait3A_658, %dma_wait3A_659] : memref<4x64x64xf32, #tpu.memory_space<vmem>> -> memref<1x64x64xf32, #tpu.memory_space<vmem>>
        %dma_wait3A_661 = tpu.memref_squeeze %dma_wait3A_660 : memref<1x64x64xf32, #tpu.memory_space<vmem>> -> memref<64x64xf32, #tpu.memory_space<vmem>>
        %dma_wait3A_662 = arith.constant 0 : i32
        %dma_wait3A_663 = tpu.memref_slice %arg9[%sub3A_656, %dma_wait3A_662] : memref<40x64xi32, #tpu.memory_space<vmem>> -> memref<1x64xi32, #tpu.memory_space<vmem>>
        %dma_wait3A_664 = tpu.memref_squeeze %dma_wait3A_663 : memref<1x64xi32, #tpu.memory_space<vmem>> -> memref<64xi32, #tpu.memory_space<vmem>>
        %dma_wait3A_665 = arith.constant 0 : i32
        %dma_wait3A_666 = arith.constant 0 : i32
        %dma_wait3A_667 = tpu.memref_slice %arg6[%dma_wait3A_665, %dma_wait3A_666] : memref<10240x64xf32, #tpu.memory_space<vmem_shared>> -> memref<10240x64xf32, #tpu.memory_space<vmem_shared>>
        tpu.wait_indirect_dma semaphore(%arg18 : memref<!tpu.dma_semaphore, #tpu.memory_space<semaphore_mem>>) src(%dma_wait3A_661 : memref<64x64xf32, #tpu.memory_space<vmem>>) dst(%dma_wait3A_667 : memref<10240x64xf32, #tpu.memory_space<vmem_shared>>)
      } else {
      }
      %dma_start3A_558 = arith.constant 1 : i32
      %dma_start3A_559 = arith.constant 0 : i32
      %dma_start3A_560 = arith.constant 0 : i32
      %dma_start3A_561 = tpu.memref_slice %arg10[%dma_start3A_558, %dma_start3A_559, %dma_start3A_560] : memref<4x64x64xf32, #tpu.memory_space<vmem>> -> memref<1x64x64xf32, #tpu.memory_space<vmem>>
      %dma_start3A_562 = tpu.memref_squeeze %dma_start3A_561 : memref<1x64x64xf32, #tpu.memory_space<vmem>> -> memref<64x64xf32, #tpu.memory_space<vmem>>
      %dma_start3A_563 = arith.constant 0 : i32
      %dma_start3A_564 = tpu.memref_slice %arg9[%add3A_541, %dma_start3A_563] : memref<40x64xi32, #tpu.memory_space<vmem>> -> memref<1x64xi32, #tpu.memory_space<vmem>>
      %dma_start3A_565 = tpu.memref_squeeze %dma_start3A_564 : memref<1x64xi32, #tpu.memory_space<vmem>> -> memref<64xi32, #tpu.memory_space<vmem>>
      %dma_start3A_566 = arith.constant 0 : i32
      %dma_start3A_567 = arith.constant 0 : i32
      %dma_start3A_568 = tpu.memref_slice %arg6[%dma_start3A_566, %dma_start3A_567] : memref<10240x64xf32, #tpu.memory_space<vmem_shared>> -> memref<10240x64xf32, #tpu.memory_space<vmem_shared>>
      tpu.enqueue_indirect_dma source(%dma_start3A_562 : memref<64x64xf32, #tpu.memory_space<vmem>>) target(%dma_start3A_568 : memref<10240x64xf32, #tpu.memory_space<vmem_shared>>) offsets(%dma_start3A_565 : memref<64xi32, #tpu.memory_space<vmem>>) semaphore(%arg16 : memref<!tpu.dma_semaphore, #tpu.memory_space<semaphore_mem>>) {add = true}
      %add3A_569 = arith.constant 4 : i32
      %add3A_570 = arith.addi %add3A_541, %add3A_569 : i32
      %sub3A_571 = arith.constant 2 : i32
      %sub3A_572 = arith.subi %add3A_570, %sub3A_571 : i32
      %lt3A_573 = arith.constant 40 : i32
      %lt3A_574 = arith.cmpi slt, %sub3A_572, %lt3A_573 : i32
      %convert_element_type3A_575 = arith.extui %lt3A_574 : i1 to i32
      %cond3A_576 = arith.constant 0 : i32
      %cond3A_577 = arith.cmpi ne, %convert_element_type3A_575, %cond3A_576 : i32
      scf.if %cond3A_577 {
        %dma_start3A_655 = arith.constant 3 : i32
        %dma_start3A_656 = arith.constant 0 : i32
        %dma_start3A_657 = arith.constant 0 : i32
        %dma_start3A_658 = tpu.memref_slice %arg10[%dma_start3A_655, %dma_start3A_656, %dma_start3A_657] : memref<4x64x64xf32, #tpu.memory_space<vmem>> -> memref<1x64x64xf32, #tpu.memory_space<vmem>>
        %dma_start3A_659 = tpu.memref_squeeze %dma_start3A_658 : memref<1x64x64xf32, #tpu.memory_space<vmem>> -> memref<64x64xf32, #tpu.memory_space<vmem>>
        %dma_start3A_660 = arith.constant 0 : i32
        %dma_start3A_661 = tpu.memref_slice %arg8[%sub3A_572, %dma_start3A_660] : memref<40x64xi32, #tpu.memory_space<vmem>> -> memref<1x64xi32, #tpu.memory_space<vmem>>
        %dma_start3A_662 = tpu.memref_squeeze %dma_start3A_661 : memref<1x64xi32, #tpu.memory_space<vmem>> -> memref<64xi32, #tpu.memory_space<vmem>>
        %dma_start3A_663 = arith.constant 0 : i32
        %dma_start3A_664 = arith.constant 0 : i32
        %dma_start3A_665 = tpu.memref_slice %arg7[%dma_start3A_663, %dma_start3A_664] : memref<10240x64xf32, #tpu.memory_space<vmem_shared>> -> memref<10240x64xf32, #tpu.memory_space<vmem_shared>>
        tpu.enqueue_indirect_dma source(%dma_start3A_665 : memref<10240x64xf32, #tpu.memory_space<vmem_shared>>) target(%dma_start3A_659 : memref<64x64xf32, #tpu.memory_space<vmem>>) offsets(%dma_start3A_662 : memref<64xi32, #tpu.memory_space<vmem>>) semaphore(%arg14 : memref<!tpu.dma_semaphore, #tpu.memory_space<semaphore_mem>>)
      } else {
      }
      %add3A_578 = arith.constant 2 : i32
      %add3A_579 = arith.addi %mul3A_503, %add3A_578 : i32
      %dma_wait3A_580 = arith.constant 2 : i32
      %dma_wait3A_581 = arith.constant 0 : i32
      %dma_wait3A_582 = arith.constant 0 : i32
      %dma_wait3A_583 = tpu.memref_slice %arg10[%dma_wait3A_580, %dma_wait3A_581, %dma_wait3A_582] : memref<4x64x64xf32, #tpu.memory_space<vmem>> -> memref<1x64x64xf32, #tpu.memory_space<vmem>>
      %dma_wait3A_584 = tpu.memref_squeeze %dma_wait3A_583 : memref<1x64x64xf32, #tpu.memory_space<vmem>> -> memref<64x64xf32, #tpu.memory_space<vmem>>
      %dma_wait3A_585 = arith.constant 0 : i32
      %dma_wait3A_586 = tpu.memref_slice %arg8[%add3A_579, %dma_wait3A_585] : memref<40x64xi32, #tpu.memory_space<vmem>> -> memref<1x64xi32, #tpu.memory_space<vmem>>
      %dma_wait3A_587 = tpu.memref_squeeze %dma_wait3A_586 : memref<1x64xi32, #tpu.memory_space<vmem>> -> memref<64xi32, #tpu.memory_space<vmem>>
      %dma_wait3A_588 = arith.constant 0 : i32
      %dma_wait3A_589 = arith.constant 0 : i32
      %dma_wait3A_590 = tpu.memref_slice %arg7[%dma_wait3A_588, %dma_wait3A_589] : memref<10240x64xf32, #tpu.memory_space<vmem_shared>> -> memref<10240x64xf32, #tpu.memory_space<vmem_shared>>
      tpu.wait_indirect_dma semaphore(%arg13 : memref<!tpu.dma_semaphore, #tpu.memory_space<semaphore_mem>>) src(%dma_wait3A_590 : memref<10240x64xf32, #tpu.memory_space<vmem_shared>>) dst(%dma_wait3A_584 : memref<64x64xf32, #tpu.memory_space<vmem>>)
      %gt3A_591 = arith.constant 1 : i32
      %gt3A_592 = arith.cmpi sgt, %add3A_579, %gt3A_591 : i32
      %convert_element_type3A_593 = arith.extui %gt3A_592 : i1 to i32
      %cond3A_594 = arith.constant 0 : i32
      %cond3A_595 = arith.cmpi ne, %convert_element_type3A_593, %cond3A_594 : i32
      scf.if %cond3A_595 {
        %sub3A_655 = arith.constant 2 : i32
        %sub3A_656 = arith.subi %add3A_579, %sub3A_655 : i32
        %dma_wait3A_657 = arith.constant 0 : i32
        %dma_wait3A_658 = arith.constant 0 : i32
        %dma_wait3A_659 = arith.constant 0 : i32
        %dma_wait3A_660 = tpu.memref_slice %arg10[%dma_wait3A_657, %dma_wait3A_658, %dma_wait3A_659] : memref<4x64x64xf32, #tpu.memory_space<vmem>> -> memref<1x64x64xf32, #tpu.memory_space<vmem>>
        %dma_wait3A_661 = tpu.memref_squeeze %dma_wait3A_660 : memref<1x64x64xf32, #tpu.memory_space<vmem>> -> memref<64x64xf32, #tpu.memory_space<vmem>>
        %dma_wait3A_662 = arith.constant 0 : i32
        %dma_wait3A_663 = tpu.memref_slice %arg9[%sub3A_656, %dma_wait3A_662] : memref<40x64xi32, #tpu.memory_space<vmem>> -> memref<1x64xi32, #tpu.memory_space<vmem>>
        %dma_wait3A_664 = tpu.memref_squeeze %dma_wait3A_663 : memref<1x64xi32, #tpu.memory_space<vmem>> -> memref<64xi32, #tpu.memory_space<vmem>>
        %dma_wait3A_665 = arith.constant 0 : i32
        %dma_wait3A_666 = arith.constant 0 : i32
        %dma_wait3A_667 = tpu.memref_slice %arg6[%dma_wait3A_665, %dma_wait3A_666] : memref<10240x64xf32, #tpu.memory_space<vmem_shared>> -> memref<10240x64xf32, #tpu.memory_space<vmem_shared>>
        tpu.wait_indirect_dma semaphore(%arg15 : memref<!tpu.dma_semaphore, #tpu.memory_space<semaphore_mem>>) src(%dma_wait3A_661 : memref<64x64xf32, #tpu.memory_space<vmem>>) dst(%dma_wait3A_667 : memref<10240x64xf32, #tpu.memory_space<vmem_shared>>)
      } else {
      }
      %dma_start3A_596 = arith.constant 2 : i32
      %dma_start3A_597 = arith.constant 0 : i32
      %dma_start3A_598 = arith.constant 0 : i32
      %dma_start3A_599 = tpu.memref_slice %arg10[%dma_start3A_596, %dma_start3A_597, %dma_start3A_598] : memref<4x64x64xf32, #tpu.memory_space<vmem>> -> memref<1x64x64xf32, #tpu.memory_space<vmem>>
      %dma_start3A_600 = tpu.memref_squeeze %dma_start3A_599 : memref<1x64x64xf32, #tpu.memory_space<vmem>> -> memref<64x64xf32, #tpu.memory_space<vmem>>
      %dma_start3A_601 = arith.constant 0 : i32
      %dma_start3A_602 = tpu.memref_slice %arg9[%add3A_579, %dma_start3A_601] : memref<40x64xi32, #tpu.memory_space<vmem>> -> memref<1x64xi32, #tpu.memory_space<vmem>>
      %dma_start3A_603 = tpu.memref_squeeze %dma_start3A_602 : memref<1x64xi32, #tpu.memory_space<vmem>> -> memref<64xi32, #tpu.memory_space<vmem>>
      %dma_start3A_604 = arith.constant 0 : i32
      %dma_start3A_605 = arith.constant 0 : i32
      %dma_start3A_606 = tpu.memref_slice %arg6[%dma_start3A_604, %dma_start3A_605] : memref<10240x64xf32, #tpu.memory_space<vmem_shared>> -> memref<10240x64xf32, #tpu.memory_space<vmem_shared>>
      tpu.enqueue_indirect_dma source(%dma_start3A_600 : memref<64x64xf32, #tpu.memory_space<vmem>>) target(%dma_start3A_606 : memref<10240x64xf32, #tpu.memory_space<vmem_shared>>) offsets(%dma_start3A_603 : memref<64xi32, #tpu.memory_space<vmem>>) semaphore(%arg17 : memref<!tpu.dma_semaphore, #tpu.memory_space<semaphore_mem>>) {add = true}
      %add3A_607 = arith.constant 4 : i32
      %add3A_608 = arith.addi %add3A_579, %add3A_607 : i32
      %sub3A_609 = arith.constant 2 : i32
      %sub3A_610 = arith.subi %add3A_608, %sub3A_609 : i32
      %lt3A_611 = arith.constant 40 : i32
      %lt3A_612 = arith.cmpi slt, %sub3A_610, %lt3A_611 : i32
      %convert_element_type3A_613 = arith.extui %lt3A_612 : i1 to i32
      %cond3A_614 = arith.constant 0 : i32
      %cond3A_615 = arith.cmpi ne, %convert_element_type3A_613, %cond3A_614 : i32
      scf.if %cond3A_615 {
        %dma_start3A_655 = arith.constant 0 : i32
        %dma_start3A_656 = arith.constant 0 : i32
        %dma_start3A_657 = arith.constant 0 : i32
        %dma_start3A_658 = tpu.memref_slice %arg10[%dma_start3A_655, %dma_start3A_656, %dma_start3A_657] : memref<4x64x64xf32, #tpu.memory_space<vmem>> -> memref<1x64x64xf32, #tpu.memory_space<vmem>>
        %dma_start3A_659 = tpu.memref_squeeze %dma_start3A_658 : memref<1x64x64xf32, #tpu.memory_space<vmem>> -> memref<64x64xf32, #tpu.memory_space<vmem>>
        %dma_start3A_660 = arith.constant 0 : i32
        %dma_start3A_661 = tpu.memref_slice %arg8[%sub3A_610, %dma_start3A_660] : memref<40x64xi32, #tpu.memory_space<vmem>> -> memref<1x64xi32, #tpu.memory_space<vmem>>
        %dma_start3A_662 = tpu.memref_squeeze %dma_start3A_661 : memref<1x64xi32, #tpu.memory_space<vmem>> -> memref<64xi32, #tpu.memory_space<vmem>>
        %dma_start3A_663 = arith.constant 0 : i32
        %dma_start3A_664 = arith.constant 0 : i32
        %dma_start3A_665 = tpu.memref_slice %arg7[%dma_start3A_663, %dma_start3A_664] : memref<10240x64xf32, #tpu.memory_space<vmem_shared>> -> memref<10240x64xf32, #tpu.memory_space<vmem_shared>>
        tpu.enqueue_indirect_dma source(%dma_start3A_665 : memref<10240x64xf32, #tpu.memory_space<vmem_shared>>) target(%dma_start3A_659 : memref<64x64xf32, #tpu.memory_space<vmem>>) offsets(%dma_start3A_662 : memref<64xi32, #tpu.memory_space<vmem>>) semaphore(%arg11 : memref<!tpu.dma_semaphore, #tpu.memory_space<semaphore_mem>>)
      } else {
      }
      %add3A_616 = arith.constant 3 : i32
      %add3A_617 = arith.addi %mul3A_503, %add3A_616 : i32
      %dma_wait3A_618 = arith.constant 3 : i32
      %dma_wait3A_619 = arith.constant 0 : i32
      %dma_wait3A_620 = arith.constant 0 : i32
      %dma_wait3A_621 = tpu.memref_slice %arg10[%dma_wait3A_618, %dma_wait3A_619, %dma_wait3A_620] : memref<4x64x64xf32, #tpu.memory_space<vmem>> -> memref<1x64x64xf32, #tpu.memory_space<vmem>>
      %dma_wait3A_622 = tpu.memref_squeeze %dma_wait3A_621 : memref<1x64x64xf32, #tpu.memory_space<vmem>> -> memref<64x64xf32, #tpu.memory_space<vmem>>
      %dma_wait3A_623 = arith.constant 0 : i32
      %dma_wait3A_624 = tpu.memref_slice %arg8[%add3A_617, %dma_wait3A_623] : memref<40x64xi32, #tpu.memory_space<vmem>> -> memref<1x64xi32, #tpu.memory_space<vmem>>
      %dma_wait3A_625 = tpu.memref_squeeze %dma_wait3A_624 : memref<1x64xi32, #tpu.memory_space<vmem>> -> memref<64xi32, #tpu.memory_space<vmem>>
      %dma_wait3A_626 = arith.constant 0 : i32
      %dma_wait3A_627 = arith.constant 0 : i32
      %dma_wait3A_628 = tpu.memref_slice %arg7[%dma_wait3A_626, %dma_wait3A_627] : memref<10240x64xf32, #tpu.memory_space<vmem_shared>> -> memref<10240x64xf32, #tpu.memory_space<vmem_shared>>
      tpu.wait_indirect_dma semaphore(%arg14 : memref<!tpu.dma_semaphore, #tpu.memory_space<semaphore_mem>>) src(%dma_wait3A_628 : memref<10240x64xf32, #tpu.memory_space<vmem_shared>>) dst(%dma_wait3A_622 : memref<64x64xf32, #tpu.memory_space<vmem>>)
      %gt3A_629 = arith.constant 1 : i32
      %gt3A_630 = arith.cmpi sgt, %add3A_617, %gt3A_629 : i32
      %convert_element_type3A_631 = arith.extui %gt3A_630 : i1 to i32
      %cond3A_632 = arith.constant 0 : i32
      %cond3A_633 = arith.cmpi ne, %convert_element_type3A_631, %cond3A_632 : i32
      scf.if %cond3A_633 {
        %sub3A_655 = arith.constant 2 : i32
        %sub3A_656 = arith.subi %add3A_617, %sub3A_655 : i32
        %dma_wait3A_657 = arith.constant 1 : i32
        %dma_wait3A_658 = arith.constant 0 : i32
        %dma_wait3A_659 = arith.constant 0 : i32
        %dma_wait3A_660 = tpu.memref_slice %arg10[%dma_wait3A_657, %dma_wait3A_658, %dma_wait3A_659] : memref<4x64x64xf32, #tpu.memory_space<vmem>> -> memref<1x64x64xf32, #tpu.memory_space<vmem>>
        %dma_wait3A_661 = tpu.memref_squeeze %dma_wait3A_660 : memref<1x64x64xf32, #tpu.memory_space<vmem>> -> memref<64x64xf32, #tpu.memory_space<vmem>>
        %dma_wait3A_662 = arith.constant 0 : i32
        %dma_wait3A_663 = tpu.memref_slice %arg9[%sub3A_656, %dma_wait3A_662] : memref<40x64xi32, #tpu.memory_space<vmem>> -> memref<1x64xi32, #tpu.memory_space<vmem>>
        %dma_wait3A_664 = tpu.memref_squeeze %dma_wait3A_663 : memref<1x64xi32, #tpu.memory_space<vmem>> -> memref<64xi32, #tpu.memory_space<vmem>>
        %dma_wait3A_665 = arith.constant 0 : i32
        %dma_wait3A_666 = arith.constant 0 : i32
        %dma_wait3A_667 = tpu.memref_slice %arg6[%dma_wait3A_665, %dma_wait3A_666] : memref<10240x64xf32, #tpu.memory_space<vmem_shared>> -> memref<10240x64xf32, #tpu.memory_space<vmem_shared>>
        tpu.wait_indirect_dma semaphore(%arg16 : memref<!tpu.dma_semaphore, #tpu.memory_space<semaphore_mem>>) src(%dma_wait3A_661 : memref<64x64xf32, #tpu.memory_space<vmem>>) dst(%dma_wait3A_667 : memref<10240x64xf32, #tpu.memory_space<vmem_shared>>)
      } else {
      }
      %dma_start3A_634 = arith.constant 3 : i32
      %dma_start3A_635 = arith.constant 0 : i32
      %dma_start3A_636 = arith.constant 0 : i32
      %dma_start3A_637 = tpu.memref_slice %arg10[%dma_start3A_634, %dma_start3A_635, %dma_start3A_636] : memref<4x64x64xf32, #tpu.memory_space<vmem>> -> memref<1x64x64xf32, #tpu.memory_space<vmem>>
      %dma_start3A_638 = tpu.memref_squeeze %dma_start3A_637 : memref<1x64x64xf32, #tpu.memory_space<vmem>> -> memref<64x64xf32, #tpu.memory_space<vmem>>
      %dma_start3A_639 = arith.constant 0 : i32
      %dma_start3A_640 = tpu.memref_slice %arg9[%add3A_617, %dma_start3A_639] : memref<40x64xi32, #tpu.memory_space<vmem>> -> memref<1x64xi32, #tpu.memory_space<vmem>>
      %dma_start3A_641 = tpu.memref_squeeze %dma_start3A_640 : memref<1x64xi32, #tpu.memory_space<vmem>> -> memref<64xi32, #tpu.memory_space<vmem>>
      %dma_start3A_642 = arith.constant 0 : i32
      %dma_start3A_643 = arith.constant 0 : i32
      %dma_start3A_644 = tpu.memref_slice %arg6[%dma_start3A_642, %dma_start3A_643] : memref<10240x64xf32, #tpu.memory_space<vmem_shared>> -> memref<10240x64xf32, #tpu.memory_space<vmem_shared>>
      tpu.enqueue_indirect_dma source(%dma_start3A_638 : memref<64x64xf32, #tpu.memory_space<vmem>>) target(%dma_start3A_644 : memref<10240x64xf32, #tpu.memory_space<vmem_shared>>) offsets(%dma_start3A_641 : memref<64xi32, #tpu.memory_space<vmem>>) semaphore(%arg18 : memref<!tpu.dma_semaphore, #tpu.memory_space<semaphore_mem>>) {add = true}
      %add3A_645 = arith.constant 4 : i32
      %add3A_646 = arith.addi %add3A_617, %add3A_645 : i32
      %sub3A_647 = arith.constant 2 : i32
      %sub3A_648 = arith.subi %add3A_646, %sub3A_647 : i32
      %lt3A_649 = arith.constant 40 : i32
      %lt3A_650 = arith.cmpi slt, %sub3A_648, %lt3A_649 : i32
      %convert_element_type3A_651 = arith.extui %lt3A_650 : i1 to i32
      %cond3A_652 = arith.constant 0 : i32
      %cond3A_653 = arith.cmpi ne, %convert_element_type3A_651, %cond3A_652 : i32
      scf.if %cond3A_653 {
        %dma_start3A_655 = arith.constant 1 : i32
        %dma_start3A_656 = arith.constant 0 : i32
        %dma_start3A_657 = arith.constant 0 : i32
        %dma_start3A_658 = tpu.memref_slice %arg10[%dma_start3A_655, %dma_start3A_656, %dma_start3A_657] : memref<4x64x64xf32, #tpu.memory_space<vmem>> -> memref<1x64x64xf32, #tpu.memory_space<vmem>>
        %dma_start3A_659 = tpu.memref_squeeze %dma_start3A_658 : memref<1x64x64xf32, #tpu.memory_space<vmem>> -> memref<64x64xf32, #tpu.memory_space<vmem>>
        %dma_start3A_660 = arith.constant 0 : i32
        %dma_start3A_661 = tpu.memref_slice %arg8[%sub3A_648, %dma_start3A_660] : memref<40x64xi32, #tpu.memory_space<vmem>> -> memref<1x64xi32, #tpu.memory_space<vmem>>
        %dma_start3A_662 = tpu.memref_squeeze %dma_start3A_661 : memref<1x64xi32, #tpu.memory_space<vmem>> -> memref<64xi32, #tpu.memory_space<vmem>>
        %dma_start3A_663 = arith.constant 0 : i32
        %dma_start3A_664 = arith.constant 0 : i32
        %dma_start3A_665 = tpu.memref_slice %arg7[%dma_start3A_663, %dma_start3A_664] : memref<10240x64xf32, #tpu.memory_space<vmem_shared>> -> memref<10240x64xf32, #tpu.memory_space<vmem_shared>>
        tpu.enqueue_indirect_dma source(%dma_start3A_665 : memref<10240x64xf32, #tpu.memory_space<vmem_shared>>) target(%dma_start3A_659 : memref<64x64xf32, #tpu.memory_space<vmem>>) offsets(%dma_start3A_662 : memref<64xi32, #tpu.memory_space<vmem>>) semaphore(%arg12 : memref<!tpu.dma_semaphore, #tpu.memory_space<semaphore_mem>>)
      } else {
      }
      %scan3A_654 = arith.constant 0 : i32
      scf.yield %scan3A_654 : i32
    }
    %scan3A_76 = arith.constant 10 : i32
    %dma_wait3A = arith.constant 2 : i32
    %dma_wait3A_77 = arith.constant 38 : i32
    "tpu.trace_stop"() : () -> ()
    %dma_wait3A_78 = arith.constant 0 : i32
    %dma_wait3A_79 = arith.constant 0 : i32
    %dma_wait3A_80 = tpu.memref_slice %arg10[%dma_wait3A, %dma_wait3A_78, %dma_wait3A_79] : memref<4x64x64xf32, #tpu.memory_space<vmem>> -> memref<1x64x64xf32, #tpu.memory_space<vmem>>
    %dma_wait3A_81 = tpu.memref_squeeze %dma_wait3A_80 : memref<1x64x64xf32, #tpu.memory_space<vmem>> -> memref<64x64xf32, #tpu.memory_space<vmem>>
    %dma_wait3A_82 = arith.constant 0 : i32
    %dma_wait3A_83 = tpu.memref_slice %arg9[%dma_wait3A_77, %dma_wait3A_82] : memref<40x64xi32, #tpu.memory_space<vmem>> -> memref<1x64xi32, #tpu.memory_space<vmem>>
    %dma_wait3A_84 = tpu.memref_squeeze %dma_wait3A_83 : memref<1x64xi32, #tpu.memory_space<vmem>> -> memref<64xi32, #tpu.memory_space<vmem>>
    %dma_wait3A_85 = arith.constant 0 : i32
    %dma_wait3A_86 = arith.constant 0 : i32
    %dma_wait3A_87 = tpu.memref_slice %arg6[%dma_wait3A_85, %dma_wait3A_86] : memref<10240x64xf32, #tpu.memory_space<vmem_shared>> -> memref<10240x64xf32, #tpu.memory_space<vmem_shared>>
    tpu.wait_indirect_dma semaphore(%arg17 : memref<!tpu.dma_semaphore, #tpu.memory_space<semaphore_mem>>) src(%dma_wait3A_81 : memref<64x64xf32, #tpu.memory_space<vmem>>) dst(%dma_wait3A_87 : memref<10240x64xf32, #tpu.memory_space<vmem_shared>>)
    %dma_wait3A_88 = arith.constant 3 : i32
    %dma_wait3A_89 = arith.constant 39 : i32
    %dma_wait3A_90 = arith.constant 0 : i32
    %dma_wait3A_91 = arith.constant 0 : i32
    %dma_wait3A_92 = tpu.memref_slice %arg10[%dma_wait3A_88, %dma_wait3A_90, %dma_wait3A_91] : memref<4x64x64xf32, #tpu.memory_space<vmem>> -> memref<1x64x64xf32, #tpu.memory_space<vmem>>
    %dma_wait3A_93 = tpu.memref_squeeze %dma_wait3A_92 : memref<1x64x64xf32, #tpu.memory_space<vmem>> -> memref<64x64xf32, #tpu.memory_space<vmem>>
    %dma_wait3A_94 = arith.constant 0 : i32
    %dma_wait3A_95 = tpu.memref_slice %arg9[%dma_wait3A_89, %dma_wait3A_94] : memref<40x64xi32, #tpu.memory_space<vmem>> -> memref<1x64xi32, #tpu.memory_space<vmem>>
    %dma_wait3A_96 = tpu.memref_squeeze %dma_wait3A_95 : memref<1x64xi32, #tpu.memory_space<vmem>> -> memref<64xi32, #tpu.memory_space<vmem>>
    %dma_wait3A_97 = arith.constant 0 : i32
    %dma_wait3A_98 = arith.constant 0 : i32
    %dma_wait3A_99 = tpu.memref_slice %arg6[%dma_wait3A_97, %dma_wait3A_98] : memref<10240x64xf32, #tpu.memory_space<vmem_shared>> -> memref<10240x64xf32, #tpu.memory_space<vmem_shared>>
    tpu.wait_indirect_dma semaphore(%arg18 : memref<!tpu.dma_semaphore, #tpu.memory_space<semaphore_mem>>) src(%dma_wait3A_93 : memref<64x64xf32, #tpu.memory_space<vmem>>) dst(%dma_wait3A_99 : memref<10240x64xf32, #tpu.memory_space<vmem_shared>>)
    %add3A_100 = arith.constant 40 : i32
    %add3A_101 = arith.addi %mul3A_44, %add3A_100 : i32
    "tpu.region"() ({
      %run_scoped3A_500 = tpu.sem_alloc : memref<!tpu.dma_semaphore, #tpu.memory_space<semaphore_mem>>
      %dma_start3A_501 = arith.constant 0 : i32
      %dma_start3A_502 = tpu.memref_slice %arg3[%add3A_101, %dma_start3A_501] : memref<5120x64xi32, #tpu.memory_space<hbm>> -> memref<40x64xi32, #tpu.memory_space<hbm>>
      %dma_start3A_503 = arith.constant 0 : i32
      %dma_start3A_504 = tpu.memref_slice %arg3[%add3A_101, %dma_start3A_503] : memref<5120x64xi32, #tpu.memory_space<hbm>> -> memref<40x64xi32, #tpu.memory_space<hbm>>
      tpu.enqueue_dma source(%dma_start3A_504 : memref<40x64xi32, #tpu.memory_space<hbm>>) target(%arg8 : memref<40x64xi32, #tpu.memory_space<vmem>>) target_semaphore(%run_scoped3A_500 : memref<!tpu.dma_semaphore, #tpu.memory_space<semaphore_mem>>)
      %dma_wait3A_505 = arith.constant 0 : i32
      %dma_wait3A_506 = tpu.memref_slice %arg3[%add3A_101, %dma_wait3A_505] : memref<5120x64xi32, #tpu.memory_space<hbm>> -> memref<40x64xi32, #tpu.memory_space<hbm>>
      %dma_wait3A_507 = arith.constant 0 : i32
      %dma_wait3A_508 = tpu.memref_slice %arg3[%add3A_101, %dma_wait3A_507] : memref<5120x64xi32, #tpu.memory_space<hbm>> -> memref<40x64xi32, #tpu.memory_space<hbm>>
      tpu.wait_dma2 semaphore(%run_scoped3A_500 : memref<!tpu.dma_semaphore, #tpu.memory_space<semaphore_mem>>) src(%dma_wait3A_508 : memref<40x64xi32, #tpu.memory_space<hbm>>) dst(%arg8 : memref<40x64xi32, #tpu.memory_space<vmem>>)
      tpu.yield
    }) : () -> ()
    "tpu.region"() ({
      %run_scoped3A_500 = tpu.sem_alloc : memref<!tpu.dma_semaphore, #tpu.memory_space<semaphore_mem>>
      %dma_start3A_501 = arith.constant 0 : i32
      %dma_start3A_502 = tpu.memref_slice %arg4[%add3A_101, %dma_start3A_501] : memref<5120x64xi32, #tpu.memory_space<hbm>> -> memref<40x64xi32, #tpu.memory_space<hbm>>
      %dma_start3A_503 = arith.constant 0 : i32
      %dma_start3A_504 = tpu.memref_slice %arg4[%add3A_101, %dma_start3A_503] : memref<5120x64xi32, #tpu.memory_space<hbm>> -> memref<40x64xi32, #tpu.memory_space<hbm>>
      tpu.enqueue_dma source(%dma_start3A_504 : memref<40x64xi32, #tpu.memory_space<hbm>>) target(%arg9 : memref<40x64xi32, #tpu.memory_space<vmem>>) target_semaphore(%run_scoped3A_500 : memref<!tpu.dma_semaphore, #tpu.memory_space<semaphore_mem>>)
      %dma_wait3A_505 = arith.constant 0 : i32
      %dma_wait3A_506 = tpu.memref_slice %arg4[%add3A_101, %dma_wait3A_505] : memref<5120x64xi32, #tpu.memory_space<hbm>> -> memref<40x64xi32, #tpu.memory_space<hbm>>
      %dma_wait3A_507 = arith.constant 0 : i32
      %dma_wait3A_508 = tpu.memref_slice %arg4[%add3A_101, %dma_wait3A_507] : memref<5120x64xi32, #tpu.memory_space<hbm>> -> memref<40x64xi32, #tpu.memory_space<hbm>>
      tpu.wait_dma2 semaphore(%run_scoped3A_500 : memref<!tpu.dma_semaphore, #tpu.memory_space<semaphore_mem>>) src(%dma_wait3A_508 : memref<40x64xi32, #tpu.memory_space<hbm>>) dst(%arg9 : memref<40x64xi32, #tpu.memory_space<vmem>>)
      tpu.yield
    }) : () -> ()
    %dma_start3A_102 = arith.constant 0 : i32
    %dma_start3A_103 = arith.constant 0 : i32
    %dma_start3A_104 = arith.constant 0 : i32
    %dma_start3A_105 = arith.constant 0 : i32
    %dma_start3A_106 = tpu.memref_slice %arg10[%dma_start3A_103, %dma_start3A_104, %dma_start3A_105] : memref<4x64x64xf32, #tpu.memory_space<vmem>> -> memref<1x64x64xf32, #tpu.memory_space<vmem>>
    %dma_start3A_107 = tpu.memref_squeeze %dma_start3A_106 : memref<1x64x64xf32, #tpu.memory_space<vmem>> -> memref<64x64xf32, #tpu.memory_space<vmem>>
    %dma_start3A_108 = arith.constant 0 : i32
    %dma_start3A_109 = tpu.memref_slice %arg8[%dma_start3A_102, %dma_start3A_108] : memref<40x64xi32, #tpu.memory_space<vmem>> -> memref<1x64xi32, #tpu.memory_space<vmem>>
    %dma_start3A_110 = tpu.memref_squeeze %dma_start3A_109 : memref<1x64xi32, #tpu.memory_space<vmem>> -> memref<64xi32, #tpu.memory_space<vmem>>
    %dma_start3A_111 = arith.constant 0 : i32
    %dma_start3A_112 = arith.constant 0 : i32
    %dma_start3A_113 = tpu.memref_slice %arg7[%dma_start3A_111, %dma_start3A_112] : memref<10240x64xf32, #tpu.memory_space<vmem_shared>> -> memref<10240x64xf32, #tpu.memory_space<vmem_shared>>
    tpu.enqueue_indirect_dma source(%dma_start3A_113 : memref<10240x64xf32, #tpu.memory_space<vmem_shared>>) target(%dma_start3A_107 : memref<64x64xf32, #tpu.memory_space<vmem>>) offsets(%dma_start3A_110 : memref<64xi32, #tpu.memory_space<vmem>>) semaphore(%arg11 : memref<!tpu.dma_semaphore, #tpu.memory_space<semaphore_mem>>)
    %dma_start3A_114 = arith.constant 1 : i32
    %dma_start3A_115 = arith.constant 1 : i32
    %dma_start3A_116 = arith.constant 0 : i32
    %dma_start3A_117 = arith.constant 0 : i32
    %dma_start3A_118 = tpu.memref_slice %arg10[%dma_start3A_115, %dma_start3A_116, %dma_start3A_117] : memref<4x64x64xf32, #tpu.memory_space<vmem>> -> memref<1x64x64xf32, #tpu.memory_space<vmem>>
    %dma_start3A_119 = tpu.memref_squeeze %dma_start3A_118 : memref<1x64x64xf32, #tpu.memory_space<vmem>> -> memref<64x64xf32, #tpu.memory_space<vmem>>
    %dma_start3A_120 = arith.constant 0 : i32
    %dma_start3A_121 = tpu.memref_slice %arg8[%dma_start3A_114, %dma_start3A_120] : memref<40x64xi32, #tpu.memory_space<vmem>> -> memref<1x64xi32, #tpu.memory_space<vmem>>
    %dma_start3A_122 = tpu.memref_squeeze %dma_start3A_121 : memref<1x64xi32, #tpu.memory_space<vmem>> -> memref<64xi32, #tpu.memory_space<vmem>>
    %dma_start3A_123 = arith.constant 0 : i32
    %dma_start3A_124 = arith.constant 0 : i32
    %dma_start3A_125 = tpu.memref_slice %arg7[%dma_start3A_123, %dma_start3A_124] : memref<10240x64xf32, #tpu.memory_space<vmem_shared>> -> memref<10240x64xf32, #tpu.memory_space<vmem_shared>>
    tpu.enqueue_indirect_dma source(%dma_start3A_125 : memref<10240x64xf32, #tpu.memory_space<vmem_shared>>) target(%dma_start3A_119 : memref<64x64xf32, #tpu.memory_space<vmem>>) offsets(%dma_start3A_122 : memref<64xi32, #tpu.memory_space<vmem>>) semaphore(%arg12 : memref<!tpu.dma_semaphore, #tpu.memory_space<semaphore_mem>>)
    "tpu.trace_start"() <{level = 10 : i32, message = "p_edge_loop"}> : () -> ()
    %scan3A_126 = arith.constant 0 : i32
    %scan3A_127 = arith.constant 0 : i32
    %scan3A_128 = arith.constant 10 : i32
    %scan3A_129 = arith.addi %scan3A_127, %scan3A_128 : i32
    %scan3A_130 = arith.constant 1 : i32
    %scan3A_131 = scf.for %scan3A_500 = %scan3A_127 to %scan3A_129 step %scan3A_130 iter_args(%scan3A_501 = %scan3A_126) -> (i32)  : i32 {
      %mul3A_502 = arith.constant 4 : i32
      %mul3A_503 = arith.muli %scan3A_500, %mul3A_502 : i32
      %add3A_504 = arith.constant 0 : i32
      %add3A_505 = arith.addi %mul3A_503, %add3A_504 : i32
      %dma_wait3A_506 = arith.constant 0 : i32
      %dma_wait3A_507 = arith.constant 0 : i32
      %dma_wait3A_508 = arith.constant 0 : i32
      %dma_wait3A_509 = tpu.memref_slice %arg10[%dma_wait3A_506, %dma_wait3A_507, %dma_wait3A_508] : memref<4x64x64xf32, #tpu.memory_space<vmem>> -> memref<1x64x64xf32, #tpu.memory_space<vmem>>
      %dma_wait3A_510 = tpu.memref_squeeze %dma_wait3A_509 : memref<1x64x64xf32, #tpu.memory_space<vmem>> -> memref<64x64xf32, #tpu.memory_space<vmem>>
      %dma_wait3A_511 = arith.constant 0 : i32
      %dma_wait3A_512 = tpu.memref_slice %arg8[%add3A_505, %dma_wait3A_511] : memref<40x64xi32, #tpu.memory_space<vmem>> -> memref<1x64xi32, #tpu.memory_space<vmem>>
      %dma_wait3A_513 = tpu.memref_squeeze %dma_wait3A_512 : memref<1x64xi32, #tpu.memory_space<vmem>> -> memref<64xi32, #tpu.memory_space<vmem>>
      %dma_wait3A_514 = arith.constant 0 : i32
      %dma_wait3A_515 = arith.constant 0 : i32
      %dma_wait3A_516 = tpu.memref_slice %arg7[%dma_wait3A_514, %dma_wait3A_515] : memref<10240x64xf32, #tpu.memory_space<vmem_shared>> -> memref<10240x64xf32, #tpu.memory_space<vmem_shared>>
      tpu.wait_indirect_dma semaphore(%arg11 : memref<!tpu.dma_semaphore, #tpu.memory_space<semaphore_mem>>) src(%dma_wait3A_516 : memref<10240x64xf32, #tpu.memory_space<vmem_shared>>) dst(%dma_wait3A_510 : memref<64x64xf32, #tpu.memory_space<vmem>>)
      %gt3A = arith.constant 1 : i32
      %gt3A_517 = arith.cmpi sgt, %add3A_505, %gt3A : i32
      %convert_element_type3A_518 = arith.extui %gt3A_517 : i1 to i32
      %cond3A_519 = arith.constant 0 : i32
      %cond3A_520 = arith.cmpi ne, %convert_element_type3A_518, %cond3A_519 : i32
      scf.if %cond3A_520 {
        %sub3A_655 = arith.constant 2 : i32
        %sub3A_656 = arith.subi %add3A_505, %sub3A_655 : i32
        %dma_wait3A_657 = arith.constant 2 : i32
        %dma_wait3A_658 = arith.constant 0 : i32
        %dma_wait3A_659 = arith.constant 0 : i32
        %dma_wait3A_660 = tpu.memref_slice %arg10[%dma_wait3A_657, %dma_wait3A_658, %dma_wait3A_659] : memref<4x64x64xf32, #tpu.memory_space<vmem>> -> memref<1x64x64xf32, #tpu.memory_space<vmem>>
        %dma_wait3A_661 = tpu.memref_squeeze %dma_wait3A_660 : memref<1x64x64xf32, #tpu.memory_space<vmem>> -> memref<64x64xf32, #tpu.memory_space<vmem>>
        %dma_wait3A_662 = arith.constant 0 : i32
        %dma_wait3A_663 = tpu.memref_slice %arg9[%sub3A_656, %dma_wait3A_662] : memref<40x64xi32, #tpu.memory_space<vmem>> -> memref<1x64xi32, #tpu.memory_space<vmem>>
        %dma_wait3A_664 = tpu.memref_squeeze %dma_wait3A_663 : memref<1x64xi32, #tpu.memory_space<vmem>> -> memref<64xi32, #tpu.memory_space<vmem>>
        %dma_wait3A_665 = arith.constant 0 : i32
        %dma_wait3A_666 = arith.constant 0 : i32
        %dma_wait3A_667 = tpu.memref_slice %arg6[%dma_wait3A_665, %dma_wait3A_666] : memref<10240x64xf32, #tpu.memory_space<vmem_shared>> -> memref<10240x64xf32, #tpu.memory_space<vmem_shared>>
        tpu.wait_indirect_dma semaphore(%arg17 : memref<!tpu.dma_semaphore, #tpu.memory_space<semaphore_mem>>) src(%dma_wait3A_661 : memref<64x64xf32, #tpu.memory_space<vmem>>) dst(%dma_wait3A_667 : memref<10240x64xf32, #tpu.memory_space<vmem_shared>>)
      } else {
      }
      %dma_start3A_521 = arith.constant 0 : i32
      %dma_start3A_522 = arith.constant 0 : i32
      %dma_start3A_523 = arith.constant 0 : i32
      %dma_start3A_524 = tpu.memref_slice %arg10[%dma_start3A_521, %dma_start3A_522, %dma_start3A_523] : memref<4x64x64xf32, #tpu.memory_space<vmem>> -> memref<1x64x64xf32, #tpu.memory_space<vmem>>
      %dma_start3A_525 = tpu.memref_squeeze %dma_start3A_524 : memref<1x64x64xf32, #tpu.memory_space<vmem>> -> memref<64x64xf32, #tpu.memory_space<vmem>>
      %dma_start3A_526 = arith.constant 0 : i32
      %dma_start3A_527 = tpu.memref_slice %arg9[%add3A_505, %dma_start3A_526] : memref<40x64xi32, #tpu.memory_space<vmem>> -> memref<1x64xi32, #tpu.memory_space<vmem>>
      %dma_start3A_528 = tpu.memref_squeeze %dma_start3A_527 : memref<1x64xi32, #tpu.memory_space<vmem>> -> memref<64xi32, #tpu.memory_space<vmem>>
      %dma_start3A_529 = arith.constant 0 : i32
      %dma_start3A_530 = arith.constant 0 : i32
      %dma_start3A_531 = tpu.memref_slice %arg6[%dma_start3A_529, %dma_start3A_530] : memref<10240x64xf32, #tpu.memory_space<vmem_shared>> -> memref<10240x64xf32, #tpu.memory_space<vmem_shared>>
      tpu.enqueue_indirect_dma source(%dma_start3A_525 : memref<64x64xf32, #tpu.memory_space<vmem>>) target(%dma_start3A_531 : memref<10240x64xf32, #tpu.memory_space<vmem_shared>>) offsets(%dma_start3A_528 : memref<64xi32, #tpu.memory_space<vmem>>) semaphore(%arg15 : memref<!tpu.dma_semaphore, #tpu.memory_space<semaphore_mem>>) {add = true}
      %add3A_532 = arith.constant 4 : i32
      %add3A_533 = arith.addi %add3A_505, %add3A_532 : i32
      %sub3A = arith.constant 2 : i32
      %sub3A_534 = arith.subi %add3A_533, %sub3A : i32
      %lt3A_535 = arith.constant 40 : i32
      %lt3A_536 = arith.cmpi slt, %sub3A_534, %lt3A_535 : i32
      %convert_element_type3A_537 = arith.extui %lt3A_536 : i1 to i32
      %cond3A_538 = arith.constant 0 : i32
      %cond3A_539 = arith.cmpi ne, %convert_element_type3A_537, %cond3A_538 : i32
      scf.if %cond3A_539 {
        %dma_start3A_655 = arith.constant 2 : i32
        %dma_start3A_656 = arith.constant 0 : i32
        %dma_start3A_657 = arith.constant 0 : i32
        %dma_start3A_658 = tpu.memref_slice %arg10[%dma_start3A_655, %dma_start3A_656, %dma_start3A_657] : memref<4x64x64xf32, #tpu.memory_space<vmem>> -> memref<1x64x64xf32, #tpu.memory_space<vmem>>
        %dma_start3A_659 = tpu.memref_squeeze %dma_start3A_658 : memref<1x64x64xf32, #tpu.memory_space<vmem>> -> memref<64x64xf32, #tpu.memory_space<vmem>>
        %dma_start3A_660 = arith.constant 0 : i32
        %dma_start3A_661 = tpu.memref_slice %arg8[%sub3A_534, %dma_start3A_660] : memref<40x64xi32, #tpu.memory_space<vmem>> -> memref<1x64xi32, #tpu.memory_space<vmem>>
        %dma_start3A_662 = tpu.memref_squeeze %dma_start3A_661 : memref<1x64xi32, #tpu.memory_space<vmem>> -> memref<64xi32, #tpu.memory_space<vmem>>
        %dma_start3A_663 = arith.constant 0 : i32
        %dma_start3A_664 = arith.constant 0 : i32
        %dma_start3A_665 = tpu.memref_slice %arg7[%dma_start3A_663, %dma_start3A_664] : memref<10240x64xf32, #tpu.memory_space<vmem_shared>> -> memref<10240x64xf32, #tpu.memory_space<vmem_shared>>
        tpu.enqueue_indirect_dma source(%dma_start3A_665 : memref<10240x64xf32, #tpu.memory_space<vmem_shared>>) target(%dma_start3A_659 : memref<64x64xf32, #tpu.memory_space<vmem>>) offsets(%dma_start3A_662 : memref<64xi32, #tpu.memory_space<vmem>>) semaphore(%arg13 : memref<!tpu.dma_semaphore, #tpu.memory_space<semaphore_mem>>)
      } else {
      }
      %add3A_540 = arith.constant 1 : i32
      %add3A_541 = arith.addi %mul3A_503, %add3A_540 : i32
      %dma_wait3A_542 = arith.constant 1 : i32
      %dma_wait3A_543 = arith.constant 0 : i32
      %dma_wait3A_544 = arith.constant 0 : i32
      %dma_wait3A_545 = tpu.memref_slice %arg10[%dma_wait3A_542, %dma_wait3A_543, %dma_wait3A_544] : memref<4x64x64xf32, #tpu.memory_space<vmem>> -> memref<1x64x64xf32, #tpu.memory_space<vmem>>
      %dma_wait3A_546 = tpu.memref_squeeze %dma_wait3A_545 : memref<1x64x64xf32, #tpu.memory_space<vmem>> -> memref<64x64xf32, #tpu.memory_space<vmem>>
      %dma_wait3A_547 = arith.constant 0 : i32
      %dma_wait3A_548 = tpu.memref_slice %arg8[%add3A_541, %dma_wait3A_547] : memref<40x64xi32, #tpu.memory_space<vmem>> -> memref<1x64xi32, #tpu.memory_space<vmem>>
      %dma_wait3A_549 = tpu.memref_squeeze %dma_wait3A_548 : memref<1x64xi32, #tpu.memory_space<vmem>> -> memref<64xi32, #tpu.memory_space<vmem>>
      %dma_wait3A_550 = arith.constant 0 : i32
      %dma_wait3A_551 = arith.constant 0 : i32
      %dma_wait3A_552 = tpu.memref_slice %arg7[%dma_wait3A_550, %dma_wait3A_551] : memref<10240x64xf32, #tpu.memory_space<vmem_shared>> -> memref<10240x64xf32, #tpu.memory_space<vmem_shared>>
      tpu.wait_indirect_dma semaphore(%arg12 : memref<!tpu.dma_semaphore, #tpu.memory_space<semaphore_mem>>) src(%dma_wait3A_552 : memref<10240x64xf32, #tpu.memory_space<vmem_shared>>) dst(%dma_wait3A_546 : memref<64x64xf32, #tpu.memory_space<vmem>>)
      %gt3A_553 = arith.constant 1 : i32
      %gt3A_554 = arith.cmpi sgt, %add3A_541, %gt3A_553 : i32
      %convert_element_type3A_555 = arith.extui %gt3A_554 : i1 to i32
      %cond3A_556 = arith.constant 0 : i32
      %cond3A_557 = arith.cmpi ne, %convert_element_type3A_555, %cond3A_556 : i32
      scf.if %cond3A_557 {
        %sub3A_655 = arith.constant 2 : i32
        %sub3A_656 = arith.subi %add3A_541, %sub3A_655 : i32
        %dma_wait3A_657 = arith.constant 3 : i32
        %dma_wait3A_658 = arith.constant 0 : i32
        %dma_wait3A_659 = arith.constant 0 : i32
        %dma_wait3A_660 = tpu.memref_slice %arg10[%dma_wait3A_657, %dma_wait3A_658, %dma_wait3A_659] : memref<4x64x64xf32, #tpu.memory_space<vmem>> -> memref<1x64x64xf32, #tpu.memory_space<vmem>>
        %dma_wait3A_661 = tpu.memref_squeeze %dma_wait3A_660 : memref<1x64x64xf32, #tpu.memory_space<vmem>> -> memref<64x64xf32, #tpu.memory_space<vmem>>
        %dma_wait3A_662 = arith.constant 0 : i32
        %dma_wait3A_663 = tpu.memref_slice %arg9[%sub3A_656, %dma_wait3A_662] : memref<40x64xi32, #tpu.memory_space<vmem>> -> memref<1x64xi32, #tpu.memory_space<vmem>>
        %dma_wait3A_664 = tpu.memref_squeeze %dma_wait3A_663 : memref<1x64xi32, #tpu.memory_space<vmem>> -> memref<64xi32, #tpu.memory_space<vmem>>
        %dma_wait3A_665 = arith.constant 0 : i32
        %dma_wait3A_666 = arith.constant 0 : i32
        %dma_wait3A_667 = tpu.memref_slice %arg6[%dma_wait3A_665, %dma_wait3A_666] : memref<10240x64xf32, #tpu.memory_space<vmem_shared>> -> memref<10240x64xf32, #tpu.memory_space<vmem_shared>>
        tpu.wait_indirect_dma semaphore(%arg18 : memref<!tpu.dma_semaphore, #tpu.memory_space<semaphore_mem>>) src(%dma_wait3A_661 : memref<64x64xf32, #tpu.memory_space<vmem>>) dst(%dma_wait3A_667 : memref<10240x64xf32, #tpu.memory_space<vmem_shared>>)
      } else {
      }
      %dma_start3A_558 = arith.constant 1 : i32
      %dma_start3A_559 = arith.constant 0 : i32
      %dma_start3A_560 = arith.constant 0 : i32
      %dma_start3A_561 = tpu.memref_slice %arg10[%dma_start3A_558, %dma_start3A_559, %dma_start3A_560] : memref<4x64x64xf32, #tpu.memory_space<vmem>> -> memref<1x64x64xf32, #tpu.memory_space<vmem>>
      %dma_start3A_562 = tpu.memref_squeeze %dma_start3A_561 : memref<1x64x64xf32, #tpu.memory_space<vmem>> -> memref<64x64xf32, #tpu.memory_space<vmem>>
      %dma_start3A_563 = arith.constant 0 : i32
      %dma_start3A_564 = tpu.memref_slice %arg9[%add3A_541, %dma_start3A_563] : memref<40x64xi32, #tpu.memory_space<vmem>> -> memref<1x64xi32, #tpu.memory_space<vmem>>
      %dma_start3A_565 = tpu.memref_squeeze %dma_start3A_564 : memref<1x64xi32, #tpu.memory_space<vmem>> -> memref<64xi32, #tpu.memory_space<vmem>>
      %dma_start3A_566 = arith.constant 0 : i32
      %dma_start3A_567 = arith.constant 0 : i32
      %dma_start3A_568 = tpu.memref_slice %arg6[%dma_start3A_566, %dma_start3A_567] : memref<10240x64xf32, #tpu.memory_space<vmem_shared>> -> memref<10240x64xf32, #tpu.memory_space<vmem_shared>>
      tpu.enqueue_indirect_dma source(%dma_start3A_562 : memref<64x64xf32, #tpu.memory_space<vmem>>) target(%dma_start3A_568 : memref<10240x64xf32, #tpu.memory_space<vmem_shared>>) offsets(%dma_start3A_565 : memref<64xi32, #tpu.memory_space<vmem>>) semaphore(%arg16 : memref<!tpu.dma_semaphore, #tpu.memory_space<semaphore_mem>>) {add = true}
      %add3A_569 = arith.constant 4 : i32
      %add3A_570 = arith.addi %add3A_541, %add3A_569 : i32
      %sub3A_571 = arith.constant 2 : i32
      %sub3A_572 = arith.subi %add3A_570, %sub3A_571 : i32
      %lt3A_573 = arith.constant 40 : i32
      %lt3A_574 = arith.cmpi slt, %sub3A_572, %lt3A_573 : i32
      %convert_element_type3A_575 = arith.extui %lt3A_574 : i1 to i32
      %cond3A_576 = arith.constant 0 : i32
      %cond3A_577 = arith.cmpi ne, %convert_element_type3A_575, %cond3A_576 : i32
      scf.if %cond3A_577 {
        %dma_start3A_655 = arith.constant 3 : i32
        %dma_start3A_656 = arith.constant 0 : i32
        %dma_start3A_657 = arith.constant 0 : i32
        %dma_start3A_658 = tpu.memref_slice %arg10[%dma_start3A_655, %dma_start3A_656, %dma_start3A_657] : memref<4x64x64xf32, #tpu.memory_space<vmem>> -> memref<1x64x64xf32, #tpu.memory_space<vmem>>
        %dma_start3A_659 = tpu.memref_squeeze %dma_start3A_658 : memref<1x64x64xf32, #tpu.memory_space<vmem>> -> memref<64x64xf32, #tpu.memory_space<vmem>>
        %dma_start3A_660 = arith.constant 0 : i32
        %dma_start3A_661 = tpu.memref_slice %arg8[%sub3A_572, %dma_start3A_660] : memref<40x64xi32, #tpu.memory_space<vmem>> -> memref<1x64xi32, #tpu.memory_space<vmem>>
        %dma_start3A_662 = tpu.memref_squeeze %dma_start3A_661 : memref<1x64xi32, #tpu.memory_space<vmem>> -> memref<64xi32, #tpu.memory_space<vmem>>
        %dma_start3A_663 = arith.constant 0 : i32
        %dma_start3A_664 = arith.constant 0 : i32
        %dma_start3A_665 = tpu.memref_slice %arg7[%dma_start3A_663, %dma_start3A_664] : memref<10240x64xf32, #tpu.memory_space<vmem_shared>> -> memref<10240x64xf32, #tpu.memory_space<vmem_shared>>
        tpu.enqueue_indirect_dma source(%dma_start3A_665 : memref<10240x64xf32, #tpu.memory_space<vmem_shared>>) target(%dma_start3A_659 : memref<64x64xf32, #tpu.memory_space<vmem>>) offsets(%dma_start3A_662 : memref<64xi32, #tpu.memory_space<vmem>>) semaphore(%arg14 : memref<!tpu.dma_semaphore, #tpu.memory_space<semaphore_mem>>)
      } else {
      }
      %add3A_578 = arith.constant 2 : i32
      %add3A_579 = arith.addi %mul3A_503, %add3A_578 : i32
      %dma_wait3A_580 = arith.constant 2 : i32
      %dma_wait3A_581 = arith.constant 0 : i32
      %dma_wait3A_582 = arith.constant 0 : i32
      %dma_wait3A_583 = tpu.memref_slice %arg10[%dma_wait3A_580, %dma_wait3A_581, %dma_wait3A_582] : memref<4x64x64xf32, #tpu.memory_space<vmem>> -> memref<1x64x64xf32, #tpu.memory_space<vmem>>
      %dma_wait3A_584 = tpu.memref_squeeze %dma_wait3A_583 : memref<1x64x64xf32, #tpu.memory_space<vmem>> -> memref<64x64xf32, #tpu.memory_space<vmem>>
      %dma_wait3A_585 = arith.constant 0 : i32
      %dma_wait3A_586 = tpu.memref_slice %arg8[%add3A_579, %dma_wait3A_585] : memref<40x64xi32, #tpu.memory_space<vmem>> -> memref<1x64xi32, #tpu.memory_space<vmem>>
      %dma_wait3A_587 = tpu.memref_squeeze %dma_wait3A_586 : memref<1x64xi32, #tpu.memory_space<vmem>> -> memref<64xi32, #tpu.memory_space<vmem>>
      %dma_wait3A_588 = arith.constant 0 : i32
      %dma_wait3A_589 = arith.constant 0 : i32
      %dma_wait3A_590 = tpu.memref_slice %arg7[%dma_wait3A_588, %dma_wait3A_589] : memref<10240x64xf32, #tpu.memory_space<vmem_shared>> -> memref<10240x64xf32, #tpu.memory_space<vmem_shared>>
      tpu.wait_indirect_dma semaphore(%arg13 : memref<!tpu.dma_semaphore, #tpu.memory_space<semaphore_mem>>) src(%dma_wait3A_590 : memref<10240x64xf32, #tpu.memory_space<vmem_shared>>) dst(%dma_wait3A_584 : memref<64x64xf32, #tpu.memory_space<vmem>>)
      %gt3A_591 = arith.constant 1 : i32
      %gt3A_592 = arith.cmpi sgt, %add3A_579, %gt3A_591 : i32
      %convert_element_type3A_593 = arith.extui %gt3A_592 : i1 to i32
      %cond3A_594 = arith.constant 0 : i32
      %cond3A_595 = arith.cmpi ne, %convert_element_type3A_593, %cond3A_594 : i32
      scf.if %cond3A_595 {
        %sub3A_655 = arith.constant 2 : i32
        %sub3A_656 = arith.subi %add3A_579, %sub3A_655 : i32
        %dma_wait3A_657 = arith.constant 0 : i32
        %dma_wait3A_658 = arith.constant 0 : i32
        %dma_wait3A_659 = arith.constant 0 : i32
        %dma_wait3A_660 = tpu.memref_slice %arg10[%dma_wait3A_657, %dma_wait3A_658, %dma_wait3A_659] : memref<4x64x64xf32, #tpu.memory_space<vmem>> -> memref<1x64x64xf32, #tpu.memory_space<vmem>>
        %dma_wait3A_661 = tpu.memref_squeeze %dma_wait3A_660 : memref<1x64x64xf32, #tpu.memory_space<vmem>> -> memref<64x64xf32, #tpu.memory_space<vmem>>
        %dma_wait3A_662 = arith.constant 0 : i32
        %dma_wait3A_663 = tpu.memref_slice %arg9[%sub3A_656, %dma_wait3A_662] : memref<40x64xi32, #tpu.memory_space<vmem>> -> memref<1x64xi32, #tpu.memory_space<vmem>>
        %dma_wait3A_664 = tpu.memref_squeeze %dma_wait3A_663 : memref<1x64xi32, #tpu.memory_space<vmem>> -> memref<64xi32, #tpu.memory_space<vmem>>
        %dma_wait3A_665 = arith.constant 0 : i32
        %dma_wait3A_666 = arith.constant 0 : i32
        %dma_wait3A_667 = tpu.memref_slice %arg6[%dma_wait3A_665, %dma_wait3A_666] : memref<10240x64xf32, #tpu.memory_space<vmem_shared>> -> memref<10240x64xf32, #tpu.memory_space<vmem_shared>>
        tpu.wait_indirect_dma semaphore(%arg15 : memref<!tpu.dma_semaphore, #tpu.memory_space<semaphore_mem>>) src(%dma_wait3A_661 : memref<64x64xf32, #tpu.memory_space<vmem>>) dst(%dma_wait3A_667 : memref<10240x64xf32, #tpu.memory_space<vmem_shared>>)
      } else {
      }
      %dma_start3A_596 = arith.constant 2 : i32
      %dma_start3A_597 = arith.constant 0 : i32
      %dma_start3A_598 = arith.constant 0 : i32
      %dma_start3A_599 = tpu.memref_slice %arg10[%dma_start3A_596, %dma_start3A_597, %dma_start3A_598] : memref<4x64x64xf32, #tpu.memory_space<vmem>> -> memref<1x64x64xf32, #tpu.memory_space<vmem>>
      %dma_start3A_600 = tpu.memref_squeeze %dma_start3A_599 : memref<1x64x64xf32, #tpu.memory_space<vmem>> -> memref<64x64xf32, #tpu.memory_space<vmem>>
      %dma_start3A_601 = arith.constant 0 : i32
      %dma_start3A_602 = tpu.memref_slice %arg9[%add3A_579, %dma_start3A_601] : memref<40x64xi32, #tpu.memory_space<vmem>> -> memref<1x64xi32, #tpu.memory_space<vmem>>
      %dma_start3A_603 = tpu.memref_squeeze %dma_start3A_602 : memref<1x64xi32, #tpu.memory_space<vmem>> -> memref<64xi32, #tpu.memory_space<vmem>>
      %dma_start3A_604 = arith.constant 0 : i32
      %dma_start3A_605 = arith.constant 0 : i32
      %dma_start3A_606 = tpu.memref_slice %arg6[%dma_start3A_604, %dma_start3A_605] : memref<10240x64xf32, #tpu.memory_space<vmem_shared>> -> memref<10240x64xf32, #tpu.memory_space<vmem_shared>>
      tpu.enqueue_indirect_dma source(%dma_start3A_600 : memref<64x64xf32, #tpu.memory_space<vmem>>) target(%dma_start3A_606 : memref<10240x64xf32, #tpu.memory_space<vmem_shared>>) offsets(%dma_start3A_603 : memref<64xi32, #tpu.memory_space<vmem>>) semaphore(%arg17 : memref<!tpu.dma_semaphore, #tpu.memory_space<semaphore_mem>>) {add = true}
      %add3A_607 = arith.constant 4 : i32
      %add3A_608 = arith.addi %add3A_579, %add3A_607 : i32
      %sub3A_609 = arith.constant 2 : i32
      %sub3A_610 = arith.subi %add3A_608, %sub3A_609 : i32
      %lt3A_611 = arith.constant 40 : i32
      %lt3A_612 = arith.cmpi slt, %sub3A_610, %lt3A_611 : i32
      %convert_element_type3A_613 = arith.extui %lt3A_612 : i1 to i32
      %cond3A_614 = arith.constant 0 : i32
      %cond3A_615 = arith.cmpi ne, %convert_element_type3A_613, %cond3A_614 : i32
      scf.if %cond3A_615 {
        %dma_start3A_655 = arith.constant 0 : i32
        %dma_start3A_656 = arith.constant 0 : i32
        %dma_start3A_657 = arith.constant 0 : i32
        %dma_start3A_658 = tpu.memref_slice %arg10[%dma_start3A_655, %dma_start3A_656, %dma_start3A_657] : memref<4x64x64xf32, #tpu.memory_space<vmem>> -> memref<1x64x64xf32, #tpu.memory_space<vmem>>
        %dma_start3A_659 = tpu.memref_squeeze %dma_start3A_658 : memref<1x64x64xf32, #tpu.memory_space<vmem>> -> memref<64x64xf32, #tpu.memory_space<vmem>>
        %dma_start3A_660 = arith.constant 0 : i32
        %dma_start3A_661 = tpu.memref_slice %arg8[%sub3A_610, %dma_start3A_660] : memref<40x64xi32, #tpu.memory_space<vmem>> -> memref<1x64xi32, #tpu.memory_space<vmem>>
        %dma_start3A_662 = tpu.memref_squeeze %dma_start3A_661 : memref<1x64xi32, #tpu.memory_space<vmem>> -> memref<64xi32, #tpu.memory_space<vmem>>
        %dma_start3A_663 = arith.constant 0 : i32
        %dma_start3A_664 = arith.constant 0 : i32
        %dma_start3A_665 = tpu.memref_slice %arg7[%dma_start3A_663, %dma_start3A_664] : memref<10240x64xf32, #tpu.memory_space<vmem_shared>> -> memref<10240x64xf32, #tpu.memory_space<vmem_shared>>
        tpu.enqueue_indirect_dma source(%dma_start3A_665 : memref<10240x64xf32, #tpu.memory_space<vmem_shared>>) target(%dma_start3A_659 : memref<64x64xf32, #tpu.memory_space<vmem>>) offsets(%dma_start3A_662 : memref<64xi32, #tpu.memory_space<vmem>>) semaphore(%arg11 : memref<!tpu.dma_semaphore, #tpu.memory_space<semaphore_mem>>)
      } else {
      }
      %add3A_616 = arith.constant 3 : i32
      %add3A_617 = arith.addi %mul3A_503, %add3A_616 : i32
      %dma_wait3A_618 = arith.constant 3 : i32
      %dma_wait3A_619 = arith.constant 0 : i32
      %dma_wait3A_620 = arith.constant 0 : i32
      %dma_wait3A_621 = tpu.memref_slice %arg10[%dma_wait3A_618, %dma_wait3A_619, %dma_wait3A_620] : memref<4x64x64xf32, #tpu.memory_space<vmem>> -> memref<1x64x64xf32, #tpu.memory_space<vmem>>
      %dma_wait3A_622 = tpu.memref_squeeze %dma_wait3A_621 : memref<1x64x64xf32, #tpu.memory_space<vmem>> -> memref<64x64xf32, #tpu.memory_space<vmem>>
      %dma_wait3A_623 = arith.constant 0 : i32
      %dma_wait3A_624 = tpu.memref_slice %arg8[%add3A_617, %dma_wait3A_623] : memref<40x64xi32, #tpu.memory_space<vmem>> -> memref<1x64xi32, #tpu.memory_space<vmem>>
      %dma_wait3A_625 = tpu.memref_squeeze %dma_wait3A_624 : memref<1x64xi32, #tpu.memory_space<vmem>> -> memref<64xi32, #tpu.memory_space<vmem>>
      %dma_wait3A_626 = arith.constant 0 : i32
      %dma_wait3A_627 = arith.constant 0 : i32
      %dma_wait3A_628 = tpu.memref_slice %arg7[%dma_wait3A_626, %dma_wait3A_627] : memref<10240x64xf32, #tpu.memory_space<vmem_shared>> -> memref<10240x64xf32, #tpu.memory_space<vmem_shared>>
      tpu.wait_indirect_dma semaphore(%arg14 : memref<!tpu.dma_semaphore, #tpu.memory_space<semaphore_mem>>) src(%dma_wait3A_628 : memref<10240x64xf32, #tpu.memory_space<vmem_shared>>) dst(%dma_wait3A_622 : memref<64x64xf32, #tpu.memory_space<vmem>>)
      %gt3A_629 = arith.constant 1 : i32
      %gt3A_630 = arith.cmpi sgt, %add3A_617, %gt3A_629 : i32
      %convert_element_type3A_631 = arith.extui %gt3A_630 : i1 to i32
      %cond3A_632 = arith.constant 0 : i32
      %cond3A_633 = arith.cmpi ne, %convert_element_type3A_631, %cond3A_632 : i32
      scf.if %cond3A_633 {
        %sub3A_655 = arith.constant 2 : i32
        %sub3A_656 = arith.subi %add3A_617, %sub3A_655 : i32
        %dma_wait3A_657 = arith.constant 1 : i32
        %dma_wait3A_658 = arith.constant 0 : i32
        %dma_wait3A_659 = arith.constant 0 : i32
        %dma_wait3A_660 = tpu.memref_slice %arg10[%dma_wait3A_657, %dma_wait3A_658, %dma_wait3A_659] : memref<4x64x64xf32, #tpu.memory_space<vmem>> -> memref<1x64x64xf32, #tpu.memory_space<vmem>>
        %dma_wait3A_661 = tpu.memref_squeeze %dma_wait3A_660 : memref<1x64x64xf32, #tpu.memory_space<vmem>> -> memref<64x64xf32, #tpu.memory_space<vmem>>
        %dma_wait3A_662 = arith.constant 0 : i32
        %dma_wait3A_663 = tpu.memref_slice %arg9[%sub3A_656, %dma_wait3A_662] : memref<40x64xi32, #tpu.memory_space<vmem>> -> memref<1x64xi32, #tpu.memory_space<vmem>>
        %dma_wait3A_664 = tpu.memref_squeeze %dma_wait3A_663 : memref<1x64xi32, #tpu.memory_space<vmem>> -> memref<64xi32, #tpu.memory_space<vmem>>
        %dma_wait3A_665 = arith.constant 0 : i32
        %dma_wait3A_666 = arith.constant 0 : i32
        %dma_wait3A_667 = tpu.memref_slice %arg6[%dma_wait3A_665, %dma_wait3A_666] : memref<10240x64xf32, #tpu.memory_space<vmem_shared>> -> memref<10240x64xf32, #tpu.memory_space<vmem_shared>>
        tpu.wait_indirect_dma semaphore(%arg16 : memref<!tpu.dma_semaphore, #tpu.memory_space<semaphore_mem>>) src(%dma_wait3A_661 : memref<64x64xf32, #tpu.memory_space<vmem>>) dst(%dma_wait3A_667 : memref<10240x64xf32, #tpu.memory_space<vmem_shared>>)
      } else {
      }
      %dma_start3A_634 = arith.constant 3 : i32
      %dma_start3A_635 = arith.constant 0 : i32
      %dma_start3A_636 = arith.constant 0 : i32
      %dma_start3A_637 = tpu.memref_slice %arg10[%dma_start3A_634, %dma_start3A_635, %dma_start3A_636] : memref<4x64x64xf32, #tpu.memory_space<vmem>> -> memref<1x64x64xf32, #tpu.memory_space<vmem>>
      %dma_start3A_638 = tpu.memref_squeeze %dma_start3A_637 : memref<1x64x64xf32, #tpu.memory_space<vmem>> -> memref<64x64xf32, #tpu.memory_space<vmem>>
      %dma_start3A_639 = arith.constant 0 : i32
      %dma_start3A_640 = tpu.memref_slice %arg9[%add3A_617, %dma_start3A_639] : memref<40x64xi32, #tpu.memory_space<vmem>> -> memref<1x64xi32, #tpu.memory_space<vmem>>
      %dma_start3A_641 = tpu.memref_squeeze %dma_start3A_640 : memref<1x64xi32, #tpu.memory_space<vmem>> -> memref<64xi32, #tpu.memory_space<vmem>>
      %dma_start3A_642 = arith.constant 0 : i32
      %dma_start3A_643 = arith.constant 0 : i32
      %dma_start3A_644 = tpu.memref_slice %arg6[%dma_start3A_642, %dma_start3A_643] : memref<10240x64xf32, #tpu.memory_space<vmem_shared>> -> memref<10240x64xf32, #tpu.memory_space<vmem_shared>>
      tpu.enqueue_indirect_dma source(%dma_start3A_638 : memref<64x64xf32, #tpu.memory_space<vmem>>) target(%dma_start3A_644 : memref<10240x64xf32, #tpu.memory_space<vmem_shared>>) offsets(%dma_start3A_641 : memref<64xi32, #tpu.memory_space<vmem>>) semaphore(%arg18 : memref<!tpu.dma_semaphore, #tpu.memory_space<semaphore_mem>>) {add = true}
      %add3A_645 = arith.constant 4 : i32
      %add3A_646 = arith.addi %add3A_617, %add3A_645 : i32
      %sub3A_647 = arith.constant 2 : i32
      %sub3A_648 = arith.subi %add3A_646, %sub3A_647 : i32
      %lt3A_649 = arith.constant 40 : i32
      %lt3A_650 = arith.cmpi slt, %sub3A_648, %lt3A_649 : i32
      %convert_element_type3A_651 = arith.extui %lt3A_650 : i1 to i32
      %cond3A_652 = arith.constant 0 : i32
      %cond3A_653 = arith.cmpi ne, %convert_element_type3A_651, %cond3A_652 : i32
      scf.if %cond3A_653 {
        %dma_start3A_655 = arith.constant 1 : i32
        %dma_start3A_656 = arith.constant 0 : i32
        %dma_start3A_657 = arith.constant 0 : i32
        %dma_start3A_658 = tpu.memref_slice %arg10[%dma_start3A_655, %dma_start3A_656, %dma_start3A_657] : memref<4x64x64xf32, #tpu.memory_space<vmem>> -> memref<1x64x64xf32, #tpu.memory_space<vmem>>
        %dma_start3A_659 = tpu.memref_squeeze %dma_start3A_658 : memref<1x64x64xf32, #tpu.memory_space<vmem>> -> memref<64x64xf32, #tpu.memory_space<vmem>>
        %dma_start3A_660 = arith.constant 0 : i32
        %dma_start3A_661 = tpu.memref_slice %arg8[%sub3A_648, %dma_start3A_660] : memref<40x64xi32, #tpu.memory_space<vmem>> -> memref<1x64xi32, #tpu.memory_space<vmem>>
        %dma_start3A_662 = tpu.memref_squeeze %dma_start3A_661 : memref<1x64xi32, #tpu.memory_space<vmem>> -> memref<64xi32, #tpu.memory_space<vmem>>
        %dma_start3A_663 = arith.constant 0 : i32
        %dma_start3A_664 = arith.constant 0 : i32
        %dma_start3A_665 = tpu.memref_slice %arg7[%dma_start3A_663, %dma_start3A_664] : memref<10240x64xf32, #tpu.memory_space<vmem_shared>> -> memref<10240x64xf32, #tpu.memory_space<vmem_shared>>
        tpu.enqueue_indirect_dma source(%dma_start3A_665 : memref<10240x64xf32, #tpu.memory_space<vmem_shared>>) target(%dma_start3A_659 : memref<64x64xf32, #tpu.memory_space<vmem>>) offsets(%dma_start3A_662 : memref<64xi32, #tpu.memory_space<vmem>>) semaphore(%arg12 : memref<!tpu.dma_semaphore, #tpu.memory_space<semaphore_mem>>)
      } else {
      }
      %scan3A_654 = arith.constant 0 : i32
      scf.yield %scan3A_654 : i32
    }
    %scan3A_132 = arith.constant 10 : i32
    %dma_wait3A_133 = arith.constant 2 : i32
    %dma_wait3A_134 = arith.constant 38 : i32
    "tpu.trace_stop"() : () -> ()
    %dma_wait3A_135 = arith.constant 0 : i32
    %dma_wait3A_136 = arith.constant 0 : i32
    %dma_wait3A_137 = tpu.memref_slice %arg10[%dma_wait3A_133, %dma_wait3A_135, %dma_wait3A_136] : memref<4x64x64xf32, #tpu.memory_space<vmem>> -> memref<1x64x64xf32, #tpu.memory_space<vmem>>
    %dma_wait3A_138 = tpu.memref_squeeze %dma_wait3A_137 : memref<1x64x64xf32, #tpu.memory_space<vmem>> -> memref<64x64xf32, #tpu.memory_space<vmem>>
    %dma_wait3A_139 = arith.constant 0 : i32
    %dma_wait3A_140 = tpu.memref_slice %arg9[%dma_wait3A_134, %dma_wait3A_139] : memref<40x64xi32, #tpu.memory_space<vmem>> -> memref<1x64xi32, #tpu.memory_space<vmem>>
    %dma_wait3A_141 = tpu.memref_squeeze %dma_wait3A_140 : memref<1x64xi32, #tpu.memory_space<vmem>> -> memref<64xi32, #tpu.memory_space<vmem>>
    %dma_wait3A_142 = arith.constant 0 : i32
    %dma_wait3A_143 = arith.constant 0 : i32
    %dma_wait3A_144 = tpu.memref_slice %arg6[%dma_wait3A_142, %dma_wait3A_143] : memref<10240x64xf32, #tpu.memory_space<vmem_shared>> -> memref<10240x64xf32, #tpu.memory_space<vmem_shared>>
    tpu.wait_indirect_dma semaphore(%arg17 : memref<!tpu.dma_semaphore, #tpu.memory_space<semaphore_mem>>) src(%dma_wait3A_138 : memref<64x64xf32, #tpu.memory_space<vmem>>) dst(%dma_wait3A_144 : memref<10240x64xf32, #tpu.memory_space<vmem_shared>>)
    %dma_wait3A_145 = arith.constant 3 : i32
    %dma_wait3A_146 = arith.constant 39 : i32
    %dma_wait3A_147 = arith.constant 0 : i32
    %dma_wait3A_148 = arith.constant 0 : i32
    %dma_wait3A_149 = tpu.memref_slice %arg10[%dma_wait3A_145, %dma_wait3A_147, %dma_wait3A_148] : memref<4x64x64xf32, #tpu.memory_space<vmem>> -> memref<1x64x64xf32, #tpu.memory_space<vmem>>
    %dma_wait3A_150 = tpu.memref_squeeze %dma_wait3A_149 : memref<1x64x64xf32, #tpu.memory_space<vmem>> -> memref<64x64xf32, #tpu.memory_space<vmem>>
    %dma_wait3A_151 = arith.constant 0 : i32
    %dma_wait3A_152 = tpu.memref_slice %arg9[%dma_wait3A_146, %dma_wait3A_151] : memref<40x64xi32, #tpu.memory_space<vmem>> -> memref<1x64xi32, #tpu.memory_space<vmem>>
    %dma_wait3A_153 = tpu.memref_squeeze %dma_wait3A_152 : memref<1x64xi32, #tpu.memory_space<vmem>> -> memref<64xi32, #tpu.memory_space<vmem>>
    %dma_wait3A_154 = arith.constant 0 : i32
    %dma_wait3A_155 = arith.constant 0 : i32
    %dma_wait3A_156 = tpu.memref_slice %arg6[%dma_wait3A_154, %dma_wait3A_155] : memref<10240x64xf32, #tpu.memory_space<vmem_shared>> -> memref<10240x64xf32, #tpu.memory_space<vmem_shared>>
    tpu.wait_indirect_dma semaphore(%arg18 : memref<!tpu.dma_semaphore, #tpu.memory_space<semaphore_mem>>) src(%dma_wait3A_150 : memref<64x64xf32, #tpu.memory_space<vmem>>) dst(%dma_wait3A_156 : memref<10240x64xf32, #tpu.memory_space<vmem_shared>>)
    %add3A_157 = arith.constant 80 : i32
    %add3A_158 = arith.addi %mul3A_44, %add3A_157 : i32
    "tpu.region"() ({
      %run_scoped3A_500 = tpu.sem_alloc : memref<!tpu.dma_semaphore, #tpu.memory_space<semaphore_mem>>
      %dma_start3A_501 = arith.constant 0 : i32
      %dma_start3A_502 = tpu.memref_slice %arg3[%add3A_158, %dma_start3A_501] : memref<5120x64xi32, #tpu.memory_space<hbm>> -> memref<40x64xi32, #tpu.memory_space<hbm>>
      %dma_start3A_503 = arith.constant 0 : i32
      %dma_start3A_504 = tpu.memref_slice %arg3[%add3A_158, %dma_start3A_503] : memref<5120x64xi32, #tpu.memory_space<hbm>> -> memref<40x64xi32, #tpu.memory_space<hbm>>
      tpu.enqueue_dma source(%dma_start3A_504 : memref<40x64xi32, #tpu.memory_space<hbm>>) target(%arg8 : memref<40x64xi32, #tpu.memory_space<vmem>>) target_semaphore(%run_scoped3A_500 : memref<!tpu.dma_semaphore, #tpu.memory_space<semaphore_mem>>)
      %dma_wait3A_505 = arith.constant 0 : i32
      %dma_wait3A_506 = tpu.memref_slice %arg3[%add3A_158, %dma_wait3A_505] : memref<5120x64xi32, #tpu.memory_space<hbm>> -> memref<40x64xi32, #tpu.memory_space<hbm>>
      %dma_wait3A_507 = arith.constant 0 : i32
      %dma_wait3A_508 = tpu.memref_slice %arg3[%add3A_158, %dma_wait3A_507] : memref<5120x64xi32, #tpu.memory_space<hbm>> -> memref<40x64xi32, #tpu.memory_space<hbm>>
      tpu.wait_dma2 semaphore(%run_scoped3A_500 : memref<!tpu.dma_semaphore, #tpu.memory_space<semaphore_mem>>) src(%dma_wait3A_508 : memref<40x64xi32, #tpu.memory_space<hbm>>) dst(%arg8 : memref<40x64xi32, #tpu.memory_space<vmem>>)
      tpu.yield
    }) : () -> ()
    "tpu.region"() ({
      %run_scoped3A_500 = tpu.sem_alloc : memref<!tpu.dma_semaphore, #tpu.memory_space<semaphore_mem>>
      %dma_start3A_501 = arith.constant 0 : i32
      %dma_start3A_502 = tpu.memref_slice %arg4[%add3A_158, %dma_start3A_501] : memref<5120x64xi32, #tpu.memory_space<hbm>> -> memref<40x64xi32, #tpu.memory_space<hbm>>
      %dma_start3A_503 = arith.constant 0 : i32
      %dma_start3A_504 = tpu.memref_slice %arg4[%add3A_158, %dma_start3A_503] : memref<5120x64xi32, #tpu.memory_space<hbm>> -> memref<40x64xi32, #tpu.memory_space<hbm>>
      tpu.enqueue_dma source(%dma_start3A_504 : memref<40x64xi32, #tpu.memory_space<hbm>>) target(%arg9 : memref<40x64xi32, #tpu.memory_space<vmem>>) target_semaphore(%run_scoped3A_500 : memref<!tpu.dma_semaphore, #tpu.memory_space<semaphore_mem>>)
      %dma_wait3A_505 = arith.constant 0 : i32
      %dma_wait3A_506 = tpu.memref_slice %arg4[%add3A_158, %dma_wait3A_505] : memref<5120x64xi32, #tpu.memory_space<hbm>> -> memref<40x64xi32, #tpu.memory_space<hbm>>
      %dma_wait3A_507 = arith.constant 0 : i32
      %dma_wait3A_508 = tpu.memref_slice %arg4[%add3A_158, %dma_wait3A_507] : memref<5120x64xi32, #tpu.memory_space<hbm>> -> memref<40x64xi32, #tpu.memory_space<hbm>>
      tpu.wait_dma2 semaphore(%run_scoped3A_500 : memref<!tpu.dma_semaphore, #tpu.memory_space<semaphore_mem>>) src(%dma_wait3A_508 : memref<40x64xi32, #tpu.memory_space<hbm>>) dst(%arg9 : memref<40x64xi32, #tpu.memory_space<vmem>>)
      tpu.yield
    }) : () -> ()
    %dma_start3A_159 = arith.constant 0 : i32
    %dma_start3A_160 = arith.constant 0 : i32
    %dma_start3A_161 = arith.constant 0 : i32
    %dma_start3A_162 = arith.constant 0 : i32
    %dma_start3A_163 = tpu.memref_slice %arg10[%dma_start3A_160, %dma_start3A_161, %dma_start3A_162] : memref<4x64x64xf32, #tpu.memory_space<vmem>> -> memref<1x64x64xf32, #tpu.memory_space<vmem>>
    %dma_start3A_164 = tpu.memref_squeeze %dma_start3A_163 : memref<1x64x64xf32, #tpu.memory_space<vmem>> -> memref<64x64xf32, #tpu.memory_space<vmem>>
    %dma_start3A_165 = arith.constant 0 : i32
    %dma_start3A_166 = tpu.memref_slice %arg8[%dma_start3A_159, %dma_start3A_165] : memref<40x64xi32, #tpu.memory_space<vmem>> -> memref<1x64xi32, #tpu.memory_space<vmem>>
    %dma_start3A_167 = tpu.memref_squeeze %dma_start3A_166 : memref<1x64xi32, #tpu.memory_space<vmem>> -> memref<64xi32, #tpu.memory_space<vmem>>
    %dma_start3A_168 = arith.constant 0 : i32
    %dma_start3A_169 = arith.constant 0 : i32
    %dma_start3A_170 = tpu.memref_slice %arg7[%dma_start3A_168, %dma_start3A_169] : memref<10240x64xf32, #tpu.memory_space<vmem_shared>> -> memref<10240x64xf32, #tpu.memory_space<vmem_shared>>
    tpu.enqueue_indirect_dma source(%dma_start3A_170 : memref<10240x64xf32, #tpu.memory_space<vmem_shared>>) target(%dma_start3A_164 : memref<64x64xf32, #tpu.memory_space<vmem>>) offsets(%dma_start3A_167 : memref<64xi32, #tpu.memory_space<vmem>>) semaphore(%arg11 : memref<!tpu.dma_semaphore, #tpu.memory_space<semaphore_mem>>)
    %dma_start3A_171 = arith.constant 1 : i32
    %dma_start3A_172 = arith.constant 1 : i32
    %dma_start3A_173 = arith.constant 0 : i32
    %dma_start3A_174 = arith.constant 0 : i32
    %dma_start3A_175 = tpu.memref_slice %arg10[%dma_start3A_172, %dma_start3A_173, %dma_start3A_174] : memref<4x64x64xf32, #tpu.memory_space<vmem>> -> memref<1x64x64xf32, #tpu.memory_space<vmem>>
    %dma_start3A_176 = tpu.memref_squeeze %dma_start3A_175 : memref<1x64x64xf32, #tpu.memory_space<vmem>> -> memref<64x64xf32, #tpu.memory_space<vmem>>
    %dma_start3A_177 = arith.constant 0 : i32
    %dma_start3A_178 = tpu.memref_slice %arg8[%dma_start3A_171, %dma_start3A_177] : memref<40x64xi32, #tpu.memory_space<vmem>> -> memref<1x64xi32, #tpu.memory_space<vmem>>
    %dma_start3A_179 = tpu.memref_squeeze %dma_start3A_178 : memref<1x64xi32, #tpu.memory_space<vmem>> -> memref<64xi32, #tpu.memory_space<vmem>>
    %dma_start3A_180 = arith.constant 0 : i32
    %dma_start3A_181 = arith.constant 0 : i32
    %dma_start3A_182 = tpu.memref_slice %arg7[%dma_start3A_180, %dma_start3A_181] : memref<10240x64xf32, #tpu.memory_space<vmem_shared>> -> memref<10240x64xf32, #tpu.memory_space<vmem_shared>>
    tpu.enqueue_indirect_dma source(%dma_start3A_182 : memref<10240x64xf32, #tpu.memory_space<vmem_shared>>) target(%dma_start3A_176 : memref<64x64xf32, #tpu.memory_space<vmem>>) offsets(%dma_start3A_179 : memref<64xi32, #tpu.memory_space<vmem>>) semaphore(%arg12 : memref<!tpu.dma_semaphore, #tpu.memory_space<semaphore_mem>>)
    "tpu.trace_start"() <{level = 10 : i32, message = "p_edge_loop"}> : () -> ()
    %scan3A_183 = arith.constant 0 : i32
    %scan3A_184 = arith.constant 0 : i32
    %scan3A_185 = arith.constant 10 : i32
    %scan3A_186 = arith.addi %scan3A_184, %scan3A_185 : i32
    %scan3A_187 = arith.constant 1 : i32
    %scan3A_188 = scf.for %scan3A_500 = %scan3A_184 to %scan3A_186 step %scan3A_187 iter_args(%scan3A_501 = %scan3A_183) -> (i32)  : i32 {
      %mul3A_502 = arith.constant 4 : i32
      %mul3A_503 = arith.muli %scan3A_500, %mul3A_502 : i32
      %add3A_504 = arith.constant 0 : i32
      %add3A_505 = arith.addi %mul3A_503, %add3A_504 : i32
      %dma_wait3A_506 = arith.constant 0 : i32
      %dma_wait3A_507 = arith.constant 0 : i32
      %dma_wait3A_508 = arith.constant 0 : i32
      %dma_wait3A_509 = tpu.memref_slice %arg10[%dma_wait3A_506, %dma_wait3A_507, %dma_wait3A_508] : memref<4x64x64xf32, #tpu.memory_space<vmem>> -> memref<1x64x64xf32, #tpu.memory_space<vmem>>
      %dma_wait3A_510 = tpu.memref_squeeze %dma_wait3A_509 : memref<1x64x64xf32, #tpu.memory_space<vmem>> -> memref<64x64xf32, #tpu.memory_space<vmem>>
      %dma_wait3A_511 = arith.constant 0 : i32
      %dma_wait3A_512 = tpu.memref_slice %arg8[%add3A_505, %dma_wait3A_511] : memref<40x64xi32, #tpu.memory_space<vmem>> -> memref<1x64xi32, #tpu.memory_space<vmem>>
      %dma_wait3A_513 = tpu.memref_squeeze %dma_wait3A_512 : memref<1x64xi32, #tpu.memory_space<vmem>> -> memref<64xi32, #tpu.memory_space<vmem>>
      %dma_wait3A_514 = arith.constant 0 : i32
      %dma_wait3A_515 = arith.constant 0 : i32
      %dma_wait3A_516 = tpu.memref_slice %arg7[%dma_wait3A_514, %dma_wait3A_515] : memref<10240x64xf32, #tpu.memory_space<vmem_shared>> -> memref<10240x64xf32, #tpu.memory_space<vmem_shared>>
      tpu.wait_indirect_dma semaphore(%arg11 : memref<!tpu.dma_semaphore, #tpu.memory_space<semaphore_mem>>) src(%dma_wait3A_516 : memref<10240x64xf32, #tpu.memory_space<vmem_shared>>) dst(%dma_wait3A_510 : memref<64x64xf32, #tpu.memory_space<vmem>>)
      %gt3A = arith.constant 1 : i32
      %gt3A_517 = arith.cmpi sgt, %add3A_505, %gt3A : i32
      %convert_element_type3A_518 = arith.extui %gt3A_517 : i1 to i32
      %cond3A_519 = arith.constant 0 : i32
      %cond3A_520 = arith.cmpi ne, %convert_element_type3A_518, %cond3A_519 : i32
      scf.if %cond3A_520 {
        %sub3A_655 = arith.constant 2 : i32
        %sub3A_656 = arith.subi %add3A_505, %sub3A_655 : i32
        %dma_wait3A_657 = arith.constant 2 : i32
        %dma_wait3A_658 = arith.constant 0 : i32
        %dma_wait3A_659 = arith.constant 0 : i32
        %dma_wait3A_660 = tpu.memref_slice %arg10[%dma_wait3A_657, %dma_wait3A_658, %dma_wait3A_659] : memref<4x64x64xf32, #tpu.memory_space<vmem>> -> memref<1x64x64xf32, #tpu.memory_space<vmem>>
        %dma_wait3A_661 = tpu.memref_squeeze %dma_wait3A_660 : memref<1x64x64xf32, #tpu.memory_space<vmem>> -> memref<64x64xf32, #tpu.memory_space<vmem>>
        %dma_wait3A_662 = arith.constant 0 : i32
        %dma_wait3A_663 = tpu.memref_slice %arg9[%sub3A_656, %dma_wait3A_662] : memref<40x64xi32, #tpu.memory_space<vmem>> -> memref<1x64xi32, #tpu.memory_space<vmem>>
        %dma_wait3A_664 = tpu.memref_squeeze %dma_wait3A_663 : memref<1x64xi32, #tpu.memory_space<vmem>> -> memref<64xi32, #tpu.memory_space<vmem>>
        %dma_wait3A_665 = arith.constant 0 : i32
        %dma_wait3A_666 = arith.constant 0 : i32
        %dma_wait3A_667 = tpu.memref_slice %arg6[%dma_wait3A_665, %dma_wait3A_666] : memref<10240x64xf32, #tpu.memory_space<vmem_shared>> -> memref<10240x64xf32, #tpu.memory_space<vmem_shared>>
        tpu.wait_indirect_dma semaphore(%arg17 : memref<!tpu.dma_semaphore, #tpu.memory_space<semaphore_mem>>) src(%dma_wait3A_661 : memref<64x64xf32, #tpu.memory_space<vmem>>) dst(%dma_wait3A_667 : memref<10240x64xf32, #tpu.memory_space<vmem_shared>>)
      } else {
      }
      %dma_start3A_521 = arith.constant 0 : i32
      %dma_start3A_522 = arith.constant 0 : i32
      %dma_start3A_523 = arith.constant 0 : i32
      %dma_start3A_524 = tpu.memref_slice %arg10[%dma_start3A_521, %dma_start3A_522, %dma_start3A_523] : memref<4x64x64xf32, #tpu.memory_space<vmem>> -> memref<1x64x64xf32, #tpu.memory_space<vmem>>
      %dma_start3A_525 = tpu.memref_squeeze %dma_start3A_524 : memref<1x64x64xf32, #tpu.memory_space<vmem>> -> memref<64x64xf32, #tpu.memory_space<vmem>>
      %dma_start3A_526 = arith.constant 0 : i32
      %dma_start3A_527 = tpu.memref_slice %arg9[%add3A_505, %dma_start3A_526] : memref<40x64xi32, #tpu.memory_space<vmem>> -> memref<1x64xi32, #tpu.memory_space<vmem>>
      %dma_start3A_528 = tpu.memref_squeeze %dma_start3A_527 : memref<1x64xi32, #tpu.memory_space<vmem>> -> memref<64xi32, #tpu.memory_space<vmem>>
      %dma_start3A_529 = arith.constant 0 : i32
      %dma_start3A_530 = arith.constant 0 : i32
      %dma_start3A_531 = tpu.memref_slice %arg6[%dma_start3A_529, %dma_start3A_530] : memref<10240x64xf32, #tpu.memory_space<vmem_shared>> -> memref<10240x64xf32, #tpu.memory_space<vmem_shared>>
      tpu.enqueue_indirect_dma source(%dma_start3A_525 : memref<64x64xf32, #tpu.memory_space<vmem>>) target(%dma_start3A_531 : memref<10240x64xf32, #tpu.memory_space<vmem_shared>>) offsets(%dma_start3A_528 : memref<64xi32, #tpu.memory_space<vmem>>) semaphore(%arg15 : memref<!tpu.dma_semaphore, #tpu.memory_space<semaphore_mem>>) {add = true}
      %add3A_532 = arith.constant 4 : i32
      %add3A_533 = arith.addi %add3A_505, %add3A_532 : i32
      %sub3A = arith.constant 2 : i32
      %sub3A_534 = arith.subi %add3A_533, %sub3A : i32
      %lt3A_535 = arith.constant 40 : i32
      %lt3A_536 = arith.cmpi slt, %sub3A_534, %lt3A_535 : i32
      %convert_element_type3A_537 = arith.extui %lt3A_536 : i1 to i32
      %cond3A_538 = arith.constant 0 : i32
      %cond3A_539 = arith.cmpi ne, %convert_element_type3A_537, %cond3A_538 : i32
      scf.if %cond3A_539 {
        %dma_start3A_655 = arith.constant 2 : i32
        %dma_start3A_656 = arith.constant 0 : i32
        %dma_start3A_657 = arith.constant 0 : i32
        %dma_start3A_658 = tpu.memref_slice %arg10[%dma_start3A_655, %dma_start3A_656, %dma_start3A_657] : memref<4x64x64xf32, #tpu.memory_space<vmem>> -> memref<1x64x64xf32, #tpu.memory_space<vmem>>
        %dma_start3A_659 = tpu.memref_squeeze %dma_start3A_658 : memref<1x64x64xf32, #tpu.memory_space<vmem>> -> memref<64x64xf32, #tpu.memory_space<vmem>>
        %dma_start3A_660 = arith.constant 0 : i32
        %dma_start3A_661 = tpu.memref_slice %arg8[%sub3A_534, %dma_start3A_660] : memref<40x64xi32, #tpu.memory_space<vmem>> -> memref<1x64xi32, #tpu.memory_space<vmem>>
        %dma_start3A_662 = tpu.memref_squeeze %dma_start3A_661 : memref<1x64xi32, #tpu.memory_space<vmem>> -> memref<64xi32, #tpu.memory_space<vmem>>
        %dma_start3A_663 = arith.constant 0 : i32
        %dma_start3A_664 = arith.constant 0 : i32
        %dma_start3A_665 = tpu.memref_slice %arg7[%dma_start3A_663, %dma_start3A_664] : memref<10240x64xf32, #tpu.memory_space<vmem_shared>> -> memref<10240x64xf32, #tpu.memory_space<vmem_shared>>
        tpu.enqueue_indirect_dma source(%dma_start3A_665 : memref<10240x64xf32, #tpu.memory_space<vmem_shared>>) target(%dma_start3A_659 : memref<64x64xf32, #tpu.memory_space<vmem>>) offsets(%dma_start3A_662 : memref<64xi32, #tpu.memory_space<vmem>>) semaphore(%arg13 : memref<!tpu.dma_semaphore, #tpu.memory_space<semaphore_mem>>)
      } else {
      }
      %add3A_540 = arith.constant 1 : i32
      %add3A_541 = arith.addi %mul3A_503, %add3A_540 : i32
      %dma_wait3A_542 = arith.constant 1 : i32
      %dma_wait3A_543 = arith.constant 0 : i32
      %dma_wait3A_544 = arith.constant 0 : i32
      %dma_wait3A_545 = tpu.memref_slice %arg10[%dma_wait3A_542, %dma_wait3A_543, %dma_wait3A_544] : memref<4x64x64xf32, #tpu.memory_space<vmem>> -> memref<1x64x64xf32, #tpu.memory_space<vmem>>
      %dma_wait3A_546 = tpu.memref_squeeze %dma_wait3A_545 : memref<1x64x64xf32, #tpu.memory_space<vmem>> -> memref<64x64xf32, #tpu.memory_space<vmem>>
      %dma_wait3A_547 = arith.constant 0 : i32
      %dma_wait3A_548 = tpu.memref_slice %arg8[%add3A_541, %dma_wait3A_547] : memref<40x64xi32, #tpu.memory_space<vmem>> -> memref<1x64xi32, #tpu.memory_space<vmem>>
      %dma_wait3A_549 = tpu.memref_squeeze %dma_wait3A_548 : memref<1x64xi32, #tpu.memory_space<vmem>> -> memref<64xi32, #tpu.memory_space<vmem>>
      %dma_wait3A_550 = arith.constant 0 : i32
      %dma_wait3A_551 = arith.constant 0 : i32
      %dma_wait3A_552 = tpu.memref_slice %arg7[%dma_wait3A_550, %dma_wait3A_551] : memref<10240x64xf32, #tpu.memory_space<vmem_shared>> -> memref<10240x64xf32, #tpu.memory_space<vmem_shared>>
      tpu.wait_indirect_dma semaphore(%arg12 : memref<!tpu.dma_semaphore, #tpu.memory_space<semaphore_mem>>) src(%dma_wait3A_552 : memref<10240x64xf32, #tpu.memory_space<vmem_shared>>) dst(%dma_wait3A_546 : memref<64x64xf32, #tpu.memory_space<vmem>>)
      %gt3A_553 = arith.constant 1 : i32
      %gt3A_554 = arith.cmpi sgt, %add3A_541, %gt3A_553 : i32
      %convert_element_type3A_555 = arith.extui %gt3A_554 : i1 to i32
      %cond3A_556 = arith.constant 0 : i32
      %cond3A_557 = arith.cmpi ne, %convert_element_type3A_555, %cond3A_556 : i32
      scf.if %cond3A_557 {
        %sub3A_655 = arith.constant 2 : i32
        %sub3A_656 = arith.subi %add3A_541, %sub3A_655 : i32
        %dma_wait3A_657 = arith.constant 3 : i32
        %dma_wait3A_658 = arith.constant 0 : i32
        %dma_wait3A_659 = arith.constant 0 : i32
        %dma_wait3A_660 = tpu.memref_slice %arg10[%dma_wait3A_657, %dma_wait3A_658, %dma_wait3A_659] : memref<4x64x64xf32, #tpu.memory_space<vmem>> -> memref<1x64x64xf32, #tpu.memory_space<vmem>>
        %dma_wait3A_661 = tpu.memref_squeeze %dma_wait3A_660 : memref<1x64x64xf32, #tpu.memory_space<vmem>> -> memref<64x64xf32, #tpu.memory_space<vmem>>
        %dma_wait3A_662 = arith.constant 0 : i32
        %dma_wait3A_663 = tpu.memref_slice %arg9[%sub3A_656, %dma_wait3A_662] : memref<40x64xi32, #tpu.memory_space<vmem>> -> memref<1x64xi32, #tpu.memory_space<vmem>>
        %dma_wait3A_664 = tpu.memref_squeeze %dma_wait3A_663 : memref<1x64xi32, #tpu.memory_space<vmem>> -> memref<64xi32, #tpu.memory_space<vmem>>
        %dma_wait3A_665 = arith.constant 0 : i32
        %dma_wait3A_666 = arith.constant 0 : i32
        %dma_wait3A_667 = tpu.memref_slice %arg6[%dma_wait3A_665, %dma_wait3A_666] : memref<10240x64xf32, #tpu.memory_space<vmem_shared>> -> memref<10240x64xf32, #tpu.memory_space<vmem_shared>>
        tpu.wait_indirect_dma semaphore(%arg18 : memref<!tpu.dma_semaphore, #tpu.memory_space<semaphore_mem>>) src(%dma_wait3A_661 : memref<64x64xf32, #tpu.memory_space<vmem>>) dst(%dma_wait3A_667 : memref<10240x64xf32, #tpu.memory_space<vmem_shared>>)
      } else {
      }
      %dma_start3A_558 = arith.constant 1 : i32
      %dma_start3A_559 = arith.constant 0 : i32
      %dma_start3A_560 = arith.constant 0 : i32
      %dma_start3A_561 = tpu.memref_slice %arg10[%dma_start3A_558, %dma_start3A_559, %dma_start3A_560] : memref<4x64x64xf32, #tpu.memory_space<vmem>> -> memref<1x64x64xf32, #tpu.memory_space<vmem>>
      %dma_start3A_562 = tpu.memref_squeeze %dma_start3A_561 : memref<1x64x64xf32, #tpu.memory_space<vmem>> -> memref<64x64xf32, #tpu.memory_space<vmem>>
      %dma_start3A_563 = arith.constant 0 : i32
      %dma_start3A_564 = tpu.memref_slice %arg9[%add3A_541, %dma_start3A_563] : memref<40x64xi32, #tpu.memory_space<vmem>> -> memref<1x64xi32, #tpu.memory_space<vmem>>
      %dma_start3A_565 = tpu.memref_squeeze %dma_start3A_564 : memref<1x64xi32, #tpu.memory_space<vmem>> -> memref<64xi32, #tpu.memory_space<vmem>>
      %dma_start3A_566 = arith.constant 0 : i32
      %dma_start3A_567 = arith.constant 0 : i32
      %dma_start3A_568 = tpu.memref_slice %arg6[%dma_start3A_566, %dma_start3A_567] : memref<10240x64xf32, #tpu.memory_space<vmem_shared>> -> memref<10240x64xf32, #tpu.memory_space<vmem_shared>>
      tpu.enqueue_indirect_dma source(%dma_start3A_562 : memref<64x64xf32, #tpu.memory_space<vmem>>) target(%dma_start3A_568 : memref<10240x64xf32, #tpu.memory_space<vmem_shared>>) offsets(%dma_start3A_565 : memref<64xi32, #tpu.memory_space<vmem>>) semaphore(%arg16 : memref<!tpu.dma_semaphore, #tpu.memory_space<semaphore_mem>>) {add = true}
      %add3A_569 = arith.constant 4 : i32
      %add3A_570 = arith.addi %add3A_541, %add3A_569 : i32
      %sub3A_571 = arith.constant 2 : i32
      %sub3A_572 = arith.subi %add3A_570, %sub3A_571 : i32
      %lt3A_573 = arith.constant 40 : i32
      %lt3A_574 = arith.cmpi slt, %sub3A_572, %lt3A_573 : i32
      %convert_element_type3A_575 = arith.extui %lt3A_574 : i1 to i32
      %cond3A_576 = arith.constant 0 : i32
      %cond3A_577 = arith.cmpi ne, %convert_element_type3A_575, %cond3A_576 : i32
      scf.if %cond3A_577 {
        %dma_start3A_655 = arith.constant 3 : i32
        %dma_start3A_656 = arith.constant 0 : i32
        %dma_start3A_657 = arith.constant 0 : i32
        %dma_start3A_658 = tpu.memref_slice %arg10[%dma_start3A_655, %dma_start3A_656, %dma_start3A_657] : memref<4x64x64xf32, #tpu.memory_space<vmem>> -> memref<1x64x64xf32, #tpu.memory_space<vmem>>
        %dma_start3A_659 = tpu.memref_squeeze %dma_start3A_658 : memref<1x64x64xf32, #tpu.memory_space<vmem>> -> memref<64x64xf32, #tpu.memory_space<vmem>>
        %dma_start3A_660 = arith.constant 0 : i32
        %dma_start3A_661 = tpu.memref_slice %arg8[%sub3A_572, %dma_start3A_660] : memref<40x64xi32, #tpu.memory_space<vmem>> -> memref<1x64xi32, #tpu.memory_space<vmem>>
        %dma_start3A_662 = tpu.memref_squeeze %dma_start3A_661 : memref<1x64xi32, #tpu.memory_space<vmem>> -> memref<64xi32, #tpu.memory_space<vmem>>
        %dma_start3A_663 = arith.constant 0 : i32
        %dma_start3A_664 = arith.constant 0 : i32
        %dma_start3A_665 = tpu.memref_slice %arg7[%dma_start3A_663, %dma_start3A_664] : memref<10240x64xf32, #tpu.memory_space<vmem_shared>> -> memref<10240x64xf32, #tpu.memory_space<vmem_shared>>
        tpu.enqueue_indirect_dma source(%dma_start3A_665 : memref<10240x64xf32, #tpu.memory_space<vmem_shared>>) target(%dma_start3A_659 : memref<64x64xf32, #tpu.memory_space<vmem>>) offsets(%dma_start3A_662 : memref<64xi32, #tpu.memory_space<vmem>>) semaphore(%arg14 : memref<!tpu.dma_semaphore, #tpu.memory_space<semaphore_mem>>)
      } else {
      }
      %add3A_578 = arith.constant 2 : i32
      %add3A_579 = arith.addi %mul3A_503, %add3A_578 : i32
      %dma_wait3A_580 = arith.constant 2 : i32
      %dma_wait3A_581 = arith.constant 0 : i32
      %dma_wait3A_582 = arith.constant 0 : i32
      %dma_wait3A_583 = tpu.memref_slice %arg10[%dma_wait3A_580, %dma_wait3A_581, %dma_wait3A_582] : memref<4x64x64xf32, #tpu.memory_space<vmem>> -> memref<1x64x64xf32, #tpu.memory_space<vmem>>
      %dma_wait3A_584 = tpu.memref_squeeze %dma_wait3A_583 : memref<1x64x64xf32, #tpu.memory_space<vmem>> -> memref<64x64xf32, #tpu.memory_space<vmem>>
      %dma_wait3A_585 = arith.constant 0 : i32
      %dma_wait3A_586 = tpu.memref_slice %arg8[%add3A_579, %dma_wait3A_585] : memref<40x64xi32, #tpu.memory_space<vmem>> -> memref<1x64xi32, #tpu.memory_space<vmem>>
      %dma_wait3A_587 = tpu.memref_squeeze %dma_wait3A_586 : memref<1x64xi32, #tpu.memory_space<vmem>> -> memref<64xi32, #tpu.memory_space<vmem>>
      %dma_wait3A_588 = arith.constant 0 : i32
      %dma_wait3A_589 = arith.constant 0 : i32
      %dma_wait3A_590 = tpu.memref_slice %arg7[%dma_wait3A_588, %dma_wait3A_589] : memref<10240x64xf32, #tpu.memory_space<vmem_shared>> -> memref<10240x64xf32, #tpu.memory_space<vmem_shared>>
      tpu.wait_indirect_dma semaphore(%arg13 : memref<!tpu.dma_semaphore, #tpu.memory_space<semaphore_mem>>) src(%dma_wait3A_590 : memref<10240x64xf32, #tpu.memory_space<vmem_shared>>) dst(%dma_wait3A_584 : memref<64x64xf32, #tpu.memory_space<vmem>>)
      %gt3A_591 = arith.constant 1 : i32
      %gt3A_592 = arith.cmpi sgt, %add3A_579, %gt3A_591 : i32
      %convert_element_type3A_593 = arith.extui %gt3A_592 : i1 to i32
      %cond3A_594 = arith.constant 0 : i32
      %cond3A_595 = arith.cmpi ne, %convert_element_type3A_593, %cond3A_594 : i32
      scf.if %cond3A_595 {
        %sub3A_655 = arith.constant 2 : i32
        %sub3A_656 = arith.subi %add3A_579, %sub3A_655 : i32
        %dma_wait3A_657 = arith.constant 0 : i32
        %dma_wait3A_658 = arith.constant 0 : i32
        %dma_wait3A_659 = arith.constant 0 : i32
        %dma_wait3A_660 = tpu.memref_slice %arg10[%dma_wait3A_657, %dma_wait3A_658, %dma_wait3A_659] : memref<4x64x64xf32, #tpu.memory_space<vmem>> -> memref<1x64x64xf32, #tpu.memory_space<vmem>>
        %dma_wait3A_661 = tpu.memref_squeeze %dma_wait3A_660 : memref<1x64x64xf32, #tpu.memory_space<vmem>> -> memref<64x64xf32, #tpu.memory_space<vmem>>
        %dma_wait3A_662 = arith.constant 0 : i32
        %dma_wait3A_663 = tpu.memref_slice %arg9[%sub3A_656, %dma_wait3A_662] : memref<40x64xi32, #tpu.memory_space<vmem>> -> memref<1x64xi32, #tpu.memory_space<vmem>>
        %dma_wait3A_664 = tpu.memref_squeeze %dma_wait3A_663 : memref<1x64xi32, #tpu.memory_space<vmem>> -> memref<64xi32, #tpu.memory_space<vmem>>
        %dma_wait3A_665 = arith.constant 0 : i32
        %dma_wait3A_666 = arith.constant 0 : i32
        %dma_wait3A_667 = tpu.memref_slice %arg6[%dma_wait3A_665, %dma_wait3A_666] : memref<10240x64xf32, #tpu.memory_space<vmem_shared>> -> memref<10240x64xf32, #tpu.memory_space<vmem_shared>>
        tpu.wait_indirect_dma semaphore(%arg15 : memref<!tpu.dma_semaphore, #tpu.memory_space<semaphore_mem>>) src(%dma_wait3A_661 : memref<64x64xf32, #tpu.memory_space<vmem>>) dst(%dma_wait3A_667 : memref<10240x64xf32, #tpu.memory_space<vmem_shared>>)
      } else {
      }
      %dma_start3A_596 = arith.constant 2 : i32
      %dma_start3A_597 = arith.constant 0 : i32
      %dma_start3A_598 = arith.constant 0 : i32
      %dma_start3A_599 = tpu.memref_slice %arg10[%dma_start3A_596, %dma_start3A_597, %dma_start3A_598] : memref<4x64x64xf32, #tpu.memory_space<vmem>> -> memref<1x64x64xf32, #tpu.memory_space<vmem>>
      %dma_start3A_600 = tpu.memref_squeeze %dma_start3A_599 : memref<1x64x64xf32, #tpu.memory_space<vmem>> -> memref<64x64xf32, #tpu.memory_space<vmem>>
      %dma_start3A_601 = arith.constant 0 : i32
      %dma_start3A_602 = tpu.memref_slice %arg9[%add3A_579, %dma_start3A_601] : memref<40x64xi32, #tpu.memory_space<vmem>> -> memref<1x64xi32, #tpu.memory_space<vmem>>
      %dma_start3A_603 = tpu.memref_squeeze %dma_start3A_602 : memref<1x64xi32, #tpu.memory_space<vmem>> -> memref<64xi32, #tpu.memory_space<vmem>>
      %dma_start3A_604 = arith.constant 0 : i32
      %dma_start3A_605 = arith.constant 0 : i32
      %dma_start3A_606 = tpu.memref_slice %arg6[%dma_start3A_604, %dma_start3A_605] : memref<10240x64xf32, #tpu.memory_space<vmem_shared>> -> memref<10240x64xf32, #tpu.memory_space<vmem_shared>>
      tpu.enqueue_indirect_dma source(%dma_start3A_600 : memref<64x64xf32, #tpu.memory_space<vmem>>) target(%dma_start3A_606 : memref<10240x64xf32, #tpu.memory_space<vmem_shared>>) offsets(%dma_start3A_603 : memref<64xi32, #tpu.memory_space<vmem>>) semaphore(%arg17 : memref<!tpu.dma_semaphore, #tpu.memory_space<semaphore_mem>>) {add = true}
      %add3A_607 = arith.constant 4 : i32
      %add3A_608 = arith.addi %add3A_579, %add3A_607 : i32
      %sub3A_609 = arith.constant 2 : i32
      %sub3A_610 = arith.subi %add3A_608, %sub3A_609 : i32
      %lt3A_611 = arith.constant 40 : i32
      %lt3A_612 = arith.cmpi slt, %sub3A_610, %lt3A_611 : i32
      %convert_element_type3A_613 = arith.extui %lt3A_612 : i1 to i32
      %cond3A_614 = arith.constant 0 : i32
      %cond3A_615 = arith.cmpi ne, %convert_element_type3A_613, %cond3A_614 : i32
      scf.if %cond3A_615 {
        %dma_start3A_655 = arith.constant 0 : i32
        %dma_start3A_656 = arith.constant 0 : i32
        %dma_start3A_657 = arith.constant 0 : i32
        %dma_start3A_658 = tpu.memref_slice %arg10[%dma_start3A_655, %dma_start3A_656, %dma_start3A_657] : memref<4x64x64xf32, #tpu.memory_space<vmem>> -> memref<1x64x64xf32, #tpu.memory_space<vmem>>
        %dma_start3A_659 = tpu.memref_squeeze %dma_start3A_658 : memref<1x64x64xf32, #tpu.memory_space<vmem>> -> memref<64x64xf32, #tpu.memory_space<vmem>>
        %dma_start3A_660 = arith.constant 0 : i32
        %dma_start3A_661 = tpu.memref_slice %arg8[%sub3A_610, %dma_start3A_660] : memref<40x64xi32, #tpu.memory_space<vmem>> -> memref<1x64xi32, #tpu.memory_space<vmem>>
        %dma_start3A_662 = tpu.memref_squeeze %dma_start3A_661 : memref<1x64xi32, #tpu.memory_space<vmem>> -> memref<64xi32, #tpu.memory_space<vmem>>
        %dma_start3A_663 = arith.constant 0 : i32
        %dma_start3A_664 = arith.constant 0 : i32
        %dma_start3A_665 = tpu.memref_slice %arg7[%dma_start3A_663, %dma_start3A_664] : memref<10240x64xf32, #tpu.memory_space<vmem_shared>> -> memref<10240x64xf32, #tpu.memory_space<vmem_shared>>
        tpu.enqueue_indirect_dma source(%dma_start3A_665 : memref<10240x64xf32, #tpu.memory_space<vmem_shared>>) target(%dma_start3A_659 : memref<64x64xf32, #tpu.memory_space<vmem>>) offsets(%dma_start3A_662 : memref<64xi32, #tpu.memory_space<vmem>>) semaphore(%arg11 : memref<!tpu.dma_semaphore, #tpu.memory_space<semaphore_mem>>)
      } else {
      }
      %add3A_616 = arith.constant 3 : i32
      %add3A_617 = arith.addi %mul3A_503, %add3A_616 : i32
      %dma_wait3A_618 = arith.constant 3 : i32
      %dma_wait3A_619 = arith.constant 0 : i32
      %dma_wait3A_620 = arith.constant 0 : i32
      %dma_wait3A_621 = tpu.memref_slice %arg10[%dma_wait3A_618, %dma_wait3A_619, %dma_wait3A_620] : memref<4x64x64xf32, #tpu.memory_space<vmem>> -> memref<1x64x64xf32, #tpu.memory_space<vmem>>
      %dma_wait3A_622 = tpu.memref_squeeze %dma_wait3A_621 : memref<1x64x64xf32, #tpu.memory_space<vmem>> -> memref<64x64xf32, #tpu.memory_space<vmem>>
      %dma_wait3A_623 = arith.constant 0 : i32
      %dma_wait3A_624 = tpu.memref_slice %arg8[%add3A_617, %dma_wait3A_623] : memref<40x64xi32, #tpu.memory_space<vmem>> -> memref<1x64xi32, #tpu.memory_space<vmem>>
      %dma_wait3A_625 = tpu.memref_squeeze %dma_wait3A_624 : memref<1x64xi32, #tpu.memory_space<vmem>> -> memref<64xi32, #tpu.memory_space<vmem>>
      %dma_wait3A_626 = arith.constant 0 : i32
      %dma_wait3A_627 = arith.constant 0 : i32
      %dma_wait3A_628 = tpu.memref_slice %arg7[%dma_wait3A_626, %dma_wait3A_627] : memref<10240x64xf32, #tpu.memory_space<vmem_shared>> -> memref<10240x64xf32, #tpu.memory_space<vmem_shared>>
      tpu.wait_indirect_dma semaphore(%arg14 : memref<!tpu.dma_semaphore, #tpu.memory_space<semaphore_mem>>) src(%dma_wait3A_628 : memref<10240x64xf32, #tpu.memory_space<vmem_shared>>) dst(%dma_wait3A_622 : memref<64x64xf32, #tpu.memory_space<vmem>>)
      %gt3A_629 = arith.constant 1 : i32
      %gt3A_630 = arith.cmpi sgt, %add3A_617, %gt3A_629 : i32
      %convert_element_type3A_631 = arith.extui %gt3A_630 : i1 to i32
      %cond3A_632 = arith.constant 0 : i32
      %cond3A_633 = arith.cmpi ne, %convert_element_type3A_631, %cond3A_632 : i32
      scf.if %cond3A_633 {
        %sub3A_655 = arith.constant 2 : i32
        %sub3A_656 = arith.subi %add3A_617, %sub3A_655 : i32
        %dma_wait3A_657 = arith.constant 1 : i32
        %dma_wait3A_658 = arith.constant 0 : i32
        %dma_wait3A_659 = arith.constant 0 : i32
        %dma_wait3A_660 = tpu.memref_slice %arg10[%dma_wait3A_657, %dma_wait3A_658, %dma_wait3A_659] : memref<4x64x64xf32, #tpu.memory_space<vmem>> -> memref<1x64x64xf32, #tpu.memory_space<vmem>>
        %dma_wait3A_661 = tpu.memref_squeeze %dma_wait3A_660 : memref<1x64x64xf32, #tpu.memory_space<vmem>> -> memref<64x64xf32, #tpu.memory_space<vmem>>
        %dma_wait3A_662 = arith.constant 0 : i32
        %dma_wait3A_663 = tpu.memref_slice %arg9[%sub3A_656, %dma_wait3A_662] : memref<40x64xi32, #tpu.memory_space<vmem>> -> memref<1x64xi32, #tpu.memory_space<vmem>>
        %dma_wait3A_664 = tpu.memref_squeeze %dma_wait3A_663 : memref<1x64xi32, #tpu.memory_space<vmem>> -> memref<64xi32, #tpu.memory_space<vmem>>
        %dma_wait3A_665 = arith.constant 0 : i32
        %dma_wait3A_666 = arith.constant 0 : i32
        %dma_wait3A_667 = tpu.memref_slice %arg6[%dma_wait3A_665, %dma_wait3A_666] : memref<10240x64xf32, #tpu.memory_space<vmem_shared>> -> memref<10240x64xf32, #tpu.memory_space<vmem_shared>>
        tpu.wait_indirect_dma semaphore(%arg16 : memref<!tpu.dma_semaphore, #tpu.memory_space<semaphore_mem>>) src(%dma_wait3A_661 : memref<64x64xf32, #tpu.memory_space<vmem>>) dst(%dma_wait3A_667 : memref<10240x64xf32, #tpu.memory_space<vmem_shared>>)
      } else {
      }
      %dma_start3A_634 = arith.constant 3 : i32
      %dma_start3A_635 = arith.constant 0 : i32
      %dma_start3A_636 = arith.constant 0 : i32
      %dma_start3A_637 = tpu.memref_slice %arg10[%dma_start3A_634, %dma_start3A_635, %dma_start3A_636] : memref<4x64x64xf32, #tpu.memory_space<vmem>> -> memref<1x64x64xf32, #tpu.memory_space<vmem>>
      %dma_start3A_638 = tpu.memref_squeeze %dma_start3A_637 : memref<1x64x64xf32, #tpu.memory_space<vmem>> -> memref<64x64xf32, #tpu.memory_space<vmem>>
      %dma_start3A_639 = arith.constant 0 : i32
      %dma_start3A_640 = tpu.memref_slice %arg9[%add3A_617, %dma_start3A_639] : memref<40x64xi32, #tpu.memory_space<vmem>> -> memref<1x64xi32, #tpu.memory_space<vmem>>
      %dma_start3A_641 = tpu.memref_squeeze %dma_start3A_640 : memref<1x64xi32, #tpu.memory_space<vmem>> -> memref<64xi32, #tpu.memory_space<vmem>>
      %dma_start3A_642 = arith.constant 0 : i32
      %dma_start3A_643 = arith.constant 0 : i32
      %dma_start3A_644 = tpu.memref_slice %arg6[%dma_start3A_642, %dma_start3A_643] : memref<10240x64xf32, #tpu.memory_space<vmem_shared>> -> memref<10240x64xf32, #tpu.memory_space<vmem_shared>>
      tpu.enqueue_indirect_dma source(%dma_start3A_638 : memref<64x64xf32, #tpu.memory_space<vmem>>) target(%dma_start3A_644 : memref<10240x64xf32, #tpu.memory_space<vmem_shared>>) offsets(%dma_start3A_641 : memref<64xi32, #tpu.memory_space<vmem>>) semaphore(%arg18 : memref<!tpu.dma_semaphore, #tpu.memory_space<semaphore_mem>>) {add = true}
      %add3A_645 = arith.constant 4 : i32
      %add3A_646 = arith.addi %add3A_617, %add3A_645 : i32
      %sub3A_647 = arith.constant 2 : i32
      %sub3A_648 = arith.subi %add3A_646, %sub3A_647 : i32
      %lt3A_649 = arith.constant 40 : i32
      %lt3A_650 = arith.cmpi slt, %sub3A_648, %lt3A_649 : i32
      %convert_element_type3A_651 = arith.extui %lt3A_650 : i1 to i32
      %cond3A_652 = arith.constant 0 : i32
      %cond3A_653 = arith.cmpi ne, %convert_element_type3A_651, %cond3A_652 : i32
      scf.if %cond3A_653 {
        %dma_start3A_655 = arith.constant 1 : i32
        %dma_start3A_656 = arith.constant 0 : i32
        %dma_start3A_657 = arith.constant 0 : i32
        %dma_start3A_658 = tpu.memref_slice %arg10[%dma_start3A_655, %dma_start3A_656, %dma_start3A_657] : memref<4x64x64xf32, #tpu.memory_space<vmem>> -> memref<1x64x64xf32, #tpu.memory_space<vmem>>
        %dma_start3A_659 = tpu.memref_squeeze %dma_start3A_658 : memref<1x64x64xf32, #tpu.memory_space<vmem>> -> memref<64x64xf32, #tpu.memory_space<vmem>>
        %dma_start3A_660 = arith.constant 0 : i32
        %dma_start3A_661 = tpu.memref_slice %arg8[%sub3A_648, %dma_start3A_660] : memref<40x64xi32, #tpu.memory_space<vmem>> -> memref<1x64xi32, #tpu.memory_space<vmem>>
        %dma_start3A_662 = tpu.memref_squeeze %dma_start3A_661 : memref<1x64xi32, #tpu.memory_space<vmem>> -> memref<64xi32, #tpu.memory_space<vmem>>
        %dma_start3A_663 = arith.constant 0 : i32
        %dma_start3A_664 = arith.constant 0 : i32
        %dma_start3A_665 = tpu.memref_slice %arg7[%dma_start3A_663, %dma_start3A_664] : memref<10240x64xf32, #tpu.memory_space<vmem_shared>> -> memref<10240x64xf32, #tpu.memory_space<vmem_shared>>
        tpu.enqueue_indirect_dma source(%dma_start3A_665 : memref<10240x64xf32, #tpu.memory_space<vmem_shared>>) target(%dma_start3A_659 : memref<64x64xf32, #tpu.memory_space<vmem>>) offsets(%dma_start3A_662 : memref<64xi32, #tpu.memory_space<vmem>>) semaphore(%arg12 : memref<!tpu.dma_semaphore, #tpu.memory_space<semaphore_mem>>)
      } else {
      }
      %scan3A_654 = arith.constant 0 : i32
      scf.yield %scan3A_654 : i32
    }
    %scan3A_189 = arith.constant 10 : i32
    %dma_wait3A_190 = arith.constant 2 : i32
    %dma_wait3A_191 = arith.constant 38 : i32
    "tpu.trace_stop"() : () -> ()
    %dma_wait3A_192 = arith.constant 0 : i32
    %dma_wait3A_193 = arith.constant 0 : i32
    %dma_wait3A_194 = tpu.memref_slice %arg10[%dma_wait3A_190, %dma_wait3A_192, %dma_wait3A_193] : memref<4x64x64xf32, #tpu.memory_space<vmem>> -> memref<1x64x64xf32, #tpu.memory_space<vmem>>
    %dma_wait3A_195 = tpu.memref_squeeze %dma_wait3A_194 : memref<1x64x64xf32, #tpu.memory_space<vmem>> -> memref<64x64xf32, #tpu.memory_space<vmem>>
    %dma_wait3A_196 = arith.constant 0 : i32
    %dma_wait3A_197 = tpu.memref_slice %arg9[%dma_wait3A_191, %dma_wait3A_196] : memref<40x64xi32, #tpu.memory_space<vmem>> -> memref<1x64xi32, #tpu.memory_space<vmem>>
    %dma_wait3A_198 = tpu.memref_squeeze %dma_wait3A_197 : memref<1x64xi32, #tpu.memory_space<vmem>> -> memref<64xi32, #tpu.memory_space<vmem>>
    %dma_wait3A_199 = arith.constant 0 : i32
    %dma_wait3A_200 = arith.constant 0 : i32
    %dma_wait3A_201 = tpu.memref_slice %arg6[%dma_wait3A_199, %dma_wait3A_200] : memref<10240x64xf32, #tpu.memory_space<vmem_shared>> -> memref<10240x64xf32, #tpu.memory_space<vmem_shared>>
    tpu.wait_indirect_dma semaphore(%arg17 : memref<!tpu.dma_semaphore, #tpu.memory_space<semaphore_mem>>) src(%dma_wait3A_195 : memref<64x64xf32, #tpu.memory_space<vmem>>) dst(%dma_wait3A_201 : memref<10240x64xf32, #tpu.memory_space<vmem_shared>>)
    %dma_wait3A_202 = arith.constant 3 : i32
    %dma_wait3A_203 = arith.constant 39 : i32
    %dma_wait3A_204 = arith.constant 0 : i32
    %dma_wait3A_205 = arith.constant 0 : i32
    %dma_wait3A_206 = tpu.memref_slice %arg10[%dma_wait3A_202, %dma_wait3A_204, %dma_wait3A_205] : memref<4x64x64xf32, #tpu.memory_space<vmem>> -> memref<1x64x64xf32, #tpu.memory_space<vmem>>
    %dma_wait3A_207 = tpu.memref_squeeze %dma_wait3A_206 : memref<1x64x64xf32, #tpu.memory_space<vmem>> -> memref<64x64xf32, #tpu.memory_space<vmem>>
    %dma_wait3A_208 = arith.constant 0 : i32
    %dma_wait3A_209 = tpu.memref_slice %arg9[%dma_wait3A_203, %dma_wait3A_208] : memref<40x64xi32, #tpu.memory_space<vmem>> -> memref<1x64xi32, #tpu.memory_space<vmem>>
    %dma_wait3A_210 = tpu.memref_squeeze %dma_wait3A_209 : memref<1x64xi32, #tpu.memory_space<vmem>> -> memref<64xi32, #tpu.memory_space<vmem>>
    %dma_wait3A_211 = arith.constant 0 : i32
    %dma_wait3A_212 = arith.constant 0 : i32
    %dma_wait3A_213 = tpu.memref_slice %arg6[%dma_wait3A_211, %dma_wait3A_212] : memref<10240x64xf32, #tpu.memory_space<vmem_shared>> -> memref<10240x64xf32, #tpu.memory_space<vmem_shared>>
    tpu.wait_indirect_dma semaphore(%arg18 : memref<!tpu.dma_semaphore, #tpu.memory_space<semaphore_mem>>) src(%dma_wait3A_207 : memref<64x64xf32, #tpu.memory_space<vmem>>) dst(%dma_wait3A_213 : memref<10240x64xf32, #tpu.memory_space<vmem_shared>>)
    %add3A_214 = arith.constant 120 : i32
    %add3A_215 = arith.addi %mul3A_44, %add3A_214 : i32
    "tpu.region"() ({
      %run_scoped3A_500 = tpu.sem_alloc : memref<!tpu.dma_semaphore, #tpu.memory_space<semaphore_mem>>
      %dma_start3A_501 = arith.constant 0 : i32
      %dma_start3A_502 = tpu.memref_slice %arg3[%add3A_215, %dma_start3A_501] : memref<5120x64xi32, #tpu.memory_space<hbm>> -> memref<40x64xi32, #tpu.memory_space<hbm>>
      %dma_start3A_503 = arith.constant 0 : i32
      %dma_start3A_504 = tpu.memref_slice %arg3[%add3A_215, %dma_start3A_503] : memref<5120x64xi32, #tpu.memory_space<hbm>> -> memref<40x64xi32, #tpu.memory_space<hbm>>
      tpu.enqueue_dma source(%dma_start3A_504 : memref<40x64xi32, #tpu.memory_space<hbm>>) target(%arg8 : memref<40x64xi32, #tpu.memory_space<vmem>>) target_semaphore(%run_scoped3A_500 : memref<!tpu.dma_semaphore, #tpu.memory_space<semaphore_mem>>)
      %dma_wait3A_505 = arith.constant 0 : i32
      %dma_wait3A_506 = tpu.memref_slice %arg3[%add3A_215, %dma_wait3A_505] : memref<5120x64xi32, #tpu.memory_space<hbm>> -> memref<40x64xi32, #tpu.memory_space<hbm>>
      %dma_wait3A_507 = arith.constant 0 : i32
      %dma_wait3A_508 = tpu.memref_slice %arg3[%add3A_215, %dma_wait3A_507] : memref<5120x64xi32, #tpu.memory_space<hbm>> -> memref<40x64xi32, #tpu.memory_space<hbm>>
      tpu.wait_dma2 semaphore(%run_scoped3A_500 : memref<!tpu.dma_semaphore, #tpu.memory_space<semaphore_mem>>) src(%dma_wait3A_508 : memref<40x64xi32, #tpu.memory_space<hbm>>) dst(%arg8 : memref<40x64xi32, #tpu.memory_space<vmem>>)
      tpu.yield
    }) : () -> ()
    "tpu.region"() ({
      %run_scoped3A_500 = tpu.sem_alloc : memref<!tpu.dma_semaphore, #tpu.memory_space<semaphore_mem>>
      %dma_start3A_501 = arith.constant 0 : i32
      %dma_start3A_502 = tpu.memref_slice %arg4[%add3A_215, %dma_start3A_501] : memref<5120x64xi32, #tpu.memory_space<hbm>> -> memref<40x64xi32, #tpu.memory_space<hbm>>
      %dma_start3A_503 = arith.constant 0 : i32
      %dma_start3A_504 = tpu.memref_slice %arg4[%add3A_215, %dma_start3A_503] : memref<5120x64xi32, #tpu.memory_space<hbm>> -> memref<40x64xi32, #tpu.memory_space<hbm>>
      tpu.enqueue_dma source(%dma_start3A_504 : memref<40x64xi32, #tpu.memory_space<hbm>>) target(%arg9 : memref<40x64xi32, #tpu.memory_space<vmem>>) target_semaphore(%run_scoped3A_500 : memref<!tpu.dma_semaphore, #tpu.memory_space<semaphore_mem>>)
      %dma_wait3A_505 = arith.constant 0 : i32
      %dma_wait3A_506 = tpu.memref_slice %arg4[%add3A_215, %dma_wait3A_505] : memref<5120x64xi32, #tpu.memory_space<hbm>> -> memref<40x64xi32, #tpu.memory_space<hbm>>
      %dma_wait3A_507 = arith.constant 0 : i32
      %dma_wait3A_508 = tpu.memref_slice %arg4[%add3A_215, %dma_wait3A_507] : memref<5120x64xi32, #tpu.memory_space<hbm>> -> memref<40x64xi32, #tpu.memory_space<hbm>>
      tpu.wait_dma2 semaphore(%run_scoped3A_500 : memref<!tpu.dma_semaphore, #tpu.memory_space<semaphore_mem>>) src(%dma_wait3A_508 : memref<40x64xi32, #tpu.memory_space<hbm>>) dst(%arg9 : memref<40x64xi32, #tpu.memory_space<vmem>>)
      tpu.yield
    }) : () -> ()
    %dma_start3A_216 = arith.constant 0 : i32
    %dma_start3A_217 = arith.constant 0 : i32
    %dma_start3A_218 = arith.constant 0 : i32
    %dma_start3A_219 = arith.constant 0 : i32
    %dma_start3A_220 = tpu.memref_slice %arg10[%dma_start3A_217, %dma_start3A_218, %dma_start3A_219] : memref<4x64x64xf32, #tpu.memory_space<vmem>> -> memref<1x64x64xf32, #tpu.memory_space<vmem>>
    %dma_start3A_221 = tpu.memref_squeeze %dma_start3A_220 : memref<1x64x64xf32, #tpu.memory_space<vmem>> -> memref<64x64xf32, #tpu.memory_space<vmem>>
    %dma_start3A_222 = arith.constant 0 : i32
    %dma_start3A_223 = tpu.memref_slice %arg8[%dma_start3A_216, %dma_start3A_222] : memref<40x64xi32, #tpu.memory_space<vmem>> -> memref<1x64xi32, #tpu.memory_space<vmem>>
    %dma_start3A_224 = tpu.memref_squeeze %dma_start3A_223 : memref<1x64xi32, #tpu.memory_space<vmem>> -> memref<64xi32, #tpu.memory_space<vmem>>
    %dma_start3A_225 = arith.constant 0 : i32
    %dma_start3A_226 = arith.constant 0 : i32
    %dma_start3A_227 = tpu.memref_slice %arg7[%dma_start3A_225, %dma_start3A_226] : memref<10240x64xf32, #tpu.memory_space<vmem_shared>> -> memref<10240x64xf32, #tpu.memory_space<vmem_shared>>
    tpu.enqueue_indirect_dma source(%dma_start3A_227 : memref<10240x64xf32, #tpu.memory_space<vmem_shared>>) target(%dma_start3A_221 : memref<64x64xf32, #tpu.memory_space<vmem>>) offsets(%dma_start3A_224 : memref<64xi32, #tpu.memory_space<vmem>>) semaphore(%arg11 : memref<!tpu.dma_semaphore, #tpu.memory_space<semaphore_mem>>)
    %dma_start3A_228 = arith.constant 1 : i32
    %dma_start3A_229 = arith.constant 1 : i32
    %dma_start3A_230 = arith.constant 0 : i32
    %dma_start3A_231 = arith.constant 0 : i32
    %dma_start3A_232 = tpu.memref_slice %arg10[%dma_start3A_229, %dma_start3A_230, %dma_start3A_231] : memref<4x64x64xf32, #tpu.memory_space<vmem>> -> memref<1x64x64xf32, #tpu.memory_space<vmem>>
    %dma_start3A_233 = tpu.memref_squeeze %dma_start3A_232 : memref<1x64x64xf32, #tpu.memory_space<vmem>> -> memref<64x64xf32, #tpu.memory_space<vmem>>
    %dma_start3A_234 = arith.constant 0 : i32
    %dma_start3A_235 = tpu.memref_slice %arg8[%dma_start3A_228, %dma_start3A_234] : memref<40x64xi32, #tpu.memory_space<vmem>> -> memref<1x64xi32, #tpu.memory_space<vmem>>
    %dma_start3A_236 = tpu.memref_squeeze %dma_start3A_235 : memref<1x64xi32, #tpu.memory_space<vmem>> -> memref<64xi32, #tpu.memory_space<vmem>>
    %dma_start3A_237 = arith.constant 0 : i32
    %dma_start3A_238 = arith.constant 0 : i32
    %dma_start3A_239 = tpu.memref_slice %arg7[%dma_start3A_237, %dma_start3A_238] : memref<10240x64xf32, #tpu.memory_space<vmem_shared>> -> memref<10240x64xf32, #tpu.memory_space<vmem_shared>>
    tpu.enqueue_indirect_dma source(%dma_start3A_239 : memref<10240x64xf32, #tpu.memory_space<vmem_shared>>) target(%dma_start3A_233 : memref<64x64xf32, #tpu.memory_space<vmem>>) offsets(%dma_start3A_236 : memref<64xi32, #tpu.memory_space<vmem>>) semaphore(%arg12 : memref<!tpu.dma_semaphore, #tpu.memory_space<semaphore_mem>>)
    "tpu.trace_start"() <{level = 10 : i32, message = "p_edge_loop"}> : () -> ()
    %scan3A_240 = arith.constant 0 : i32
    %scan3A_241 = arith.constant 0 : i32
    %scan3A_242 = arith.constant 10 : i32
    %scan3A_243 = arith.addi %scan3A_241, %scan3A_242 : i32
    %scan3A_244 = arith.constant 1 : i32
    %scan3A_245 = scf.for %scan3A_500 = %scan3A_241 to %scan3A_243 step %scan3A_244 iter_args(%scan3A_501 = %scan3A_240) -> (i32)  : i32 {
      %mul3A_502 = arith.constant 4 : i32
      %mul3A_503 = arith.muli %scan3A_500, %mul3A_502 : i32
      %add3A_504 = arith.constant 0 : i32
      %add3A_505 = arith.addi %mul3A_503, %add3A_504 : i32
      %dma_wait3A_506 = arith.constant 0 : i32
      %dma_wait3A_507 = arith.constant 0 : i32
      %dma_wait3A_508 = arith.constant 0 : i32
      %dma_wait3A_509 = tpu.memref_slice %arg10[%dma_wait3A_506, %dma_wait3A_507, %dma_wait3A_508] : memref<4x64x64xf32, #tpu.memory_space<vmem>> -> memref<1x64x64xf32, #tpu.memory_space<vmem>>
      %dma_wait3A_510 = tpu.memref_squeeze %dma_wait3A_509 : memref<1x64x64xf32, #tpu.memory_space<vmem>> -> memref<64x64xf32, #tpu.memory_space<vmem>>
      %dma_wait3A_511 = arith.constant 0 : i32
      %dma_wait3A_512 = tpu.memref_slice %arg8[%add3A_505, %dma_wait3A_511] : memref<40x64xi32, #tpu.memory_space<vmem>> -> memref<1x64xi32, #tpu.memory_space<vmem>>
      %dma_wait3A_513 = tpu.memref_squeeze %dma_wait3A_512 : memref<1x64xi32, #tpu.memory_space<vmem>> -> memref<64xi32, #tpu.memory_space<vmem>>
      %dma_wait3A_514 = arith.constant 0 : i32
      %dma_wait3A_515 = arith.constant 0 : i32
      %dma_wait3A_516 = tpu.memref_slice %arg7[%dma_wait3A_514, %dma_wait3A_515] : memref<10240x64xf32, #tpu.memory_space<vmem_shared>> -> memref<10240x64xf32, #tpu.memory_space<vmem_shared>>
      tpu.wait_indirect_dma semaphore(%arg11 : memref<!tpu.dma_semaphore, #tpu.memory_space<semaphore_mem>>) src(%dma_wait3A_516 : memref<10240x64xf32, #tpu.memory_space<vmem_shared>>) dst(%dma_wait3A_510 : memref<64x64xf32, #tpu.memory_space<vmem>>)
      %gt3A = arith.constant 1 : i32
      %gt3A_517 = arith.cmpi sgt, %add3A_505, %gt3A : i32
      %convert_element_type3A_518 = arith.extui %gt3A_517 : i1 to i32
      %cond3A_519 = arith.constant 0 : i32
      %cond3A_520 = arith.cmpi ne, %convert_element_type3A_518, %cond3A_519 : i32
      scf.if %cond3A_520 {
        %sub3A_655 = arith.constant 2 : i32
        %sub3A_656 = arith.subi %add3A_505, %sub3A_655 : i32
        %dma_wait3A_657 = arith.constant 2 : i32
        %dma_wait3A_658 = arith.constant 0 : i32
        %dma_wait3A_659 = arith.constant 0 : i32
        %dma_wait3A_660 = tpu.memref_slice %arg10[%dma_wait3A_657, %dma_wait3A_658, %dma_wait3A_659] : memref<4x64x64xf32, #tpu.memory_space<vmem>> -> memref<1x64x64xf32, #tpu.memory_space<vmem>>
        %dma_wait3A_661 = tpu.memref_squeeze %dma_wait3A_660 : memref<1x64x64xf32, #tpu.memory_space<vmem>> -> memref<64x64xf32, #tpu.memory_space<vmem>>
        %dma_wait3A_662 = arith.constant 0 : i32
        %dma_wait3A_663 = tpu.memref_slice %arg9[%sub3A_656, %dma_wait3A_662] : memref<40x64xi32, #tpu.memory_space<vmem>> -> memref<1x64xi32, #tpu.memory_space<vmem>>
        %dma_wait3A_664 = tpu.memref_squeeze %dma_wait3A_663 : memref<1x64xi32, #tpu.memory_space<vmem>> -> memref<64xi32, #tpu.memory_space<vmem>>
        %dma_wait3A_665 = arith.constant 0 : i32
        %dma_wait3A_666 = arith.constant 0 : i32
        %dma_wait3A_667 = tpu.memref_slice %arg6[%dma_wait3A_665, %dma_wait3A_666] : memref<10240x64xf32, #tpu.memory_space<vmem_shared>> -> memref<10240x64xf32, #tpu.memory_space<vmem_shared>>
        tpu.wait_indirect_dma semaphore(%arg17 : memref<!tpu.dma_semaphore, #tpu.memory_space<semaphore_mem>>) src(%dma_wait3A_661 : memref<64x64xf32, #tpu.memory_space<vmem>>) dst(%dma_wait3A_667 : memref<10240x64xf32, #tpu.memory_space<vmem_shared>>)
      } else {
      }
      %dma_start3A_521 = arith.constant 0 : i32
      %dma_start3A_522 = arith.constant 0 : i32
      %dma_start3A_523 = arith.constant 0 : i32
      %dma_start3A_524 = tpu.memref_slice %arg10[%dma_start3A_521, %dma_start3A_522, %dma_start3A_523] : memref<4x64x64xf32, #tpu.memory_space<vmem>> -> memref<1x64x64xf32, #tpu.memory_space<vmem>>
      %dma_start3A_525 = tpu.memref_squeeze %dma_start3A_524 : memref<1x64x64xf32, #tpu.memory_space<vmem>> -> memref<64x64xf32, #tpu.memory_space<vmem>>
      %dma_start3A_526 = arith.constant 0 : i32
      %dma_start3A_527 = tpu.memref_slice %arg9[%add3A_505, %dma_start3A_526] : memref<40x64xi32, #tpu.memory_space<vmem>> -> memref<1x64xi32, #tpu.memory_space<vmem>>
      %dma_start3A_528 = tpu.memref_squeeze %dma_start3A_527 : memref<1x64xi32, #tpu.memory_space<vmem>> -> memref<64xi32, #tpu.memory_space<vmem>>
      %dma_start3A_529 = arith.constant 0 : i32
      %dma_start3A_530 = arith.constant 0 : i32
      %dma_start3A_531 = tpu.memref_slice %arg6[%dma_start3A_529, %dma_start3A_530] : memref<10240x64xf32, #tpu.memory_space<vmem_shared>> -> memref<10240x64xf32, #tpu.memory_space<vmem_shared>>
      tpu.enqueue_indirect_dma source(%dma_start3A_525 : memref<64x64xf32, #tpu.memory_space<vmem>>) target(%dma_start3A_531 : memref<10240x64xf32, #tpu.memory_space<vmem_shared>>) offsets(%dma_start3A_528 : memref<64xi32, #tpu.memory_space<vmem>>) semaphore(%arg15 : memref<!tpu.dma_semaphore, #tpu.memory_space<semaphore_mem>>) {add = true}
      %add3A_532 = arith.constant 4 : i32
      %add3A_533 = arith.addi %add3A_505, %add3A_532 : i32
      %sub3A = arith.constant 2 : i32
      %sub3A_534 = arith.subi %add3A_533, %sub3A : i32
      %lt3A_535 = arith.constant 40 : i32
      %lt3A_536 = arith.cmpi slt, %sub3A_534, %lt3A_535 : i32
      %convert_element_type3A_537 = arith.extui %lt3A_536 : i1 to i32
      %cond3A_538 = arith.constant 0 : i32
      %cond3A_539 = arith.cmpi ne, %convert_element_type3A_537, %cond3A_538 : i32
      scf.if %cond3A_539 {
        %dma_start3A_655 = arith.constant 2 : i32
        %dma_start3A_656 = arith.constant 0 : i32
        %dma_start3A_657 = arith.constant 0 : i32
        %dma_start3A_658 = tpu.memref_slice %arg10[%dma_start3A_655, %dma_start3A_656, %dma_start3A_657] : memref<4x64x64xf32, #tpu.memory_space<vmem>> -> memref<1x64x64xf32, #tpu.memory_space<vmem>>
        %dma_start3A_659 = tpu.memref_squeeze %dma_start3A_658 : memref<1x64x64xf32, #tpu.memory_space<vmem>> -> memref<64x64xf32, #tpu.memory_space<vmem>>
        %dma_start3A_660 = arith.constant 0 : i32
        %dma_start3A_661 = tpu.memref_slice %arg8[%sub3A_534, %dma_start3A_660] : memref<40x64xi32, #tpu.memory_space<vmem>> -> memref<1x64xi32, #tpu.memory_space<vmem>>
        %dma_start3A_662 = tpu.memref_squeeze %dma_start3A_661 : memref<1x64xi32, #tpu.memory_space<vmem>> -> memref<64xi32, #tpu.memory_space<vmem>>
        %dma_start3A_663 = arith.constant 0 : i32
        %dma_start3A_664 = arith.constant 0 : i32
        %dma_start3A_665 = tpu.memref_slice %arg7[%dma_start3A_663, %dma_start3A_664] : memref<10240x64xf32, #tpu.memory_space<vmem_shared>> -> memref<10240x64xf32, #tpu.memory_space<vmem_shared>>
        tpu.enqueue_indirect_dma source(%dma_start3A_665 : memref<10240x64xf32, #tpu.memory_space<vmem_shared>>) target(%dma_start3A_659 : memref<64x64xf32, #tpu.memory_space<vmem>>) offsets(%dma_start3A_662 : memref<64xi32, #tpu.memory_space<vmem>>) semaphore(%arg13 : memref<!tpu.dma_semaphore, #tpu.memory_space<semaphore_mem>>)
      } else {
      }
      %add3A_540 = arith.constant 1 : i32
      %add3A_541 = arith.addi %mul3A_503, %add3A_540 : i32
      %dma_wait3A_542 = arith.constant 1 : i32
      %dma_wait3A_543 = arith.constant 0 : i32
      %dma_wait3A_544 = arith.constant 0 : i32
      %dma_wait3A_545 = tpu.memref_slice %arg10[%dma_wait3A_542, %dma_wait3A_543, %dma_wait3A_544] : memref<4x64x64xf32, #tpu.memory_space<vmem>> -> memref<1x64x64xf32, #tpu.memory_space<vmem>>
      %dma_wait3A_546 = tpu.memref_squeeze %dma_wait3A_545 : memref<1x64x64xf32, #tpu.memory_space<vmem>> -> memref<64x64xf32, #tpu.memory_space<vmem>>
      %dma_wait3A_547 = arith.constant 0 : i32
      %dma_wait3A_548 = tpu.memref_slice %arg8[%add3A_541, %dma_wait3A_547] : memref<40x64xi32, #tpu.memory_space<vmem>> -> memref<1x64xi32, #tpu.memory_space<vmem>>
      %dma_wait3A_549 = tpu.memref_squeeze %dma_wait3A_548 : memref<1x64xi32, #tpu.memory_space<vmem>> -> memref<64xi32, #tpu.memory_space<vmem>>
      %dma_wait3A_550 = arith.constant 0 : i32
      %dma_wait3A_551 = arith.constant 0 : i32
      %dma_wait3A_552 = tpu.memref_slice %arg7[%dma_wait3A_550, %dma_wait3A_551] : memref<10240x64xf32, #tpu.memory_space<vmem_shared>> -> memref<10240x64xf32, #tpu.memory_space<vmem_shared>>
      tpu.wait_indirect_dma semaphore(%arg12 : memref<!tpu.dma_semaphore, #tpu.memory_space<semaphore_mem>>) src(%dma_wait3A_552 : memref<10240x64xf32, #tpu.memory_space<vmem_shared>>) dst(%dma_wait3A_546 : memref<64x64xf32, #tpu.memory_space<vmem>>)
      %gt3A_553 = arith.constant 1 : i32
      %gt3A_554 = arith.cmpi sgt, %add3A_541, %gt3A_553 : i32
      %convert_element_type3A_555 = arith.extui %gt3A_554 : i1 to i32
      %cond3A_556 = arith.constant 0 : i32
      %cond3A_557 = arith.cmpi ne, %convert_element_type3A_555, %cond3A_556 : i32
      scf.if %cond3A_557 {
        %sub3A_655 = arith.constant 2 : i32
        %sub3A_656 = arith.subi %add3A_541, %sub3A_655 : i32
        %dma_wait3A_657 = arith.constant 3 : i32
        %dma_wait3A_658 = arith.constant 0 : i32
        %dma_wait3A_659 = arith.constant 0 : i32
        %dma_wait3A_660 = tpu.memref_slice %arg10[%dma_wait3A_657, %dma_wait3A_658, %dma_wait3A_659] : memref<4x64x64xf32, #tpu.memory_space<vmem>> -> memref<1x64x64xf32, #tpu.memory_space<vmem>>
        %dma_wait3A_661 = tpu.memref_squeeze %dma_wait3A_660 : memref<1x64x64xf32, #tpu.memory_space<vmem>> -> memref<64x64xf32, #tpu.memory_space<vmem>>
        %dma_wait3A_662 = arith.constant 0 : i32
        %dma_wait3A_663 = tpu.memref_slice %arg9[%sub3A_656, %dma_wait3A_662] : memref<40x64xi32, #tpu.memory_space<vmem>> -> memref<1x64xi32, #tpu.memory_space<vmem>>
        %dma_wait3A_664 = tpu.memref_squeeze %dma_wait3A_663 : memref<1x64xi32, #tpu.memory_space<vmem>> -> memref<64xi32, #tpu.memory_space<vmem>>
        %dma_wait3A_665 = arith.constant 0 : i32
        %dma_wait3A_666 = arith.constant 0 : i32
        %dma_wait3A_667 = tpu.memref_slice %arg6[%dma_wait3A_665, %dma_wait3A_666] : memref<10240x64xf32, #tpu.memory_space<vmem_shared>> -> memref<10240x64xf32, #tpu.memory_space<vmem_shared>>
        tpu.wait_indirect_dma semaphore(%arg18 : memref<!tpu.dma_semaphore, #tpu.memory_space<semaphore_mem>>) src(%dma_wait3A_661 : memref<64x64xf32, #tpu.memory_space<vmem>>) dst(%dma_wait3A_667 : memref<10240x64xf32, #tpu.memory_space<vmem_shared>>)
      } else {
      }
      %dma_start3A_558 = arith.constant 1 : i32
      %dma_start3A_559 = arith.constant 0 : i32
      %dma_start3A_560 = arith.constant 0 : i32
      %dma_start3A_561 = tpu.memref_slice %arg10[%dma_start3A_558, %dma_start3A_559, %dma_start3A_560] : memref<4x64x64xf32, #tpu.memory_space<vmem>> -> memref<1x64x64xf32, #tpu.memory_space<vmem>>
      %dma_start3A_562 = tpu.memref_squeeze %dma_start3A_561 : memref<1x64x64xf32, #tpu.memory_space<vmem>> -> memref<64x64xf32, #tpu.memory_space<vmem>>
      %dma_start3A_563 = arith.constant 0 : i32
      %dma_start3A_564 = tpu.memref_slice %arg9[%add3A_541, %dma_start3A_563] : memref<40x64xi32, #tpu.memory_space<vmem>> -> memref<1x64xi32, #tpu.memory_space<vmem>>
      %dma_start3A_565 = tpu.memref_squeeze %dma_start3A_564 : memref<1x64xi32, #tpu.memory_space<vmem>> -> memref<64xi32, #tpu.memory_space<vmem>>
      %dma_start3A_566 = arith.constant 0 : i32
      %dma_start3A_567 = arith.constant 0 : i32
      %dma_start3A_568 = tpu.memref_slice %arg6[%dma_start3A_566, %dma_start3A_567] : memref<10240x64xf32, #tpu.memory_space<vmem_shared>> -> memref<10240x64xf32, #tpu.memory_space<vmem_shared>>
      tpu.enqueue_indirect_dma source(%dma_start3A_562 : memref<64x64xf32, #tpu.memory_space<vmem>>) target(%dma_start3A_568 : memref<10240x64xf32, #tpu.memory_space<vmem_shared>>) offsets(%dma_start3A_565 : memref<64xi32, #tpu.memory_space<vmem>>) semaphore(%arg16 : memref<!tpu.dma_semaphore, #tpu.memory_space<semaphore_mem>>) {add = true}
      %add3A_569 = arith.constant 4 : i32
      %add3A_570 = arith.addi %add3A_541, %add3A_569 : i32
      %sub3A_571 = arith.constant 2 : i32
      %sub3A_572 = arith.subi %add3A_570, %sub3A_571 : i32
      %lt3A_573 = arith.constant 40 : i32
      %lt3A_574 = arith.cmpi slt, %sub3A_572, %lt3A_573 : i32
      %convert_element_type3A_575 = arith.extui %lt3A_574 : i1 to i32
      %cond3A_576 = arith.constant 0 : i32
      %cond3A_577 = arith.cmpi ne, %convert_element_type3A_575, %cond3A_576 : i32
      scf.if %cond3A_577 {
        %dma_start3A_655 = arith.constant 3 : i32
        %dma_start3A_656 = arith.constant 0 : i32
        %dma_start3A_657 = arith.constant 0 : i32
        %dma_start3A_658 = tpu.memref_slice %arg10[%dma_start3A_655, %dma_start3A_656, %dma_start3A_657] : memref<4x64x64xf32, #tpu.memory_space<vmem>> -> memref<1x64x64xf32, #tpu.memory_space<vmem>>
        %dma_start3A_659 = tpu.memref_squeeze %dma_start3A_658 : memref<1x64x64xf32, #tpu.memory_space<vmem>> -> memref<64x64xf32, #tpu.memory_space<vmem>>
        %dma_start3A_660 = arith.constant 0 : i32
        %dma_start3A_661 = tpu.memref_slice %arg8[%sub3A_572, %dma_start3A_660] : memref<40x64xi32, #tpu.memory_space<vmem>> -> memref<1x64xi32, #tpu.memory_space<vmem>>
        %dma_start3A_662 = tpu.memref_squeeze %dma_start3A_661 : memref<1x64xi32, #tpu.memory_space<vmem>> -> memref<64xi32, #tpu.memory_space<vmem>>
        %dma_start3A_663 = arith.constant 0 : i32
        %dma_start3A_664 = arith.constant 0 : i32
        %dma_start3A_665 = tpu.memref_slice %arg7[%dma_start3A_663, %dma_start3A_664] : memref<10240x64xf32, #tpu.memory_space<vmem_shared>> -> memref<10240x64xf32, #tpu.memory_space<vmem_shared>>
        tpu.enqueue_indirect_dma source(%dma_start3A_665 : memref<10240x64xf32, #tpu.memory_space<vmem_shared>>) target(%dma_start3A_659 : memref<64x64xf32, #tpu.memory_space<vmem>>) offsets(%dma_start3A_662 : memref<64xi32, #tpu.memory_space<vmem>>) semaphore(%arg14 : memref<!tpu.dma_semaphore, #tpu.memory_space<semaphore_mem>>)
      } else {
      }
      %add3A_578 = arith.constant 2 : i32
      %add3A_579 = arith.addi %mul3A_503, %add3A_578 : i32
      %dma_wait3A_580 = arith.constant 2 : i32
      %dma_wait3A_581 = arith.constant 0 : i32
      %dma_wait3A_582 = arith.constant 0 : i32
      %dma_wait3A_583 = tpu.memref_slice %arg10[%dma_wait3A_580, %dma_wait3A_581, %dma_wait3A_582] : memref<4x64x64xf32, #tpu.memory_space<vmem>> -> memref<1x64x64xf32, #tpu.memory_space<vmem>>
      %dma_wait3A_584 = tpu.memref_squeeze %dma_wait3A_583 : memref<1x64x64xf32, #tpu.memory_space<vmem>> -> memref<64x64xf32, #tpu.memory_space<vmem>>
      %dma_wait3A_585 = arith.constant 0 : i32
      %dma_wait3A_586 = tpu.memref_slice %arg8[%add3A_579, %dma_wait3A_585] : memref<40x64xi32, #tpu.memory_space<vmem>> -> memref<1x64xi32, #tpu.memory_space<vmem>>
      %dma_wait3A_587 = tpu.memref_squeeze %dma_wait3A_586 : memref<1x64xi32, #tpu.memory_space<vmem>> -> memref<64xi32, #tpu.memory_space<vmem>>
      %dma_wait3A_588 = arith.constant 0 : i32
      %dma_wait3A_589 = arith.constant 0 : i32
      %dma_wait3A_590 = tpu.memref_slice %arg7[%dma_wait3A_588, %dma_wait3A_589] : memref<10240x64xf32, #tpu.memory_space<vmem_shared>> -> memref<10240x64xf32, #tpu.memory_space<vmem_shared>>
      tpu.wait_indirect_dma semaphore(%arg13 : memref<!tpu.dma_semaphore, #tpu.memory_space<semaphore_mem>>) src(%dma_wait3A_590 : memref<10240x64xf32, #tpu.memory_space<vmem_shared>>) dst(%dma_wait3A_584 : memref<64x64xf32, #tpu.memory_space<vmem>>)
      %gt3A_591 = arith.constant 1 : i32
      %gt3A_592 = arith.cmpi sgt, %add3A_579, %gt3A_591 : i32
      %convert_element_type3A_593 = arith.extui %gt3A_592 : i1 to i32
      %cond3A_594 = arith.constant 0 : i32
      %cond3A_595 = arith.cmpi ne, %convert_element_type3A_593, %cond3A_594 : i32
      scf.if %cond3A_595 {
        %sub3A_655 = arith.constant 2 : i32
        %sub3A_656 = arith.subi %add3A_579, %sub3A_655 : i32
        %dma_wait3A_657 = arith.constant 0 : i32
        %dma_wait3A_658 = arith.constant 0 : i32
        %dma_wait3A_659 = arith.constant 0 : i32
        %dma_wait3A_660 = tpu.memref_slice %arg10[%dma_wait3A_657, %dma_wait3A_658, %dma_wait3A_659] : memref<4x64x64xf32, #tpu.memory_space<vmem>> -> memref<1x64x64xf32, #tpu.memory_space<vmem>>
        %dma_wait3A_661 = tpu.memref_squeeze %dma_wait3A_660 : memref<1x64x64xf32, #tpu.memory_space<vmem>> -> memref<64x64xf32, #tpu.memory_space<vmem>>
        %dma_wait3A_662 = arith.constant 0 : i32
        %dma_wait3A_663 = tpu.memref_slice %arg9[%sub3A_656, %dma_wait3A_662] : memref<40x64xi32, #tpu.memory_space<vmem>> -> memref<1x64xi32, #tpu.memory_space<vmem>>
        %dma_wait3A_664 = tpu.memref_squeeze %dma_wait3A_663 : memref<1x64xi32, #tpu.memory_space<vmem>> -> memref<64xi32, #tpu.memory_space<vmem>>
        %dma_wait3A_665 = arith.constant 0 : i32
        %dma_wait3A_666 = arith.constant 0 : i32
        %dma_wait3A_667 = tpu.memref_slice %arg6[%dma_wait3A_665, %dma_wait3A_666] : memref<10240x64xf32, #tpu.memory_space<vmem_shared>> -> memref<10240x64xf32, #tpu.memory_space<vmem_shared>>
        tpu.wait_indirect_dma semaphore(%arg15 : memref<!tpu.dma_semaphore, #tpu.memory_space<semaphore_mem>>) src(%dma_wait3A_661 : memref<64x64xf32, #tpu.memory_space<vmem>>) dst(%dma_wait3A_667 : memref<10240x64xf32, #tpu.memory_space<vmem_shared>>)
      } else {
      }
      %dma_start3A_596 = arith.constant 2 : i32
      %dma_start3A_597 = arith.constant 0 : i32
      %dma_start3A_598 = arith.constant 0 : i32
      %dma_start3A_599 = tpu.memref_slice %arg10[%dma_start3A_596, %dma_start3A_597, %dma_start3A_598] : memref<4x64x64xf32, #tpu.memory_space<vmem>> -> memref<1x64x64xf32, #tpu.memory_space<vmem>>
      %dma_start3A_600 = tpu.memref_squeeze %dma_start3A_599 : memref<1x64x64xf32, #tpu.memory_space<vmem>> -> memref<64x64xf32, #tpu.memory_space<vmem>>
      %dma_start3A_601 = arith.constant 0 : i32
      %dma_start3A_602 = tpu.memref_slice %arg9[%add3A_579, %dma_start3A_601] : memref<40x64xi32, #tpu.memory_space<vmem>> -> memref<1x64xi32, #tpu.memory_space<vmem>>
      %dma_start3A_603 = tpu.memref_squeeze %dma_start3A_602 : memref<1x64xi32, #tpu.memory_space<vmem>> -> memref<64xi32, #tpu.memory_space<vmem>>
      %dma_start3A_604 = arith.constant 0 : i32
      %dma_start3A_605 = arith.constant 0 : i32
      %dma_start3A_606 = tpu.memref_slice %arg6[%dma_start3A_604, %dma_start3A_605] : memref<10240x64xf32, #tpu.memory_space<vmem_shared>> -> memref<10240x64xf32, #tpu.memory_space<vmem_shared>>
      tpu.enqueue_indirect_dma source(%dma_start3A_600 : memref<64x64xf32, #tpu.memory_space<vmem>>) target(%dma_start3A_606 : memref<10240x64xf32, #tpu.memory_space<vmem_shared>>) offsets(%dma_start3A_603 : memref<64xi32, #tpu.memory_space<vmem>>) semaphore(%arg17 : memref<!tpu.dma_semaphore, #tpu.memory_space<semaphore_mem>>) {add = true}
      %add3A_607 = arith.constant 4 : i32
      %add3A_608 = arith.addi %add3A_579, %add3A_607 : i32
      %sub3A_609 = arith.constant 2 : i32
      %sub3A_610 = arith.subi %add3A_608, %sub3A_609 : i32
      %lt3A_611 = arith.constant 40 : i32
      %lt3A_612 = arith.cmpi slt, %sub3A_610, %lt3A_611 : i32
      %convert_element_type3A_613 = arith.extui %lt3A_612 : i1 to i32
      %cond3A_614 = arith.constant 0 : i32
      %cond3A_615 = arith.cmpi ne, %convert_element_type3A_613, %cond3A_614 : i32
      scf.if %cond3A_615 {
        %dma_start3A_655 = arith.constant 0 : i32
        %dma_start3A_656 = arith.constant 0 : i32
        %dma_start3A_657 = arith.constant 0 : i32
        %dma_start3A_658 = tpu.memref_slice %arg10[%dma_start3A_655, %dma_start3A_656, %dma_start3A_657] : memref<4x64x64xf32, #tpu.memory_space<vmem>> -> memref<1x64x64xf32, #tpu.memory_space<vmem>>
        %dma_start3A_659 = tpu.memref_squeeze %dma_start3A_658 : memref<1x64x64xf32, #tpu.memory_space<vmem>> -> memref<64x64xf32, #tpu.memory_space<vmem>>
        %dma_start3A_660 = arith.constant 0 : i32
        %dma_start3A_661 = tpu.memref_slice %arg8[%sub3A_610, %dma_start3A_660] : memref<40x64xi32, #tpu.memory_space<vmem>> -> memref<1x64xi32, #tpu.memory_space<vmem>>
        %dma_start3A_662 = tpu.memref_squeeze %dma_start3A_661 : memref<1x64xi32, #tpu.memory_space<vmem>> -> memref<64xi32, #tpu.memory_space<vmem>>
        %dma_start3A_663 = arith.constant 0 : i32
        %dma_start3A_664 = arith.constant 0 : i32
        %dma_start3A_665 = tpu.memref_slice %arg7[%dma_start3A_663, %dma_start3A_664] : memref<10240x64xf32, #tpu.memory_space<vmem_shared>> -> memref<10240x64xf32, #tpu.memory_space<vmem_shared>>
        tpu.enqueue_indirect_dma source(%dma_start3A_665 : memref<10240x64xf32, #tpu.memory_space<vmem_shared>>) target(%dma_start3A_659 : memref<64x64xf32, #tpu.memory_space<vmem>>) offsets(%dma_start3A_662 : memref<64xi32, #tpu.memory_space<vmem>>) semaphore(%arg11 : memref<!tpu.dma_semaphore, #tpu.memory_space<semaphore_mem>>)
      } else {
      }
      %add3A_616 = arith.constant 3 : i32
      %add3A_617 = arith.addi %mul3A_503, %add3A_616 : i32
      %dma_wait3A_618 = arith.constant 3 : i32
      %dma_wait3A_619 = arith.constant 0 : i32
      %dma_wait3A_620 = arith.constant 0 : i32
      %dma_wait3A_621 = tpu.memref_slice %arg10[%dma_wait3A_618, %dma_wait3A_619, %dma_wait3A_620] : memref<4x64x64xf32, #tpu.memory_space<vmem>> -> memref<1x64x64xf32, #tpu.memory_space<vmem>>
      %dma_wait3A_622 = tpu.memref_squeeze %dma_wait3A_621 : memref<1x64x64xf32, #tpu.memory_space<vmem>> -> memref<64x64xf32, #tpu.memory_space<vmem>>
      %dma_wait3A_623 = arith.constant 0 : i32
      %dma_wait3A_624 = tpu.memref_slice %arg8[%add3A_617, %dma_wait3A_623] : memref<40x64xi32, #tpu.memory_space<vmem>> -> memref<1x64xi32, #tpu.memory_space<vmem>>
      %dma_wait3A_625 = tpu.memref_squeeze %dma_wait3A_624 : memref<1x64xi32, #tpu.memory_space<vmem>> -> memref<64xi32, #tpu.memory_space<vmem>>
      %dma_wait3A_626 = arith.constant 0 : i32
      %dma_wait3A_627 = arith.constant 0 : i32
      %dma_wait3A_628 = tpu.memref_slice %arg7[%dma_wait3A_626, %dma_wait3A_627] : memref<10240x64xf32, #tpu.memory_space<vmem_shared>> -> memref<10240x64xf32, #tpu.memory_space<vmem_shared>>
      tpu.wait_indirect_dma semaphore(%arg14 : memref<!tpu.dma_semaphore, #tpu.memory_space<semaphore_mem>>) src(%dma_wait3A_628 : memref<10240x64xf32, #tpu.memory_space<vmem_shared>>) dst(%dma_wait3A_622 : memref<64x64xf32, #tpu.memory_space<vmem>>)
      %gt3A_629 = arith.constant 1 : i32
      %gt3A_630 = arith.cmpi sgt, %add3A_617, %gt3A_629 : i32
      %convert_element_type3A_631 = arith.extui %gt3A_630 : i1 to i32
      %cond3A_632 = arith.constant 0 : i32
      %cond3A_633 = arith.cmpi ne, %convert_element_type3A_631, %cond3A_632 : i32
      scf.if %cond3A_633 {
        %sub3A_655 = arith.constant 2 : i32
        %sub3A_656 = arith.subi %add3A_617, %sub3A_655 : i32
        %dma_wait3A_657 = arith.constant 1 : i32
        %dma_wait3A_658 = arith.constant 0 : i32
        %dma_wait3A_659 = arith.constant 0 : i32
        %dma_wait3A_660 = tpu.memref_slice %arg10[%dma_wait3A_657, %dma_wait3A_658, %dma_wait3A_659] : memref<4x64x64xf32, #tpu.memory_space<vmem>> -> memref<1x64x64xf32, #tpu.memory_space<vmem>>
        %dma_wait3A_661 = tpu.memref_squeeze %dma_wait3A_660 : memref<1x64x64xf32, #tpu.memory_space<vmem>> -> memref<64x64xf32, #tpu.memory_space<vmem>>
        %dma_wait3A_662 = arith.constant 0 : i32
        %dma_wait3A_663 = tpu.memref_slice %arg9[%sub3A_656, %dma_wait3A_662] : memref<40x64xi32, #tpu.memory_space<vmem>> -> memref<1x64xi32, #tpu.memory_space<vmem>>
        %dma_wait3A_664 = tpu.memref_squeeze %dma_wait3A_663 : memref<1x64xi32, #tpu.memory_space<vmem>> -> memref<64xi32, #tpu.memory_space<vmem>>
        %dma_wait3A_665 = arith.constant 0 : i32
        %dma_wait3A_666 = arith.constant 0 : i32
        %dma_wait3A_667 = tpu.memref_slice %arg6[%dma_wait3A_665, %dma_wait3A_666] : memref<10240x64xf32, #tpu.memory_space<vmem_shared>> -> memref<10240x64xf32, #tpu.memory_space<vmem_shared>>
        tpu.wait_indirect_dma semaphore(%arg16 : memref<!tpu.dma_semaphore, #tpu.memory_space<semaphore_mem>>) src(%dma_wait3A_661 : memref<64x64xf32, #tpu.memory_space<vmem>>) dst(%dma_wait3A_667 : memref<10240x64xf32, #tpu.memory_space<vmem_shared>>)
      } else {
      }
      %dma_start3A_634 = arith.constant 3 : i32
      %dma_start3A_635 = arith.constant 0 : i32
      %dma_start3A_636 = arith.constant 0 : i32
      %dma_start3A_637 = tpu.memref_slice %arg10[%dma_start3A_634, %dma_start3A_635, %dma_start3A_636] : memref<4x64x64xf32, #tpu.memory_space<vmem>> -> memref<1x64x64xf32, #tpu.memory_space<vmem>>
      %dma_start3A_638 = tpu.memref_squeeze %dma_start3A_637 : memref<1x64x64xf32, #tpu.memory_space<vmem>> -> memref<64x64xf32, #tpu.memory_space<vmem>>
      %dma_start3A_639 = arith.constant 0 : i32
      %dma_start3A_640 = tpu.memref_slice %arg9[%add3A_617, %dma_start3A_639] : memref<40x64xi32, #tpu.memory_space<vmem>> -> memref<1x64xi32, #tpu.memory_space<vmem>>
      %dma_start3A_641 = tpu.memref_squeeze %dma_start3A_640 : memref<1x64xi32, #tpu.memory_space<vmem>> -> memref<64xi32, #tpu.memory_space<vmem>>
      %dma_start3A_642 = arith.constant 0 : i32
      %dma_start3A_643 = arith.constant 0 : i32
      %dma_start3A_644 = tpu.memref_slice %arg6[%dma_start3A_642, %dma_start3A_643] : memref<10240x64xf32, #tpu.memory_space<vmem_shared>> -> memref<10240x64xf32, #tpu.memory_space<vmem_shared>>
      tpu.enqueue_indirect_dma source(%dma_start3A_638 : memref<64x64xf32, #tpu.memory_space<vmem>>) target(%dma_start3A_644 : memref<10240x64xf32, #tpu.memory_space<vmem_shared>>) offsets(%dma_start3A_641 : memref<64xi32, #tpu.memory_space<vmem>>) semaphore(%arg18 : memref<!tpu.dma_semaphore, #tpu.memory_space<semaphore_mem>>) {add = true}
      %add3A_645 = arith.constant 4 : i32
      %add3A_646 = arith.addi %add3A_617, %add3A_645 : i32
      %sub3A_647 = arith.constant 2 : i32
      %sub3A_648 = arith.subi %add3A_646, %sub3A_647 : i32
      %lt3A_649 = arith.constant 40 : i32
      %lt3A_650 = arith.cmpi slt, %sub3A_648, %lt3A_649 : i32
      %convert_element_type3A_651 = arith.extui %lt3A_650 : i1 to i32
      %cond3A_652 = arith.constant 0 : i32
      %cond3A_653 = arith.cmpi ne, %convert_element_type3A_651, %cond3A_652 : i32
      scf.if %cond3A_653 {
        %dma_start3A_655 = arith.constant 1 : i32
        %dma_start3A_656 = arith.constant 0 : i32
        %dma_start3A_657 = arith.constant 0 : i32
        %dma_start3A_658 = tpu.memref_slice %arg10[%dma_start3A_655, %dma_start3A_656, %dma_start3A_657] : memref<4x64x64xf32, #tpu.memory_space<vmem>> -> memref<1x64x64xf32, #tpu.memory_space<vmem>>
        %dma_start3A_659 = tpu.memref_squeeze %dma_start3A_658 : memref<1x64x64xf32, #tpu.memory_space<vmem>> -> memref<64x64xf32, #tpu.memory_space<vmem>>
        %dma_start3A_660 = arith.constant 0 : i32
        %dma_start3A_661 = tpu.memref_slice %arg8[%sub3A_648, %dma_start3A_660] : memref<40x64xi32, #tpu.memory_space<vmem>> -> memref<1x64xi32, #tpu.memory_space<vmem>>
        %dma_start3A_662 = tpu.memref_squeeze %dma_start3A_661 : memref<1x64xi32, #tpu.memory_space<vmem>> -> memref<64xi32, #tpu.memory_space<vmem>>
        %dma_start3A_663 = arith.constant 0 : i32
        %dma_start3A_664 = arith.constant 0 : i32
        %dma_start3A_665 = tpu.memref_slice %arg7[%dma_start3A_663, %dma_start3A_664] : memref<10240x64xf32, #tpu.memory_space<vmem_shared>> -> memref<10240x64xf32, #tpu.memory_space<vmem_shared>>
        tpu.enqueue_indirect_dma source(%dma_start3A_665 : memref<10240x64xf32, #tpu.memory_space<vmem_shared>>) target(%dma_start3A_659 : memref<64x64xf32, #tpu.memory_space<vmem>>) offsets(%dma_start3A_662 : memref<64xi32, #tpu.memory_space<vmem>>) semaphore(%arg12 : memref<!tpu.dma_semaphore, #tpu.memory_space<semaphore_mem>>)
      } else {
      }
      %scan3A_654 = arith.constant 0 : i32
      scf.yield %scan3A_654 : i32
    }
    %scan3A_246 = arith.constant 10 : i32
    %dma_wait3A_247 = arith.constant 2 : i32
    %dma_wait3A_248 = arith.constant 38 : i32
    "tpu.trace_stop"() : () -> ()
    %dma_wait3A_249 = arith.constant 0 : i32
    %dma_wait3A_250 = arith.constant 0 : i32
    %dma_wait3A_251 = tpu.memref_slice %arg10[%dma_wait3A_247, %dma_wait3A_249, %dma_wait3A_250] : memref<4x64x64xf32, #tpu.memory_space<vmem>> -> memref<1x64x64xf32, #tpu.memory_space<vmem>>
    %dma_wait3A_252 = tpu.memref_squeeze %dma_wait3A_251 : memref<1x64x64xf32, #tpu.memory_space<vmem>> -> memref<64x64xf32, #tpu.memory_space<vmem>>
    %dma_wait3A_253 = arith.constant 0 : i32
    %dma_wait3A_254 = tpu.memref_slice %arg9[%dma_wait3A_248, %dma_wait3A_253] : memref<40x64xi32, #tpu.memory_space<vmem>> -> memref<1x64xi32, #tpu.memory_space<vmem>>
    %dma_wait3A_255 = tpu.memref_squeeze %dma_wait3A_254 : memref<1x64xi32, #tpu.memory_space<vmem>> -> memref<64xi32, #tpu.memory_space<vmem>>
    %dma_wait3A_256 = arith.constant 0 : i32
    %dma_wait3A_257 = arith.constant 0 : i32
    %dma_wait3A_258 = tpu.memref_slice %arg6[%dma_wait3A_256, %dma_wait3A_257] : memref<10240x64xf32, #tpu.memory_space<vmem_shared>> -> memref<10240x64xf32, #tpu.memory_space<vmem_shared>>
    tpu.wait_indirect_dma semaphore(%arg17 : memref<!tpu.dma_semaphore, #tpu.memory_space<semaphore_mem>>) src(%dma_wait3A_252 : memref<64x64xf32, #tpu.memory_space<vmem>>) dst(%dma_wait3A_258 : memref<10240x64xf32, #tpu.memory_space<vmem_shared>>)
    %dma_wait3A_259 = arith.constant 3 : i32
    %dma_wait3A_260 = arith.constant 39 : i32
    %dma_wait3A_261 = arith.constant 0 : i32
    %dma_wait3A_262 = arith.constant 0 : i32
    %dma_wait3A_263 = tpu.memref_slice %arg10[%dma_wait3A_259, %dma_wait3A_261, %dma_wait3A_262] : memref<4x64x64xf32, #tpu.memory_space<vmem>> -> memref<1x64x64xf32, #tpu.memory_space<vmem>>
    %dma_wait3A_264 = tpu.memref_squeeze %dma_wait3A_263 : memref<1x64x64xf32, #tpu.memory_space<vmem>> -> memref<64x64xf32, #tpu.memory_space<vmem>>
    %dma_wait3A_265 = arith.constant 0 : i32
    %dma_wait3A_266 = tpu.memref_slice %arg9[%dma_wait3A_260, %dma_wait3A_265] : memref<40x64xi32, #tpu.memory_space<vmem>> -> memref<1x64xi32, #tpu.memory_space<vmem>>
    %dma_wait3A_267 = tpu.memref_squeeze %dma_wait3A_266 : memref<1x64xi32, #tpu.memory_space<vmem>> -> memref<64xi32, #tpu.memory_space<vmem>>
    %dma_wait3A_268 = arith.constant 0 : i32
    %dma_wait3A_269 = arith.constant 0 : i32
    %dma_wait3A_270 = tpu.memref_slice %arg6[%dma_wait3A_268, %dma_wait3A_269] : memref<10240x64xf32, #tpu.memory_space<vmem_shared>> -> memref<10240x64xf32, #tpu.memory_space<vmem_shared>>
    tpu.wait_indirect_dma semaphore(%arg18 : memref<!tpu.dma_semaphore, #tpu.memory_space<semaphore_mem>>) src(%dma_wait3A_264 : memref<64x64xf32, #tpu.memory_space<vmem>>) dst(%dma_wait3A_270 : memref<10240x64xf32, #tpu.memory_space<vmem_shared>>)
    %add3A_271 = arith.constant 160 : i32
    %add3A_272 = arith.addi %mul3A_44, %add3A_271 : i32
    "tpu.region"() ({
      %run_scoped3A_500 = tpu.sem_alloc : memref<!tpu.dma_semaphore, #tpu.memory_space<semaphore_mem>>
      %dma_start3A_501 = arith.constant 0 : i32
      %dma_start3A_502 = tpu.memref_slice %arg3[%add3A_272, %dma_start3A_501] : memref<5120x64xi32, #tpu.memory_space<hbm>> -> memref<40x64xi32, #tpu.memory_space<hbm>>
      %dma_start3A_503 = arith.constant 0 : i32
      %dma_start3A_504 = tpu.memref_slice %arg3[%add3A_272, %dma_start3A_503] : memref<5120x64xi32, #tpu.memory_space<hbm>> -> memref<40x64xi32, #tpu.memory_space<hbm>>
      tpu.enqueue_dma source(%dma_start3A_504 : memref<40x64xi32, #tpu.memory_space<hbm>>) target(%arg8 : memref<40x64xi32, #tpu.memory_space<vmem>>) target_semaphore(%run_scoped3A_500 : memref<!tpu.dma_semaphore, #tpu.memory_space<semaphore_mem>>)
      %dma_wait3A_505 = arith.constant 0 : i32
      %dma_wait3A_506 = tpu.memref_slice %arg3[%add3A_272, %dma_wait3A_505] : memref<5120x64xi32, #tpu.memory_space<hbm>> -> memref<40x64xi32, #tpu.memory_space<hbm>>
      %dma_wait3A_507 = arith.constant 0 : i32
      %dma_wait3A_508 = tpu.memref_slice %arg3[%add3A_272, %dma_wait3A_507] : memref<5120x64xi32, #tpu.memory_space<hbm>> -> memref<40x64xi32, #tpu.memory_space<hbm>>
      tpu.wait_dma2 semaphore(%run_scoped3A_500 : memref<!tpu.dma_semaphore, #tpu.memory_space<semaphore_mem>>) src(%dma_wait3A_508 : memref<40x64xi32, #tpu.memory_space<hbm>>) dst(%arg8 : memref<40x64xi32, #tpu.memory_space<vmem>>)
      tpu.yield
    }) : () -> ()
    "tpu.region"() ({
      %run_scoped3A_500 = tpu.sem_alloc : memref<!tpu.dma_semaphore, #tpu.memory_space<semaphore_mem>>
      %dma_start3A_501 = arith.constant 0 : i32
      %dma_start3A_502 = tpu.memref_slice %arg4[%add3A_272, %dma_start3A_501] : memref<5120x64xi32, #tpu.memory_space<hbm>> -> memref<40x64xi32, #tpu.memory_space<hbm>>
      %dma_start3A_503 = arith.constant 0 : i32
      %dma_start3A_504 = tpu.memref_slice %arg4[%add3A_272, %dma_start3A_503] : memref<5120x64xi32, #tpu.memory_space<hbm>> -> memref<40x64xi32, #tpu.memory_space<hbm>>
      tpu.enqueue_dma source(%dma_start3A_504 : memref<40x64xi32, #tpu.memory_space<hbm>>) target(%arg9 : memref<40x64xi32, #tpu.memory_space<vmem>>) target_semaphore(%run_scoped3A_500 : memref<!tpu.dma_semaphore, #tpu.memory_space<semaphore_mem>>)
      %dma_wait3A_505 = arith.constant 0 : i32
      %dma_wait3A_506 = tpu.memref_slice %arg4[%add3A_272, %dma_wait3A_505] : memref<5120x64xi32, #tpu.memory_space<hbm>> -> memref<40x64xi32, #tpu.memory_space<hbm>>
      %dma_wait3A_507 = arith.constant 0 : i32
      %dma_wait3A_508 = tpu.memref_slice %arg4[%add3A_272, %dma_wait3A_507] : memref<5120x64xi32, #tpu.memory_space<hbm>> -> memref<40x64xi32, #tpu.memory_space<hbm>>
      tpu.wait_dma2 semaphore(%run_scoped3A_500 : memref<!tpu.dma_semaphore, #tpu.memory_space<semaphore_mem>>) src(%dma_wait3A_508 : memref<40x64xi32, #tpu.memory_space<hbm>>) dst(%arg9 : memref<40x64xi32, #tpu.memory_space<vmem>>)
      tpu.yield
    }) : () -> ()
    %dma_start3A_273 = arith.constant 0 : i32
    %dma_start3A_274 = arith.constant 0 : i32
    %dma_start3A_275 = arith.constant 0 : i32
    %dma_start3A_276 = arith.constant 0 : i32
    %dma_start3A_277 = tpu.memref_slice %arg10[%dma_start3A_274, %dma_start3A_275, %dma_start3A_276] : memref<4x64x64xf32, #tpu.memory_space<vmem>> -> memref<1x64x64xf32, #tpu.memory_space<vmem>>
    %dma_start3A_278 = tpu.memref_squeeze %dma_start3A_277 : memref<1x64x64xf32, #tpu.memory_space<vmem>> -> memref<64x64xf32, #tpu.memory_space<vmem>>
    %dma_start3A_279 = arith.constant 0 : i32
    %dma_start3A_280 = tpu.memref_slice %arg8[%dma_start3A_273, %dma_start3A_279] : memref<40x64xi32, #tpu.memory_space<vmem>> -> memref<1x64xi32, #tpu.memory_space<vmem>>
    %dma_start3A_281 = tpu.memref_squeeze %dma_start3A_280 : memref<1x64xi32, #tpu.memory_space<vmem>> -> memref<64xi32, #tpu.memory_space<vmem>>
    %dma_start3A_282 = arith.constant 0 : i32
    %dma_start3A_283 = arith.constant 0 : i32
    %dma_start3A_284 = tpu.memref_slice %arg7[%dma_start3A_282, %dma_start3A_283] : memref<10240x64xf32, #tpu.memory_space<vmem_shared>> -> memref<10240x64xf32, #tpu.memory_space<vmem_shared>>
    tpu.enqueue_indirect_dma source(%dma_start3A_284 : memref<10240x64xf32, #tpu.memory_space<vmem_shared>>) target(%dma_start3A_278 : memref<64x64xf32, #tpu.memory_space<vmem>>) offsets(%dma_start3A_281 : memref<64xi32, #tpu.memory_space<vmem>>) semaphore(%arg11 : memref<!tpu.dma_semaphore, #tpu.memory_space<semaphore_mem>>)
    %dma_start3A_285 = arith.constant 1 : i32
    %dma_start3A_286 = arith.constant 1 : i32
    %dma_start3A_287 = arith.constant 0 : i32
    %dma_start3A_288 = arith.constant 0 : i32
    %dma_start3A_289 = tpu.memref_slice %arg10[%dma_start3A_286, %dma_start3A_287, %dma_start3A_288] : memref<4x64x64xf32, #tpu.memory_space<vmem>> -> memref<1x64x64xf32, #tpu.memory_space<vmem>>
    %dma_start3A_290 = tpu.memref_squeeze %dma_start3A_289 : memref<1x64x64xf32, #tpu.memory_space<vmem>> -> memref<64x64xf32, #tpu.memory_space<vmem>>
    %dma_start3A_291 = arith.constant 0 : i32
    %dma_start3A_292 = tpu.memref_slice %arg8[%dma_start3A_285, %dma_start3A_291] : memref<40x64xi32, #tpu.memory_space<vmem>> -> memref<1x64xi32, #tpu.memory_space<vmem>>
    %dma_start3A_293 = tpu.memref_squeeze %dma_start3A_292 : memref<1x64xi32, #tpu.memory_space<vmem>> -> memref<64xi32, #tpu.memory_space<vmem>>
    %dma_start3A_294 = arith.constant 0 : i32
    %dma_start3A_295 = arith.constant 0 : i32
    %dma_start3A_296 = tpu.memref_slice %arg7[%dma_start3A_294, %dma_start3A_295] : memref<10240x64xf32, #tpu.memory_space<vmem_shared>> -> memref<10240x64xf32, #tpu.memory_space<vmem_shared>>
    tpu.enqueue_indirect_dma source(%dma_start3A_296 : memref<10240x64xf32, #tpu.memory_space<vmem_shared>>) target(%dma_start3A_290 : memref<64x64xf32, #tpu.memory_space<vmem>>) offsets(%dma_start3A_293 : memref<64xi32, #tpu.memory_space<vmem>>) semaphore(%arg12 : memref<!tpu.dma_semaphore, #tpu.memory_space<semaphore_mem>>)
    "tpu.trace_start"() <{level = 10 : i32, message = "p_edge_loop"}> : () -> ()
    %scan3A_297 = arith.constant 0 : i32
    %scan3A_298 = arith.constant 0 : i32
    %scan3A_299 = arith.constant 10 : i32
    %scan3A_300 = arith.addi %scan3A_298, %scan3A_299 : i32
    %scan3A_301 = arith.constant 1 : i32
    %scan3A_302 = scf.for %scan3A_500 = %scan3A_298 to %scan3A_300 step %scan3A_301 iter_args(%scan3A_501 = %scan3A_297) -> (i32)  : i32 {
      %mul3A_502 = arith.constant 4 : i32
      %mul3A_503 = arith.muli %scan3A_500, %mul3A_502 : i32
      %add3A_504 = arith.constant 0 : i32
      %add3A_505 = arith.addi %mul3A_503, %add3A_504 : i32
      %dma_wait3A_506 = arith.constant 0 : i32
      %dma_wait3A_507 = arith.constant 0 : i32
      %dma_wait3A_508 = arith.constant 0 : i32
      %dma_wait3A_509 = tpu.memref_slice %arg10[%dma_wait3A_506, %dma_wait3A_507, %dma_wait3A_508] : memref<4x64x64xf32, #tpu.memory_space<vmem>> -> memref<1x64x64xf32, #tpu.memory_space<vmem>>
      %dma_wait3A_510 = tpu.memref_squeeze %dma_wait3A_509 : memref<1x64x64xf32, #tpu.memory_space<vmem>> -> memref<64x64xf32, #tpu.memory_space<vmem>>
      %dma_wait3A_511 = arith.constant 0 : i32
      %dma_wait3A_512 = tpu.memref_slice %arg8[%add3A_505, %dma_wait3A_511] : memref<40x64xi32, #tpu.memory_space<vmem>> -> memref<1x64xi32, #tpu.memory_space<vmem>>
      %dma_wait3A_513 = tpu.memref_squeeze %dma_wait3A_512 : memref<1x64xi32, #tpu.memory_space<vmem>> -> memref<64xi32, #tpu.memory_space<vmem>>
      %dma_wait3A_514 = arith.constant 0 : i32
      %dma_wait3A_515 = arith.constant 0 : i32
      %dma_wait3A_516 = tpu.memref_slice %arg7[%dma_wait3A_514, %dma_wait3A_515] : memref<10240x64xf32, #tpu.memory_space<vmem_shared>> -> memref<10240x64xf32, #tpu.memory_space<vmem_shared>>
      tpu.wait_indirect_dma semaphore(%arg11 : memref<!tpu.dma_semaphore, #tpu.memory_space<semaphore_mem>>) src(%dma_wait3A_516 : memref<10240x64xf32, #tpu.memory_space<vmem_shared>>) dst(%dma_wait3A_510 : memref<64x64xf32, #tpu.memory_space<vmem>>)
      %gt3A = arith.constant 1 : i32
      %gt3A_517 = arith.cmpi sgt, %add3A_505, %gt3A : i32
      %convert_element_type3A_518 = arith.extui %gt3A_517 : i1 to i32
      %cond3A_519 = arith.constant 0 : i32
      %cond3A_520 = arith.cmpi ne, %convert_element_type3A_518, %cond3A_519 : i32
      scf.if %cond3A_520 {
        %sub3A_655 = arith.constant 2 : i32
        %sub3A_656 = arith.subi %add3A_505, %sub3A_655 : i32
        %dma_wait3A_657 = arith.constant 2 : i32
        %dma_wait3A_658 = arith.constant 0 : i32
        %dma_wait3A_659 = arith.constant 0 : i32
        %dma_wait3A_660 = tpu.memref_slice %arg10[%dma_wait3A_657, %dma_wait3A_658, %dma_wait3A_659] : memref<4x64x64xf32, #tpu.memory_space<vmem>> -> memref<1x64x64xf32, #tpu.memory_space<vmem>>
        %dma_wait3A_661 = tpu.memref_squeeze %dma_wait3A_660 : memref<1x64x64xf32, #tpu.memory_space<vmem>> -> memref<64x64xf32, #tpu.memory_space<vmem>>
        %dma_wait3A_662 = arith.constant 0 : i32
        %dma_wait3A_663 = tpu.memref_slice %arg9[%sub3A_656, %dma_wait3A_662] : memref<40x64xi32, #tpu.memory_space<vmem>> -> memref<1x64xi32, #tpu.memory_space<vmem>>
        %dma_wait3A_664 = tpu.memref_squeeze %dma_wait3A_663 : memref<1x64xi32, #tpu.memory_space<vmem>> -> memref<64xi32, #tpu.memory_space<vmem>>
        %dma_wait3A_665 = arith.constant 0 : i32
        %dma_wait3A_666 = arith.constant 0 : i32
        %dma_wait3A_667 = tpu.memref_slice %arg6[%dma_wait3A_665, %dma_wait3A_666] : memref<10240x64xf32, #tpu.memory_space<vmem_shared>> -> memref<10240x64xf32, #tpu.memory_space<vmem_shared>>
        tpu.wait_indirect_dma semaphore(%arg17 : memref<!tpu.dma_semaphore, #tpu.memory_space<semaphore_mem>>) src(%dma_wait3A_661 : memref<64x64xf32, #tpu.memory_space<vmem>>) dst(%dma_wait3A_667 : memref<10240x64xf32, #tpu.memory_space<vmem_shared>>)
      } else {
      }
      %dma_start3A_521 = arith.constant 0 : i32
      %dma_start3A_522 = arith.constant 0 : i32
      %dma_start3A_523 = arith.constant 0 : i32
      %dma_start3A_524 = tpu.memref_slice %arg10[%dma_start3A_521, %dma_start3A_522, %dma_start3A_523] : memref<4x64x64xf32, #tpu.memory_space<vmem>> -> memref<1x64x64xf32, #tpu.memory_space<vmem>>
      %dma_start3A_525 = tpu.memref_squeeze %dma_start3A_524 : memref<1x64x64xf32, #tpu.memory_space<vmem>> -> memref<64x64xf32, #tpu.memory_space<vmem>>
      %dma_start3A_526 = arith.constant 0 : i32
      %dma_start3A_527 = tpu.memref_slice %arg9[%add3A_505, %dma_start3A_526] : memref<40x64xi32, #tpu.memory_space<vmem>> -> memref<1x64xi32, #tpu.memory_space<vmem>>
      %dma_start3A_528 = tpu.memref_squeeze %dma_start3A_527 : memref<1x64xi32, #tpu.memory_space<vmem>> -> memref<64xi32, #tpu.memory_space<vmem>>
      %dma_start3A_529 = arith.constant 0 : i32
      %dma_start3A_530 = arith.constant 0 : i32
      %dma_start3A_531 = tpu.memref_slice %arg6[%dma_start3A_529, %dma_start3A_530] : memref<10240x64xf32, #tpu.memory_space<vmem_shared>> -> memref<10240x64xf32, #tpu.memory_space<vmem_shared>>
      tpu.enqueue_indirect_dma source(%dma_start3A_525 : memref<64x64xf32, #tpu.memory_space<vmem>>) target(%dma_start3A_531 : memref<10240x64xf32, #tpu.memory_space<vmem_shared>>) offsets(%dma_start3A_528 : memref<64xi32, #tpu.memory_space<vmem>>) semaphore(%arg15 : memref<!tpu.dma_semaphore, #tpu.memory_space<semaphore_mem>>) {add = true}
      %add3A_532 = arith.constant 4 : i32
      %add3A_533 = arith.addi %add3A_505, %add3A_532 : i32
      %sub3A = arith.constant 2 : i32
      %sub3A_534 = arith.subi %add3A_533, %sub3A : i32
      %lt3A_535 = arith.constant 40 : i32
      %lt3A_536 = arith.cmpi slt, %sub3A_534, %lt3A_535 : i32
      %convert_element_type3A_537 = arith.extui %lt3A_536 : i1 to i32
      %cond3A_538 = arith.constant 0 : i32
      %cond3A_539 = arith.cmpi ne, %convert_element_type3A_537, %cond3A_538 : i32
      scf.if %cond3A_539 {
        %dma_start3A_655 = arith.constant 2 : i32
        %dma_start3A_656 = arith.constant 0 : i32
        %dma_start3A_657 = arith.constant 0 : i32
        %dma_start3A_658 = tpu.memref_slice %arg10[%dma_start3A_655, %dma_start3A_656, %dma_start3A_657] : memref<4x64x64xf32, #tpu.memory_space<vmem>> -> memref<1x64x64xf32, #tpu.memory_space<vmem>>
        %dma_start3A_659 = tpu.memref_squeeze %dma_start3A_658 : memref<1x64x64xf32, #tpu.memory_space<vmem>> -> memref<64x64xf32, #tpu.memory_space<vmem>>
        %dma_start3A_660 = arith.constant 0 : i32
        %dma_start3A_661 = tpu.memref_slice %arg8[%sub3A_534, %dma_start3A_660] : memref<40x64xi32, #tpu.memory_space<vmem>> -> memref<1x64xi32, #tpu.memory_space<vmem>>
        %dma_start3A_662 = tpu.memref_squeeze %dma_start3A_661 : memref<1x64xi32, #tpu.memory_space<vmem>> -> memref<64xi32, #tpu.memory_space<vmem>>
        %dma_start3A_663 = arith.constant 0 : i32
        %dma_start3A_664 = arith.constant 0 : i32
        %dma_start3A_665 = tpu.memref_slice %arg7[%dma_start3A_663, %dma_start3A_664] : memref<10240x64xf32, #tpu.memory_space<vmem_shared>> -> memref<10240x64xf32, #tpu.memory_space<vmem_shared>>
        tpu.enqueue_indirect_dma source(%dma_start3A_665 : memref<10240x64xf32, #tpu.memory_space<vmem_shared>>) target(%dma_start3A_659 : memref<64x64xf32, #tpu.memory_space<vmem>>) offsets(%dma_start3A_662 : memref<64xi32, #tpu.memory_space<vmem>>) semaphore(%arg13 : memref<!tpu.dma_semaphore, #tpu.memory_space<semaphore_mem>>)
      } else {
      }
      %add3A_540 = arith.constant 1 : i32
      %add3A_541 = arith.addi %mul3A_503, %add3A_540 : i32
      %dma_wait3A_542 = arith.constant 1 : i32
      %dma_wait3A_543 = arith.constant 0 : i32
      %dma_wait3A_544 = arith.constant 0 : i32
      %dma_wait3A_545 = tpu.memref_slice %arg10[%dma_wait3A_542, %dma_wait3A_543, %dma_wait3A_544] : memref<4x64x64xf32, #tpu.memory_space<vmem>> -> memref<1x64x64xf32, #tpu.memory_space<vmem>>
      %dma_wait3A_546 = tpu.memref_squeeze %dma_wait3A_545 : memref<1x64x64xf32, #tpu.memory_space<vmem>> -> memref<64x64xf32, #tpu.memory_space<vmem>>
      %dma_wait3A_547 = arith.constant 0 : i32
      %dma_wait3A_548 = tpu.memref_slice %arg8[%add3A_541, %dma_wait3A_547] : memref<40x64xi32, #tpu.memory_space<vmem>> -> memref<1x64xi32, #tpu.memory_space<vmem>>
      %dma_wait3A_549 = tpu.memref_squeeze %dma_wait3A_548 : memref<1x64xi32, #tpu.memory_space<vmem>> -> memref<64xi32, #tpu.memory_space<vmem>>
      %dma_wait3A_550 = arith.constant 0 : i32
      %dma_wait3A_551 = arith.constant 0 : i32
      %dma_wait3A_552 = tpu.memref_slice %arg7[%dma_wait3A_550, %dma_wait3A_551] : memref<10240x64xf32, #tpu.memory_space<vmem_shared>> -> memref<10240x64xf32, #tpu.memory_space<vmem_shared>>
      tpu.wait_indirect_dma semaphore(%arg12 : memref<!tpu.dma_semaphore, #tpu.memory_space<semaphore_mem>>) src(%dma_wait3A_552 : memref<10240x64xf32, #tpu.memory_space<vmem_shared>>) dst(%dma_wait3A_546 : memref<64x64xf32, #tpu.memory_space<vmem>>)
      %gt3A_553 = arith.constant 1 : i32
      %gt3A_554 = arith.cmpi sgt, %add3A_541, %gt3A_553 : i32
      %convert_element_type3A_555 = arith.extui %gt3A_554 : i1 to i32
      %cond3A_556 = arith.constant 0 : i32
      %cond3A_557 = arith.cmpi ne, %convert_element_type3A_555, %cond3A_556 : i32
      scf.if %cond3A_557 {
        %sub3A_655 = arith.constant 2 : i32
        %sub3A_656 = arith.subi %add3A_541, %sub3A_655 : i32
        %dma_wait3A_657 = arith.constant 3 : i32
        %dma_wait3A_658 = arith.constant 0 : i32
        %dma_wait3A_659 = arith.constant 0 : i32
        %dma_wait3A_660 = tpu.memref_slice %arg10[%dma_wait3A_657, %dma_wait3A_658, %dma_wait3A_659] : memref<4x64x64xf32, #tpu.memory_space<vmem>> -> memref<1x64x64xf32, #tpu.memory_space<vmem>>
        %dma_wait3A_661 = tpu.memref_squeeze %dma_wait3A_660 : memref<1x64x64xf32, #tpu.memory_space<vmem>> -> memref<64x64xf32, #tpu.memory_space<vmem>>
        %dma_wait3A_662 = arith.constant 0 : i32
        %dma_wait3A_663 = tpu.memref_slice %arg9[%sub3A_656, %dma_wait3A_662] : memref<40x64xi32, #tpu.memory_space<vmem>> -> memref<1x64xi32, #tpu.memory_space<vmem>>
        %dma_wait3A_664 = tpu.memref_squeeze %dma_wait3A_663 : memref<1x64xi32, #tpu.memory_space<vmem>> -> memref<64xi32, #tpu.memory_space<vmem>>
        %dma_wait3A_665 = arith.constant 0 : i32
        %dma_wait3A_666 = arith.constant 0 : i32
        %dma_wait3A_667 = tpu.memref_slice %arg6[%dma_wait3A_665, %dma_wait3A_666] : memref<10240x64xf32, #tpu.memory_space<vmem_shared>> -> memref<10240x64xf32, #tpu.memory_space<vmem_shared>>
        tpu.wait_indirect_dma semaphore(%arg18 : memref<!tpu.dma_semaphore, #tpu.memory_space<semaphore_mem>>) src(%dma_wait3A_661 : memref<64x64xf32, #tpu.memory_space<vmem>>) dst(%dma_wait3A_667 : memref<10240x64xf32, #tpu.memory_space<vmem_shared>>)
      } else {
      }
      %dma_start3A_558 = arith.constant 1 : i32
      %dma_start3A_559 = arith.constant 0 : i32
      %dma_start3A_560 = arith.constant 0 : i32
      %dma_start3A_561 = tpu.memref_slice %arg10[%dma_start3A_558, %dma_start3A_559, %dma_start3A_560] : memref<4x64x64xf32, #tpu.memory_space<vmem>> -> memref<1x64x64xf32, #tpu.memory_space<vmem>>
      %dma_start3A_562 = tpu.memref_squeeze %dma_start3A_561 : memref<1x64x64xf32, #tpu.memory_space<vmem>> -> memref<64x64xf32, #tpu.memory_space<vmem>>
      %dma_start3A_563 = arith.constant 0 : i32
      %dma_start3A_564 = tpu.memref_slice %arg9[%add3A_541, %dma_start3A_563] : memref<40x64xi32, #tpu.memory_space<vmem>> -> memref<1x64xi32, #tpu.memory_space<vmem>>
      %dma_start3A_565 = tpu.memref_squeeze %dma_start3A_564 : memref<1x64xi32, #tpu.memory_space<vmem>> -> memref<64xi32, #tpu.memory_space<vmem>>
      %dma_start3A_566 = arith.constant 0 : i32
      %dma_start3A_567 = arith.constant 0 : i32
      %dma_start3A_568 = tpu.memref_slice %arg6[%dma_start3A_566, %dma_start3A_567] : memref<10240x64xf32, #tpu.memory_space<vmem_shared>> -> memref<10240x64xf32, #tpu.memory_space<vmem_shared>>
      tpu.enqueue_indirect_dma source(%dma_start3A_562 : memref<64x64xf32, #tpu.memory_space<vmem>>) target(%dma_start3A_568 : memref<10240x64xf32, #tpu.memory_space<vmem_shared>>) offsets(%dma_start3A_565 : memref<64xi32, #tpu.memory_space<vmem>>) semaphore(%arg16 : memref<!tpu.dma_semaphore, #tpu.memory_space<semaphore_mem>>) {add = true}
      %add3A_569 = arith.constant 4 : i32
      %add3A_570 = arith.addi %add3A_541, %add3A_569 : i32
      %sub3A_571 = arith.constant 2 : i32
      %sub3A_572 = arith.subi %add3A_570, %sub3A_571 : i32
      %lt3A_573 = arith.constant 40 : i32
      %lt3A_574 = arith.cmpi slt, %sub3A_572, %lt3A_573 : i32
      %convert_element_type3A_575 = arith.extui %lt3A_574 : i1 to i32
      %cond3A_576 = arith.constant 0 : i32
      %cond3A_577 = arith.cmpi ne, %convert_element_type3A_575, %cond3A_576 : i32
      scf.if %cond3A_577 {
        %dma_start3A_655 = arith.constant 3 : i32
        %dma_start3A_656 = arith.constant 0 : i32
        %dma_start3A_657 = arith.constant 0 : i32
        %dma_start3A_658 = tpu.memref_slice %arg10[%dma_start3A_655, %dma_start3A_656, %dma_start3A_657] : memref<4x64x64xf32, #tpu.memory_space<vmem>> -> memref<1x64x64xf32, #tpu.memory_space<vmem>>
        %dma_start3A_659 = tpu.memref_squeeze %dma_start3A_658 : memref<1x64x64xf32, #tpu.memory_space<vmem>> -> memref<64x64xf32, #tpu.memory_space<vmem>>
        %dma_start3A_660 = arith.constant 0 : i32
        %dma_start3A_661 = tpu.memref_slice %arg8[%sub3A_572, %dma_start3A_660] : memref<40x64xi32, #tpu.memory_space<vmem>> -> memref<1x64xi32, #tpu.memory_space<vmem>>
        %dma_start3A_662 = tpu.memref_squeeze %dma_start3A_661 : memref<1x64xi32, #tpu.memory_space<vmem>> -> memref<64xi32, #tpu.memory_space<vmem>>
        %dma_start3A_663 = arith.constant 0 : i32
        %dma_start3A_664 = arith.constant 0 : i32
        %dma_start3A_665 = tpu.memref_slice %arg7[%dma_start3A_663, %dma_start3A_664] : memref<10240x64xf32, #tpu.memory_space<vmem_shared>> -> memref<10240x64xf32, #tpu.memory_space<vmem_shared>>
        tpu.enqueue_indirect_dma source(%dma_start3A_665 : memref<10240x64xf32, #tpu.memory_space<vmem_shared>>) target(%dma_start3A_659 : memref<64x64xf32, #tpu.memory_space<vmem>>) offsets(%dma_start3A_662 : memref<64xi32, #tpu.memory_space<vmem>>) semaphore(%arg14 : memref<!tpu.dma_semaphore, #tpu.memory_space<semaphore_mem>>)
      } else {
      }
      %add3A_578 = arith.constant 2 : i32
      %add3A_579 = arith.addi %mul3A_503, %add3A_578 : i32
      %dma_wait3A_580 = arith.constant 2 : i32
      %dma_wait3A_581 = arith.constant 0 : i32
      %dma_wait3A_582 = arith.constant 0 : i32
      %dma_wait3A_583 = tpu.memref_slice %arg10[%dma_wait3A_580, %dma_wait3A_581, %dma_wait3A_582] : memref<4x64x64xf32, #tpu.memory_space<vmem>> -> memref<1x64x64xf32, #tpu.memory_space<vmem>>
      %dma_wait3A_584 = tpu.memref_squeeze %dma_wait3A_583 : memref<1x64x64xf32, #tpu.memory_space<vmem>> -> memref<64x64xf32, #tpu.memory_space<vmem>>
      %dma_wait3A_585 = arith.constant 0 : i32
      %dma_wait3A_586 = tpu.memref_slice %arg8[%add3A_579, %dma_wait3A_585] : memref<40x64xi32, #tpu.memory_space<vmem>> -> memref<1x64xi32, #tpu.memory_space<vmem>>
      %dma_wait3A_587 = tpu.memref_squeeze %dma_wait3A_586 : memref<1x64xi32, #tpu.memory_space<vmem>> -> memref<64xi32, #tpu.memory_space<vmem>>
      %dma_wait3A_588 = arith.constant 0 : i32
      %dma_wait3A_589 = arith.constant 0 : i32
      %dma_wait3A_590 = tpu.memref_slice %arg7[%dma_wait3A_588, %dma_wait3A_589] : memref<10240x64xf32, #tpu.memory_space<vmem_shared>> -> memref<10240x64xf32, #tpu.memory_space<vmem_shared>>
      tpu.wait_indirect_dma semaphore(%arg13 : memref<!tpu.dma_semaphore, #tpu.memory_space<semaphore_mem>>) src(%dma_wait3A_590 : memref<10240x64xf32, #tpu.memory_space<vmem_shared>>) dst(%dma_wait3A_584 : memref<64x64xf32, #tpu.memory_space<vmem>>)
      %gt3A_591 = arith.constant 1 : i32
      %gt3A_592 = arith.cmpi sgt, %add3A_579, %gt3A_591 : i32
      %convert_element_type3A_593 = arith.extui %gt3A_592 : i1 to i32
      %cond3A_594 = arith.constant 0 : i32
      %cond3A_595 = arith.cmpi ne, %convert_element_type3A_593, %cond3A_594 : i32
      scf.if %cond3A_595 {
        %sub3A_655 = arith.constant 2 : i32
        %sub3A_656 = arith.subi %add3A_579, %sub3A_655 : i32
        %dma_wait3A_657 = arith.constant 0 : i32
        %dma_wait3A_658 = arith.constant 0 : i32
        %dma_wait3A_659 = arith.constant 0 : i32
        %dma_wait3A_660 = tpu.memref_slice %arg10[%dma_wait3A_657, %dma_wait3A_658, %dma_wait3A_659] : memref<4x64x64xf32, #tpu.memory_space<vmem>> -> memref<1x64x64xf32, #tpu.memory_space<vmem>>
        %dma_wait3A_661 = tpu.memref_squeeze %dma_wait3A_660 : memref<1x64x64xf32, #tpu.memory_space<vmem>> -> memref<64x64xf32, #tpu.memory_space<vmem>>
        %dma_wait3A_662 = arith.constant 0 : i32
        %dma_wait3A_663 = tpu.memref_slice %arg9[%sub3A_656, %dma_wait3A_662] : memref<40x64xi32, #tpu.memory_space<vmem>> -> memref<1x64xi32, #tpu.memory_space<vmem>>
        %dma_wait3A_664 = tpu.memref_squeeze %dma_wait3A_663 : memref<1x64xi32, #tpu.memory_space<vmem>> -> memref<64xi32, #tpu.memory_space<vmem>>
        %dma_wait3A_665 = arith.constant 0 : i32
        %dma_wait3A_666 = arith.constant 0 : i32
        %dma_wait3A_667 = tpu.memref_slice %arg6[%dma_wait3A_665, %dma_wait3A_666] : memref<10240x64xf32, #tpu.memory_space<vmem_shared>> -> memref<10240x64xf32, #tpu.memory_space<vmem_shared>>
        tpu.wait_indirect_dma semaphore(%arg15 : memref<!tpu.dma_semaphore, #tpu.memory_space<semaphore_mem>>) src(%dma_wait3A_661 : memref<64x64xf32, #tpu.memory_space<vmem>>) dst(%dma_wait3A_667 : memref<10240x64xf32, #tpu.memory_space<vmem_shared>>)
      } else {
      }
      %dma_start3A_596 = arith.constant 2 : i32
      %dma_start3A_597 = arith.constant 0 : i32
      %dma_start3A_598 = arith.constant 0 : i32
      %dma_start3A_599 = tpu.memref_slice %arg10[%dma_start3A_596, %dma_start3A_597, %dma_start3A_598] : memref<4x64x64xf32, #tpu.memory_space<vmem>> -> memref<1x64x64xf32, #tpu.memory_space<vmem>>
      %dma_start3A_600 = tpu.memref_squeeze %dma_start3A_599 : memref<1x64x64xf32, #tpu.memory_space<vmem>> -> memref<64x64xf32, #tpu.memory_space<vmem>>
      %dma_start3A_601 = arith.constant 0 : i32
      %dma_start3A_602 = tpu.memref_slice %arg9[%add3A_579, %dma_start3A_601] : memref<40x64xi32, #tpu.memory_space<vmem>> -> memref<1x64xi32, #tpu.memory_space<vmem>>
      %dma_start3A_603 = tpu.memref_squeeze %dma_start3A_602 : memref<1x64xi32, #tpu.memory_space<vmem>> -> memref<64xi32, #tpu.memory_space<vmem>>
      %dma_start3A_604 = arith.constant 0 : i32
      %dma_start3A_605 = arith.constant 0 : i32
      %dma_start3A_606 = tpu.memref_slice %arg6[%dma_start3A_604, %dma_start3A_605] : memref<10240x64xf32, #tpu.memory_space<vmem_shared>> -> memref<10240x64xf32, #tpu.memory_space<vmem_shared>>
      tpu.enqueue_indirect_dma source(%dma_start3A_600 : memref<64x64xf32, #tpu.memory_space<vmem>>) target(%dma_start3A_606 : memref<10240x64xf32, #tpu.memory_space<vmem_shared>>) offsets(%dma_start3A_603 : memref<64xi32, #tpu.memory_space<vmem>>) semaphore(%arg17 : memref<!tpu.dma_semaphore, #tpu.memory_space<semaphore_mem>>) {add = true}
      %add3A_607 = arith.constant 4 : i32
      %add3A_608 = arith.addi %add3A_579, %add3A_607 : i32
      %sub3A_609 = arith.constant 2 : i32
      %sub3A_610 = arith.subi %add3A_608, %sub3A_609 : i32
      %lt3A_611 = arith.constant 40 : i32
      %lt3A_612 = arith.cmpi slt, %sub3A_610, %lt3A_611 : i32
      %convert_element_type3A_613 = arith.extui %lt3A_612 : i1 to i32
      %cond3A_614 = arith.constant 0 : i32
      %cond3A_615 = arith.cmpi ne, %convert_element_type3A_613, %cond3A_614 : i32
      scf.if %cond3A_615 {
        %dma_start3A_655 = arith.constant 0 : i32
        %dma_start3A_656 = arith.constant 0 : i32
        %dma_start3A_657 = arith.constant 0 : i32
        %dma_start3A_658 = tpu.memref_slice %arg10[%dma_start3A_655, %dma_start3A_656, %dma_start3A_657] : memref<4x64x64xf32, #tpu.memory_space<vmem>> -> memref<1x64x64xf32, #tpu.memory_space<vmem>>
        %dma_start3A_659 = tpu.memref_squeeze %dma_start3A_658 : memref<1x64x64xf32, #tpu.memory_space<vmem>> -> memref<64x64xf32, #tpu.memory_space<vmem>>
        %dma_start3A_660 = arith.constant 0 : i32
        %dma_start3A_661 = tpu.memref_slice %arg8[%sub3A_610, %dma_start3A_660] : memref<40x64xi32, #tpu.memory_space<vmem>> -> memref<1x64xi32, #tpu.memory_space<vmem>>
        %dma_start3A_662 = tpu.memref_squeeze %dma_start3A_661 : memref<1x64xi32, #tpu.memory_space<vmem>> -> memref<64xi32, #tpu.memory_space<vmem>>
        %dma_start3A_663 = arith.constant 0 : i32
        %dma_start3A_664 = arith.constant 0 : i32
        %dma_start3A_665 = tpu.memref_slice %arg7[%dma_start3A_663, %dma_start3A_664] : memref<10240x64xf32, #tpu.memory_space<vmem_shared>> -> memref<10240x64xf32, #tpu.memory_space<vmem_shared>>
        tpu.enqueue_indirect_dma source(%dma_start3A_665 : memref<10240x64xf32, #tpu.memory_space<vmem_shared>>) target(%dma_start3A_659 : memref<64x64xf32, #tpu.memory_space<vmem>>) offsets(%dma_start3A_662 : memref<64xi32, #tpu.memory_space<vmem>>) semaphore(%arg11 : memref<!tpu.dma_semaphore, #tpu.memory_space<semaphore_mem>>)
      } else {
      }
      %add3A_616 = arith.constant 3 : i32
      %add3A_617 = arith.addi %mul3A_503, %add3A_616 : i32
      %dma_wait3A_618 = arith.constant 3 : i32
      %dma_wait3A_619 = arith.constant 0 : i32
      %dma_wait3A_620 = arith.constant 0 : i32
      %dma_wait3A_621 = tpu.memref_slice %arg10[%dma_wait3A_618, %dma_wait3A_619, %dma_wait3A_620] : memref<4x64x64xf32, #tpu.memory_space<vmem>> -> memref<1x64x64xf32, #tpu.memory_space<vmem>>
      %dma_wait3A_622 = tpu.memref_squeeze %dma_wait3A_621 : memref<1x64x64xf32, #tpu.memory_space<vmem>> -> memref<64x64xf32, #tpu.memory_space<vmem>>
      %dma_wait3A_623 = arith.constant 0 : i32
      %dma_wait3A_624 = tpu.memref_slice %arg8[%add3A_617, %dma_wait3A_623] : memref<40x64xi32, #tpu.memory_space<vmem>> -> memref<1x64xi32, #tpu.memory_space<vmem>>
      %dma_wait3A_625 = tpu.memref_squeeze %dma_wait3A_624 : memref<1x64xi32, #tpu.memory_space<vmem>> -> memref<64xi32, #tpu.memory_space<vmem>>
      %dma_wait3A_626 = arith.constant 0 : i32
      %dma_wait3A_627 = arith.constant 0 : i32
      %dma_wait3A_628 = tpu.memref_slice %arg7[%dma_wait3A_626, %dma_wait3A_627] : memref<10240x64xf32, #tpu.memory_space<vmem_shared>> -> memref<10240x64xf32, #tpu.memory_space<vmem_shared>>
      tpu.wait_indirect_dma semaphore(%arg14 : memref<!tpu.dma_semaphore, #tpu.memory_space<semaphore_mem>>) src(%dma_wait3A_628 : memref<10240x64xf32, #tpu.memory_space<vmem_shared>>) dst(%dma_wait3A_622 : memref<64x64xf32, #tpu.memory_space<vmem>>)
      %gt3A_629 = arith.constant 1 : i32
      %gt3A_630 = arith.cmpi sgt, %add3A_617, %gt3A_629 : i32
      %convert_element_type3A_631 = arith.extui %gt3A_630 : i1 to i32
      %cond3A_632 = arith.constant 0 : i32
      %cond3A_633 = arith.cmpi ne, %convert_element_type3A_631, %cond3A_632 : i32
      scf.if %cond3A_633 {
        %sub3A_655 = arith.constant 2 : i32
        %sub3A_656 = arith.subi %add3A_617, %sub3A_655 : i32
        %dma_wait3A_657 = arith.constant 1 : i32
        %dma_wait3A_658 = arith.constant 0 : i32
        %dma_wait3A_659 = arith.constant 0 : i32
        %dma_wait3A_660 = tpu.memref_slice %arg10[%dma_wait3A_657, %dma_wait3A_658, %dma_wait3A_659] : memref<4x64x64xf32, #tpu.memory_space<vmem>> -> memref<1x64x64xf32, #tpu.memory_space<vmem>>
        %dma_wait3A_661 = tpu.memref_squeeze %dma_wait3A_660 : memref<1x64x64xf32, #tpu.memory_space<vmem>> -> memref<64x64xf32, #tpu.memory_space<vmem>>
        %dma_wait3A_662 = arith.constant 0 : i32
        %dma_wait3A_663 = tpu.memref_slice %arg9[%sub3A_656, %dma_wait3A_662] : memref<40x64xi32, #tpu.memory_space<vmem>> -> memref<1x64xi32, #tpu.memory_space<vmem>>
        %dma_wait3A_664 = tpu.memref_squeeze %dma_wait3A_663 : memref<1x64xi32, #tpu.memory_space<vmem>> -> memref<64xi32, #tpu.memory_space<vmem>>
        %dma_wait3A_665 = arith.constant 0 : i32
        %dma_wait3A_666 = arith.constant 0 : i32
        %dma_wait3A_667 = tpu.memref_slice %arg6[%dma_wait3A_665, %dma_wait3A_666] : memref<10240x64xf32, #tpu.memory_space<vmem_shared>> -> memref<10240x64xf32, #tpu.memory_space<vmem_shared>>
        tpu.wait_indirect_dma semaphore(%arg16 : memref<!tpu.dma_semaphore, #tpu.memory_space<semaphore_mem>>) src(%dma_wait3A_661 : memref<64x64xf32, #tpu.memory_space<vmem>>) dst(%dma_wait3A_667 : memref<10240x64xf32, #tpu.memory_space<vmem_shared>>)
      } else {
      }
      %dma_start3A_634 = arith.constant 3 : i32
      %dma_start3A_635 = arith.constant 0 : i32
      %dma_start3A_636 = arith.constant 0 : i32
      %dma_start3A_637 = tpu.memref_slice %arg10[%dma_start3A_634, %dma_start3A_635, %dma_start3A_636] : memref<4x64x64xf32, #tpu.memory_space<vmem>> -> memref<1x64x64xf32, #tpu.memory_space<vmem>>
      %dma_start3A_638 = tpu.memref_squeeze %dma_start3A_637 : memref<1x64x64xf32, #tpu.memory_space<vmem>> -> memref<64x64xf32, #tpu.memory_space<vmem>>
      %dma_start3A_639 = arith.constant 0 : i32
      %dma_start3A_640 = tpu.memref_slice %arg9[%add3A_617, %dma_start3A_639] : memref<40x64xi32, #tpu.memory_space<vmem>> -> memref<1x64xi32, #tpu.memory_space<vmem>>
      %dma_start3A_641 = tpu.memref_squeeze %dma_start3A_640 : memref<1x64xi32, #tpu.memory_space<vmem>> -> memref<64xi32, #tpu.memory_space<vmem>>
      %dma_start3A_642 = arith.constant 0 : i32
      %dma_start3A_643 = arith.constant 0 : i32
      %dma_start3A_644 = tpu.memref_slice %arg6[%dma_start3A_642, %dma_start3A_643] : memref<10240x64xf32, #tpu.memory_space<vmem_shared>> -> memref<10240x64xf32, #tpu.memory_space<vmem_shared>>
      tpu.enqueue_indirect_dma source(%dma_start3A_638 : memref<64x64xf32, #tpu.memory_space<vmem>>) target(%dma_start3A_644 : memref<10240x64xf32, #tpu.memory_space<vmem_shared>>) offsets(%dma_start3A_641 : memref<64xi32, #tpu.memory_space<vmem>>) semaphore(%arg18 : memref<!tpu.dma_semaphore, #tpu.memory_space<semaphore_mem>>) {add = true}
      %add3A_645 = arith.constant 4 : i32
      %add3A_646 = arith.addi %add3A_617, %add3A_645 : i32
      %sub3A_647 = arith.constant 2 : i32
      %sub3A_648 = arith.subi %add3A_646, %sub3A_647 : i32
      %lt3A_649 = arith.constant 40 : i32
      %lt3A_650 = arith.cmpi slt, %sub3A_648, %lt3A_649 : i32
      %convert_element_type3A_651 = arith.extui %lt3A_650 : i1 to i32
      %cond3A_652 = arith.constant 0 : i32
      %cond3A_653 = arith.cmpi ne, %convert_element_type3A_651, %cond3A_652 : i32
      scf.if %cond3A_653 {
        %dma_start3A_655 = arith.constant 1 : i32
        %dma_start3A_656 = arith.constant 0 : i32
        %dma_start3A_657 = arith.constant 0 : i32
        %dma_start3A_658 = tpu.memref_slice %arg10[%dma_start3A_655, %dma_start3A_656, %dma_start3A_657] : memref<4x64x64xf32, #tpu.memory_space<vmem>> -> memref<1x64x64xf32, #tpu.memory_space<vmem>>
        %dma_start3A_659 = tpu.memref_squeeze %dma_start3A_658 : memref<1x64x64xf32, #tpu.memory_space<vmem>> -> memref<64x64xf32, #tpu.memory_space<vmem>>
        %dma_start3A_660 = arith.constant 0 : i32
        %dma_start3A_661 = tpu.memref_slice %arg8[%sub3A_648, %dma_start3A_660] : memref<40x64xi32, #tpu.memory_space<vmem>> -> memref<1x64xi32, #tpu.memory_space<vmem>>
        %dma_start3A_662 = tpu.memref_squeeze %dma_start3A_661 : memref<1x64xi32, #tpu.memory_space<vmem>> -> memref<64xi32, #tpu.memory_space<vmem>>
        %dma_start3A_663 = arith.constant 0 : i32
        %dma_start3A_664 = arith.constant 0 : i32
        %dma_start3A_665 = tpu.memref_slice %arg7[%dma_start3A_663, %dma_start3A_664] : memref<10240x64xf32, #tpu.memory_space<vmem_shared>> -> memref<10240x64xf32, #tpu.memory_space<vmem_shared>>
        tpu.enqueue_indirect_dma source(%dma_start3A_665 : memref<10240x64xf32, #tpu.memory_space<vmem_shared>>) target(%dma_start3A_659 : memref<64x64xf32, #tpu.memory_space<vmem>>) offsets(%dma_start3A_662 : memref<64xi32, #tpu.memory_space<vmem>>) semaphore(%arg12 : memref<!tpu.dma_semaphore, #tpu.memory_space<semaphore_mem>>)
      } else {
      }
      %scan3A_654 = arith.constant 0 : i32
      scf.yield %scan3A_654 : i32
    }
    %scan3A_303 = arith.constant 10 : i32
    %dma_wait3A_304 = arith.constant 2 : i32
    %dma_wait3A_305 = arith.constant 38 : i32
    "tpu.trace_stop"() : () -> ()
    %dma_wait3A_306 = arith.constant 0 : i32
    %dma_wait3A_307 = arith.constant 0 : i32
    %dma_wait3A_308 = tpu.memref_slice %arg10[%dma_wait3A_304, %dma_wait3A_306, %dma_wait3A_307] : memref<4x64x64xf32, #tpu.memory_space<vmem>> -> memref<1x64x64xf32, #tpu.memory_space<vmem>>
    %dma_wait3A_309 = tpu.memref_squeeze %dma_wait3A_308 : memref<1x64x64xf32, #tpu.memory_space<vmem>> -> memref<64x64xf32, #tpu.memory_space<vmem>>
    %dma_wait3A_310 = arith.constant 0 : i32
    %dma_wait3A_311 = tpu.memref_slice %arg9[%dma_wait3A_305, %dma_wait3A_310] : memref<40x64xi32, #tpu.memory_space<vmem>> -> memref<1x64xi32, #tpu.memory_space<vmem>>
    %dma_wait3A_312 = tpu.memref_squeeze %dma_wait3A_311 : memref<1x64xi32, #tpu.memory_space<vmem>> -> memref<64xi32, #tpu.memory_space<vmem>>
    %dma_wait3A_313 = arith.constant 0 : i32
    %dma_wait3A_314 = arith.constant 0 : i32
    %dma_wait3A_315 = tpu.memref_slice %arg6[%dma_wait3A_313, %dma_wait3A_314] : memref<10240x64xf32, #tpu.memory_space<vmem_shared>> -> memref<10240x64xf32, #tpu.memory_space<vmem_shared>>
    tpu.wait_indirect_dma semaphore(%arg17 : memref<!tpu.dma_semaphore, #tpu.memory_space<semaphore_mem>>) src(%dma_wait3A_309 : memref<64x64xf32, #tpu.memory_space<vmem>>) dst(%dma_wait3A_315 : memref<10240x64xf32, #tpu.memory_space<vmem_shared>>)
    %dma_wait3A_316 = arith.constant 3 : i32
    %dma_wait3A_317 = arith.constant 39 : i32
    %dma_wait3A_318 = arith.constant 0 : i32
    %dma_wait3A_319 = arith.constant 0 : i32
    %dma_wait3A_320 = tpu.memref_slice %arg10[%dma_wait3A_316, %dma_wait3A_318, %dma_wait3A_319] : memref<4x64x64xf32, #tpu.memory_space<vmem>> -> memref<1x64x64xf32, #tpu.memory_space<vmem>>
    %dma_wait3A_321 = tpu.memref_squeeze %dma_wait3A_320 : memref<1x64x64xf32, #tpu.memory_space<vmem>> -> memref<64x64xf32, #tpu.memory_space<vmem>>
    %dma_wait3A_322 = arith.constant 0 : i32
    %dma_wait3A_323 = tpu.memref_slice %arg9[%dma_wait3A_317, %dma_wait3A_322] : memref<40x64xi32, #tpu.memory_space<vmem>> -> memref<1x64xi32, #tpu.memory_space<vmem>>
    %dma_wait3A_324 = tpu.memref_squeeze %dma_wait3A_323 : memref<1x64xi32, #tpu.memory_space<vmem>> -> memref<64xi32, #tpu.memory_space<vmem>>
    %dma_wait3A_325 = arith.constant 0 : i32
    %dma_wait3A_326 = arith.constant 0 : i32
    %dma_wait3A_327 = tpu.memref_slice %arg6[%dma_wait3A_325, %dma_wait3A_326] : memref<10240x64xf32, #tpu.memory_space<vmem_shared>> -> memref<10240x64xf32, #tpu.memory_space<vmem_shared>>
    tpu.wait_indirect_dma semaphore(%arg18 : memref<!tpu.dma_semaphore, #tpu.memory_space<semaphore_mem>>) src(%dma_wait3A_321 : memref<64x64xf32, #tpu.memory_space<vmem>>) dst(%dma_wait3A_327 : memref<10240x64xf32, #tpu.memory_space<vmem_shared>>)
    %add3A_328 = arith.constant 200 : i32
    %add3A_329 = arith.addi %mul3A_44, %add3A_328 : i32
    "tpu.region"() ({
      %run_scoped3A_500 = tpu.sem_alloc : memref<!tpu.dma_semaphore, #tpu.memory_space<semaphore_mem>>
      %dma_start3A_501 = arith.constant 0 : i32
      %dma_start3A_502 = tpu.memref_slice %arg3[%add3A_329, %dma_start3A_501] : memref<5120x64xi32, #tpu.memory_space<hbm>> -> memref<40x64xi32, #tpu.memory_space<hbm>>
      %dma_start3A_503 = arith.constant 0 : i32
      %dma_start3A_504 = tpu.memref_slice %arg3[%add3A_329, %dma_start3A_503] : memref<5120x64xi32, #tpu.memory_space<hbm>> -> memref<40x64xi32, #tpu.memory_space<hbm>>
      tpu.enqueue_dma source(%dma_start3A_504 : memref<40x64xi32, #tpu.memory_space<hbm>>) target(%arg8 : memref<40x64xi32, #tpu.memory_space<vmem>>) target_semaphore(%run_scoped3A_500 : memref<!tpu.dma_semaphore, #tpu.memory_space<semaphore_mem>>)
      %dma_wait3A_505 = arith.constant 0 : i32
      %dma_wait3A_506 = tpu.memref_slice %arg3[%add3A_329, %dma_wait3A_505] : memref<5120x64xi32, #tpu.memory_space<hbm>> -> memref<40x64xi32, #tpu.memory_space<hbm>>
      %dma_wait3A_507 = arith.constant 0 : i32
      %dma_wait3A_508 = tpu.memref_slice %arg3[%add3A_329, %dma_wait3A_507] : memref<5120x64xi32, #tpu.memory_space<hbm>> -> memref<40x64xi32, #tpu.memory_space<hbm>>
      tpu.wait_dma2 semaphore(%run_scoped3A_500 : memref<!tpu.dma_semaphore, #tpu.memory_space<semaphore_mem>>) src(%dma_wait3A_508 : memref<40x64xi32, #tpu.memory_space<hbm>>) dst(%arg8 : memref<40x64xi32, #tpu.memory_space<vmem>>)
      tpu.yield
    }) : () -> ()
    "tpu.region"() ({
      %run_scoped3A_500 = tpu.sem_alloc : memref<!tpu.dma_semaphore, #tpu.memory_space<semaphore_mem>>
      %dma_start3A_501 = arith.constant 0 : i32
      %dma_start3A_502 = tpu.memref_slice %arg4[%add3A_329, %dma_start3A_501] : memref<5120x64xi32, #tpu.memory_space<hbm>> -> memref<40x64xi32, #tpu.memory_space<hbm>>
      %dma_start3A_503 = arith.constant 0 : i32
      %dma_start3A_504 = tpu.memref_slice %arg4[%add3A_329, %dma_start3A_503] : memref<5120x64xi32, #tpu.memory_space<hbm>> -> memref<40x64xi32, #tpu.memory_space<hbm>>
      tpu.enqueue_dma source(%dma_start3A_504 : memref<40x64xi32, #tpu.memory_space<hbm>>) target(%arg9 : memref<40x64xi32, #tpu.memory_space<vmem>>) target_semaphore(%run_scoped3A_500 : memref<!tpu.dma_semaphore, #tpu.memory_space<semaphore_mem>>)
      %dma_wait3A_505 = arith.constant 0 : i32
      %dma_wait3A_506 = tpu.memref_slice %arg4[%add3A_329, %dma_wait3A_505] : memref<5120x64xi32, #tpu.memory_space<hbm>> -> memref<40x64xi32, #tpu.memory_space<hbm>>
      %dma_wait3A_507 = arith.constant 0 : i32
      %dma_wait3A_508 = tpu.memref_slice %arg4[%add3A_329, %dma_wait3A_507] : memref<5120x64xi32, #tpu.memory_space<hbm>> -> memref<40x64xi32, #tpu.memory_space<hbm>>
      tpu.wait_dma2 semaphore(%run_scoped3A_500 : memref<!tpu.dma_semaphore, #tpu.memory_space<semaphore_mem>>) src(%dma_wait3A_508 : memref<40x64xi32, #tpu.memory_space<hbm>>) dst(%arg9 : memref<40x64xi32, #tpu.memory_space<vmem>>)
      tpu.yield
    }) : () -> ()
    %dma_start3A_330 = arith.constant 0 : i32
    %dma_start3A_331 = arith.constant 0 : i32
    %dma_start3A_332 = arith.constant 0 : i32
    %dma_start3A_333 = arith.constant 0 : i32
    %dma_start3A_334 = tpu.memref_slice %arg10[%dma_start3A_331, %dma_start3A_332, %dma_start3A_333] : memref<4x64x64xf32, #tpu.memory_space<vmem>> -> memref<1x64x64xf32, #tpu.memory_space<vmem>>
    %dma_start3A_335 = tpu.memref_squeeze %dma_start3A_334 : memref<1x64x64xf32, #tpu.memory_space<vmem>> -> memref<64x64xf32, #tpu.memory_space<vmem>>
    %dma_start3A_336 = arith.constant 0 : i32
    %dma_start3A_337 = tpu.memref_slice %arg8[%dma_start3A_330, %dma_start3A_336] : memref<40x64xi32, #tpu.memory_space<vmem>> -> memref<1x64xi32, #tpu.memory_space<vmem>>
    %dma_start3A_338 = tpu.memref_squeeze %dma_start3A_337 : memref<1x64xi32, #tpu.memory_space<vmem>> -> memref<64xi32, #tpu.memory_space<vmem>>
    %dma_start3A_339 = arith.constant 0 : i32
    %dma_start3A_340 = arith.constant 0 : i32
    %dma_start3A_341 = tpu.memref_slice %arg7[%dma_start3A_339, %dma_start3A_340] : memref<10240x64xf32, #tpu.memory_space<vmem_shared>> -> memref<10240x64xf32, #tpu.memory_space<vmem_shared>>
    tpu.enqueue_indirect_dma source(%dma_start3A_341 : memref<10240x64xf32, #tpu.memory_space<vmem_shared>>) target(%dma_start3A_335 : memref<64x64xf32, #tpu.memory_space<vmem>>) offsets(%dma_start3A_338 : memref<64xi32, #tpu.memory_space<vmem>>) semaphore(%arg11 : memref<!tpu.dma_semaphore, #tpu.memory_space<semaphore_mem>>)
    %dma_start3A_342 = arith.constant 1 : i32
    %dma_start3A_343 = arith.constant 1 : i32
    %dma_start3A_344 = arith.constant 0 : i32
    %dma_start3A_345 = arith.constant 0 : i32
    %dma_start3A_346 = tpu.memref_slice %arg10[%dma_start3A_343, %dma_start3A_344, %dma_start3A_345] : memref<4x64x64xf32, #tpu.memory_space<vmem>> -> memref<1x64x64xf32, #tpu.memory_space<vmem>>
    %dma_start3A_347 = tpu.memref_squeeze %dma_start3A_346 : memref<1x64x64xf32, #tpu.memory_space<vmem>> -> memref<64x64xf32, #tpu.memory_space<vmem>>
    %dma_start3A_348 = arith.constant 0 : i32
    %dma_start3A_349 = tpu.memref_slice %arg8[%dma_start3A_342, %dma_start3A_348] : memref<40x64xi32, #tpu.memory_space<vmem>> -> memref<1x64xi32, #tpu.memory_space<vmem>>
    %dma_start3A_350 = tpu.memref_squeeze %dma_start3A_349 : memref<1x64xi32, #tpu.memory_space<vmem>> -> memref<64xi32, #tpu.memory_space<vmem>>
    %dma_start3A_351 = arith.constant 0 : i32
    %dma_start3A_352 = arith.constant 0 : i32
    %dma_start3A_353 = tpu.memref_slice %arg7[%dma_start3A_351, %dma_start3A_352] : memref<10240x64xf32, #tpu.memory_space<vmem_shared>> -> memref<10240x64xf32, #tpu.memory_space<vmem_shared>>
    tpu.enqueue_indirect_dma source(%dma_start3A_353 : memref<10240x64xf32, #tpu.memory_space<vmem_shared>>) target(%dma_start3A_347 : memref<64x64xf32, #tpu.memory_space<vmem>>) offsets(%dma_start3A_350 : memref<64xi32, #tpu.memory_space<vmem>>) semaphore(%arg12 : memref<!tpu.dma_semaphore, #tpu.memory_space<semaphore_mem>>)
    "tpu.trace_start"() <{level = 10 : i32, message = "p_edge_loop"}> : () -> ()
    %scan3A_354 = arith.constant 0 : i32
    %scan3A_355 = arith.constant 0 : i32
    %scan3A_356 = arith.constant 10 : i32
    %scan3A_357 = arith.addi %scan3A_355, %scan3A_356 : i32
    %scan3A_358 = arith.constant 1 : i32
    %scan3A_359 = scf.for %scan3A_500 = %scan3A_355 to %scan3A_357 step %scan3A_358 iter_args(%scan3A_501 = %scan3A_354) -> (i32)  : i32 {
      %mul3A_502 = arith.constant 4 : i32
      %mul3A_503 = arith.muli %scan3A_500, %mul3A_502 : i32
      %add3A_504 = arith.constant 0 : i32
      %add3A_505 = arith.addi %mul3A_503, %add3A_504 : i32
      %dma_wait3A_506 = arith.constant 0 : i32
      %dma_wait3A_507 = arith.constant 0 : i32
      %dma_wait3A_508 = arith.constant 0 : i32
      %dma_wait3A_509 = tpu.memref_slice %arg10[%dma_wait3A_506, %dma_wait3A_507, %dma_wait3A_508] : memref<4x64x64xf32, #tpu.memory_space<vmem>> -> memref<1x64x64xf32, #tpu.memory_space<vmem>>
      %dma_wait3A_510 = tpu.memref_squeeze %dma_wait3A_509 : memref<1x64x64xf32, #tpu.memory_space<vmem>> -> memref<64x64xf32, #tpu.memory_space<vmem>>
      %dma_wait3A_511 = arith.constant 0 : i32
      %dma_wait3A_512 = tpu.memref_slice %arg8[%add3A_505, %dma_wait3A_511] : memref<40x64xi32, #tpu.memory_space<vmem>> -> memref<1x64xi32, #tpu.memory_space<vmem>>
      %dma_wait3A_513 = tpu.memref_squeeze %dma_wait3A_512 : memref<1x64xi32, #tpu.memory_space<vmem>> -> memref<64xi32, #tpu.memory_space<vmem>>
      %dma_wait3A_514 = arith.constant 0 : i32
      %dma_wait3A_515 = arith.constant 0 : i32
      %dma_wait3A_516 = tpu.memref_slice %arg7[%dma_wait3A_514, %dma_wait3A_515] : memref<10240x64xf32, #tpu.memory_space<vmem_shared>> -> memref<10240x64xf32, #tpu.memory_space<vmem_shared>>
      tpu.wait_indirect_dma semaphore(%arg11 : memref<!tpu.dma_semaphore, #tpu.memory_space<semaphore_mem>>) src(%dma_wait3A_516 : memref<10240x64xf32, #tpu.memory_space<vmem_shared>>) dst(%dma_wait3A_510 : memref<64x64xf32, #tpu.memory_space<vmem>>)
      %gt3A = arith.constant 1 : i32
      %gt3A_517 = arith.cmpi sgt, %add3A_505, %gt3A : i32
      %convert_element_type3A_518 = arith.extui %gt3A_517 : i1 to i32
      %cond3A_519 = arith.constant 0 : i32
      %cond3A_520 = arith.cmpi ne, %convert_element_type3A_518, %cond3A_519 : i32
      scf.if %cond3A_520 {
        %sub3A_655 = arith.constant 2 : i32
        %sub3A_656 = arith.subi %add3A_505, %sub3A_655 : i32
        %dma_wait3A_657 = arith.constant 2 : i32
        %dma_wait3A_658 = arith.constant 0 : i32
        %dma_wait3A_659 = arith.constant 0 : i32
        %dma_wait3A_660 = tpu.memref_slice %arg10[%dma_wait3A_657, %dma_wait3A_658, %dma_wait3A_659] : memref<4x64x64xf32, #tpu.memory_space<vmem>> -> memref<1x64x64xf32, #tpu.memory_space<vmem>>
        %dma_wait3A_661 = tpu.memref_squeeze %dma_wait3A_660 : memref<1x64x64xf32, #tpu.memory_space<vmem>> -> memref<64x64xf32, #tpu.memory_space<vmem>>
        %dma_wait3A_662 = arith.constant 0 : i32
        %dma_wait3A_663 = tpu.memref_slice %arg9[%sub3A_656, %dma_wait3A_662] : memref<40x64xi32, #tpu.memory_space<vmem>> -> memref<1x64xi32, #tpu.memory_space<vmem>>
        %dma_wait3A_664 = tpu.memref_squeeze %dma_wait3A_663 : memref<1x64xi32, #tpu.memory_space<vmem>> -> memref<64xi32, #tpu.memory_space<vmem>>
        %dma_wait3A_665 = arith.constant 0 : i32
        %dma_wait3A_666 = arith.constant 0 : i32
        %dma_wait3A_667 = tpu.memref_slice %arg6[%dma_wait3A_665, %dma_wait3A_666] : memref<10240x64xf32, #tpu.memory_space<vmem_shared>> -> memref<10240x64xf32, #tpu.memory_space<vmem_shared>>
        tpu.wait_indirect_dma semaphore(%arg17 : memref<!tpu.dma_semaphore, #tpu.memory_space<semaphore_mem>>) src(%dma_wait3A_661 : memref<64x64xf32, #tpu.memory_space<vmem>>) dst(%dma_wait3A_667 : memref<10240x64xf32, #tpu.memory_space<vmem_shared>>)
      } else {
      }
      %dma_start3A_521 = arith.constant 0 : i32
      %dma_start3A_522 = arith.constant 0 : i32
      %dma_start3A_523 = arith.constant 0 : i32
      %dma_start3A_524 = tpu.memref_slice %arg10[%dma_start3A_521, %dma_start3A_522, %dma_start3A_523] : memref<4x64x64xf32, #tpu.memory_space<vmem>> -> memref<1x64x64xf32, #tpu.memory_space<vmem>>
      %dma_start3A_525 = tpu.memref_squeeze %dma_start3A_524 : memref<1x64x64xf32, #tpu.memory_space<vmem>> -> memref<64x64xf32, #tpu.memory_space<vmem>>
      %dma_start3A_526 = arith.constant 0 : i32
      %dma_start3A_527 = tpu.memref_slice %arg9[%add3A_505, %dma_start3A_526] : memref<40x64xi32, #tpu.memory_space<vmem>> -> memref<1x64xi32, #tpu.memory_space<vmem>>
      %dma_start3A_528 = tpu.memref_squeeze %dma_start3A_527 : memref<1x64xi32, #tpu.memory_space<vmem>> -> memref<64xi32, #tpu.memory_space<vmem>>
      %dma_start3A_529 = arith.constant 0 : i32
      %dma_start3A_530 = arith.constant 0 : i32
      %dma_start3A_531 = tpu.memref_slice %arg6[%dma_start3A_529, %dma_start3A_530] : memref<10240x64xf32, #tpu.memory_space<vmem_shared>> -> memref<10240x64xf32, #tpu.memory_space<vmem_shared>>
      tpu.enqueue_indirect_dma source(%dma_start3A_525 : memref<64x64xf32, #tpu.memory_space<vmem>>) target(%dma_start3A_531 : memref<10240x64xf32, #tpu.memory_space<vmem_shared>>) offsets(%dma_start3A_528 : memref<64xi32, #tpu.memory_space<vmem>>) semaphore(%arg15 : memref<!tpu.dma_semaphore, #tpu.memory_space<semaphore_mem>>) {add = true}
      %add3A_532 = arith.constant 4 : i32
      %add3A_533 = arith.addi %add3A_505, %add3A_532 : i32
      %sub3A = arith.constant 2 : i32
      %sub3A_534 = arith.subi %add3A_533, %sub3A : i32
      %lt3A_535 = arith.constant 40 : i32
      %lt3A_536 = arith.cmpi slt, %sub3A_534, %lt3A_535 : i32
      %convert_element_type3A_537 = arith.extui %lt3A_536 : i1 to i32
      %cond3A_538 = arith.constant 0 : i32
      %cond3A_539 = arith.cmpi ne, %convert_element_type3A_537, %cond3A_538 : i32
      scf.if %cond3A_539 {
        %dma_start3A_655 = arith.constant 2 : i32
        %dma_start3A_656 = arith.constant 0 : i32
        %dma_start3A_657 = arith.constant 0 : i32
        %dma_start3A_658 = tpu.memref_slice %arg10[%dma_start3A_655, %dma_start3A_656, %dma_start3A_657] : memref<4x64x64xf32, #tpu.memory_space<vmem>> -> memref<1x64x64xf32, #tpu.memory_space<vmem>>
        %dma_start3A_659 = tpu.memref_squeeze %dma_start3A_658 : memref<1x64x64xf32, #tpu.memory_space<vmem>> -> memref<64x64xf32, #tpu.memory_space<vmem>>
        %dma_start3A_660 = arith.constant 0 : i32
        %dma_start3A_661 = tpu.memref_slice %arg8[%sub3A_534, %dma_start3A_660] : memref<40x64xi32, #tpu.memory_space<vmem>> -> memref<1x64xi32, #tpu.memory_space<vmem>>
        %dma_start3A_662 = tpu.memref_squeeze %dma_start3A_661 : memref<1x64xi32, #tpu.memory_space<vmem>> -> memref<64xi32, #tpu.memory_space<vmem>>
        %dma_start3A_663 = arith.constant 0 : i32
        %dma_start3A_664 = arith.constant 0 : i32
        %dma_start3A_665 = tpu.memref_slice %arg7[%dma_start3A_663, %dma_start3A_664] : memref<10240x64xf32, #tpu.memory_space<vmem_shared>> -> memref<10240x64xf32, #tpu.memory_space<vmem_shared>>
        tpu.enqueue_indirect_dma source(%dma_start3A_665 : memref<10240x64xf32, #tpu.memory_space<vmem_shared>>) target(%dma_start3A_659 : memref<64x64xf32, #tpu.memory_space<vmem>>) offsets(%dma_start3A_662 : memref<64xi32, #tpu.memory_space<vmem>>) semaphore(%arg13 : memref<!tpu.dma_semaphore, #tpu.memory_space<semaphore_mem>>)
      } else {
      }
      %add3A_540 = arith.constant 1 : i32
      %add3A_541 = arith.addi %mul3A_503, %add3A_540 : i32
      %dma_wait3A_542 = arith.constant 1 : i32
      %dma_wait3A_543 = arith.constant 0 : i32
      %dma_wait3A_544 = arith.constant 0 : i32
      %dma_wait3A_545 = tpu.memref_slice %arg10[%dma_wait3A_542, %dma_wait3A_543, %dma_wait3A_544] : memref<4x64x64xf32, #tpu.memory_space<vmem>> -> memref<1x64x64xf32, #tpu.memory_space<vmem>>
      %dma_wait3A_546 = tpu.memref_squeeze %dma_wait3A_545 : memref<1x64x64xf32, #tpu.memory_space<vmem>> -> memref<64x64xf32, #tpu.memory_space<vmem>>
      %dma_wait3A_547 = arith.constant 0 : i32
      %dma_wait3A_548 = tpu.memref_slice %arg8[%add3A_541, %dma_wait3A_547] : memref<40x64xi32, #tpu.memory_space<vmem>> -> memref<1x64xi32, #tpu.memory_space<vmem>>
      %dma_wait3A_549 = tpu.memref_squeeze %dma_wait3A_548 : memref<1x64xi32, #tpu.memory_space<vmem>> -> memref<64xi32, #tpu.memory_space<vmem>>
      %dma_wait3A_550 = arith.constant 0 : i32
      %dma_wait3A_551 = arith.constant 0 : i32
      %dma_wait3A_552 = tpu.memref_slice %arg7[%dma_wait3A_550, %dma_wait3A_551] : memref<10240x64xf32, #tpu.memory_space<vmem_shared>> -> memref<10240x64xf32, #tpu.memory_space<vmem_shared>>
      tpu.wait_indirect_dma semaphore(%arg12 : memref<!tpu.dma_semaphore, #tpu.memory_space<semaphore_mem>>) src(%dma_wait3A_552 : memref<10240x64xf32, #tpu.memory_space<vmem_shared>>) dst(%dma_wait3A_546 : memref<64x64xf32, #tpu.memory_space<vmem>>)
      %gt3A_553 = arith.constant 1 : i32
      %gt3A_554 = arith.cmpi sgt, %add3A_541, %gt3A_553 : i32
      %convert_element_type3A_555 = arith.extui %gt3A_554 : i1 to i32
      %cond3A_556 = arith.constant 0 : i32
      %cond3A_557 = arith.cmpi ne, %convert_element_type3A_555, %cond3A_556 : i32
      scf.if %cond3A_557 {
        %sub3A_655 = arith.constant 2 : i32
        %sub3A_656 = arith.subi %add3A_541, %sub3A_655 : i32
        %dma_wait3A_657 = arith.constant 3 : i32
        %dma_wait3A_658 = arith.constant 0 : i32
        %dma_wait3A_659 = arith.constant 0 : i32
        %dma_wait3A_660 = tpu.memref_slice %arg10[%dma_wait3A_657, %dma_wait3A_658, %dma_wait3A_659] : memref<4x64x64xf32, #tpu.memory_space<vmem>> -> memref<1x64x64xf32, #tpu.memory_space<vmem>>
        %dma_wait3A_661 = tpu.memref_squeeze %dma_wait3A_660 : memref<1x64x64xf32, #tpu.memory_space<vmem>> -> memref<64x64xf32, #tpu.memory_space<vmem>>
        %dma_wait3A_662 = arith.constant 0 : i32
        %dma_wait3A_663 = tpu.memref_slice %arg9[%sub3A_656, %dma_wait3A_662] : memref<40x64xi32, #tpu.memory_space<vmem>> -> memref<1x64xi32, #tpu.memory_space<vmem>>
        %dma_wait3A_664 = tpu.memref_squeeze %dma_wait3A_663 : memref<1x64xi32, #tpu.memory_space<vmem>> -> memref<64xi32, #tpu.memory_space<vmem>>
        %dma_wait3A_665 = arith.constant 0 : i32
        %dma_wait3A_666 = arith.constant 0 : i32
        %dma_wait3A_667 = tpu.memref_slice %arg6[%dma_wait3A_665, %dma_wait3A_666] : memref<10240x64xf32, #tpu.memory_space<vmem_shared>> -> memref<10240x64xf32, #tpu.memory_space<vmem_shared>>
        tpu.wait_indirect_dma semaphore(%arg18 : memref<!tpu.dma_semaphore, #tpu.memory_space<semaphore_mem>>) src(%dma_wait3A_661 : memref<64x64xf32, #tpu.memory_space<vmem>>) dst(%dma_wait3A_667 : memref<10240x64xf32, #tpu.memory_space<vmem_shared>>)
      } else {
      }
      %dma_start3A_558 = arith.constant 1 : i32
      %dma_start3A_559 = arith.constant 0 : i32
      %dma_start3A_560 = arith.constant 0 : i32
      %dma_start3A_561 = tpu.memref_slice %arg10[%dma_start3A_558, %dma_start3A_559, %dma_start3A_560] : memref<4x64x64xf32, #tpu.memory_space<vmem>> -> memref<1x64x64xf32, #tpu.memory_space<vmem>>
      %dma_start3A_562 = tpu.memref_squeeze %dma_start3A_561 : memref<1x64x64xf32, #tpu.memory_space<vmem>> -> memref<64x64xf32, #tpu.memory_space<vmem>>
      %dma_start3A_563 = arith.constant 0 : i32
      %dma_start3A_564 = tpu.memref_slice %arg9[%add3A_541, %dma_start3A_563] : memref<40x64xi32, #tpu.memory_space<vmem>> -> memref<1x64xi32, #tpu.memory_space<vmem>>
      %dma_start3A_565 = tpu.memref_squeeze %dma_start3A_564 : memref<1x64xi32, #tpu.memory_space<vmem>> -> memref<64xi32, #tpu.memory_space<vmem>>
      %dma_start3A_566 = arith.constant 0 : i32
      %dma_start3A_567 = arith.constant 0 : i32
      %dma_start3A_568 = tpu.memref_slice %arg6[%dma_start3A_566, %dma_start3A_567] : memref<10240x64xf32, #tpu.memory_space<vmem_shared>> -> memref<10240x64xf32, #tpu.memory_space<vmem_shared>>
      tpu.enqueue_indirect_dma source(%dma_start3A_562 : memref<64x64xf32, #tpu.memory_space<vmem>>) target(%dma_start3A_568 : memref<10240x64xf32, #tpu.memory_space<vmem_shared>>) offsets(%dma_start3A_565 : memref<64xi32, #tpu.memory_space<vmem>>) semaphore(%arg16 : memref<!tpu.dma_semaphore, #tpu.memory_space<semaphore_mem>>) {add = true}
      %add3A_569 = arith.constant 4 : i32
      %add3A_570 = arith.addi %add3A_541, %add3A_569 : i32
      %sub3A_571 = arith.constant 2 : i32
      %sub3A_572 = arith.subi %add3A_570, %sub3A_571 : i32
      %lt3A_573 = arith.constant 40 : i32
      %lt3A_574 = arith.cmpi slt, %sub3A_572, %lt3A_573 : i32
      %convert_element_type3A_575 = arith.extui %lt3A_574 : i1 to i32
      %cond3A_576 = arith.constant 0 : i32
      %cond3A_577 = arith.cmpi ne, %convert_element_type3A_575, %cond3A_576 : i32
      scf.if %cond3A_577 {
        %dma_start3A_655 = arith.constant 3 : i32
        %dma_start3A_656 = arith.constant 0 : i32
        %dma_start3A_657 = arith.constant 0 : i32
        %dma_start3A_658 = tpu.memref_slice %arg10[%dma_start3A_655, %dma_start3A_656, %dma_start3A_657] : memref<4x64x64xf32, #tpu.memory_space<vmem>> -> memref<1x64x64xf32, #tpu.memory_space<vmem>>
        %dma_start3A_659 = tpu.memref_squeeze %dma_start3A_658 : memref<1x64x64xf32, #tpu.memory_space<vmem>> -> memref<64x64xf32, #tpu.memory_space<vmem>>
        %dma_start3A_660 = arith.constant 0 : i32
        %dma_start3A_661 = tpu.memref_slice %arg8[%sub3A_572, %dma_start3A_660] : memref<40x64xi32, #tpu.memory_space<vmem>> -> memref<1x64xi32, #tpu.memory_space<vmem>>
        %dma_start3A_662 = tpu.memref_squeeze %dma_start3A_661 : memref<1x64xi32, #tpu.memory_space<vmem>> -> memref<64xi32, #tpu.memory_space<vmem>>
        %dma_start3A_663 = arith.constant 0 : i32
        %dma_start3A_664 = arith.constant 0 : i32
        %dma_start3A_665 = tpu.memref_slice %arg7[%dma_start3A_663, %dma_start3A_664] : memref<10240x64xf32, #tpu.memory_space<vmem_shared>> -> memref<10240x64xf32, #tpu.memory_space<vmem_shared>>
        tpu.enqueue_indirect_dma source(%dma_start3A_665 : memref<10240x64xf32, #tpu.memory_space<vmem_shared>>) target(%dma_start3A_659 : memref<64x64xf32, #tpu.memory_space<vmem>>) offsets(%dma_start3A_662 : memref<64xi32, #tpu.memory_space<vmem>>) semaphore(%arg14 : memref<!tpu.dma_semaphore, #tpu.memory_space<semaphore_mem>>)
      } else {
      }
      %add3A_578 = arith.constant 2 : i32
      %add3A_579 = arith.addi %mul3A_503, %add3A_578 : i32
      %dma_wait3A_580 = arith.constant 2 : i32
      %dma_wait3A_581 = arith.constant 0 : i32
      %dma_wait3A_582 = arith.constant 0 : i32
      %dma_wait3A_583 = tpu.memref_slice %arg10[%dma_wait3A_580, %dma_wait3A_581, %dma_wait3A_582] : memref<4x64x64xf32, #tpu.memory_space<vmem>> -> memref<1x64x64xf32, #tpu.memory_space<vmem>>
      %dma_wait3A_584 = tpu.memref_squeeze %dma_wait3A_583 : memref<1x64x64xf32, #tpu.memory_space<vmem>> -> memref<64x64xf32, #tpu.memory_space<vmem>>
      %dma_wait3A_585 = arith.constant 0 : i32
      %dma_wait3A_586 = tpu.memref_slice %arg8[%add3A_579, %dma_wait3A_585] : memref<40x64xi32, #tpu.memory_space<vmem>> -> memref<1x64xi32, #tpu.memory_space<vmem>>
      %dma_wait3A_587 = tpu.memref_squeeze %dma_wait3A_586 : memref<1x64xi32, #tpu.memory_space<vmem>> -> memref<64xi32, #tpu.memory_space<vmem>>
      %dma_wait3A_588 = arith.constant 0 : i32
      %dma_wait3A_589 = arith.constant 0 : i32
      %dma_wait3A_590 = tpu.memref_slice %arg7[%dma_wait3A_588, %dma_wait3A_589] : memref<10240x64xf32, #tpu.memory_space<vmem_shared>> -> memref<10240x64xf32, #tpu.memory_space<vmem_shared>>
      tpu.wait_indirect_dma semaphore(%arg13 : memref<!tpu.dma_semaphore, #tpu.memory_space<semaphore_mem>>) src(%dma_wait3A_590 : memref<10240x64xf32, #tpu.memory_space<vmem_shared>>) dst(%dma_wait3A_584 : memref<64x64xf32, #tpu.memory_space<vmem>>)
      %gt3A_591 = arith.constant 1 : i32
      %gt3A_592 = arith.cmpi sgt, %add3A_579, %gt3A_591 : i32
      %convert_element_type3A_593 = arith.extui %gt3A_592 : i1 to i32
      %cond3A_594 = arith.constant 0 : i32
      %cond3A_595 = arith.cmpi ne, %convert_element_type3A_593, %cond3A_594 : i32
      scf.if %cond3A_595 {
        %sub3A_655 = arith.constant 2 : i32
        %sub3A_656 = arith.subi %add3A_579, %sub3A_655 : i32
        %dma_wait3A_657 = arith.constant 0 : i32
        %dma_wait3A_658 = arith.constant 0 : i32
        %dma_wait3A_659 = arith.constant 0 : i32
        %dma_wait3A_660 = tpu.memref_slice %arg10[%dma_wait3A_657, %dma_wait3A_658, %dma_wait3A_659] : memref<4x64x64xf32, #tpu.memory_space<vmem>> -> memref<1x64x64xf32, #tpu.memory_space<vmem>>
        %dma_wait3A_661 = tpu.memref_squeeze %dma_wait3A_660 : memref<1x64x64xf32, #tpu.memory_space<vmem>> -> memref<64x64xf32, #tpu.memory_space<vmem>>
        %dma_wait3A_662 = arith.constant 0 : i32
        %dma_wait3A_663 = tpu.memref_slice %arg9[%sub3A_656, %dma_wait3A_662] : memref<40x64xi32, #tpu.memory_space<vmem>> -> memref<1x64xi32, #tpu.memory_space<vmem>>
        %dma_wait3A_664 = tpu.memref_squeeze %dma_wait3A_663 : memref<1x64xi32, #tpu.memory_space<vmem>> -> memref<64xi32, #tpu.memory_space<vmem>>
        %dma_wait3A_665 = arith.constant 0 : i32
        %dma_wait3A_666 = arith.constant 0 : i32
        %dma_wait3A_667 = tpu.memref_slice %arg6[%dma_wait3A_665, %dma_wait3A_666] : memref<10240x64xf32, #tpu.memory_space<vmem_shared>> -> memref<10240x64xf32, #tpu.memory_space<vmem_shared>>
        tpu.wait_indirect_dma semaphore(%arg15 : memref<!tpu.dma_semaphore, #tpu.memory_space<semaphore_mem>>) src(%dma_wait3A_661 : memref<64x64xf32, #tpu.memory_space<vmem>>) dst(%dma_wait3A_667 : memref<10240x64xf32, #tpu.memory_space<vmem_shared>>)
      } else {
      }
      %dma_start3A_596 = arith.constant 2 : i32
      %dma_start3A_597 = arith.constant 0 : i32
      %dma_start3A_598 = arith.constant 0 : i32
      %dma_start3A_599 = tpu.memref_slice %arg10[%dma_start3A_596, %dma_start3A_597, %dma_start3A_598] : memref<4x64x64xf32, #tpu.memory_space<vmem>> -> memref<1x64x64xf32, #tpu.memory_space<vmem>>
      %dma_start3A_600 = tpu.memref_squeeze %dma_start3A_599 : memref<1x64x64xf32, #tpu.memory_space<vmem>> -> memref<64x64xf32, #tpu.memory_space<vmem>>
      %dma_start3A_601 = arith.constant 0 : i32
      %dma_start3A_602 = tpu.memref_slice %arg9[%add3A_579, %dma_start3A_601] : memref<40x64xi32, #tpu.memory_space<vmem>> -> memref<1x64xi32, #tpu.memory_space<vmem>>
      %dma_start3A_603 = tpu.memref_squeeze %dma_start3A_602 : memref<1x64xi32, #tpu.memory_space<vmem>> -> memref<64xi32, #tpu.memory_space<vmem>>
      %dma_start3A_604 = arith.constant 0 : i32
      %dma_start3A_605 = arith.constant 0 : i32
      %dma_start3A_606 = tpu.memref_slice %arg6[%dma_start3A_604, %dma_start3A_605] : memref<10240x64xf32, #tpu.memory_space<vmem_shared>> -> memref<10240x64xf32, #tpu.memory_space<vmem_shared>>
      tpu.enqueue_indirect_dma source(%dma_start3A_600 : memref<64x64xf32, #tpu.memory_space<vmem>>) target(%dma_start3A_606 : memref<10240x64xf32, #tpu.memory_space<vmem_shared>>) offsets(%dma_start3A_603 : memref<64xi32, #tpu.memory_space<vmem>>) semaphore(%arg17 : memref<!tpu.dma_semaphore, #tpu.memory_space<semaphore_mem>>) {add = true}
      %add3A_607 = arith.constant 4 : i32
      %add3A_608 = arith.addi %add3A_579, %add3A_607 : i32
      %sub3A_609 = arith.constant 2 : i32
      %sub3A_610 = arith.subi %add3A_608, %sub3A_609 : i32
      %lt3A_611 = arith.constant 40 : i32
      %lt3A_612 = arith.cmpi slt, %sub3A_610, %lt3A_611 : i32
      %convert_element_type3A_613 = arith.extui %lt3A_612 : i1 to i32
      %cond3A_614 = arith.constant 0 : i32
      %cond3A_615 = arith.cmpi ne, %convert_element_type3A_613, %cond3A_614 : i32
      scf.if %cond3A_615 {
        %dma_start3A_655 = arith.constant 0 : i32
        %dma_start3A_656 = arith.constant 0 : i32
        %dma_start3A_657 = arith.constant 0 : i32
        %dma_start3A_658 = tpu.memref_slice %arg10[%dma_start3A_655, %dma_start3A_656, %dma_start3A_657] : memref<4x64x64xf32, #tpu.memory_space<vmem>> -> memref<1x64x64xf32, #tpu.memory_space<vmem>>
        %dma_start3A_659 = tpu.memref_squeeze %dma_start3A_658 : memref<1x64x64xf32, #tpu.memory_space<vmem>> -> memref<64x64xf32, #tpu.memory_space<vmem>>
        %dma_start3A_660 = arith.constant 0 : i32
        %dma_start3A_661 = tpu.memref_slice %arg8[%sub3A_610, %dma_start3A_660] : memref<40x64xi32, #tpu.memory_space<vmem>> -> memref<1x64xi32, #tpu.memory_space<vmem>>
        %dma_start3A_662 = tpu.memref_squeeze %dma_start3A_661 : memref<1x64xi32, #tpu.memory_space<vmem>> -> memref<64xi32, #tpu.memory_space<vmem>>
        %dma_start3A_663 = arith.constant 0 : i32
        %dma_start3A_664 = arith.constant 0 : i32
        %dma_start3A_665 = tpu.memref_slice %arg7[%dma_start3A_663, %dma_start3A_664] : memref<10240x64xf32, #tpu.memory_space<vmem_shared>> -> memref<10240x64xf32, #tpu.memory_space<vmem_shared>>
        tpu.enqueue_indirect_dma source(%dma_start3A_665 : memref<10240x64xf32, #tpu.memory_space<vmem_shared>>) target(%dma_start3A_659 : memref<64x64xf32, #tpu.memory_space<vmem>>) offsets(%dma_start3A_662 : memref<64xi32, #tpu.memory_space<vmem>>) semaphore(%arg11 : memref<!tpu.dma_semaphore, #tpu.memory_space<semaphore_mem>>)
      } else {
      }
      %add3A_616 = arith.constant 3 : i32
      %add3A_617 = arith.addi %mul3A_503, %add3A_616 : i32
      %dma_wait3A_618 = arith.constant 3 : i32
      %dma_wait3A_619 = arith.constant 0 : i32
      %dma_wait3A_620 = arith.constant 0 : i32
      %dma_wait3A_621 = tpu.memref_slice %arg10[%dma_wait3A_618, %dma_wait3A_619, %dma_wait3A_620] : memref<4x64x64xf32, #tpu.memory_space<vmem>> -> memref<1x64x64xf32, #tpu.memory_space<vmem>>
      %dma_wait3A_622 = tpu.memref_squeeze %dma_wait3A_621 : memref<1x64x64xf32, #tpu.memory_space<vmem>> -> memref<64x64xf32, #tpu.memory_space<vmem>>
      %dma_wait3A_623 = arith.constant 0 : i32
      %dma_wait3A_624 = tpu.memref_slice %arg8[%add3A_617, %dma_wait3A_623] : memref<40x64xi32, #tpu.memory_space<vmem>> -> memref<1x64xi32, #tpu.memory_space<vmem>>
      %dma_wait3A_625 = tpu.memref_squeeze %dma_wait3A_624 : memref<1x64xi32, #tpu.memory_space<vmem>> -> memref<64xi32, #tpu.memory_space<vmem>>
      %dma_wait3A_626 = arith.constant 0 : i32
      %dma_wait3A_627 = arith.constant 0 : i32
      %dma_wait3A_628 = tpu.memref_slice %arg7[%dma_wait3A_626, %dma_wait3A_627] : memref<10240x64xf32, #tpu.memory_space<vmem_shared>> -> memref<10240x64xf32, #tpu.memory_space<vmem_shared>>
      tpu.wait_indirect_dma semaphore(%arg14 : memref<!tpu.dma_semaphore, #tpu.memory_space<semaphore_mem>>) src(%dma_wait3A_628 : memref<10240x64xf32, #tpu.memory_space<vmem_shared>>) dst(%dma_wait3A_622 : memref<64x64xf32, #tpu.memory_space<vmem>>)
      %gt3A_629 = arith.constant 1 : i32
      %gt3A_630 = arith.cmpi sgt, %add3A_617, %gt3A_629 : i32
      %convert_element_type3A_631 = arith.extui %gt3A_630 : i1 to i32
      %cond3A_632 = arith.constant 0 : i32
      %cond3A_633 = arith.cmpi ne, %convert_element_type3A_631, %cond3A_632 : i32
      scf.if %cond3A_633 {
        %sub3A_655 = arith.constant 2 : i32
        %sub3A_656 = arith.subi %add3A_617, %sub3A_655 : i32
        %dma_wait3A_657 = arith.constant 1 : i32
        %dma_wait3A_658 = arith.constant 0 : i32
        %dma_wait3A_659 = arith.constant 0 : i32
        %dma_wait3A_660 = tpu.memref_slice %arg10[%dma_wait3A_657, %dma_wait3A_658, %dma_wait3A_659] : memref<4x64x64xf32, #tpu.memory_space<vmem>> -> memref<1x64x64xf32, #tpu.memory_space<vmem>>
        %dma_wait3A_661 = tpu.memref_squeeze %dma_wait3A_660 : memref<1x64x64xf32, #tpu.memory_space<vmem>> -> memref<64x64xf32, #tpu.memory_space<vmem>>
        %dma_wait3A_662 = arith.constant 0 : i32
        %dma_wait3A_663 = tpu.memref_slice %arg9[%sub3A_656, %dma_wait3A_662] : memref<40x64xi32, #tpu.memory_space<vmem>> -> memref<1x64xi32, #tpu.memory_space<vmem>>
        %dma_wait3A_664 = tpu.memref_squeeze %dma_wait3A_663 : memref<1x64xi32, #tpu.memory_space<vmem>> -> memref<64xi32, #tpu.memory_space<vmem>>
        %dma_wait3A_665 = arith.constant 0 : i32
        %dma_wait3A_666 = arith.constant 0 : i32
        %dma_wait3A_667 = tpu.memref_slice %arg6[%dma_wait3A_665, %dma_wait3A_666] : memref<10240x64xf32, #tpu.memory_space<vmem_shared>> -> memref<10240x64xf32, #tpu.memory_space<vmem_shared>>
        tpu.wait_indirect_dma semaphore(%arg16 : memref<!tpu.dma_semaphore, #tpu.memory_space<semaphore_mem>>) src(%dma_wait3A_661 : memref<64x64xf32, #tpu.memory_space<vmem>>) dst(%dma_wait3A_667 : memref<10240x64xf32, #tpu.memory_space<vmem_shared>>)
      } else {
      }
      %dma_start3A_634 = arith.constant 3 : i32
      %dma_start3A_635 = arith.constant 0 : i32
      %dma_start3A_636 = arith.constant 0 : i32
      %dma_start3A_637 = tpu.memref_slice %arg10[%dma_start3A_634, %dma_start3A_635, %dma_start3A_636] : memref<4x64x64xf32, #tpu.memory_space<vmem>> -> memref<1x64x64xf32, #tpu.memory_space<vmem>>
      %dma_start3A_638 = tpu.memref_squeeze %dma_start3A_637 : memref<1x64x64xf32, #tpu.memory_space<vmem>> -> memref<64x64xf32, #tpu.memory_space<vmem>>
      %dma_start3A_639 = arith.constant 0 : i32
      %dma_start3A_640 = tpu.memref_slice %arg9[%add3A_617, %dma_start3A_639] : memref<40x64xi32, #tpu.memory_space<vmem>> -> memref<1x64xi32, #tpu.memory_space<vmem>>
      %dma_start3A_641 = tpu.memref_squeeze %dma_start3A_640 : memref<1x64xi32, #tpu.memory_space<vmem>> -> memref<64xi32, #tpu.memory_space<vmem>>
      %dma_start3A_642 = arith.constant 0 : i32
      %dma_start3A_643 = arith.constant 0 : i32
      %dma_start3A_644 = tpu.memref_slice %arg6[%dma_start3A_642, %dma_start3A_643] : memref<10240x64xf32, #tpu.memory_space<vmem_shared>> -> memref<10240x64xf32, #tpu.memory_space<vmem_shared>>
      tpu.enqueue_indirect_dma source(%dma_start3A_638 : memref<64x64xf32, #tpu.memory_space<vmem>>) target(%dma_start3A_644 : memref<10240x64xf32, #tpu.memory_space<vmem_shared>>) offsets(%dma_start3A_641 : memref<64xi32, #tpu.memory_space<vmem>>) semaphore(%arg18 : memref<!tpu.dma_semaphore, #tpu.memory_space<semaphore_mem>>) {add = true}
      %add3A_645 = arith.constant 4 : i32
      %add3A_646 = arith.addi %add3A_617, %add3A_645 : i32
      %sub3A_647 = arith.constant 2 : i32
      %sub3A_648 = arith.subi %add3A_646, %sub3A_647 : i32
      %lt3A_649 = arith.constant 40 : i32
      %lt3A_650 = arith.cmpi slt, %sub3A_648, %lt3A_649 : i32
      %convert_element_type3A_651 = arith.extui %lt3A_650 : i1 to i32
      %cond3A_652 = arith.constant 0 : i32
      %cond3A_653 = arith.cmpi ne, %convert_element_type3A_651, %cond3A_652 : i32
      scf.if %cond3A_653 {
        %dma_start3A_655 = arith.constant 1 : i32
        %dma_start3A_656 = arith.constant 0 : i32
        %dma_start3A_657 = arith.constant 0 : i32
        %dma_start3A_658 = tpu.memref_slice %arg10[%dma_start3A_655, %dma_start3A_656, %dma_start3A_657] : memref<4x64x64xf32, #tpu.memory_space<vmem>> -> memref<1x64x64xf32, #tpu.memory_space<vmem>>
        %dma_start3A_659 = tpu.memref_squeeze %dma_start3A_658 : memref<1x64x64xf32, #tpu.memory_space<vmem>> -> memref<64x64xf32, #tpu.memory_space<vmem>>
        %dma_start3A_660 = arith.constant 0 : i32
        %dma_start3A_661 = tpu.memref_slice %arg8[%sub3A_648, %dma_start3A_660] : memref<40x64xi32, #tpu.memory_space<vmem>> -> memref<1x64xi32, #tpu.memory_space<vmem>>
        %dma_start3A_662 = tpu.memref_squeeze %dma_start3A_661 : memref<1x64xi32, #tpu.memory_space<vmem>> -> memref<64xi32, #tpu.memory_space<vmem>>
        %dma_start3A_663 = arith.constant 0 : i32
        %dma_start3A_664 = arith.constant 0 : i32
        %dma_start3A_665 = tpu.memref_slice %arg7[%dma_start3A_663, %dma_start3A_664] : memref<10240x64xf32, #tpu.memory_space<vmem_shared>> -> memref<10240x64xf32, #tpu.memory_space<vmem_shared>>
        tpu.enqueue_indirect_dma source(%dma_start3A_665 : memref<10240x64xf32, #tpu.memory_space<vmem_shared>>) target(%dma_start3A_659 : memref<64x64xf32, #tpu.memory_space<vmem>>) offsets(%dma_start3A_662 : memref<64xi32, #tpu.memory_space<vmem>>) semaphore(%arg12 : memref<!tpu.dma_semaphore, #tpu.memory_space<semaphore_mem>>)
      } else {
      }
      %scan3A_654 = arith.constant 0 : i32
      scf.yield %scan3A_654 : i32
    }
    %scan3A_360 = arith.constant 10 : i32
    %dma_wait3A_361 = arith.constant 2 : i32
    %dma_wait3A_362 = arith.constant 38 : i32
    "tpu.trace_stop"() : () -> ()
    %dma_wait3A_363 = arith.constant 0 : i32
    %dma_wait3A_364 = arith.constant 0 : i32
    %dma_wait3A_365 = tpu.memref_slice %arg10[%dma_wait3A_361, %dma_wait3A_363, %dma_wait3A_364] : memref<4x64x64xf32, #tpu.memory_space<vmem>> -> memref<1x64x64xf32, #tpu.memory_space<vmem>>
    %dma_wait3A_366 = tpu.memref_squeeze %dma_wait3A_365 : memref<1x64x64xf32, #tpu.memory_space<vmem>> -> memref<64x64xf32, #tpu.memory_space<vmem>>
    %dma_wait3A_367 = arith.constant 0 : i32
    %dma_wait3A_368 = tpu.memref_slice %arg9[%dma_wait3A_362, %dma_wait3A_367] : memref<40x64xi32, #tpu.memory_space<vmem>> -> memref<1x64xi32, #tpu.memory_space<vmem>>
    %dma_wait3A_369 = tpu.memref_squeeze %dma_wait3A_368 : memref<1x64xi32, #tpu.memory_space<vmem>> -> memref<64xi32, #tpu.memory_space<vmem>>
    %dma_wait3A_370 = arith.constant 0 : i32
    %dma_wait3A_371 = arith.constant 0 : i32
    %dma_wait3A_372 = tpu.memref_slice %arg6[%dma_wait3A_370, %dma_wait3A_371] : memref<10240x64xf32, #tpu.memory_space<vmem_shared>> -> memref<10240x64xf32, #tpu.memory_space<vmem_shared>>
    tpu.wait_indirect_dma semaphore(%arg17 : memref<!tpu.dma_semaphore, #tpu.memory_space<semaphore_mem>>) src(%dma_wait3A_366 : memref<64x64xf32, #tpu.memory_space<vmem>>) dst(%dma_wait3A_372 : memref<10240x64xf32, #tpu.memory_space<vmem_shared>>)
    %dma_wait3A_373 = arith.constant 3 : i32
    %dma_wait3A_374 = arith.constant 39 : i32
    %dma_wait3A_375 = arith.constant 0 : i32
    %dma_wait3A_376 = arith.constant 0 : i32
    %dma_wait3A_377 = tpu.memref_slice %arg10[%dma_wait3A_373, %dma_wait3A_375, %dma_wait3A_376] : memref<4x64x64xf32, #tpu.memory_space<vmem>> -> memref<1x64x64xf32, #tpu.memory_space<vmem>>
    %dma_wait3A_378 = tpu.memref_squeeze %dma_wait3A_377 : memref<1x64x64xf32, #tpu.memory_space<vmem>> -> memref<64x64xf32, #tpu.memory_space<vmem>>
    %dma_wait3A_379 = arith.constant 0 : i32
    %dma_wait3A_380 = tpu.memref_slice %arg9[%dma_wait3A_374, %dma_wait3A_379] : memref<40x64xi32, #tpu.memory_space<vmem>> -> memref<1x64xi32, #tpu.memory_space<vmem>>
    %dma_wait3A_381 = tpu.memref_squeeze %dma_wait3A_380 : memref<1x64xi32, #tpu.memory_space<vmem>> -> memref<64xi32, #tpu.memory_space<vmem>>
    %dma_wait3A_382 = arith.constant 0 : i32
    %dma_wait3A_383 = arith.constant 0 : i32
    %dma_wait3A_384 = tpu.memref_slice %arg6[%dma_wait3A_382, %dma_wait3A_383] : memref<10240x64xf32, #tpu.memory_space<vmem_shared>> -> memref<10240x64xf32, #tpu.memory_space<vmem_shared>>
    tpu.wait_indirect_dma semaphore(%arg18 : memref<!tpu.dma_semaphore, #tpu.memory_space<semaphore_mem>>) src(%dma_wait3A_378 : memref<64x64xf32, #tpu.memory_space<vmem>>) dst(%dma_wait3A_384 : memref<10240x64xf32, #tpu.memory_space<vmem_shared>>)
    %add3A_385 = arith.constant 240 : i32
    %add3A_386 = arith.addi %mul3A_44, %add3A_385 : i32
    "tpu.region"() ({
      %run_scoped3A_500 = tpu.sem_alloc : memref<!tpu.dma_semaphore, #tpu.memory_space<semaphore_mem>>
      %dma_start3A_501 = arith.constant 0 : i32
      %dma_start3A_502 = tpu.memref_slice %arg3[%add3A_386, %dma_start3A_501] : memref<5120x64xi32, #tpu.memory_space<hbm>> -> memref<40x64xi32, #tpu.memory_space<hbm>>
      %dma_start3A_503 = arith.constant 0 : i32
      %dma_start3A_504 = tpu.memref_slice %arg3[%add3A_386, %dma_start3A_503] : memref<5120x64xi32, #tpu.memory_space<hbm>> -> memref<40x64xi32, #tpu.memory_space<hbm>>
      tpu.enqueue_dma source(%dma_start3A_504 : memref<40x64xi32, #tpu.memory_space<hbm>>) target(%arg8 : memref<40x64xi32, #tpu.memory_space<vmem>>) target_semaphore(%run_scoped3A_500 : memref<!tpu.dma_semaphore, #tpu.memory_space<semaphore_mem>>)
      %dma_wait3A_505 = arith.constant 0 : i32
      %dma_wait3A_506 = tpu.memref_slice %arg3[%add3A_386, %dma_wait3A_505] : memref<5120x64xi32, #tpu.memory_space<hbm>> -> memref<40x64xi32, #tpu.memory_space<hbm>>
      %dma_wait3A_507 = arith.constant 0 : i32
      %dma_wait3A_508 = tpu.memref_slice %arg3[%add3A_386, %dma_wait3A_507] : memref<5120x64xi32, #tpu.memory_space<hbm>> -> memref<40x64xi32, #tpu.memory_space<hbm>>
      tpu.wait_dma2 semaphore(%run_scoped3A_500 : memref<!tpu.dma_semaphore, #tpu.memory_space<semaphore_mem>>) src(%dma_wait3A_508 : memref<40x64xi32, #tpu.memory_space<hbm>>) dst(%arg8 : memref<40x64xi32, #tpu.memory_space<vmem>>)
      tpu.yield
    }) : () -> ()
    "tpu.region"() ({
      %run_scoped3A_500 = tpu.sem_alloc : memref<!tpu.dma_semaphore, #tpu.memory_space<semaphore_mem>>
      %dma_start3A_501 = arith.constant 0 : i32
      %dma_start3A_502 = tpu.memref_slice %arg4[%add3A_386, %dma_start3A_501] : memref<5120x64xi32, #tpu.memory_space<hbm>> -> memref<40x64xi32, #tpu.memory_space<hbm>>
      %dma_start3A_503 = arith.constant 0 : i32
      %dma_start3A_504 = tpu.memref_slice %arg4[%add3A_386, %dma_start3A_503] : memref<5120x64xi32, #tpu.memory_space<hbm>> -> memref<40x64xi32, #tpu.memory_space<hbm>>
      tpu.enqueue_dma source(%dma_start3A_504 : memref<40x64xi32, #tpu.memory_space<hbm>>) target(%arg9 : memref<40x64xi32, #tpu.memory_space<vmem>>) target_semaphore(%run_scoped3A_500 : memref<!tpu.dma_semaphore, #tpu.memory_space<semaphore_mem>>)
      %dma_wait3A_505 = arith.constant 0 : i32
      %dma_wait3A_506 = tpu.memref_slice %arg4[%add3A_386, %dma_wait3A_505] : memref<5120x64xi32, #tpu.memory_space<hbm>> -> memref<40x64xi32, #tpu.memory_space<hbm>>
      %dma_wait3A_507 = arith.constant 0 : i32
      %dma_wait3A_508 = tpu.memref_slice %arg4[%add3A_386, %dma_wait3A_507] : memref<5120x64xi32, #tpu.memory_space<hbm>> -> memref<40x64xi32, #tpu.memory_space<hbm>>
      tpu.wait_dma2 semaphore(%run_scoped3A_500 : memref<!tpu.dma_semaphore, #tpu.memory_space<semaphore_mem>>) src(%dma_wait3A_508 : memref<40x64xi32, #tpu.memory_space<hbm>>) dst(%arg9 : memref<40x64xi32, #tpu.memory_space<vmem>>)
      tpu.yield
    }) : () -> ()
    %dma_start3A_387 = arith.constant 0 : i32
    %dma_start3A_388 = arith.constant 0 : i32
    %dma_start3A_389 = arith.constant 0 : i32
    %dma_start3A_390 = arith.constant 0 : i32
    %dma_start3A_391 = tpu.memref_slice %arg10[%dma_start3A_388, %dma_start3A_389, %dma_start3A_390] : memref<4x64x64xf32, #tpu.memory_space<vmem>> -> memref<1x64x64xf32, #tpu.memory_space<vmem>>
    %dma_start3A_392 = tpu.memref_squeeze %dma_start3A_391 : memref<1x64x64xf32, #tpu.memory_space<vmem>> -> memref<64x64xf32, #tpu.memory_space<vmem>>
    %dma_start3A_393 = arith.constant 0 : i32
    %dma_start3A_394 = tpu.memref_slice %arg8[%dma_start3A_387, %dma_start3A_393] : memref<40x64xi32, #tpu.memory_space<vmem>> -> memref<1x64xi32, #tpu.memory_space<vmem>>
    %dma_start3A_395 = tpu.memref_squeeze %dma_start3A_394 : memref<1x64xi32, #tpu.memory_space<vmem>> -> memref<64xi32, #tpu.memory_space<vmem>>
    %dma_start3A_396 = arith.constant 0 : i32
    %dma_start3A_397 = arith.constant 0 : i32
    %dma_start3A_398 = tpu.memref_slice %arg7[%dma_start3A_396, %dma_start3A_397] : memref<10240x64xf32, #tpu.memory_space<vmem_shared>> -> memref<10240x64xf32, #tpu.memory_space<vmem_shared>>
    tpu.enqueue_indirect_dma source(%dma_start3A_398 : memref<10240x64xf32, #tpu.memory_space<vmem_shared>>) target(%dma_start3A_392 : memref<64x64xf32, #tpu.memory_space<vmem>>) offsets(%dma_start3A_395 : memref<64xi32, #tpu.memory_space<vmem>>) semaphore(%arg11 : memref<!tpu.dma_semaphore, #tpu.memory_space<semaphore_mem>>)
    %dma_start3A_399 = arith.constant 1 : i32
    %dma_start3A_400 = arith.constant 1 : i32
    %dma_start3A_401 = arith.constant 0 : i32
    %dma_start3A_402 = arith.constant 0 : i32
    %dma_start3A_403 = tpu.memref_slice %arg10[%dma_start3A_400, %dma_start3A_401, %dma_start3A_402] : memref<4x64x64xf32, #tpu.memory_space<vmem>> -> memref<1x64x64xf32, #tpu.memory_space<vmem>>
    %dma_start3A_404 = tpu.memref_squeeze %dma_start3A_403 : memref<1x64x64xf32, #tpu.memory_space<vmem>> -> memref<64x64xf32, #tpu.memory_space<vmem>>
    %dma_start3A_405 = arith.constant 0 : i32
    %dma_start3A_406 = tpu.memref_slice %arg8[%dma_start3A_399, %dma_start3A_405] : memref<40x64xi32, #tpu.memory_space<vmem>> -> memref<1x64xi32, #tpu.memory_space<vmem>>
    %dma_start3A_407 = tpu.memref_squeeze %dma_start3A_406 : memref<1x64xi32, #tpu.memory_space<vmem>> -> memref<64xi32, #tpu.memory_space<vmem>>
    %dma_start3A_408 = arith.constant 0 : i32
    %dma_start3A_409 = arith.constant 0 : i32
    %dma_start3A_410 = tpu.memref_slice %arg7[%dma_start3A_408, %dma_start3A_409] : memref<10240x64xf32, #tpu.memory_space<vmem_shared>> -> memref<10240x64xf32, #tpu.memory_space<vmem_shared>>
    tpu.enqueue_indirect_dma source(%dma_start3A_410 : memref<10240x64xf32, #tpu.memory_space<vmem_shared>>) target(%dma_start3A_404 : memref<64x64xf32, #tpu.memory_space<vmem>>) offsets(%dma_start3A_407 : memref<64xi32, #tpu.memory_space<vmem>>) semaphore(%arg12 : memref<!tpu.dma_semaphore, #tpu.memory_space<semaphore_mem>>)
    "tpu.trace_start"() <{level = 10 : i32, message = "p_edge_loop"}> : () -> ()
    %scan3A_411 = arith.constant 0 : i32
    %scan3A_412 = arith.constant 0 : i32
    %scan3A_413 = arith.constant 10 : i32
    %scan3A_414 = arith.addi %scan3A_412, %scan3A_413 : i32
    %scan3A_415 = arith.constant 1 : i32
    %scan3A_416 = scf.for %scan3A_500 = %scan3A_412 to %scan3A_414 step %scan3A_415 iter_args(%scan3A_501 = %scan3A_411) -> (i32)  : i32 {
      %mul3A_502 = arith.constant 4 : i32
      %mul3A_503 = arith.muli %scan3A_500, %mul3A_502 : i32
      %add3A_504 = arith.constant 0 : i32
      %add3A_505 = arith.addi %mul3A_503, %add3A_504 : i32
      %dma_wait3A_506 = arith.constant 0 : i32
      %dma_wait3A_507 = arith.constant 0 : i32
      %dma_wait3A_508 = arith.constant 0 : i32
      %dma_wait3A_509 = tpu.memref_slice %arg10[%dma_wait3A_506, %dma_wait3A_507, %dma_wait3A_508] : memref<4x64x64xf32, #tpu.memory_space<vmem>> -> memref<1x64x64xf32, #tpu.memory_space<vmem>>
      %dma_wait3A_510 = tpu.memref_squeeze %dma_wait3A_509 : memref<1x64x64xf32, #tpu.memory_space<vmem>> -> memref<64x64xf32, #tpu.memory_space<vmem>>
      %dma_wait3A_511 = arith.constant 0 : i32
      %dma_wait3A_512 = tpu.memref_slice %arg8[%add3A_505, %dma_wait3A_511] : memref<40x64xi32, #tpu.memory_space<vmem>> -> memref<1x64xi32, #tpu.memory_space<vmem>>
      %dma_wait3A_513 = tpu.memref_squeeze %dma_wait3A_512 : memref<1x64xi32, #tpu.memory_space<vmem>> -> memref<64xi32, #tpu.memory_space<vmem>>
      %dma_wait3A_514 = arith.constant 0 : i32
      %dma_wait3A_515 = arith.constant 0 : i32
      %dma_wait3A_516 = tpu.memref_slice %arg7[%dma_wait3A_514, %dma_wait3A_515] : memref<10240x64xf32, #tpu.memory_space<vmem_shared>> -> memref<10240x64xf32, #tpu.memory_space<vmem_shared>>
      tpu.wait_indirect_dma semaphore(%arg11 : memref<!tpu.dma_semaphore, #tpu.memory_space<semaphore_mem>>) src(%dma_wait3A_516 : memref<10240x64xf32, #tpu.memory_space<vmem_shared>>) dst(%dma_wait3A_510 : memref<64x64xf32, #tpu.memory_space<vmem>>)
      %gt3A = arith.constant 1 : i32
      %gt3A_517 = arith.cmpi sgt, %add3A_505, %gt3A : i32
      %convert_element_type3A_518 = arith.extui %gt3A_517 : i1 to i32
      %cond3A_519 = arith.constant 0 : i32
      %cond3A_520 = arith.cmpi ne, %convert_element_type3A_518, %cond3A_519 : i32
      scf.if %cond3A_520 {
        %sub3A_655 = arith.constant 2 : i32
        %sub3A_656 = arith.subi %add3A_505, %sub3A_655 : i32
        %dma_wait3A_657 = arith.constant 2 : i32
        %dma_wait3A_658 = arith.constant 0 : i32
        %dma_wait3A_659 = arith.constant 0 : i32
        %dma_wait3A_660 = tpu.memref_slice %arg10[%dma_wait3A_657, %dma_wait3A_658, %dma_wait3A_659] : memref<4x64x64xf32, #tpu.memory_space<vmem>> -> memref<1x64x64xf32, #tpu.memory_space<vmem>>
        %dma_wait3A_661 = tpu.memref_squeeze %dma_wait3A_660 : memref<1x64x64xf32, #tpu.memory_space<vmem>> -> memref<64x64xf32, #tpu.memory_space<vmem>>
        %dma_wait3A_662 = arith.constant 0 : i32
        %dma_wait3A_663 = tpu.memref_slice %arg9[%sub3A_656, %dma_wait3A_662] : memref<40x64xi32, #tpu.memory_space<vmem>> -> memref<1x64xi32, #tpu.memory_space<vmem>>
        %dma_wait3A_664 = tpu.memref_squeeze %dma_wait3A_663 : memref<1x64xi32, #tpu.memory_space<vmem>> -> memref<64xi32, #tpu.memory_space<vmem>>
        %dma_wait3A_665 = arith.constant 0 : i32
        %dma_wait3A_666 = arith.constant 0 : i32
        %dma_wait3A_667 = tpu.memref_slice %arg6[%dma_wait3A_665, %dma_wait3A_666] : memref<10240x64xf32, #tpu.memory_space<vmem_shared>> -> memref<10240x64xf32, #tpu.memory_space<vmem_shared>>
        tpu.wait_indirect_dma semaphore(%arg17 : memref<!tpu.dma_semaphore, #tpu.memory_space<semaphore_mem>>) src(%dma_wait3A_661 : memref<64x64xf32, #tpu.memory_space<vmem>>) dst(%dma_wait3A_667 : memref<10240x64xf32, #tpu.memory_space<vmem_shared>>)
      } else {
      }
      %dma_start3A_521 = arith.constant 0 : i32
      %dma_start3A_522 = arith.constant 0 : i32
      %dma_start3A_523 = arith.constant 0 : i32
      %dma_start3A_524 = tpu.memref_slice %arg10[%dma_start3A_521, %dma_start3A_522, %dma_start3A_523] : memref<4x64x64xf32, #tpu.memory_space<vmem>> -> memref<1x64x64xf32, #tpu.memory_space<vmem>>
      %dma_start3A_525 = tpu.memref_squeeze %dma_start3A_524 : memref<1x64x64xf32, #tpu.memory_space<vmem>> -> memref<64x64xf32, #tpu.memory_space<vmem>>
      %dma_start3A_526 = arith.constant 0 : i32
      %dma_start3A_527 = tpu.memref_slice %arg9[%add3A_505, %dma_start3A_526] : memref<40x64xi32, #tpu.memory_space<vmem>> -> memref<1x64xi32, #tpu.memory_space<vmem>>
      %dma_start3A_528 = tpu.memref_squeeze %dma_start3A_527 : memref<1x64xi32, #tpu.memory_space<vmem>> -> memref<64xi32, #tpu.memory_space<vmem>>
      %dma_start3A_529 = arith.constant 0 : i32
      %dma_start3A_530 = arith.constant 0 : i32
      %dma_start3A_531 = tpu.memref_slice %arg6[%dma_start3A_529, %dma_start3A_530] : memref<10240x64xf32, #tpu.memory_space<vmem_shared>> -> memref<10240x64xf32, #tpu.memory_space<vmem_shared>>
      tpu.enqueue_indirect_dma source(%dma_start3A_525 : memref<64x64xf32, #tpu.memory_space<vmem>>) target(%dma_start3A_531 : memref<10240x64xf32, #tpu.memory_space<vmem_shared>>) offsets(%dma_start3A_528 : memref<64xi32, #tpu.memory_space<vmem>>) semaphore(%arg15 : memref<!tpu.dma_semaphore, #tpu.memory_space<semaphore_mem>>) {add = true}
      %add3A_532 = arith.constant 4 : i32
      %add3A_533 = arith.addi %add3A_505, %add3A_532 : i32
      %sub3A = arith.constant 2 : i32
      %sub3A_534 = arith.subi %add3A_533, %sub3A : i32
      %lt3A_535 = arith.constant 40 : i32
      %lt3A_536 = arith.cmpi slt, %sub3A_534, %lt3A_535 : i32
      %convert_element_type3A_537 = arith.extui %lt3A_536 : i1 to i32
      %cond3A_538 = arith.constant 0 : i32
      %cond3A_539 = arith.cmpi ne, %convert_element_type3A_537, %cond3A_538 : i32
      scf.if %cond3A_539 {
        %dma_start3A_655 = arith.constant 2 : i32
        %dma_start3A_656 = arith.constant 0 : i32
        %dma_start3A_657 = arith.constant 0 : i32
        %dma_start3A_658 = tpu.memref_slice %arg10[%dma_start3A_655, %dma_start3A_656, %dma_start3A_657] : memref<4x64x64xf32, #tpu.memory_space<vmem>> -> memref<1x64x64xf32, #tpu.memory_space<vmem>>
        %dma_start3A_659 = tpu.memref_squeeze %dma_start3A_658 : memref<1x64x64xf32, #tpu.memory_space<vmem>> -> memref<64x64xf32, #tpu.memory_space<vmem>>
        %dma_start3A_660 = arith.constant 0 : i32
        %dma_start3A_661 = tpu.memref_slice %arg8[%sub3A_534, %dma_start3A_660] : memref<40x64xi32, #tpu.memory_space<vmem>> -> memref<1x64xi32, #tpu.memory_space<vmem>>
        %dma_start3A_662 = tpu.memref_squeeze %dma_start3A_661 : memref<1x64xi32, #tpu.memory_space<vmem>> -> memref<64xi32, #tpu.memory_space<vmem>>
        %dma_start3A_663 = arith.constant 0 : i32
        %dma_start3A_664 = arith.constant 0 : i32
        %dma_start3A_665 = tpu.memref_slice %arg7[%dma_start3A_663, %dma_start3A_664] : memref<10240x64xf32, #tpu.memory_space<vmem_shared>> -> memref<10240x64xf32, #tpu.memory_space<vmem_shared>>
        tpu.enqueue_indirect_dma source(%dma_start3A_665 : memref<10240x64xf32, #tpu.memory_space<vmem_shared>>) target(%dma_start3A_659 : memref<64x64xf32, #tpu.memory_space<vmem>>) offsets(%dma_start3A_662 : memref<64xi32, #tpu.memory_space<vmem>>) semaphore(%arg13 : memref<!tpu.dma_semaphore, #tpu.memory_space<semaphore_mem>>)
      } else {
      }
      %add3A_540 = arith.constant 1 : i32
      %add3A_541 = arith.addi %mul3A_503, %add3A_540 : i32
      %dma_wait3A_542 = arith.constant 1 : i32
      %dma_wait3A_543 = arith.constant 0 : i32
      %dma_wait3A_544 = arith.constant 0 : i32
      %dma_wait3A_545 = tpu.memref_slice %arg10[%dma_wait3A_542, %dma_wait3A_543, %dma_wait3A_544] : memref<4x64x64xf32, #tpu.memory_space<vmem>> -> memref<1x64x64xf32, #tpu.memory_space<vmem>>
      %dma_wait3A_546 = tpu.memref_squeeze %dma_wait3A_545 : memref<1x64x64xf32, #tpu.memory_space<vmem>> -> memref<64x64xf32, #tpu.memory_space<vmem>>
      %dma_wait3A_547 = arith.constant 0 : i32
      %dma_wait3A_548 = tpu.memref_slice %arg8[%add3A_541, %dma_wait3A_547] : memref<40x64xi32, #tpu.memory_space<vmem>> -> memref<1x64xi32, #tpu.memory_space<vmem>>
      %dma_wait3A_549 = tpu.memref_squeeze %dma_wait3A_548 : memref<1x64xi32, #tpu.memory_space<vmem>> -> memref<64xi32, #tpu.memory_space<vmem>>
      %dma_wait3A_550 = arith.constant 0 : i32
      %dma_wait3A_551 = arith.constant 0 : i32
      %dma_wait3A_552 = tpu.memref_slice %arg7[%dma_wait3A_550, %dma_wait3A_551] : memref<10240x64xf32, #tpu.memory_space<vmem_shared>> -> memref<10240x64xf32, #tpu.memory_space<vmem_shared>>
      tpu.wait_indirect_dma semaphore(%arg12 : memref<!tpu.dma_semaphore, #tpu.memory_space<semaphore_mem>>) src(%dma_wait3A_552 : memref<10240x64xf32, #tpu.memory_space<vmem_shared>>) dst(%dma_wait3A_546 : memref<64x64xf32, #tpu.memory_space<vmem>>)
      %gt3A_553 = arith.constant 1 : i32
      %gt3A_554 = arith.cmpi sgt, %add3A_541, %gt3A_553 : i32
      %convert_element_type3A_555 = arith.extui %gt3A_554 : i1 to i32
      %cond3A_556 = arith.constant 0 : i32
      %cond3A_557 = arith.cmpi ne, %convert_element_type3A_555, %cond3A_556 : i32
      scf.if %cond3A_557 {
        %sub3A_655 = arith.constant 2 : i32
        %sub3A_656 = arith.subi %add3A_541, %sub3A_655 : i32
        %dma_wait3A_657 = arith.constant 3 : i32
        %dma_wait3A_658 = arith.constant 0 : i32
        %dma_wait3A_659 = arith.constant 0 : i32
        %dma_wait3A_660 = tpu.memref_slice %arg10[%dma_wait3A_657, %dma_wait3A_658, %dma_wait3A_659] : memref<4x64x64xf32, #tpu.memory_space<vmem>> -> memref<1x64x64xf32, #tpu.memory_space<vmem>>
        %dma_wait3A_661 = tpu.memref_squeeze %dma_wait3A_660 : memref<1x64x64xf32, #tpu.memory_space<vmem>> -> memref<64x64xf32, #tpu.memory_space<vmem>>
        %dma_wait3A_662 = arith.constant 0 : i32
        %dma_wait3A_663 = tpu.memref_slice %arg9[%sub3A_656, %dma_wait3A_662] : memref<40x64xi32, #tpu.memory_space<vmem>> -> memref<1x64xi32, #tpu.memory_space<vmem>>
        %dma_wait3A_664 = tpu.memref_squeeze %dma_wait3A_663 : memref<1x64xi32, #tpu.memory_space<vmem>> -> memref<64xi32, #tpu.memory_space<vmem>>
        %dma_wait3A_665 = arith.constant 0 : i32
        %dma_wait3A_666 = arith.constant 0 : i32
        %dma_wait3A_667 = tpu.memref_slice %arg6[%dma_wait3A_665, %dma_wait3A_666] : memref<10240x64xf32, #tpu.memory_space<vmem_shared>> -> memref<10240x64xf32, #tpu.memory_space<vmem_shared>>
        tpu.wait_indirect_dma semaphore(%arg18 : memref<!tpu.dma_semaphore, #tpu.memory_space<semaphore_mem>>) src(%dma_wait3A_661 : memref<64x64xf32, #tpu.memory_space<vmem>>) dst(%dma_wait3A_667 : memref<10240x64xf32, #tpu.memory_space<vmem_shared>>)
      } else {
      }
      %dma_start3A_558 = arith.constant 1 : i32
      %dma_start3A_559 = arith.constant 0 : i32
      %dma_start3A_560 = arith.constant 0 : i32
      %dma_start3A_561 = tpu.memref_slice %arg10[%dma_start3A_558, %dma_start3A_559, %dma_start3A_560] : memref<4x64x64xf32, #tpu.memory_space<vmem>> -> memref<1x64x64xf32, #tpu.memory_space<vmem>>
      %dma_start3A_562 = tpu.memref_squeeze %dma_start3A_561 : memref<1x64x64xf32, #tpu.memory_space<vmem>> -> memref<64x64xf32, #tpu.memory_space<vmem>>
      %dma_start3A_563 = arith.constant 0 : i32
      %dma_start3A_564 = tpu.memref_slice %arg9[%add3A_541, %dma_start3A_563] : memref<40x64xi32, #tpu.memory_space<vmem>> -> memref<1x64xi32, #tpu.memory_space<vmem>>
      %dma_start3A_565 = tpu.memref_squeeze %dma_start3A_564 : memref<1x64xi32, #tpu.memory_space<vmem>> -> memref<64xi32, #tpu.memory_space<vmem>>
      %dma_start3A_566 = arith.constant 0 : i32
      %dma_start3A_567 = arith.constant 0 : i32
      %dma_start3A_568 = tpu.memref_slice %arg6[%dma_start3A_566, %dma_start3A_567] : memref<10240x64xf32, #tpu.memory_space<vmem_shared>> -> memref<10240x64xf32, #tpu.memory_space<vmem_shared>>
      tpu.enqueue_indirect_dma source(%dma_start3A_562 : memref<64x64xf32, #tpu.memory_space<vmem>>) target(%dma_start3A_568 : memref<10240x64xf32, #tpu.memory_space<vmem_shared>>) offsets(%dma_start3A_565 : memref<64xi32, #tpu.memory_space<vmem>>) semaphore(%arg16 : memref<!tpu.dma_semaphore, #tpu.memory_space<semaphore_mem>>) {add = true}
      %add3A_569 = arith.constant 4 : i32
      %add3A_570 = arith.addi %add3A_541, %add3A_569 : i32
      %sub3A_571 = arith.constant 2 : i32
      %sub3A_572 = arith.subi %add3A_570, %sub3A_571 : i32
      %lt3A_573 = arith.constant 40 : i32
      %lt3A_574 = arith.cmpi slt, %sub3A_572, %lt3A_573 : i32
      %convert_element_type3A_575 = arith.extui %lt3A_574 : i1 to i32
      %cond3A_576 = arith.constant 0 : i32
      %cond3A_577 = arith.cmpi ne, %convert_element_type3A_575, %cond3A_576 : i32
      scf.if %cond3A_577 {
        %dma_start3A_655 = arith.constant 3 : i32
        %dma_start3A_656 = arith.constant 0 : i32
        %dma_start3A_657 = arith.constant 0 : i32
        %dma_start3A_658 = tpu.memref_slice %arg10[%dma_start3A_655, %dma_start3A_656, %dma_start3A_657] : memref<4x64x64xf32, #tpu.memory_space<vmem>> -> memref<1x64x64xf32, #tpu.memory_space<vmem>>
        %dma_start3A_659 = tpu.memref_squeeze %dma_start3A_658 : memref<1x64x64xf32, #tpu.memory_space<vmem>> -> memref<64x64xf32, #tpu.memory_space<vmem>>
        %dma_start3A_660 = arith.constant 0 : i32
        %dma_start3A_661 = tpu.memref_slice %arg8[%sub3A_572, %dma_start3A_660] : memref<40x64xi32, #tpu.memory_space<vmem>> -> memref<1x64xi32, #tpu.memory_space<vmem>>
        %dma_start3A_662 = tpu.memref_squeeze %dma_start3A_661 : memref<1x64xi32, #tpu.memory_space<vmem>> -> memref<64xi32, #tpu.memory_space<vmem>>
        %dma_start3A_663 = arith.constant 0 : i32
        %dma_start3A_664 = arith.constant 0 : i32
        %dma_start3A_665 = tpu.memref_slice %arg7[%dma_start3A_663, %dma_start3A_664] : memref<10240x64xf32, #tpu.memory_space<vmem_shared>> -> memref<10240x64xf32, #tpu.memory_space<vmem_shared>>
        tpu.enqueue_indirect_dma source(%dma_start3A_665 : memref<10240x64xf32, #tpu.memory_space<vmem_shared>>) target(%dma_start3A_659 : memref<64x64xf32, #tpu.memory_space<vmem>>) offsets(%dma_start3A_662 : memref<64xi32, #tpu.memory_space<vmem>>) semaphore(%arg14 : memref<!tpu.dma_semaphore, #tpu.memory_space<semaphore_mem>>)
      } else {
      }
      %add3A_578 = arith.constant 2 : i32
      %add3A_579 = arith.addi %mul3A_503, %add3A_578 : i32
      %dma_wait3A_580 = arith.constant 2 : i32
      %dma_wait3A_581 = arith.constant 0 : i32
      %dma_wait3A_582 = arith.constant 0 : i32
      %dma_wait3A_583 = tpu.memref_slice %arg10[%dma_wait3A_580, %dma_wait3A_581, %dma_wait3A_582] : memref<4x64x64xf32, #tpu.memory_space<vmem>> -> memref<1x64x64xf32, #tpu.memory_space<vmem>>
      %dma_wait3A_584 = tpu.memref_squeeze %dma_wait3A_583 : memref<1x64x64xf32, #tpu.memory_space<vmem>> -> memref<64x64xf32, #tpu.memory_space<vmem>>
      %dma_wait3A_585 = arith.constant 0 : i32
      %dma_wait3A_586 = tpu.memref_slice %arg8[%add3A_579, %dma_wait3A_585] : memref<40x64xi32, #tpu.memory_space<vmem>> -> memref<1x64xi32, #tpu.memory_space<vmem>>
      %dma_wait3A_587 = tpu.memref_squeeze %dma_wait3A_586 : memref<1x64xi32, #tpu.memory_space<vmem>> -> memref<64xi32, #tpu.memory_space<vmem>>
      %dma_wait3A_588 = arith.constant 0 : i32
      %dma_wait3A_589 = arith.constant 0 : i32
      %dma_wait3A_590 = tpu.memref_slice %arg7[%dma_wait3A_588, %dma_wait3A_589] : memref<10240x64xf32, #tpu.memory_space<vmem_shared>> -> memref<10240x64xf32, #tpu.memory_space<vmem_shared>>
      tpu.wait_indirect_dma semaphore(%arg13 : memref<!tpu.dma_semaphore, #tpu.memory_space<semaphore_mem>>) src(%dma_wait3A_590 : memref<10240x64xf32, #tpu.memory_space<vmem_shared>>) dst(%dma_wait3A_584 : memref<64x64xf32, #tpu.memory_space<vmem>>)
      %gt3A_591 = arith.constant 1 : i32
      %gt3A_592 = arith.cmpi sgt, %add3A_579, %gt3A_591 : i32
      %convert_element_type3A_593 = arith.extui %gt3A_592 : i1 to i32
      %cond3A_594 = arith.constant 0 : i32
      %cond3A_595 = arith.cmpi ne, %convert_element_type3A_593, %cond3A_594 : i32
      scf.if %cond3A_595 {
        %sub3A_655 = arith.constant 2 : i32
        %sub3A_656 = arith.subi %add3A_579, %sub3A_655 : i32
        %dma_wait3A_657 = arith.constant 0 : i32
        %dma_wait3A_658 = arith.constant 0 : i32
        %dma_wait3A_659 = arith.constant 0 : i32
        %dma_wait3A_660 = tpu.memref_slice %arg10[%dma_wait3A_657, %dma_wait3A_658, %dma_wait3A_659] : memref<4x64x64xf32, #tpu.memory_space<vmem>> -> memref<1x64x64xf32, #tpu.memory_space<vmem>>
        %dma_wait3A_661 = tpu.memref_squeeze %dma_wait3A_660 : memref<1x64x64xf32, #tpu.memory_space<vmem>> -> memref<64x64xf32, #tpu.memory_space<vmem>>
        %dma_wait3A_662 = arith.constant 0 : i32
        %dma_wait3A_663 = tpu.memref_slice %arg9[%sub3A_656, %dma_wait3A_662] : memref<40x64xi32, #tpu.memory_space<vmem>> -> memref<1x64xi32, #tpu.memory_space<vmem>>
        %dma_wait3A_664 = tpu.memref_squeeze %dma_wait3A_663 : memref<1x64xi32, #tpu.memory_space<vmem>> -> memref<64xi32, #tpu.memory_space<vmem>>
        %dma_wait3A_665 = arith.constant 0 : i32
        %dma_wait3A_666 = arith.constant 0 : i32
        %dma_wait3A_667 = tpu.memref_slice %arg6[%dma_wait3A_665, %dma_wait3A_666] : memref<10240x64xf32, #tpu.memory_space<vmem_shared>> -> memref<10240x64xf32, #tpu.memory_space<vmem_shared>>
        tpu.wait_indirect_dma semaphore(%arg15 : memref<!tpu.dma_semaphore, #tpu.memory_space<semaphore_mem>>) src(%dma_wait3A_661 : memref<64x64xf32, #tpu.memory_space<vmem>>) dst(%dma_wait3A_667 : memref<10240x64xf32, #tpu.memory_space<vmem_shared>>)
      } else {
      }
      %dma_start3A_596 = arith.constant 2 : i32
      %dma_start3A_597 = arith.constant 0 : i32
      %dma_start3A_598 = arith.constant 0 : i32
      %dma_start3A_599 = tpu.memref_slice %arg10[%dma_start3A_596, %dma_start3A_597, %dma_start3A_598] : memref<4x64x64xf32, #tpu.memory_space<vmem>> -> memref<1x64x64xf32, #tpu.memory_space<vmem>>
      %dma_start3A_600 = tpu.memref_squeeze %dma_start3A_599 : memref<1x64x64xf32, #tpu.memory_space<vmem>> -> memref<64x64xf32, #tpu.memory_space<vmem>>
      %dma_start3A_601 = arith.constant 0 : i32
      %dma_start3A_602 = tpu.memref_slice %arg9[%add3A_579, %dma_start3A_601] : memref<40x64xi32, #tpu.memory_space<vmem>> -> memref<1x64xi32, #tpu.memory_space<vmem>>
      %dma_start3A_603 = tpu.memref_squeeze %dma_start3A_602 : memref<1x64xi32, #tpu.memory_space<vmem>> -> memref<64xi32, #tpu.memory_space<vmem>>
      %dma_start3A_604 = arith.constant 0 : i32
      %dma_start3A_605 = arith.constant 0 : i32
      %dma_start3A_606 = tpu.memref_slice %arg6[%dma_start3A_604, %dma_start3A_605] : memref<10240x64xf32, #tpu.memory_space<vmem_shared>> -> memref<10240x64xf32, #tpu.memory_space<vmem_shared>>
      tpu.enqueue_indirect_dma source(%dma_start3A_600 : memref<64x64xf32, #tpu.memory_space<vmem>>) target(%dma_start3A_606 : memref<10240x64xf32, #tpu.memory_space<vmem_shared>>) offsets(%dma_start3A_603 : memref<64xi32, #tpu.memory_space<vmem>>) semaphore(%arg17 : memref<!tpu.dma_semaphore, #tpu.memory_space<semaphore_mem>>) {add = true}
      %add3A_607 = arith.constant 4 : i32
      %add3A_608 = arith.addi %add3A_579, %add3A_607 : i32
      %sub3A_609 = arith.constant 2 : i32
      %sub3A_610 = arith.subi %add3A_608, %sub3A_609 : i32
      %lt3A_611 = arith.constant 40 : i32
      %lt3A_612 = arith.cmpi slt, %sub3A_610, %lt3A_611 : i32
      %convert_element_type3A_613 = arith.extui %lt3A_612 : i1 to i32
      %cond3A_614 = arith.constant 0 : i32
      %cond3A_615 = arith.cmpi ne, %convert_element_type3A_613, %cond3A_614 : i32
      scf.if %cond3A_615 {
        %dma_start3A_655 = arith.constant 0 : i32
        %dma_start3A_656 = arith.constant 0 : i32
        %dma_start3A_657 = arith.constant 0 : i32
        %dma_start3A_658 = tpu.memref_slice %arg10[%dma_start3A_655, %dma_start3A_656, %dma_start3A_657] : memref<4x64x64xf32, #tpu.memory_space<vmem>> -> memref<1x64x64xf32, #tpu.memory_space<vmem>>
        %dma_start3A_659 = tpu.memref_squeeze %dma_start3A_658 : memref<1x64x64xf32, #tpu.memory_space<vmem>> -> memref<64x64xf32, #tpu.memory_space<vmem>>
        %dma_start3A_660 = arith.constant 0 : i32
        %dma_start3A_661 = tpu.memref_slice %arg8[%sub3A_610, %dma_start3A_660] : memref<40x64xi32, #tpu.memory_space<vmem>> -> memref<1x64xi32, #tpu.memory_space<vmem>>
        %dma_start3A_662 = tpu.memref_squeeze %dma_start3A_661 : memref<1x64xi32, #tpu.memory_space<vmem>> -> memref<64xi32, #tpu.memory_space<vmem>>
        %dma_start3A_663 = arith.constant 0 : i32
        %dma_start3A_664 = arith.constant 0 : i32
        %dma_start3A_665 = tpu.memref_slice %arg7[%dma_start3A_663, %dma_start3A_664] : memref<10240x64xf32, #tpu.memory_space<vmem_shared>> -> memref<10240x64xf32, #tpu.memory_space<vmem_shared>>
        tpu.enqueue_indirect_dma source(%dma_start3A_665 : memref<10240x64xf32, #tpu.memory_space<vmem_shared>>) target(%dma_start3A_659 : memref<64x64xf32, #tpu.memory_space<vmem>>) offsets(%dma_start3A_662 : memref<64xi32, #tpu.memory_space<vmem>>) semaphore(%arg11 : memref<!tpu.dma_semaphore, #tpu.memory_space<semaphore_mem>>)
      } else {
      }
      %add3A_616 = arith.constant 3 : i32
      %add3A_617 = arith.addi %mul3A_503, %add3A_616 : i32
      %dma_wait3A_618 = arith.constant 3 : i32
      %dma_wait3A_619 = arith.constant 0 : i32
      %dma_wait3A_620 = arith.constant 0 : i32
      %dma_wait3A_621 = tpu.memref_slice %arg10[%dma_wait3A_618, %dma_wait3A_619, %dma_wait3A_620] : memref<4x64x64xf32, #tpu.memory_space<vmem>> -> memref<1x64x64xf32, #tpu.memory_space<vmem>>
      %dma_wait3A_622 = tpu.memref_squeeze %dma_wait3A_621 : memref<1x64x64xf32, #tpu.memory_space<vmem>> -> memref<64x64xf32, #tpu.memory_space<vmem>>
      %dma_wait3A_623 = arith.constant 0 : i32
      %dma_wait3A_624 = tpu.memref_slice %arg8[%add3A_617, %dma_wait3A_623] : memref<40x64xi32, #tpu.memory_space<vmem>> -> memref<1x64xi32, #tpu.memory_space<vmem>>
      %dma_wait3A_625 = tpu.memref_squeeze %dma_wait3A_624 : memref<1x64xi32, #tpu.memory_space<vmem>> -> memref<64xi32, #tpu.memory_space<vmem>>
      %dma_wait3A_626 = arith.constant 0 : i32
      %dma_wait3A_627 = arith.constant 0 : i32
      %dma_wait3A_628 = tpu.memref_slice %arg7[%dma_wait3A_626, %dma_wait3A_627] : memref<10240x64xf32, #tpu.memory_space<vmem_shared>> -> memref<10240x64xf32, #tpu.memory_space<vmem_shared>>
      tpu.wait_indirect_dma semaphore(%arg14 : memref<!tpu.dma_semaphore, #tpu.memory_space<semaphore_mem>>) src(%dma_wait3A_628 : memref<10240x64xf32, #tpu.memory_space<vmem_shared>>) dst(%dma_wait3A_622 : memref<64x64xf32, #tpu.memory_space<vmem>>)
      %gt3A_629 = arith.constant 1 : i32
      %gt3A_630 = arith.cmpi sgt, %add3A_617, %gt3A_629 : i32
      %convert_element_type3A_631 = arith.extui %gt3A_630 : i1 to i32
      %cond3A_632 = arith.constant 0 : i32
      %cond3A_633 = arith.cmpi ne, %convert_element_type3A_631, %cond3A_632 : i32
      scf.if %cond3A_633 {
        %sub3A_655 = arith.constant 2 : i32
        %sub3A_656 = arith.subi %add3A_617, %sub3A_655 : i32
        %dma_wait3A_657 = arith.constant 1 : i32
        %dma_wait3A_658 = arith.constant 0 : i32
        %dma_wait3A_659 = arith.constant 0 : i32
        %dma_wait3A_660 = tpu.memref_slice %arg10[%dma_wait3A_657, %dma_wait3A_658, %dma_wait3A_659] : memref<4x64x64xf32, #tpu.memory_space<vmem>> -> memref<1x64x64xf32, #tpu.memory_space<vmem>>
        %dma_wait3A_661 = tpu.memref_squeeze %dma_wait3A_660 : memref<1x64x64xf32, #tpu.memory_space<vmem>> -> memref<64x64xf32, #tpu.memory_space<vmem>>
        %dma_wait3A_662 = arith.constant 0 : i32
        %dma_wait3A_663 = tpu.memref_slice %arg9[%sub3A_656, %dma_wait3A_662] : memref<40x64xi32, #tpu.memory_space<vmem>> -> memref<1x64xi32, #tpu.memory_space<vmem>>
        %dma_wait3A_664 = tpu.memref_squeeze %dma_wait3A_663 : memref<1x64xi32, #tpu.memory_space<vmem>> -> memref<64xi32, #tpu.memory_space<vmem>>
        %dma_wait3A_665 = arith.constant 0 : i32
        %dma_wait3A_666 = arith.constant 0 : i32
        %dma_wait3A_667 = tpu.memref_slice %arg6[%dma_wait3A_665, %dma_wait3A_666] : memref<10240x64xf32, #tpu.memory_space<vmem_shared>> -> memref<10240x64xf32, #tpu.memory_space<vmem_shared>>
        tpu.wait_indirect_dma semaphore(%arg16 : memref<!tpu.dma_semaphore, #tpu.memory_space<semaphore_mem>>) src(%dma_wait3A_661 : memref<64x64xf32, #tpu.memory_space<vmem>>) dst(%dma_wait3A_667 : memref<10240x64xf32, #tpu.memory_space<vmem_shared>>)
      } else {
      }
      %dma_start3A_634 = arith.constant 3 : i32
      %dma_start3A_635 = arith.constant 0 : i32
      %dma_start3A_636 = arith.constant 0 : i32
      %dma_start3A_637 = tpu.memref_slice %arg10[%dma_start3A_634, %dma_start3A_635, %dma_start3A_636] : memref<4x64x64xf32, #tpu.memory_space<vmem>> -> memref<1x64x64xf32, #tpu.memory_space<vmem>>
      %dma_start3A_638 = tpu.memref_squeeze %dma_start3A_637 : memref<1x64x64xf32, #tpu.memory_space<vmem>> -> memref<64x64xf32, #tpu.memory_space<vmem>>
      %dma_start3A_639 = arith.constant 0 : i32
      %dma_start3A_640 = tpu.memref_slice %arg9[%add3A_617, %dma_start3A_639] : memref<40x64xi32, #tpu.memory_space<vmem>> -> memref<1x64xi32, #tpu.memory_space<vmem>>
      %dma_start3A_641 = tpu.memref_squeeze %dma_start3A_640 : memref<1x64xi32, #tpu.memory_space<vmem>> -> memref<64xi32, #tpu.memory_space<vmem>>
      %dma_start3A_642 = arith.constant 0 : i32
      %dma_start3A_643 = arith.constant 0 : i32
      %dma_start3A_644 = tpu.memref_slice %arg6[%dma_start3A_642, %dma_start3A_643] : memref<10240x64xf32, #tpu.memory_space<vmem_shared>> -> memref<10240x64xf32, #tpu.memory_space<vmem_shared>>
      tpu.enqueue_indirect_dma source(%dma_start3A_638 : memref<64x64xf32, #tpu.memory_space<vmem>>) target(%dma_start3A_644 : memref<10240x64xf32, #tpu.memory_space<vmem_shared>>) offsets(%dma_start3A_641 : memref<64xi32, #tpu.memory_space<vmem>>) semaphore(%arg18 : memref<!tpu.dma_semaphore, #tpu.memory_space<semaphore_mem>>) {add = true}
      %add3A_645 = arith.constant 4 : i32
      %add3A_646 = arith.addi %add3A_617, %add3A_645 : i32
      %sub3A_647 = arith.constant 2 : i32
      %sub3A_648 = arith.subi %add3A_646, %sub3A_647 : i32
      %lt3A_649 = arith.constant 40 : i32
      %lt3A_650 = arith.cmpi slt, %sub3A_648, %lt3A_649 : i32
      %convert_element_type3A_651 = arith.extui %lt3A_650 : i1 to i32
      %cond3A_652 = arith.constant 0 : i32
      %cond3A_653 = arith.cmpi ne, %convert_element_type3A_651, %cond3A_652 : i32
      scf.if %cond3A_653 {
        %dma_start3A_655 = arith.constant 1 : i32
        %dma_start3A_656 = arith.constant 0 : i32
        %dma_start3A_657 = arith.constant 0 : i32
        %dma_start3A_658 = tpu.memref_slice %arg10[%dma_start3A_655, %dma_start3A_656, %dma_start3A_657] : memref<4x64x64xf32, #tpu.memory_space<vmem>> -> memref<1x64x64xf32, #tpu.memory_space<vmem>>
        %dma_start3A_659 = tpu.memref_squeeze %dma_start3A_658 : memref<1x64x64xf32, #tpu.memory_space<vmem>> -> memref<64x64xf32, #tpu.memory_space<vmem>>
        %dma_start3A_660 = arith.constant 0 : i32
        %dma_start3A_661 = tpu.memref_slice %arg8[%sub3A_648, %dma_start3A_660] : memref<40x64xi32, #tpu.memory_space<vmem>> -> memref<1x64xi32, #tpu.memory_space<vmem>>
        %dma_start3A_662 = tpu.memref_squeeze %dma_start3A_661 : memref<1x64xi32, #tpu.memory_space<vmem>> -> memref<64xi32, #tpu.memory_space<vmem>>
        %dma_start3A_663 = arith.constant 0 : i32
        %dma_start3A_664 = arith.constant 0 : i32
        %dma_start3A_665 = tpu.memref_slice %arg7[%dma_start3A_663, %dma_start3A_664] : memref<10240x64xf32, #tpu.memory_space<vmem_shared>> -> memref<10240x64xf32, #tpu.memory_space<vmem_shared>>
        tpu.enqueue_indirect_dma source(%dma_start3A_665 : memref<10240x64xf32, #tpu.memory_space<vmem_shared>>) target(%dma_start3A_659 : memref<64x64xf32, #tpu.memory_space<vmem>>) offsets(%dma_start3A_662 : memref<64xi32, #tpu.memory_space<vmem>>) semaphore(%arg12 : memref<!tpu.dma_semaphore, #tpu.memory_space<semaphore_mem>>)
      } else {
      }
      %scan3A_654 = arith.constant 0 : i32
      scf.yield %scan3A_654 : i32
    }
    %scan3A_417 = arith.constant 10 : i32
    %dma_wait3A_418 = arith.constant 2 : i32
    %dma_wait3A_419 = arith.constant 38 : i32
    "tpu.trace_stop"() : () -> ()
    %dma_wait3A_420 = arith.constant 0 : i32
    %dma_wait3A_421 = arith.constant 0 : i32
    %dma_wait3A_422 = tpu.memref_slice %arg10[%dma_wait3A_418, %dma_wait3A_420, %dma_wait3A_421] : memref<4x64x64xf32, #tpu.memory_space<vmem>> -> memref<1x64x64xf32, #tpu.memory_space<vmem>>
    %dma_wait3A_423 = tpu.memref_squeeze %dma_wait3A_422 : memref<1x64x64xf32, #tpu.memory_space<vmem>> -> memref<64x64xf32, #tpu.memory_space<vmem>>
    %dma_wait3A_424 = arith.constant 0 : i32
    %dma_wait3A_425 = tpu.memref_slice %arg9[%dma_wait3A_419, %dma_wait3A_424] : memref<40x64xi32, #tpu.memory_space<vmem>> -> memref<1x64xi32, #tpu.memory_space<vmem>>
    %dma_wait3A_426 = tpu.memref_squeeze %dma_wait3A_425 : memref<1x64xi32, #tpu.memory_space<vmem>> -> memref<64xi32, #tpu.memory_space<vmem>>
    %dma_wait3A_427 = arith.constant 0 : i32
    %dma_wait3A_428 = arith.constant 0 : i32
    %dma_wait3A_429 = tpu.memref_slice %arg6[%dma_wait3A_427, %dma_wait3A_428] : memref<10240x64xf32, #tpu.memory_space<vmem_shared>> -> memref<10240x64xf32, #tpu.memory_space<vmem_shared>>
    tpu.wait_indirect_dma semaphore(%arg17 : memref<!tpu.dma_semaphore, #tpu.memory_space<semaphore_mem>>) src(%dma_wait3A_423 : memref<64x64xf32, #tpu.memory_space<vmem>>) dst(%dma_wait3A_429 : memref<10240x64xf32, #tpu.memory_space<vmem_shared>>)
    %dma_wait3A_430 = arith.constant 3 : i32
    %dma_wait3A_431 = arith.constant 39 : i32
    %dma_wait3A_432 = arith.constant 0 : i32
    %dma_wait3A_433 = arith.constant 0 : i32
    %dma_wait3A_434 = tpu.memref_slice %arg10[%dma_wait3A_430, %dma_wait3A_432, %dma_wait3A_433] : memref<4x64x64xf32, #tpu.memory_space<vmem>> -> memref<1x64x64xf32, #tpu.memory_space<vmem>>
    %dma_wait3A_435 = tpu.memref_squeeze %dma_wait3A_434 : memref<1x64x64xf32, #tpu.memory_space<vmem>> -> memref<64x64xf32, #tpu.memory_space<vmem>>
    %dma_wait3A_436 = arith.constant 0 : i32
    %dma_wait3A_437 = tpu.memref_slice %arg9[%dma_wait3A_431, %dma_wait3A_436] : memref<40x64xi32, #tpu.memory_space<vmem>> -> memref<1x64xi32, #tpu.memory_space<vmem>>
    %dma_wait3A_438 = tpu.memref_squeeze %dma_wait3A_437 : memref<1x64xi32, #tpu.memory_space<vmem>> -> memref<64xi32, #tpu.memory_space<vmem>>
    %dma_wait3A_439 = arith.constant 0 : i32
    %dma_wait3A_440 = arith.constant 0 : i32
    %dma_wait3A_441 = tpu.memref_slice %arg6[%dma_wait3A_439, %dma_wait3A_440] : memref<10240x64xf32, #tpu.memory_space<vmem_shared>> -> memref<10240x64xf32, #tpu.memory_space<vmem_shared>>
    tpu.wait_indirect_dma semaphore(%arg18 : memref<!tpu.dma_semaphore, #tpu.memory_space<semaphore_mem>>) src(%dma_wait3A_435 : memref<64x64xf32, #tpu.memory_space<vmem>>) dst(%dma_wait3A_441 : memref<10240x64xf32, #tpu.memory_space<vmem_shared>>)
    %add3A_442 = arith.constant 280 : i32
    %add3A_443 = arith.addi %mul3A_44, %add3A_442 : i32
    "tpu.region"() ({
      %run_scoped3A_500 = tpu.sem_alloc : memref<!tpu.dma_semaphore, #tpu.memory_space<semaphore_mem>>
      %dma_start3A_501 = arith.constant 0 : i32
      %dma_start3A_502 = tpu.memref_slice %arg3[%add3A_443, %dma_start3A_501] : memref<5120x64xi32, #tpu.memory_space<hbm>> -> memref<40x64xi32, #tpu.memory_space<hbm>>
      %dma_start3A_503 = arith.constant 0 : i32
      %dma_start3A_504 = tpu.memref_slice %arg3[%add3A_443, %dma_start3A_503] : memref<5120x64xi32, #tpu.memory_space<hbm>> -> memref<40x64xi32, #tpu.memory_space<hbm>>
      tpu.enqueue_dma source(%dma_start3A_504 : memref<40x64xi32, #tpu.memory_space<hbm>>) target(%arg8 : memref<40x64xi32, #tpu.memory_space<vmem>>) target_semaphore(%run_scoped3A_500 : memref<!tpu.dma_semaphore, #tpu.memory_space<semaphore_mem>>)
      %dma_wait3A_505 = arith.constant 0 : i32
      %dma_wait3A_506 = tpu.memref_slice %arg3[%add3A_443, %dma_wait3A_505] : memref<5120x64xi32, #tpu.memory_space<hbm>> -> memref<40x64xi32, #tpu.memory_space<hbm>>
      %dma_wait3A_507 = arith.constant 0 : i32
      %dma_wait3A_508 = tpu.memref_slice %arg3[%add3A_443, %dma_wait3A_507] : memref<5120x64xi32, #tpu.memory_space<hbm>> -> memref<40x64xi32, #tpu.memory_space<hbm>>
      tpu.wait_dma2 semaphore(%run_scoped3A_500 : memref<!tpu.dma_semaphore, #tpu.memory_space<semaphore_mem>>) src(%dma_wait3A_508 : memref<40x64xi32, #tpu.memory_space<hbm>>) dst(%arg8 : memref<40x64xi32, #tpu.memory_space<vmem>>)
      tpu.yield
    }) : () -> ()
    "tpu.region"() ({
      %run_scoped3A_500 = tpu.sem_alloc : memref<!tpu.dma_semaphore, #tpu.memory_space<semaphore_mem>>
      %dma_start3A_501 = arith.constant 0 : i32
      %dma_start3A_502 = tpu.memref_slice %arg4[%add3A_443, %dma_start3A_501] : memref<5120x64xi32, #tpu.memory_space<hbm>> -> memref<40x64xi32, #tpu.memory_space<hbm>>
      %dma_start3A_503 = arith.constant 0 : i32
      %dma_start3A_504 = tpu.memref_slice %arg4[%add3A_443, %dma_start3A_503] : memref<5120x64xi32, #tpu.memory_space<hbm>> -> memref<40x64xi32, #tpu.memory_space<hbm>>
      tpu.enqueue_dma source(%dma_start3A_504 : memref<40x64xi32, #tpu.memory_space<hbm>>) target(%arg9 : memref<40x64xi32, #tpu.memory_space<vmem>>) target_semaphore(%run_scoped3A_500 : memref<!tpu.dma_semaphore, #tpu.memory_space<semaphore_mem>>)
      %dma_wait3A_505 = arith.constant 0 : i32
      %dma_wait3A_506 = tpu.memref_slice %arg4[%add3A_443, %dma_wait3A_505] : memref<5120x64xi32, #tpu.memory_space<hbm>> -> memref<40x64xi32, #tpu.memory_space<hbm>>
      %dma_wait3A_507 = arith.constant 0 : i32
      %dma_wait3A_508 = tpu.memref_slice %arg4[%add3A_443, %dma_wait3A_507] : memref<5120x64xi32, #tpu.memory_space<hbm>> -> memref<40x64xi32, #tpu.memory_space<hbm>>
      tpu.wait_dma2 semaphore(%run_scoped3A_500 : memref<!tpu.dma_semaphore, #tpu.memory_space<semaphore_mem>>) src(%dma_wait3A_508 : memref<40x64xi32, #tpu.memory_space<hbm>>) dst(%arg9 : memref<40x64xi32, #tpu.memory_space<vmem>>)
      tpu.yield
    }) : () -> ()
    %dma_start3A_444 = arith.constant 0 : i32
    %dma_start3A_445 = arith.constant 0 : i32
    %dma_start3A_446 = arith.constant 0 : i32
    %dma_start3A_447 = arith.constant 0 : i32
    %dma_start3A_448 = tpu.memref_slice %arg10[%dma_start3A_445, %dma_start3A_446, %dma_start3A_447] : memref<4x64x64xf32, #tpu.memory_space<vmem>> -> memref<1x64x64xf32, #tpu.memory_space<vmem>>
    %dma_start3A_449 = tpu.memref_squeeze %dma_start3A_448 : memref<1x64x64xf32, #tpu.memory_space<vmem>> -> memref<64x64xf32, #tpu.memory_space<vmem>>
    %dma_start3A_450 = arith.constant 0 : i32
    %dma_start3A_451 = tpu.memref_slice %arg8[%dma_start3A_444, %dma_start3A_450] : memref<40x64xi32, #tpu.memory_space<vmem>> -> memref<1x64xi32, #tpu.memory_space<vmem>>
    %dma_start3A_452 = tpu.memref_squeeze %dma_start3A_451 : memref<1x64xi32, #tpu.memory_space<vmem>> -> memref<64xi32, #tpu.memory_space<vmem>>
    %dma_start3A_453 = arith.constant 0 : i32
    %dma_start3A_454 = arith.constant 0 : i32
    %dma_start3A_455 = tpu.memref_slice %arg7[%dma_start3A_453, %dma_start3A_454] : memref<10240x64xf32, #tpu.memory_space<vmem_shared>> -> memref<10240x64xf32, #tpu.memory_space<vmem_shared>>
    tpu.enqueue_indirect_dma source(%dma_start3A_455 : memref<10240x64xf32, #tpu.memory_space<vmem_shared>>) target(%dma_start3A_449 : memref<64x64xf32, #tpu.memory_space<vmem>>) offsets(%dma_start3A_452 : memref<64xi32, #tpu.memory_space<vmem>>) semaphore(%arg11 : memref<!tpu.dma_semaphore, #tpu.memory_space<semaphore_mem>>)
    %dma_start3A_456 = arith.constant 1 : i32
    %dma_start3A_457 = arith.constant 1 : i32
    %dma_start3A_458 = arith.constant 0 : i32
    %dma_start3A_459 = arith.constant 0 : i32
    %dma_start3A_460 = tpu.memref_slice %arg10[%dma_start3A_457, %dma_start3A_458, %dma_start3A_459] : memref<4x64x64xf32, #tpu.memory_space<vmem>> -> memref<1x64x64xf32, #tpu.memory_space<vmem>>
    %dma_start3A_461 = tpu.memref_squeeze %dma_start3A_460 : memref<1x64x64xf32, #tpu.memory_space<vmem>> -> memref<64x64xf32, #tpu.memory_space<vmem>>
    %dma_start3A_462 = arith.constant 0 : i32
    %dma_start3A_463 = tpu.memref_slice %arg8[%dma_start3A_456, %dma_start3A_462] : memref<40x64xi32, #tpu.memory_space<vmem>> -> memref<1x64xi32, #tpu.memory_space<vmem>>
    %dma_start3A_464 = tpu.memref_squeeze %dma_start3A_463 : memref<1x64xi32, #tpu.memory_space<vmem>> -> memref<64xi32, #tpu.memory_space<vmem>>
    %dma_start3A_465 = arith.constant 0 : i32
    %dma_start3A_466 = arith.constant 0 : i32
    %dma_start3A_467 = tpu.memref_slice %arg7[%dma_start3A_465, %dma_start3A_466] : memref<10240x64xf32, #tpu.memory_space<vmem_shared>> -> memref<10240x64xf32, #tpu.memory_space<vmem_shared>>
    tpu.enqueue_indirect_dma source(%dma_start3A_467 : memref<10240x64xf32, #tpu.memory_space<vmem_shared>>) target(%dma_start3A_461 : memref<64x64xf32, #tpu.memory_space<vmem>>) offsets(%dma_start3A_464 : memref<64xi32, #tpu.memory_space<vmem>>) semaphore(%arg12 : memref<!tpu.dma_semaphore, #tpu.memory_space<semaphore_mem>>)
    "tpu.trace_start"() <{level = 10 : i32, message = "p_edge_loop"}> : () -> ()
    %scan3A_468 = arith.constant 0 : i32
    %scan3A_469 = arith.constant 0 : i32
    %scan3A_470 = arith.constant 10 : i32
    %scan3A_471 = arith.addi %scan3A_469, %scan3A_470 : i32
    %scan3A_472 = arith.constant 1 : i32
    %scan3A_473 = scf.for %scan3A_500 = %scan3A_469 to %scan3A_471 step %scan3A_472 iter_args(%scan3A_501 = %scan3A_468) -> (i32)  : i32 {
      %mul3A_502 = arith.constant 4 : i32
      %mul3A_503 = arith.muli %scan3A_500, %mul3A_502 : i32
      %add3A_504 = arith.constant 0 : i32
      %add3A_505 = arith.addi %mul3A_503, %add3A_504 : i32
      %dma_wait3A_506 = arith.constant 0 : i32
      %dma_wait3A_507 = arith.constant 0 : i32
      %dma_wait3A_508 = arith.constant 0 : i32
      %dma_wait3A_509 = tpu.memref_slice %arg10[%dma_wait3A_506, %dma_wait3A_507, %dma_wait3A_508] : memref<4x64x64xf32, #tpu.memory_space<vmem>> -> memref<1x64x64xf32, #tpu.memory_space<vmem>>
      %dma_wait3A_510 = tpu.memref_squeeze %dma_wait3A_509 : memref<1x64x64xf32, #tpu.memory_space<vmem>> -> memref<64x64xf32, #tpu.memory_space<vmem>>
      %dma_wait3A_511 = arith.constant 0 : i32
      %dma_wait3A_512 = tpu.memref_slice %arg8[%add3A_505, %dma_wait3A_511] : memref<40x64xi32, #tpu.memory_space<vmem>> -> memref<1x64xi32, #tpu.memory_space<vmem>>
      %dma_wait3A_513 = tpu.memref_squeeze %dma_wait3A_512 : memref<1x64xi32, #tpu.memory_space<vmem>> -> memref<64xi32, #tpu.memory_space<vmem>>
      %dma_wait3A_514 = arith.constant 0 : i32
      %dma_wait3A_515 = arith.constant 0 : i32
      %dma_wait3A_516 = tpu.memref_slice %arg7[%dma_wait3A_514, %dma_wait3A_515] : memref<10240x64xf32, #tpu.memory_space<vmem_shared>> -> memref<10240x64xf32, #tpu.memory_space<vmem_shared>>
      tpu.wait_indirect_dma semaphore(%arg11 : memref<!tpu.dma_semaphore, #tpu.memory_space<semaphore_mem>>) src(%dma_wait3A_516 : memref<10240x64xf32, #tpu.memory_space<vmem_shared>>) dst(%dma_wait3A_510 : memref<64x64xf32, #tpu.memory_space<vmem>>)
      %gt3A = arith.constant 1 : i32
      %gt3A_517 = arith.cmpi sgt, %add3A_505, %gt3A : i32
      %convert_element_type3A_518 = arith.extui %gt3A_517 : i1 to i32
      %cond3A_519 = arith.constant 0 : i32
      %cond3A_520 = arith.cmpi ne, %convert_element_type3A_518, %cond3A_519 : i32
      scf.if %cond3A_520 {
        %sub3A_655 = arith.constant 2 : i32
        %sub3A_656 = arith.subi %add3A_505, %sub3A_655 : i32
        %dma_wait3A_657 = arith.constant 2 : i32
        %dma_wait3A_658 = arith.constant 0 : i32
        %dma_wait3A_659 = arith.constant 0 : i32
        %dma_wait3A_660 = tpu.memref_slice %arg10[%dma_wait3A_657, %dma_wait3A_658, %dma_wait3A_659] : memref<4x64x64xf32, #tpu.memory_space<vmem>> -> memref<1x64x64xf32, #tpu.memory_space<vmem>>
        %dma_wait3A_661 = tpu.memref_squeeze %dma_wait3A_660 : memref<1x64x64xf32, #tpu.memory_space<vmem>> -> memref<64x64xf32, #tpu.memory_space<vmem>>
        %dma_wait3A_662 = arith.constant 0 : i32
        %dma_wait3A_663 = tpu.memref_slice %arg9[%sub3A_656, %dma_wait3A_662] : memref<40x64xi32, #tpu.memory_space<vmem>> -> memref<1x64xi32, #tpu.memory_space<vmem>>
        %dma_wait3A_664 = tpu.memref_squeeze %dma_wait3A_663 : memref<1x64xi32, #tpu.memory_space<vmem>> -> memref<64xi32, #tpu.memory_space<vmem>>
        %dma_wait3A_665 = arith.constant 0 : i32
        %dma_wait3A_666 = arith.constant 0 : i32
        %dma_wait3A_667 = tpu.memref_slice %arg6[%dma_wait3A_665, %dma_wait3A_666] : memref<10240x64xf32, #tpu.memory_space<vmem_shared>> -> memref<10240x64xf32, #tpu.memory_space<vmem_shared>>
        tpu.wait_indirect_dma semaphore(%arg17 : memref<!tpu.dma_semaphore, #tpu.memory_space<semaphore_mem>>) src(%dma_wait3A_661 : memref<64x64xf32, #tpu.memory_space<vmem>>) dst(%dma_wait3A_667 : memref<10240x64xf32, #tpu.memory_space<vmem_shared>>)
      } else {
      }
      %dma_start3A_521 = arith.constant 0 : i32
      %dma_start3A_522 = arith.constant 0 : i32
      %dma_start3A_523 = arith.constant 0 : i32
      %dma_start3A_524 = tpu.memref_slice %arg10[%dma_start3A_521, %dma_start3A_522, %dma_start3A_523] : memref<4x64x64xf32, #tpu.memory_space<vmem>> -> memref<1x64x64xf32, #tpu.memory_space<vmem>>
      %dma_start3A_525 = tpu.memref_squeeze %dma_start3A_524 : memref<1x64x64xf32, #tpu.memory_space<vmem>> -> memref<64x64xf32, #tpu.memory_space<vmem>>
      %dma_start3A_526 = arith.constant 0 : i32
      %dma_start3A_527 = tpu.memref_slice %arg9[%add3A_505, %dma_start3A_526] : memref<40x64xi32, #tpu.memory_space<vmem>> -> memref<1x64xi32, #tpu.memory_space<vmem>>
      %dma_start3A_528 = tpu.memref_squeeze %dma_start3A_527 : memref<1x64xi32, #tpu.memory_space<vmem>> -> memref<64xi32, #tpu.memory_space<vmem>>
      %dma_start3A_529 = arith.constant 0 : i32
      %dma_start3A_530 = arith.constant 0 : i32
      %dma_start3A_531 = tpu.memref_slice %arg6[%dma_start3A_529, %dma_start3A_530] : memref<10240x64xf32, #tpu.memory_space<vmem_shared>> -> memref<10240x64xf32, #tpu.memory_space<vmem_shared>>
      tpu.enqueue_indirect_dma source(%dma_start3A_525 : memref<64x64xf32, #tpu.memory_space<vmem>>) target(%dma_start3A_531 : memref<10240x64xf32, #tpu.memory_space<vmem_shared>>) offsets(%dma_start3A_528 : memref<64xi32, #tpu.memory_space<vmem>>) semaphore(%arg15 : memref<!tpu.dma_semaphore, #tpu.memory_space<semaphore_mem>>) {add = true}
      %add3A_532 = arith.constant 4 : i32
      %add3A_533 = arith.addi %add3A_505, %add3A_532 : i32
      %sub3A = arith.constant 2 : i32
      %sub3A_534 = arith.subi %add3A_533, %sub3A : i32
      %lt3A_535 = arith.constant 40 : i32
      %lt3A_536 = arith.cmpi slt, %sub3A_534, %lt3A_535 : i32
      %convert_element_type3A_537 = arith.extui %lt3A_536 : i1 to i32
      %cond3A_538 = arith.constant 0 : i32
      %cond3A_539 = arith.cmpi ne, %convert_element_type3A_537, %cond3A_538 : i32
      scf.if %cond3A_539 {
        %dma_start3A_655 = arith.constant 2 : i32
        %dma_start3A_656 = arith.constant 0 : i32
        %dma_start3A_657 = arith.constant 0 : i32
        %dma_start3A_658 = tpu.memref_slice %arg10[%dma_start3A_655, %dma_start3A_656, %dma_start3A_657] : memref<4x64x64xf32, #tpu.memory_space<vmem>> -> memref<1x64x64xf32, #tpu.memory_space<vmem>>
        %dma_start3A_659 = tpu.memref_squeeze %dma_start3A_658 : memref<1x64x64xf32, #tpu.memory_space<vmem>> -> memref<64x64xf32, #tpu.memory_space<vmem>>
        %dma_start3A_660 = arith.constant 0 : i32
        %dma_start3A_661 = tpu.memref_slice %arg8[%sub3A_534, %dma_start3A_660] : memref<40x64xi32, #tpu.memory_space<vmem>> -> memref<1x64xi32, #tpu.memory_space<vmem>>
        %dma_start3A_662 = tpu.memref_squeeze %dma_start3A_661 : memref<1x64xi32, #tpu.memory_space<vmem>> -> memref<64xi32, #tpu.memory_space<vmem>>
        %dma_start3A_663 = arith.constant 0 : i32
        %dma_start3A_664 = arith.constant 0 : i32
        %dma_start3A_665 = tpu.memref_slice %arg7[%dma_start3A_663, %dma_start3A_664] : memref<10240x64xf32, #tpu.memory_space<vmem_shared>> -> memref<10240x64xf32, #tpu.memory_space<vmem_shared>>
        tpu.enqueue_indirect_dma source(%dma_start3A_665 : memref<10240x64xf32, #tpu.memory_space<vmem_shared>>) target(%dma_start3A_659 : memref<64x64xf32, #tpu.memory_space<vmem>>) offsets(%dma_start3A_662 : memref<64xi32, #tpu.memory_space<vmem>>) semaphore(%arg13 : memref<!tpu.dma_semaphore, #tpu.memory_space<semaphore_mem>>)
      } else {
      }
      %add3A_540 = arith.constant 1 : i32
      %add3A_541 = arith.addi %mul3A_503, %add3A_540 : i32
      %dma_wait3A_542 = arith.constant 1 : i32
      %dma_wait3A_543 = arith.constant 0 : i32
      %dma_wait3A_544 = arith.constant 0 : i32
      %dma_wait3A_545 = tpu.memref_slice %arg10[%dma_wait3A_542, %dma_wait3A_543, %dma_wait3A_544] : memref<4x64x64xf32, #tpu.memory_space<vmem>> -> memref<1x64x64xf32, #tpu.memory_space<vmem>>
      %dma_wait3A_546 = tpu.memref_squeeze %dma_wait3A_545 : memref<1x64x64xf32, #tpu.memory_space<vmem>> -> memref<64x64xf32, #tpu.memory_space<vmem>>
      %dma_wait3A_547 = arith.constant 0 : i32
      %dma_wait3A_548 = tpu.memref_slice %arg8[%add3A_541, %dma_wait3A_547] : memref<40x64xi32, #tpu.memory_space<vmem>> -> memref<1x64xi32, #tpu.memory_space<vmem>>
      %dma_wait3A_549 = tpu.memref_squeeze %dma_wait3A_548 : memref<1x64xi32, #tpu.memory_space<vmem>> -> memref<64xi32, #tpu.memory_space<vmem>>
      %dma_wait3A_550 = arith.constant 0 : i32
      %dma_wait3A_551 = arith.constant 0 : i32
      %dma_wait3A_552 = tpu.memref_slice %arg7[%dma_wait3A_550, %dma_wait3A_551] : memref<10240x64xf32, #tpu.memory_space<vmem_shared>> -> memref<10240x64xf32, #tpu.memory_space<vmem_shared>>
      tpu.wait_indirect_dma semaphore(%arg12 : memref<!tpu.dma_semaphore, #tpu.memory_space<semaphore_mem>>) src(%dma_wait3A_552 : memref<10240x64xf32, #tpu.memory_space<vmem_shared>>) dst(%dma_wait3A_546 : memref<64x64xf32, #tpu.memory_space<vmem>>)
      %gt3A_553 = arith.constant 1 : i32
      %gt3A_554 = arith.cmpi sgt, %add3A_541, %gt3A_553 : i32
      %convert_element_type3A_555 = arith.extui %gt3A_554 : i1 to i32
      %cond3A_556 = arith.constant 0 : i32
      %cond3A_557 = arith.cmpi ne, %convert_element_type3A_555, %cond3A_556 : i32
      scf.if %cond3A_557 {
        %sub3A_655 = arith.constant 2 : i32
        %sub3A_656 = arith.subi %add3A_541, %sub3A_655 : i32
        %dma_wait3A_657 = arith.constant 3 : i32
        %dma_wait3A_658 = arith.constant 0 : i32
        %dma_wait3A_659 = arith.constant 0 : i32
        %dma_wait3A_660 = tpu.memref_slice %arg10[%dma_wait3A_657, %dma_wait3A_658, %dma_wait3A_659] : memref<4x64x64xf32, #tpu.memory_space<vmem>> -> memref<1x64x64xf32, #tpu.memory_space<vmem>>
        %dma_wait3A_661 = tpu.memref_squeeze %dma_wait3A_660 : memref<1x64x64xf32, #tpu.memory_space<vmem>> -> memref<64x64xf32, #tpu.memory_space<vmem>>
        %dma_wait3A_662 = arith.constant 0 : i32
        %dma_wait3A_663 = tpu.memref_slice %arg9[%sub3A_656, %dma_wait3A_662] : memref<40x64xi32, #tpu.memory_space<vmem>> -> memref<1x64xi32, #tpu.memory_space<vmem>>
        %dma_wait3A_664 = tpu.memref_squeeze %dma_wait3A_663 : memref<1x64xi32, #tpu.memory_space<vmem>> -> memref<64xi32, #tpu.memory_space<vmem>>
        %dma_wait3A_665 = arith.constant 0 : i32
        %dma_wait3A_666 = arith.constant 0 : i32
        %dma_wait3A_667 = tpu.memref_slice %arg6[%dma_wait3A_665, %dma_wait3A_666] : memref<10240x64xf32, #tpu.memory_space<vmem_shared>> -> memref<10240x64xf32, #tpu.memory_space<vmem_shared>>
        tpu.wait_indirect_dma semaphore(%arg18 : memref<!tpu.dma_semaphore, #tpu.memory_space<semaphore_mem>>) src(%dma_wait3A_661 : memref<64x64xf32, #tpu.memory_space<vmem>>) dst(%dma_wait3A_667 : memref<10240x64xf32, #tpu.memory_space<vmem_shared>>)
      } else {
      }
      %dma_start3A_558 = arith.constant 1 : i32
      %dma_start3A_559 = arith.constant 0 : i32
      %dma_start3A_560 = arith.constant 0 : i32
      %dma_start3A_561 = tpu.memref_slice %arg10[%dma_start3A_558, %dma_start3A_559, %dma_start3A_560] : memref<4x64x64xf32, #tpu.memory_space<vmem>> -> memref<1x64x64xf32, #tpu.memory_space<vmem>>
      %dma_start3A_562 = tpu.memref_squeeze %dma_start3A_561 : memref<1x64x64xf32, #tpu.memory_space<vmem>> -> memref<64x64xf32, #tpu.memory_space<vmem>>
      %dma_start3A_563 = arith.constant 0 : i32
      %dma_start3A_564 = tpu.memref_slice %arg9[%add3A_541, %dma_start3A_563] : memref<40x64xi32, #tpu.memory_space<vmem>> -> memref<1x64xi32, #tpu.memory_space<vmem>>
      %dma_start3A_565 = tpu.memref_squeeze %dma_start3A_564 : memref<1x64xi32, #tpu.memory_space<vmem>> -> memref<64xi32, #tpu.memory_space<vmem>>
      %dma_start3A_566 = arith.constant 0 : i32
      %dma_start3A_567 = arith.constant 0 : i32
      %dma_start3A_568 = tpu.memref_slice %arg6[%dma_start3A_566, %dma_start3A_567] : memref<10240x64xf32, #tpu.memory_space<vmem_shared>> -> memref<10240x64xf32, #tpu.memory_space<vmem_shared>>
      tpu.enqueue_indirect_dma source(%dma_start3A_562 : memref<64x64xf32, #tpu.memory_space<vmem>>) target(%dma_start3A_568 : memref<10240x64xf32, #tpu.memory_space<vmem_shared>>) offsets(%dma_start3A_565 : memref<64xi32, #tpu.memory_space<vmem>>) semaphore(%arg16 : memref<!tpu.dma_semaphore, #tpu.memory_space<semaphore_mem>>) {add = true}
      %add3A_569 = arith.constant 4 : i32
      %add3A_570 = arith.addi %add3A_541, %add3A_569 : i32
      %sub3A_571 = arith.constant 2 : i32
      %sub3A_572 = arith.subi %add3A_570, %sub3A_571 : i32
      %lt3A_573 = arith.constant 40 : i32
      %lt3A_574 = arith.cmpi slt, %sub3A_572, %lt3A_573 : i32
      %convert_element_type3A_575 = arith.extui %lt3A_574 : i1 to i32
      %cond3A_576 = arith.constant 0 : i32
      %cond3A_577 = arith.cmpi ne, %convert_element_type3A_575, %cond3A_576 : i32
      scf.if %cond3A_577 {
        %dma_start3A_655 = arith.constant 3 : i32
        %dma_start3A_656 = arith.constant 0 : i32
        %dma_start3A_657 = arith.constant 0 : i32
        %dma_start3A_658 = tpu.memref_slice %arg10[%dma_start3A_655, %dma_start3A_656, %dma_start3A_657] : memref<4x64x64xf32, #tpu.memory_space<vmem>> -> memref<1x64x64xf32, #tpu.memory_space<vmem>>
        %dma_start3A_659 = tpu.memref_squeeze %dma_start3A_658 : memref<1x64x64xf32, #tpu.memory_space<vmem>> -> memref<64x64xf32, #tpu.memory_space<vmem>>
        %dma_start3A_660 = arith.constant 0 : i32
        %dma_start3A_661 = tpu.memref_slice %arg8[%sub3A_572, %dma_start3A_660] : memref<40x64xi32, #tpu.memory_space<vmem>> -> memref<1x64xi32, #tpu.memory_space<vmem>>
        %dma_start3A_662 = tpu.memref_squeeze %dma_start3A_661 : memref<1x64xi32, #tpu.memory_space<vmem>> -> memref<64xi32, #tpu.memory_space<vmem>>
        %dma_start3A_663 = arith.constant 0 : i32
        %dma_start3A_664 = arith.constant 0 : i32
        %dma_start3A_665 = tpu.memref_slice %arg7[%dma_start3A_663, %dma_start3A_664] : memref<10240x64xf32, #tpu.memory_space<vmem_shared>> -> memref<10240x64xf32, #tpu.memory_space<vmem_shared>>
        tpu.enqueue_indirect_dma source(%dma_start3A_665 : memref<10240x64xf32, #tpu.memory_space<vmem_shared>>) target(%dma_start3A_659 : memref<64x64xf32, #tpu.memory_space<vmem>>) offsets(%dma_start3A_662 : memref<64xi32, #tpu.memory_space<vmem>>) semaphore(%arg14 : memref<!tpu.dma_semaphore, #tpu.memory_space<semaphore_mem>>)
      } else {
      }
      %add3A_578 = arith.constant 2 : i32
      %add3A_579 = arith.addi %mul3A_503, %add3A_578 : i32
      %dma_wait3A_580 = arith.constant 2 : i32
      %dma_wait3A_581 = arith.constant 0 : i32
      %dma_wait3A_582 = arith.constant 0 : i32
      %dma_wait3A_583 = tpu.memref_slice %arg10[%dma_wait3A_580, %dma_wait3A_581, %dma_wait3A_582] : memref<4x64x64xf32, #tpu.memory_space<vmem>> -> memref<1x64x64xf32, #tpu.memory_space<vmem>>
      %dma_wait3A_584 = tpu.memref_squeeze %dma_wait3A_583 : memref<1x64x64xf32, #tpu.memory_space<vmem>> -> memref<64x64xf32, #tpu.memory_space<vmem>>
      %dma_wait3A_585 = arith.constant 0 : i32
      %dma_wait3A_586 = tpu.memref_slice %arg8[%add3A_579, %dma_wait3A_585] : memref<40x64xi32, #tpu.memory_space<vmem>> -> memref<1x64xi32, #tpu.memory_space<vmem>>
      %dma_wait3A_587 = tpu.memref_squeeze %dma_wait3A_586 : memref<1x64xi32, #tpu.memory_space<vmem>> -> memref<64xi32, #tpu.memory_space<vmem>>
      %dma_wait3A_588 = arith.constant 0 : i32
      %dma_wait3A_589 = arith.constant 0 : i32
      %dma_wait3A_590 = tpu.memref_slice %arg7[%dma_wait3A_588, %dma_wait3A_589] : memref<10240x64xf32, #tpu.memory_space<vmem_shared>> -> memref<10240x64xf32, #tpu.memory_space<vmem_shared>>
      tpu.wait_indirect_dma semaphore(%arg13 : memref<!tpu.dma_semaphore, #tpu.memory_space<semaphore_mem>>) src(%dma_wait3A_590 : memref<10240x64xf32, #tpu.memory_space<vmem_shared>>) dst(%dma_wait3A_584 : memref<64x64xf32, #tpu.memory_space<vmem>>)
      %gt3A_591 = arith.constant 1 : i32
      %gt3A_592 = arith.cmpi sgt, %add3A_579, %gt3A_591 : i32
      %convert_element_type3A_593 = arith.extui %gt3A_592 : i1 to i32
      %cond3A_594 = arith.constant 0 : i32
      %cond3A_595 = arith.cmpi ne, %convert_element_type3A_593, %cond3A_594 : i32
      scf.if %cond3A_595 {
        %sub3A_655 = arith.constant 2 : i32
        %sub3A_656 = arith.subi %add3A_579, %sub3A_655 : i32
        %dma_wait3A_657 = arith.constant 0 : i32
        %dma_wait3A_658 = arith.constant 0 : i32
        %dma_wait3A_659 = arith.constant 0 : i32
        %dma_wait3A_660 = tpu.memref_slice %arg10[%dma_wait3A_657, %dma_wait3A_658, %dma_wait3A_659] : memref<4x64x64xf32, #tpu.memory_space<vmem>> -> memref<1x64x64xf32, #tpu.memory_space<vmem>>
        %dma_wait3A_661 = tpu.memref_squeeze %dma_wait3A_660 : memref<1x64x64xf32, #tpu.memory_space<vmem>> -> memref<64x64xf32, #tpu.memory_space<vmem>>
        %dma_wait3A_662 = arith.constant 0 : i32
        %dma_wait3A_663 = tpu.memref_slice %arg9[%sub3A_656, %dma_wait3A_662] : memref<40x64xi32, #tpu.memory_space<vmem>> -> memref<1x64xi32, #tpu.memory_space<vmem>>
        %dma_wait3A_664 = tpu.memref_squeeze %dma_wait3A_663 : memref<1x64xi32, #tpu.memory_space<vmem>> -> memref<64xi32, #tpu.memory_space<vmem>>
        %dma_wait3A_665 = arith.constant 0 : i32
        %dma_wait3A_666 = arith.constant 0 : i32
        %dma_wait3A_667 = tpu.memref_slice %arg6[%dma_wait3A_665, %dma_wait3A_666] : memref<10240x64xf32, #tpu.memory_space<vmem_shared>> -> memref<10240x64xf32, #tpu.memory_space<vmem_shared>>
        tpu.wait_indirect_dma semaphore(%arg15 : memref<!tpu.dma_semaphore, #tpu.memory_space<semaphore_mem>>) src(%dma_wait3A_661 : memref<64x64xf32, #tpu.memory_space<vmem>>) dst(%dma_wait3A_667 : memref<10240x64xf32, #tpu.memory_space<vmem_shared>>)
      } else {
      }
      %dma_start3A_596 = arith.constant 2 : i32
      %dma_start3A_597 = arith.constant 0 : i32
      %dma_start3A_598 = arith.constant 0 : i32
      %dma_start3A_599 = tpu.memref_slice %arg10[%dma_start3A_596, %dma_start3A_597, %dma_start3A_598] : memref<4x64x64xf32, #tpu.memory_space<vmem>> -> memref<1x64x64xf32, #tpu.memory_space<vmem>>
      %dma_start3A_600 = tpu.memref_squeeze %dma_start3A_599 : memref<1x64x64xf32, #tpu.memory_space<vmem>> -> memref<64x64xf32, #tpu.memory_space<vmem>>
      %dma_start3A_601 = arith.constant 0 : i32
      %dma_start3A_602 = tpu.memref_slice %arg9[%add3A_579, %dma_start3A_601] : memref<40x64xi32, #tpu.memory_space<vmem>> -> memref<1x64xi32, #tpu.memory_space<vmem>>
      %dma_start3A_603 = tpu.memref_squeeze %dma_start3A_602 : memref<1x64xi32, #tpu.memory_space<vmem>> -> memref<64xi32, #tpu.memory_space<vmem>>
      %dma_start3A_604 = arith.constant 0 : i32
      %dma_start3A_605 = arith.constant 0 : i32
      %dma_start3A_606 = tpu.memref_slice %arg6[%dma_start3A_604, %dma_start3A_605] : memref<10240x64xf32, #tpu.memory_space<vmem_shared>> -> memref<10240x64xf32, #tpu.memory_space<vmem_shared>>
      tpu.enqueue_indirect_dma source(%dma_start3A_600 : memref<64x64xf32, #tpu.memory_space<vmem>>) target(%dma_start3A_606 : memref<10240x64xf32, #tpu.memory_space<vmem_shared>>) offsets(%dma_start3A_603 : memref<64xi32, #tpu.memory_space<vmem>>) semaphore(%arg17 : memref<!tpu.dma_semaphore, #tpu.memory_space<semaphore_mem>>) {add = true}
      %add3A_607 = arith.constant 4 : i32
      %add3A_608 = arith.addi %add3A_579, %add3A_607 : i32
      %sub3A_609 = arith.constant 2 : i32
      %sub3A_610 = arith.subi %add3A_608, %sub3A_609 : i32
      %lt3A_611 = arith.constant 40 : i32
      %lt3A_612 = arith.cmpi slt, %sub3A_610, %lt3A_611 : i32
      %convert_element_type3A_613 = arith.extui %lt3A_612 : i1 to i32
      %cond3A_614 = arith.constant 0 : i32
      %cond3A_615 = arith.cmpi ne, %convert_element_type3A_613, %cond3A_614 : i32
      scf.if %cond3A_615 {
        %dma_start3A_655 = arith.constant 0 : i32
        %dma_start3A_656 = arith.constant 0 : i32
        %dma_start3A_657 = arith.constant 0 : i32
        %dma_start3A_658 = tpu.memref_slice %arg10[%dma_start3A_655, %dma_start3A_656, %dma_start3A_657] : memref<4x64x64xf32, #tpu.memory_space<vmem>> -> memref<1x64x64xf32, #tpu.memory_space<vmem>>
        %dma_start3A_659 = tpu.memref_squeeze %dma_start3A_658 : memref<1x64x64xf32, #tpu.memory_space<vmem>> -> memref<64x64xf32, #tpu.memory_space<vmem>>
        %dma_start3A_660 = arith.constant 0 : i32
        %dma_start3A_661 = tpu.memref_slice %arg8[%sub3A_610, %dma_start3A_660] : memref<40x64xi32, #tpu.memory_space<vmem>> -> memref<1x64xi32, #tpu.memory_space<vmem>>
        %dma_start3A_662 = tpu.memref_squeeze %dma_start3A_661 : memref<1x64xi32, #tpu.memory_space<vmem>> -> memref<64xi32, #tpu.memory_space<vmem>>
        %dma_start3A_663 = arith.constant 0 : i32
        %dma_start3A_664 = arith.constant 0 : i32
        %dma_start3A_665 = tpu.memref_slice %arg7[%dma_start3A_663, %dma_start3A_664] : memref<10240x64xf32, #tpu.memory_space<vmem_shared>> -> memref<10240x64xf32, #tpu.memory_space<vmem_shared>>
        tpu.enqueue_indirect_dma source(%dma_start3A_665 : memref<10240x64xf32, #tpu.memory_space<vmem_shared>>) target(%dma_start3A_659 : memref<64x64xf32, #tpu.memory_space<vmem>>) offsets(%dma_start3A_662 : memref<64xi32, #tpu.memory_space<vmem>>) semaphore(%arg11 : memref<!tpu.dma_semaphore, #tpu.memory_space<semaphore_mem>>)
      } else {
      }
      %add3A_616 = arith.constant 3 : i32
      %add3A_617 = arith.addi %mul3A_503, %add3A_616 : i32
      %dma_wait3A_618 = arith.constant 3 : i32
      %dma_wait3A_619 = arith.constant 0 : i32
      %dma_wait3A_620 = arith.constant 0 : i32
      %dma_wait3A_621 = tpu.memref_slice %arg10[%dma_wait3A_618, %dma_wait3A_619, %dma_wait3A_620] : memref<4x64x64xf32, #tpu.memory_space<vmem>> -> memref<1x64x64xf32, #tpu.memory_space<vmem>>
      %dma_wait3A_622 = tpu.memref_squeeze %dma_wait3A_621 : memref<1x64x64xf32, #tpu.memory_space<vmem>> -> memref<64x64xf32, #tpu.memory_space<vmem>>
      %dma_wait3A_623 = arith.constant 0 : i32
      %dma_wait3A_624 = tpu.memref_slice %arg8[%add3A_617, %dma_wait3A_623] : memref<40x64xi32, #tpu.memory_space<vmem>> -> memref<1x64xi32, #tpu.memory_space<vmem>>
      %dma_wait3A_625 = tpu.memref_squeeze %dma_wait3A_624 : memref<1x64xi32, #tpu.memory_space<vmem>> -> memref<64xi32, #tpu.memory_space<vmem>>
      %dma_wait3A_626 = arith.constant 0 : i32
      %dma_wait3A_627 = arith.constant 0 : i32
      %dma_wait3A_628 = tpu.memref_slice %arg7[%dma_wait3A_626, %dma_wait3A_627] : memref<10240x64xf32, #tpu.memory_space<vmem_shared>> -> memref<10240x64xf32, #tpu.memory_space<vmem_shared>>
      tpu.wait_indirect_dma semaphore(%arg14 : memref<!tpu.dma_semaphore, #tpu.memory_space<semaphore_mem>>) src(%dma_wait3A_628 : memref<10240x64xf32, #tpu.memory_space<vmem_shared>>) dst(%dma_wait3A_622 : memref<64x64xf32, #tpu.memory_space<vmem>>)
      %gt3A_629 = arith.constant 1 : i32
      %gt3A_630 = arith.cmpi sgt, %add3A_617, %gt3A_629 : i32
      %convert_element_type3A_631 = arith.extui %gt3A_630 : i1 to i32
      %cond3A_632 = arith.constant 0 : i32
      %cond3A_633 = arith.cmpi ne, %convert_element_type3A_631, %cond3A_632 : i32
      scf.if %cond3A_633 {
        %sub3A_655 = arith.constant 2 : i32
        %sub3A_656 = arith.subi %add3A_617, %sub3A_655 : i32
        %dma_wait3A_657 = arith.constant 1 : i32
        %dma_wait3A_658 = arith.constant 0 : i32
        %dma_wait3A_659 = arith.constant 0 : i32
        %dma_wait3A_660 = tpu.memref_slice %arg10[%dma_wait3A_657, %dma_wait3A_658, %dma_wait3A_659] : memref<4x64x64xf32, #tpu.memory_space<vmem>> -> memref<1x64x64xf32, #tpu.memory_space<vmem>>
        %dma_wait3A_661 = tpu.memref_squeeze %dma_wait3A_660 : memref<1x64x64xf32, #tpu.memory_space<vmem>> -> memref<64x64xf32, #tpu.memory_space<vmem>>
        %dma_wait3A_662 = arith.constant 0 : i32
        %dma_wait3A_663 = tpu.memref_slice %arg9[%sub3A_656, %dma_wait3A_662] : memref<40x64xi32, #tpu.memory_space<vmem>> -> memref<1x64xi32, #tpu.memory_space<vmem>>
        %dma_wait3A_664 = tpu.memref_squeeze %dma_wait3A_663 : memref<1x64xi32, #tpu.memory_space<vmem>> -> memref<64xi32, #tpu.memory_space<vmem>>
        %dma_wait3A_665 = arith.constant 0 : i32
        %dma_wait3A_666 = arith.constant 0 : i32
        %dma_wait3A_667 = tpu.memref_slice %arg6[%dma_wait3A_665, %dma_wait3A_666] : memref<10240x64xf32, #tpu.memory_space<vmem_shared>> -> memref<10240x64xf32, #tpu.memory_space<vmem_shared>>
        tpu.wait_indirect_dma semaphore(%arg16 : memref<!tpu.dma_semaphore, #tpu.memory_space<semaphore_mem>>) src(%dma_wait3A_661 : memref<64x64xf32, #tpu.memory_space<vmem>>) dst(%dma_wait3A_667 : memref<10240x64xf32, #tpu.memory_space<vmem_shared>>)
      } else {
      }
      %dma_start3A_634 = arith.constant 3 : i32
      %dma_start3A_635 = arith.constant 0 : i32
      %dma_start3A_636 = arith.constant 0 : i32
      %dma_start3A_637 = tpu.memref_slice %arg10[%dma_start3A_634, %dma_start3A_635, %dma_start3A_636] : memref<4x64x64xf32, #tpu.memory_space<vmem>> -> memref<1x64x64xf32, #tpu.memory_space<vmem>>
      %dma_start3A_638 = tpu.memref_squeeze %dma_start3A_637 : memref<1x64x64xf32, #tpu.memory_space<vmem>> -> memref<64x64xf32, #tpu.memory_space<vmem>>
      %dma_start3A_639 = arith.constant 0 : i32
      %dma_start3A_640 = tpu.memref_slice %arg9[%add3A_617, %dma_start3A_639] : memref<40x64xi32, #tpu.memory_space<vmem>> -> memref<1x64xi32, #tpu.memory_space<vmem>>
      %dma_start3A_641 = tpu.memref_squeeze %dma_start3A_640 : memref<1x64xi32, #tpu.memory_space<vmem>> -> memref<64xi32, #tpu.memory_space<vmem>>
      %dma_start3A_642 = arith.constant 0 : i32
      %dma_start3A_643 = arith.constant 0 : i32
      %dma_start3A_644 = tpu.memref_slice %arg6[%dma_start3A_642, %dma_start3A_643] : memref<10240x64xf32, #tpu.memory_space<vmem_shared>> -> memref<10240x64xf32, #tpu.memory_space<vmem_shared>>
      tpu.enqueue_indirect_dma source(%dma_start3A_638 : memref<64x64xf32, #tpu.memory_space<vmem>>) target(%dma_start3A_644 : memref<10240x64xf32, #tpu.memory_space<vmem_shared>>) offsets(%dma_start3A_641 : memref<64xi32, #tpu.memory_space<vmem>>) semaphore(%arg18 : memref<!tpu.dma_semaphore, #tpu.memory_space<semaphore_mem>>) {add = true}
      %add3A_645 = arith.constant 4 : i32
      %add3A_646 = arith.addi %add3A_617, %add3A_645 : i32
      %sub3A_647 = arith.constant 2 : i32
      %sub3A_648 = arith.subi %add3A_646, %sub3A_647 : i32
      %lt3A_649 = arith.constant 40 : i32
      %lt3A_650 = arith.cmpi slt, %sub3A_648, %lt3A_649 : i32
      %convert_element_type3A_651 = arith.extui %lt3A_650 : i1 to i32
      %cond3A_652 = arith.constant 0 : i32
      %cond3A_653 = arith.cmpi ne, %convert_element_type3A_651, %cond3A_652 : i32
      scf.if %cond3A_653 {
        %dma_start3A_655 = arith.constant 1 : i32
        %dma_start3A_656 = arith.constant 0 : i32
        %dma_start3A_657 = arith.constant 0 : i32
        %dma_start3A_658 = tpu.memref_slice %arg10[%dma_start3A_655, %dma_start3A_656, %dma_start3A_657] : memref<4x64x64xf32, #tpu.memory_space<vmem>> -> memref<1x64x64xf32, #tpu.memory_space<vmem>>
        %dma_start3A_659 = tpu.memref_squeeze %dma_start3A_658 : memref<1x64x64xf32, #tpu.memory_space<vmem>> -> memref<64x64xf32, #tpu.memory_space<vmem>>
        %dma_start3A_660 = arith.constant 0 : i32
        %dma_start3A_661 = tpu.memref_slice %arg8[%sub3A_648, %dma_start3A_660] : memref<40x64xi32, #tpu.memory_space<vmem>> -> memref<1x64xi32, #tpu.memory_space<vmem>>
        %dma_start3A_662 = tpu.memref_squeeze %dma_start3A_661 : memref<1x64xi32, #tpu.memory_space<vmem>> -> memref<64xi32, #tpu.memory_space<vmem>>
        %dma_start3A_663 = arith.constant 0 : i32
        %dma_start3A_664 = arith.constant 0 : i32
        %dma_start3A_665 = tpu.memref_slice %arg7[%dma_start3A_663, %dma_start3A_664] : memref<10240x64xf32, #tpu.memory_space<vmem_shared>> -> memref<10240x64xf32, #tpu.memory_space<vmem_shared>>
        tpu.enqueue_indirect_dma source(%dma_start3A_665 : memref<10240x64xf32, #tpu.memory_space<vmem_shared>>) target(%dma_start3A_659 : memref<64x64xf32, #tpu.memory_space<vmem>>) offsets(%dma_start3A_662 : memref<64xi32, #tpu.memory_space<vmem>>) semaphore(%arg12 : memref<!tpu.dma_semaphore, #tpu.memory_space<semaphore_mem>>)
      } else {
      }
      %scan3A_654 = arith.constant 0 : i32
      scf.yield %scan3A_654 : i32
    }
    %scan3A_474 = arith.constant 10 : i32
    %dma_wait3A_475 = arith.constant 2 : i32
    %dma_wait3A_476 = arith.constant 38 : i32
    "tpu.trace_stop"() : () -> ()
    %dma_wait3A_477 = arith.constant 0 : i32
    %dma_wait3A_478 = arith.constant 0 : i32
    %dma_wait3A_479 = tpu.memref_slice %arg10[%dma_wait3A_475, %dma_wait3A_477, %dma_wait3A_478] : memref<4x64x64xf32, #tpu.memory_space<vmem>> -> memref<1x64x64xf32, #tpu.memory_space<vmem>>
    %dma_wait3A_480 = tpu.memref_squeeze %dma_wait3A_479 : memref<1x64x64xf32, #tpu.memory_space<vmem>> -> memref<64x64xf32, #tpu.memory_space<vmem>>
    %dma_wait3A_481 = arith.constant 0 : i32
    %dma_wait3A_482 = tpu.memref_slice %arg9[%dma_wait3A_476, %dma_wait3A_481] : memref<40x64xi32, #tpu.memory_space<vmem>> -> memref<1x64xi32, #tpu.memory_space<vmem>>
    %dma_wait3A_483 = tpu.memref_squeeze %dma_wait3A_482 : memref<1x64xi32, #tpu.memory_space<vmem>> -> memref<64xi32, #tpu.memory_space<vmem>>
    %dma_wait3A_484 = arith.constant 0 : i32
    %dma_wait3A_485 = arith.constant 0 : i32
    %dma_wait3A_486 = tpu.memref_slice %arg6[%dma_wait3A_484, %dma_wait3A_485] : memref<10240x64xf32, #tpu.memory_space<vmem_shared>> -> memref<10240x64xf32, #tpu.memory_space<vmem_shared>>
    tpu.wait_indirect_dma semaphore(%arg17 : memref<!tpu.dma_semaphore, #tpu.memory_space<semaphore_mem>>) src(%dma_wait3A_480 : memref<64x64xf32, #tpu.memory_space<vmem>>) dst(%dma_wait3A_486 : memref<10240x64xf32, #tpu.memory_space<vmem_shared>>)
    %dma_wait3A_487 = arith.constant 3 : i32
    %dma_wait3A_488 = arith.constant 39 : i32
    %dma_wait3A_489 = arith.constant 0 : i32
    %dma_wait3A_490 = arith.constant 0 : i32
    %dma_wait3A_491 = tpu.memref_slice %arg10[%dma_wait3A_487, %dma_wait3A_489, %dma_wait3A_490] : memref<4x64x64xf32, #tpu.memory_space<vmem>> -> memref<1x64x64xf32, #tpu.memory_space<vmem>>
    %dma_wait3A_492 = tpu.memref_squeeze %dma_wait3A_491 : memref<1x64x64xf32, #tpu.memory_space<vmem>> -> memref<64x64xf32, #tpu.memory_space<vmem>>
    %dma_wait3A_493 = arith.constant 0 : i32
    %dma_wait3A_494 = tpu.memref_slice %arg9[%dma_wait3A_488, %dma_wait3A_493] : memref<40x64xi32, #tpu.memory_space<vmem>> -> memref<1x64xi32, #tpu.memory_space<vmem>>
    %dma_wait3A_495 = tpu.memref_squeeze %dma_wait3A_494 : memref<1x64xi32, #tpu.memory_space<vmem>> -> memref<64xi32, #tpu.memory_space<vmem>>
    %dma_wait3A_496 = arith.constant 0 : i32
    %dma_wait3A_497 = arith.constant 0 : i32
    %dma_wait3A_498 = tpu.memref_slice %arg6[%dma_wait3A_496, %dma_wait3A_497] : memref<10240x64xf32, #tpu.memory_space<vmem_shared>> -> memref<10240x64xf32, #tpu.memory_space<vmem_shared>>
    tpu.wait_indirect_dma semaphore(%arg18 : memref<!tpu.dma_semaphore, #tpu.memory_space<semaphore_mem>>) src(%dma_wait3A_492 : memref<64x64xf32, #tpu.memory_space<vmem>>) dst(%dma_wait3A_498 : memref<10240x64xf32, #tpu.memory_space<vmem_shared>>)
    "tpu.trace_start"() <{level = 10 : i32, message = "p_barrier2"}> : () -> ()
    %barrier3A_499 = arith.constant 0 : index
    tpu.barrier barrier_id(%barrier3A_499)
    "tpu.trace_stop"() : () -> ()
    "tpu.trace_start"() <{level = 10 : i32, message = "p_writeout"}> : () -> ()
    "tpu.region"() ({
      %run_scoped3A_500 = tpu.sem_alloc : memref<!tpu.dma_semaphore, #tpu.memory_space<semaphore_mem>>
      %dma_start3A_501 = arith.constant 0 : i32
      %dma_start3A_502 = tpu.memref_slice %arg5[%arg0, %mul3A_6, %dma_start3A_501] : memref<2x10240x64xf32, #tpu.memory_space<hbm>> -> memref<1x640x64xf32, #tpu.memory_space<hbm>>
      %dma_start3A_503 = tpu.memref_squeeze %dma_start3A_502 : memref<1x640x64xf32, #tpu.memory_space<hbm>> -> memref<640x64xf32, #tpu.memory_space<hbm>>
      %dma_start3A_504 = arith.constant 0 : i32
      %dma_start3A_505 = tpu.memref_slice %arg6[%mul3A_6, %dma_start3A_504] : memref<10240x64xf32, #tpu.memory_space<vmem_shared>> -> memref<640x64xf32, #tpu.memory_space<vmem_shared>>
      tpu.enqueue_dma source(%dma_start3A_505 : memref<640x64xf32, #tpu.memory_space<vmem_shared>>) target(%dma_start3A_503 : memref<640x64xf32, #tpu.memory_space<hbm>>) target_semaphore(%run_scoped3A_500 : memref<!tpu.dma_semaphore, #tpu.memory_space<semaphore_mem>>)
      %dma_wait3A_506 = arith.constant 0 : i32
      %dma_wait3A_507 = tpu.memref_slice %arg5[%arg0, %mul3A_6, %dma_wait3A_506] : memref<2x10240x64xf32, #tpu.memory_space<hbm>> -> memref<1x640x64xf32, #tpu.memory_space<hbm>>
      %dma_wait3A_508 = tpu.memref_squeeze %dma_wait3A_507 : memref<1x640x64xf32, #tpu.memory_space<hbm>> -> memref<640x64xf32, #tpu.memory_space<hbm>>
      %dma_wait3A_509 = arith.constant 0 : i32
      %dma_wait3A_510 = tpu.memref_slice %arg6[%mul3A_6, %dma_wait3A_509] : memref<10240x64xf32, #tpu.memory_space<vmem_shared>> -> memref<640x64xf32, #tpu.memory_space<vmem_shared>>
      tpu.wait_dma2 semaphore(%run_scoped3A_500 : memref<!tpu.dma_semaphore, #tpu.memory_space<semaphore_mem>>) src(%dma_wait3A_510 : memref<640x64xf32, #tpu.memory_space<vmem_shared>>) dst(%dma_wait3A_508 : memref<640x64xf32, #tpu.memory_space<hbm>>)
      tpu.yield
    }) : () -> ()
    "tpu.trace_stop"() : () -> ()
    return
  }
}

module attributes {stable_mosaic.version = 14 : i64} {
  func.func @_combine_matmul_body(%arg0: i32, %arg1: memref<2x1000x64xf32, #tpu.memory_space<vmem>>, %arg2: memref<128x128xf32, #tpu.memory_space<vmem>>, %arg3: memref<1x128xf32, #tpu.memory_space<vmem>>, %arg4: memref<1000x128xf32, #tpu.memory_space<vmem>>) attributes {dimension_semantics = [#tpu.dimension_semantics<arbitrary>], iteration_bounds = array<i64: 10>, scalar_prefetch = 0 : i64, scratch_operands = 0 : i64, tpu.core_type = #tpu.core_type<tc>, window_params = [{transform_indices = @transform_0, window_bounds = array<i64: 2, 1000, 64>}, {pipeline_mode = #tpu.pipeline_mode<synchronous>, transform_indices = @transform_1, window_bounds = array<i64: 128, 128>}, {pipeline_mode = #tpu.pipeline_mode<synchronous>, transform_indices = @transform_2, window_bounds = array<i64: 1, 128>}, {transform_indices = @transform_3, window_bounds = array<i64: 1000, 128>}]} {
    %get3A = arith.constant 0 : index
    %get3A_0 = arith.constant 0 : index
    %get3A_1 = arith.constant 0 : index
    %get3A_2 = vector.load %arg1[%get3A, %get3A_0, %get3A_1] : memref<2x1000x64xf32, #tpu.memory_space<vmem>>, vector<1x1000x64xf32>
    %get3A_3 = vector.shape_cast %get3A_2 : vector<1x1000x64xf32> to vector<1000x64xf32>
    %get3A_4 = arith.constant 1 : index
    %get3A_5 = arith.constant 0 : index
    %get3A_6 = arith.constant 0 : index
    %get3A_7 = vector.load %arg1[%get3A_4, %get3A_5, %get3A_6] : memref<2x1000x64xf32, #tpu.memory_space<vmem>>, vector<1x1000x64xf32>
    %get3A_8 = vector.shape_cast %get3A_7 : vector<1x1000x64xf32> to vector<1000x64xf32>
    %concatenate3A = tpu.concatenate %get3A_3, %get3A_8 in 1 : vector<1000x64xf32>, vector<1000x64xf32> -> vector<1000x128xf32>
    %get3A_9 = arith.constant 0 : index
    %get3A_10 = arith.constant 0 : index
    %get3A_11 = vector.load %arg2[%get3A_9, %get3A_10] : memref<128x128xf32, #tpu.memory_space<vmem>>, vector<128x128xf32>
    %dot_general3A = arith.constant dense<0.000000e+00> : vector<1000x128xf32>
    %dot_general3A_12 = tpu.matmul %concatenate3A, %get3A_11, %dot_general3A {dimension_numbers = #tpu.dot_dimension_numbers<[1], [0], [0], [1], [0, 0, 1, 1], [], []>, transpose_lhs_hint = false} : vector<1000x128xf32>, vector<128x128xf32>, vector<1000x128xf32> -> vector<1000x128xf32>
    %get3A_13 = arith.constant 0 : index
    %get3A_14 = arith.constant 0 : index
    %get3A_15 = vector.load %arg3[%get3A_13, %get3A_14] : memref<1x128xf32, #tpu.memory_space<vmem>>, vector<1x128xf32>
    %add3A = vector.broadcast %get3A_15 : vector<1x128xf32> to vector<1000x128xf32>
    %add3A_16 = arith.addf %dot_general3A_12, %add3A : vector<1000x128xf32>
    %swap3A = arith.constant 0 : index
    %swap3A_17 = arith.constant 0 : index
    %swap3A_18 = vector.load %arg4[%swap3A, %swap3A_17] : memref<1000x128xf32, #tpu.memory_space<vmem>>, vector<1000x128xf32>
    tpu.vector_store %arg4[%swap3A, %swap3A_17], %add3A_16 {strides = array<i32>} : memref<1000x128xf32, #tpu.memory_space<vmem>>, vector<1000x128xf32>,
    return
  }
  func.func @transform_0(%arg0: i32) -> (i32, i32, i32) {
    %c0_i32 = arith.constant 0 : i32
    %c0_i32_0 = arith.constant 0 : i32
    %c0_i32_1 = arith.constant 0 : i32
    return %c0_i32, %arg0, %c0_i32_0 : i32, i32, i32
  }
  func.func @transform_1(%arg0: i32) -> (i32, i32) {
    %c0_i32 = arith.constant 0 : i32
    %c0_i32_0 = arith.constant 0 : i32
    %c0_i32_1 = arith.constant 0 : i32
    return %c0_i32, %c0_i32_0 : i32, i32
  }
  func.func @transform_2(%arg0: i32) -> (i32, i32) {
    %c0_i32 = arith.constant 0 : i32
    %c0_i32_0 = arith.constant 0 : i32
    %c0_i32_1 = arith.constant 0 : i32
    return %c0_i32, %c0_i32_0 : i32, i32
  }
  func.func @transform_3(%arg0: i32) -> (i32, i32) {
    %c0_i32 = arith.constant 0 : i32
    %c0_i32_0 = arith.constant 0 : i32
    return %arg0, %c0_i32 : i32, i32
  }
}

</mosaic_0001>

<sc_bundles>
// kernel: kernel.4.cloned.1.call-start
scs
__scs_entry_jumppad:
0x0: {  	(pc) =	sbr.rel $0x88, $3  }
0x1: {  	(tag) =	ssettag $0x0;
	lr =	simm.s32 $0x1  }
0x2: {  	[smem:$0x3F9D] =	sst lr;
	_ =	strace $0xD0000000  }
0x3: {  	_ = 	snop  }
0x4: {  	_ = 	snop  }
0x5: {  	_ = 	snop  }
0x6: {  	_ = 	snop  }
0x7: {  	_ = 	snop  }
__scs_overlays_trampoline_lowered:
0x8: {  	[smem:$0x3FAC] =	sst s0  }
0x9: {  	[smem:$0x3FAD] =	sst s1  }
0xa: {  	[smem:$0x3FAE] =	sst s2  }
0xb: {  	[smem:$0x3FAF] =	sst s3  }
0xc: {  	[smem:$0x3FB0] =	sst s4  }
0xd: {  	[smem:$0x3FB1] =	sst s5  }
0xe: {  	[smem:$0x3FB2] =	sst s6  }
0xf: {  	[smem:$0x3FB3] =	sst s7  }
0x10: {  	[smem:$0x3FB4] =	sst s8  }
0x11: {  	[smem:$0x3FB5] =	sst s9;
	s0 =	simm.s32 @!p0 $0x0  }
0x12: {  	s1 =	sld [smem:$0x3F9B];
	s0 =	simm.s32 @p0 $0x1  }
0x13: {  	[smem:$0x3FB6] =	sst s0;
	s0 =	simm.s32 @!p1 $0x0  }
0x14: {  	s2 =	sld [smem:$0x3F9A];
	s0 =	simm.s32 @p1 $0x1  }
0x15: {  	[smem:$0x3FB7] =	sst s0;
	s0 =	simm.s32 @!p2 $0x0  }
0x16: {  	s3 =	sld [smem:$0x3FDB];
	s0 =	simm.s32 @p2 $0x1  }
0x17: {  	s4 =	simm.s32 $0x1BF5;
	[smem:$0x3FB9] =	sst s0  }
0x18: {  	s0 =	sld [smem:$0x3F9C];
	_ =	swait.ge [sflag:s4], $0x0  }
0x19: {  	s7 =	sld [smem:$0x3F9D]  }
0x1a: {  	s8 =	sadd.s32 $0xFFFFE003, lr  }
0x1b: {  	s9 =	sadd.s32 $0xFFFFFEF7, lr;
	s5 =	simm.s32 $0xFFFFFFFF;
	p2 =	slt.u32 s8, $0xFFFFF086  }
0x1c: {  	p1 =	slt.u32 s9, $0xF7A;
	s5 =	simm.s32 @!p2 $0x0  }
0x1d: {  	s5 =	simm.s32 @p1 $0x1;
	p0 =	seq.s32 s7, s2  }
0x1e: {  	s7 =	smul.u32 @!p0 $0xF7A, s2;
	p2 =	seq.s32 @!p0 s5, $0x0  }
0x1f: {  	s9 =	smul.u32 $0xF7A, s1;
	s8 =	simm.s32 @!p0 $0x1BF5;
	p2 =	por !p2, p0  }
0x20: {  	[sflag:s8] =	ssyncset.s32 @!p0 $0xFFFFF086;
	s6 =	sadd.s32 @!p0 s3, s7;
	s7 =	simm.s32 @!p0 $0x108  }
0x21: {  	s3 =	sadd.s32 s3, s9;
	s6 =	sadd.s32 @!p0 $0x88, s6;
	s7 =	simm.s32 @p2 $0x1082  }
0x22: {  	[simem:s7], [sflag:s8] =	dma.local @!p0 [hbm:s6], $0xF7A  }
0x23: {  	s9 =	sor.u32 $0xD0000000, s2;
	s6 =	simm.s32 $0x108;
	_ =	swait.ge @!p0 [sflag:s8], $0x0  }
0x24: {  	s3 =	sadd.s32 $0x88, s3;
	s6 =	simm.s32 @!p1 $0x1082;
	[sflag:s4] =	ssyncset.s32 $0xFFFFF086  }
0x25: {  	[simem:s6], [sflag:s4] =	dma.local [hbm:s3], $0xF7A  }
0x26: {  	[smem:$0x3F9D] =	sst s1;
	(tag) =	ssettag s2;
	_ =	strace s9  }
0x27: {  	s1 =	sld [smem:$0x3FAD]  }
0x28: {  	s2 =	sld [smem:$0x3FAE]  }
0x29: {  	s4 =	sld [smem:$0x3FB0]  }
0x2a: {  	p0 =	seq.s32 s5, $0x0;
	s5 =	sld [smem:$0x3FB1]  }
0x2b: {  	s6 =	sld [smem:$0x3FB2]  }
0x2c: {  	s7 =	sld [smem:$0x3FB3]  }
0x2d: {  	s3 =	simm.s32 $0x108;
	s8 =	sld [smem:$0x3FB4]  }
0x2e: {  	s3 =	simm.s32 @!p0 $0x1082;
	s9 =	sld [smem:$0x3FB5]  }
0x2f: {  	lr =	sadd.s32 s0, s3;
	s0 =	sld [smem:$0x3FAC]  }
0x30: {  	s3 =	sld [smem:$0x3FAF]  }
0x31: {  	[smem:$0x3FB8] =	sst s10  }
0x32: {  	s10 =	sld [smem:$0x3FB6];
	_ =	sdelay $0x3  }
0x33: {  	p0 =	seq.s32 s10, $0x1;
	s10 =	sld [smem:$0x3FB8];
	_ =	sdelay $0x3  }
0x34: {  	[smem:$0x3FB8] =	sst s10  }
0x35: {  	s10 =	sld [smem:$0x3FB7];
	_ =	sdelay $0x3  }
0x36: {  	p1 =	seq.s32 s10, $0x1;
	s10 =	sld [smem:$0x3FB8];
	_ =	sdelay $0x3  }
0x37: {  	[smem:$0x3FB8] =	sst s10  }
0x38: {  	s10 =	sld [smem:$0x3FB9]  }
0x39: {  	_ = 	snop;
	(pc) =	sbr.ind lr, $3  }
0x3a: {  	_ = 	snop  }
0x3b: {  	_ = 	snop  }
0x3c: {  	p2 =	seq.s32 s10, $0x1;
	s10 =	sld [smem:$0x3FB8]  }
0x3d: {  	_ =	shalt  }
0x3e: {  	_ =	shalt  }
0x3f: {  	_ =	shalt  }
0x40: {  	_ =	shalt  }
0x41: {  	_ =	shalt  }
0x42: {  	_ =	shalt  }
0x43: {  	_ =	shalt  }
0x44: {  	_ =	shalt  }
0x45: {  	_ =	shalt  }
0x46: {  	_ =	shalt  }
0x47: {  	_ =	shalt  }
0x48: {  	_ =	shalt  }
0x49: {  	_ =	shalt  }
0x4a: {  	_ =	shalt  }
0x4b: {  	_ =	shalt  }
0x4c: {  	_ =	shalt  }
0x4d: {  	_ =	shalt  }
0x4e: {  	_ =	shalt  }
0x4f: {  	_ =	shalt  }
0x50: {  	_ =	shalt  }
0x51: {  	_ =	shalt  }
0x52: {  	_ =	shalt  }
0x53: {  	_ =	shalt  }
0x54: {  	_ =	shalt  }
0x55: {  	_ =	shalt  }
0x56: {  	_ =	shalt  }
0x57: {  	_ =	shalt  }
0x58: {  	_ =	shalt  }
0x59: {  	_ =	shalt  }
0x5a: {  	_ =	shalt  }
0x5b: {  	_ =	shalt  }
0x5c: {  	_ =	shalt  }
0x5d: {  	_ =	shalt  }
0x5e: {  	_ =	shalt  }
0x5f: {  	_ =	shalt  }
0x60: {  	_ =	shalt  }
0x61: {  	_ =	shalt  }
0x62: {  	_ =	shalt  }
0x63: {  	_ =	shalt  }
0x64: {  	_ =	shalt  }
0x65: {  	_ =	shalt  }
0x66: {  	_ =	shalt  }
0x67: {  	_ =	shalt  }
0x68: {  	_ =	shalt  }
0x69: {  	_ =	shalt  }
0x6a: {  	_ =	shalt  }
0x6b: {  	_ =	shalt  }
0x6c: {  	_ =	shalt  }
0x6d: {  	_ =	shalt  }
0x6e: {  	_ =	shalt  }
0x6f: {  	_ =	shalt  }
0x70: {  	_ =	shalt  }
0x71: {  	_ =	shalt  }
0x72: {  	_ =	shalt  }
0x73: {  	_ =	shalt  }
0x74: {  	_ =	shalt  }
0x75: {  	_ =	shalt  }
0x76: {  	_ =	shalt  }
0x77: {  	_ =	shalt  }
0x78: {  	_ =	shalt  }
0x79: {  	_ =	shalt  }
0x7a: {  	_ =	shalt  }
0x7b: {  	_ =	shalt  }
0x7c: {  	_ =	shalt  }
0x7d: {  	_ =	shalt  }
0x7e: {  	_ =	shalt  }
0x7f: {  	_ =	shalt  }
0x80: {  	_ =	shalt  }
0x81: {  	_ =	shalt  }
0x82: {  	_ =	shalt  }
0x83: {  	_ =	shalt  }
0x84: {  	_ =	shalt  }
0x85: {  	_ =	shalt  }
0x86: {  	_ =	shalt  }
0x87: {  	_ =	shalt  }
.Lfunc_end0:
.L_simem_size_0:
called_computation_lowered:
.L_overlay_start_0:
0x88: {  	s2 =	sld [smem:$0x3FD9]  }
0x89: {  	s3 =	sld [smem:$0x3FFE];
	_ =	sdelay $0x1  }
0x8a: {  	s1 =	srdreg.scid  }
0x8b: {  	s0 =	sand.u32 $0x1, s1  }
0x8c: {  	s17 =	sshll.u32 s0, $0xA;
	s2 =	sadd.s32 s3, s2  }
0x8d: {  	s2 =	sadd.s32 s2, s17  }
0x8e: {  	[smem:$0x3FC4] =	sst s2  }
0x8f: {  	_ = 	snop  }
0x90: {  	s2 =	sld [smem:$0x3FC9]  }
0x91: {  	s18 =	sld [smem:$0x3FD0];
	(tm) =	ssettm $0x1  }
0x92: {  	s4 =	sld [smem:$0x3FFB];
	_ =	sdelay $0x3  }
0x93: {  	_ =	strace s4  }
0x94: {  	s4 =	sld [smem:$0x3FFC];
	_ =	sdelay $0x3  }
0x95: {  	_ =	strace s4  }
0x96: {  	s4 =	sld [smem:$0x3FFD];
	_ =	sdelay $0x3  }
0x97: {  	_ =	strace s4  }
0x98: {  	_ =	strace $0x8FFFFFFF  }
0x99: {  	s19 =	sld [smem:$0x3FDB];
	_ =	sdelay $0x1  }
0x9a: {  	s5 =	simm.s32 $_scs_section_size  }
0x9b: {  	s6 =	simm.s32 $_size__tile_overlayer_lowered;
	s7 =	simm.s32 $_tile_overlayer_lowered  }
0x9c: {  	s22 =	simm.s32 $0x1BFF;
	s21 =	sshll.u32 s7, $0x1;
	s4 =	sadd.s32 s5, s19  }
0x9d: {  	s8 =	simm.s32 $0x0;
	s20 =	sshll.u32 s6, $0x1;
	s6 =	sadd.s32 s21, s4  }
0x9e: {  	[timem:s8], [sflag:s22] =	dma.local [hbm:s6], s20  }
0x9f: {  	_ =	swait.ge [sflag:s22], s20  }
0xa0: {  	s5 =	ssub.s32 $0x0, s20;
	[sflag:s22] =	ssyncset.done $0x0  }
0xa1: {  	[sflag:s22] =	ssyncadd.s32 s5;
	_ =	sdelay $0x1  }
0xa2: {  	s23 =	simm.s32 $0x1B8B  }
0xa3: {  	_ =	swait.ge [sflag:s23], $0x1  }
0xa4: {  	[sflag:s23] =	ssyncset.done $0x0  }
0xa5: {  	s25 =	simm.s32 $0x1B8E;
	s24 =	sld [smem:$0x3FFE];
	[sflag:s23] =	ssyncadd.s32 $0xFFFFFFFF  }
0xa6: {  	s26 =	simm.s32 $execute0_lowered;
	[smem:$0x3FD2] =	sst s25  }
0xa7: {  	s6 =	sshll.u32 s26, $0x1;
	_ =	strace $0x80000046;
	[dreg:$0x1] =	wrdreg $0xFFFFFFFF  }
0xa8: {  	s28 =	simm.s32 $_size_execute0_lowered;
	s4 =	sadd.s32 s4, s6;
	[dreg:$0x0] =	wrdreg $0x0  }
0xa9: {  	s6 =	sshll.u32 s28, $0x1;
	[dreg:$0x2] =	wrdreg s4  }
0xaa: {  	[dreg:$0x3] =	wrdreg s6  }
0xab: {  	[dreg:$0x4] =	wrdreg $0xC0  }
0xac: {  	_ =	task [dreg:s8], $0x5FFFF  }
0xad: {  	[dreg:$0x1] =	wrdreg $0xFFFFFFFF  }
0xae: {  	[dreg:$0x0] =	wrdreg $0x60  }
0xaf: {  	[dreg:$0x2] =	wrdreg s2  }
0xb0: {  	[dreg:$0x3] =	wrdreg s18  }
0xb1: {  	[dreg:$0x4] =	wrdreg s24  }
0xb2: {  	[dreg:$0x5] =	wrdreg $0xA0000  }
0xb3: {  	[dreg:$0x6] =	wrdreg $0x0  }
0xb4: {  	[dreg:$0x7] =	wrdreg $0x9  }
0xb5: {  	_ =	task.clear_ibuf [dreg:s8], $0x8FFFF;
	_ =	strace $0x90000046  }
0xb6: {  	s29 =	simm.s32 $0x9;
	_ =	strace $0x80000055  }
0xb7: {  	_ =	swait.ge [sflag:s29], $0x1  }
0xb8: {  	[sflag:s29] =	ssyncadd.s32 $0xFFFFFFFF  }
0xb9: {  	_ =	strace $0x90000055  }
0xba: {  	_ =	sfence  }
0xbb: {  	s30 =	sld [smem:$0x0];
	_ =	sdelay $0x2  }
0xbc: {  	s31 =	sshll.u32 s1, $0xD;
	s1 =	sshrl.u32 s1, $0x2  }
0xbd: {  	s3 =	sand.u32 $0x4000, s31;
	s1 =	sadd.s32 s1, s30  }
0xbe: {  	s0 =	sor.u32 s3, s0;
	s1 =	sshll.u32 s1, $0x11  }
0xbf: {  	s0 =	sor.u32 s1, s0  }
0xc0: {  	s0 =	sadd.s32 $0x8F2B, s0  }
0xc1: {  	[sflag:s0] =	ssyncadd.remote.s32 $0x1  }
0xc2: {  	_ =	sfence.sel $0xFFFF  }
0xc3: {  	[dreg:$0x0] =	wrdreg $0xFFFFFFFF;
	(pc) =	sbr.abs _section_cstart, $3  }
0xc4: {  	[dreg:$0x1] =	wrdreg $0xFFFFFFFF  }
0xc5: {  	_ =	task.clear_ibuf [dreg:s8], $0x2FFFF;
	_ =	strace $0x9FFFFFFF  }
0xc6: {  	(tm) =	ssettm $0x7FFFFFFF  }
0xc7: {  	_ =	shalt  }
tec
execute0_lowered:
.L_overlay_start_1:
0x0: {  	(tag) =	ssettag $0x1  }
0x1: {  	s3 =	rddreg [dreg:$0x0]  }
0x2: {  	s5 =	rddreg [dreg:$0x1]  }
0x3: {  	s0 =	srdreg.scid;
	s7 =	rddreg [dreg:$0x2]  }
0x4: {  	s14 =	stileid.u32;
	s1 =	rddreg [dreg:$0x3]  }
0x5: {  	s2 =	simm.s32 $0x0;
	s28 =	simm.s32 $0x140C0;
	s8 =	smul.u32 $0x280, s14  }
0x6: {  	s29 =	simm.s32 $0x18400;
	s30 =	simm.s32 $0x3;
	s10 =	smul.u32 $0x14000, s14  }
0x7: {  	s0 =	sand.u32 $0x1, s0;
	[smem:$0x7FF] =	sst s2;
	s13 =	smul.u32 $0xA00, s14  }
0x8: {  	s6 =	smul.u32 $0xA0000, s0;
	s9 =	ssub.s32 $0x2, s0;
	s0 =	sshll.u32 s0, $0x6  }
0x9: {  	s22 =	smul.u32 $0x5000, s14;
	s8 =	sadd.s32 $0x190, s8;
	s10 =	sor.u32 s0, s10  }
0xa: {  	s23 =	sadd.s32 s5, s13;
	s24 =	sadd.s32 s7, s13;
	s12 =	sshll.u32 s8, $0x7  }
0xb: {  	s10 =	sshrl.u32 s10, $0x3;
	[dreg:$0x8] =	wrdreg s23;
	s0 =	sor.u32 s0, s12  }
0xc: {  	[dreg:$0x9] =	wrdreg s24;
	s10 =	sadd.s32 s3, s10;
	s0 =	sshrl.u32 s0, $0x3  }
0xd: {  	s25 =	sor.u32 $0x140, s13;
	[dreg:$0x6] =	wrdreg s10;
	s0 =	sadd.s32 s3, s0  }
0xe: {  	s12 =	sadd.s32 s5, s25;
	[dreg:$0x7] =	wrdreg s0;
	s0 =	sshrl.u32 s22, $0x3  }
0xf: {  	[dreg:$0xa] =	wrdreg s12;
	s3 =	sadd.s32 s7, s25;
	s26 =	sadd.s32 $0x280, s0  }
0x10: {  	[dreg:$0xb] =	wrdreg s3;
	s22 =	sadd.s32 $0x780, s0;
	s13 =	sadd.s32 s5, s26  }
0x11: {  	s24 =	sadd.s32 s5, s22;
	s25 =	sadd.s32 s7, s22;
	s22 =	rddreg [dreg:$0x4]  }
0x12: {  	s16 =	sadd.s32 $0x3C0, s0;
	s15 =	sadd.s32 s7, s26;
	[dreg:$0xc] =	wrdreg s13  }
0x13: {  	s31 =	simm.s32 $0x5;
	s18 =	sadd.s32 s5, s16;
	[dreg:$0xd] =	wrdreg s15  }
0x14: {  	s17 =	sadd.s32 $0x500, s0;
	s3 =	sadd.s32 s7, s16;
	[dreg:$0xe] =	wrdreg s18  }
0x15: {  	s4 =	smul.u32 $0xA000, s14;
	s19 =	sadd.s32 s5, s17;
	[dreg:$0xf] =	wrdreg s3  }
0x16: {  	s21 =	sadd.s32 $0x640, s0;
	s20 =	sadd.s32 s7, s17;
	[dreg:$0x10] =	wrdreg s19  }
0x17: {  	p0 =	seq.s32 s14, $0xF;
	s23 =	sadd.s32 s5, s21;
	[dreg:$0x11] =	wrdreg s20  }
0x18: {  	s11 =	sshrl.u32 s9, $0x1;
	s6 =	sadd.s32 s4, s6;
	[dreg:$0x12] =	wrdreg s23  }
0x19: {  	s9 =	ssub.s32 s9, s11;
	s0 =	sadd.s32 $0x8C0, s0;
	[dreg:$0x14] =	wrdreg s24  }
0x1a: {  	s6 =	sshrl.u32 s6, $0x3;
	s5 =	sadd.s32 s5, s0;
	[dreg:$0x15] =	wrdreg s25  }
0x1b: {  	s6 =	sadd.s32 s6, s7;
	s0 =	sadd.s32 s7, s0;
	[dreg:$0x16] =	wrdreg s5  }
0x1c: {  	s26 =	smul.u32 $0x28000, s14;
	s3 =	sadd.s32 s7, s21;
	[dreg:$0x17] =	wrdreg s0  }
0x1d: {  	s7 =	sadd.s32 s4, s1;
	s19 =	sadd.s32 $0xA000, s6;
	[dreg:$0x13] =	wrdreg s3  }
0x1e: {  	s20 =	smax.u32 s9, $0x1;
	_ =	strace $0x80000047;
	[smem:$0x7F6] =	sst s19  }
0x1f: {  	s14 =	simm.s32 $0x15400;
	s21 =	sshrl.u32 s7, $0x3;
	[smem:$0x7F7] =	sst s20  }
0x20: {  	s5 =	sshll.u32 s8, $0x6;
	s23 =	sadd.s32 $0x9C400, s1;
	[smem:$0x7F8] =	sst s21  }
0x21: {  	s18 =	sadd.s32 s4, s22;
	s24 =	sadd.s32 $0x9D400, s1;
	[smem:$0x7FA] =	sst s23  }
0x22: {  	s25 =	sadd.s32 $0x9E400, s1;
	s3 =	sshrl.u32 s26, $0x2;
	[smem:$0x7FB] =	sst s24  }
0x23: {  	s0 =	sadd.s32 s5, s1;
	s26 =	sadd.s32 $0x9F400, s1;
	[smem:$0x7FC] =	sst s25  }
0x24: {  	s3 =	sadd.s32 s3, s22;
	s0 =	sshrl.u32 @!p0 s0, $0x3;
	[smem:$0x7FD] =	sst s26  }
0x25: {  	s4 =	simm.s32 $0x6;
	s8 =	sadd.s32 $0x1000, s3;
	[smem:$0x7F9] =	sst s0  }
0x26: {  	s6 =	simm.s32 $0x14140;
	s10 =	sadd.s32 $0x2000, s3;
	[dreg:$0x18] =	wrdreg s8  }
0x27: {  	s5 =	simm.s32 $0x14AC0;
	s11 =	sadd.s32 $0x3000, s3;
	[dreg:$0x19] =	wrdreg s10  }
0x28: {  	s7 =	simm.s32 $0x7;
	s12 =	sadd.s32 $0x4000, s3;
	[dreg:$0x1a] =	wrdreg s11  }
0x29: {  	s20 =	simm.s32 $0x16400;
	s13 =	sadd.s32 $0x5000, s3;
	[dreg:$0x1b] =	wrdreg s12  }
0x2a: {  	s24 =	simm.s32 $0x17400;
	s15 =	sadd.s32 $0x6000, s3;
	[dreg:$0x1c] =	wrdreg s13  }
0x2b: {  	s25 =	simm.s32 $0x2;
	s16 =	sadd.s32 $0x7000, s3;
	[dreg:$0x1d] =	wrdreg s15  }
.Ltmp0:
0x2c: {  	s17 =	sadd.s32 $0x8000, s3;
	[dreg:$0x1e] =	wrdreg s16;
	(pc) =	sbr.rel .LBB2_1-.Ltmp0, $4  }
0x2d: {  	s19 =	simm.s32 $0x14A80;
	s3 =	sadd.s32 $0x9000, s3;
	[dreg:$0x1f] =	wrdreg s17  }
0x2e: {  	s0 =	simm.s32 $0x14100;
	[smem:$0x7F5] =	sst s3;
	s11 =	simm.s32 $0x1  }
0x2f: {  	s12 =	simm.s32 $0x8;
	s13 =	simm.s32 $0x9;
	s15 =	simm.s32 $0x14000  }
0x30: {  	v0 =	vimm.f32 $0.0e+00;
	s16 =	simm.s32 $0x14A00;
	s17 =	simm.s32 $0x40;
	s3 =	simm.s32 $0x4  }
.LBB2_27:
0x31: {  	_ =	swait.ge [sflag:s3], $0x1000  }
0x32: {  	[sflag:s3] =	ssyncset.done $0x0  }
0x33: {  	[sflag:s3] =	ssyncadd.s32 $0xFFFFF000  }
0x34: {  	_ =	swait.ge [sflag:s4], $0x1000  }
0x35: {  	[sflag:s4] =	ssyncset.done $0x0  }
0x36: {  	s9 =	sadd.s32 $0x14BC0, s10;
	[sflag:s4] =	ssyncadd.s32 $0xFFFFF000  }
0x37: {  	[spmem:s22] =	stream.indirect.scatter.add.f32 [tilespmem:s29], [sflag:$0x8], $0x40, s9, s17, $0x2000b8;
	[tilespmem:$0x19400] =	vst v63  }
0x38: {  	_ =	strace $0x90000052  }
0x39: {  	_ =	swait.ge [sflag:s7], $0x1000  }
0x3a: {  	[sflag:s7] =	ssyncset.done $0x0  }
0x3b: {  	[sflag:s7] =	ssyncadd.s32 $0xFFFFF000  }
0x3c: {  	_ =	swait.ge [sflag:s12], $0x1000  }
0x3d: {  	[sflag:s12] =	ssyncset.done $0x0  }
0x3e: {  	[sflag:s12] =	ssyncadd.s32 $0xFFFFF000  }
0x3f: {  	_ =	strace $0x80000053  }
0x40: {  	[bflag:$0x0] =	sbarrier.arrive $0xFFFF  }
0x41: {  	_ =	strace $0x90000053  }
0x42: {  	_ =	strace $0x80000054  }
0x43: {  	s23 =	sld [smem:$0x7F6];
	_ =	sdelay $0x1  }
0x44: {  	s21 =	sshrl.u32 s18, $0x3  }
0x45: {  	[hbm:s23], [sflag:s8] =	dma.local [spmem:s21], $0x1400  }
0x46: {  	_ =	swait.ge [sflag:s13], $0x1400  }
0x47: {  	s26 =	sld [smem:$0x7F7];
	_ =	sdelay $0x1  }
0x48: {  	s2 =	sadd.s32 $0x1, s2  }
0x49: {  	p1 =	sne.s32 s2, s26  }
.Ltmp1:
0x4a: {  	_ = 	snop;
	(pc) =	sbr.rel @!p1 .LBB2_28-.Ltmp1, $4  }
0x4b: {  	_ = 	snop  }
0x4c: {  	[sflag:s13] =	ssyncset.done $0x0  }
0x4d: {  	[sflag:s13] =	ssyncadd.s32 $0xFFFFEC00  }
0x4e: {  	_ =	strace $0x90000054  }
.LBB2_1:
0x4f: {  	s21 =	smov.u32 s18  }
0x50: {  	_ =	strace $0x80000048;
	s9 =	simm.s32 $0x100;
	s8 =	simm.s32 $0x0  }
.LBB2_2:
0x51: {  	p1 =	sne.s32 s9, $0x3F00;
	[tilespmem:s8+$0x15430] =	vst v0;
	s10 =	smov.u32 s9;
	s9 =	sadd.s32 $0x100, s9  }
.Ltmp2:
0x52: {  	[tilespmem:s8+$0x15420] =	vst v0;
	(pc) =	sbr.rel @p1 .LBB2_2-.Ltmp2, $3  }
0x53: {  	[tilespmem:s8+$0x15400] =	vst v0  }
0x54: {  	[tilespmem:s8+$0x15410] =	vst v0;
	_ =	sdelay $0x1  }
0x55: {  	s8 =	sshra.s32 s10, $0x2  }
0x56: {  	[tilespmem:s8+$0x15430] =	vst v0  }
0x57: {  	[tilespmem:s8+$0x15420] =	vst v0  }
0x58: {  	[tilespmem:s8+$0x15400] =	vst v0  }
0x59: {  	[tilespmem:s8+$0x15410] =	vst v0  }
0x5a: {  	_ =	strace $0x90000048  }
0x5b: {  	_ =	strace $0x80000049  }
0x5c: {  	s18 =	stileid.u32;
	s10 =	sld [smem:$0x7F8]  }
0x5d: {  	s8 =	sshll.u32 s18, $0x6  }
0x5e: {  	s18 =	simm.s32 $0x10;
	s8 =	sor.u32 $0x1C09, s8;
	s9 =	rddreg [dreg:$0x6]  }
0x5f: {  	[spmem:s10@s12], [sflag:s8] =	dma.strided [hbm:s9@s18], $0xC80, s11, $0x8   }
0x60: {  	_ =	swait.ge [sflag:s13], $0xC80  }
0x61: {  	[sflag:s13] =	ssyncset.done $0x0  }
0x62: {  	[sflag:s13] =	ssyncadd.s32 $0xFFFFF380  }
0x63: {  	_ =	strace $0x90000049  }
0x64: {  	s10 =	sld [smem:$0x7FA];
	_ =	sdelay $0x1  }
0x65: {  	s9 =	simm.s32 @p0 $0x15400  }
0x66: {  	[spmem:s10] =	stream.linear.scatter @p0 [tilespmem:s9], [sflag:$0x9], $0x1000, $0x38;
	[tilespmem:$0x19400] =	vst v63  }
0x67: {  	s10 =	simm.s32 @p0 $0x9  }
0x68: {  	_ =	swait.ge @p0 [sflag:s10], $0x1000  }
0x69: {  	s18 =	sld [smem:$0x7FB]  }
0x6a: {  	[sflag:s10] =	ssyncset.done @p0 $0x0  }
0x6b: {  	[sflag:s10] =	ssyncadd.s32 @p0 $0xFFFFF000  }
0x6c: {  	[spmem:s18] =	stream.linear.scatter @p0 [tilespmem:s9], [sflag:$0x9], $0x1000, $0x38;
	[tilespmem:$0x19400] =	vst v63  }
0x6d: {  	_ =	swait.ge @p0 [sflag:s10], $0x1000  }
0x6e: {  	s18 =	sld [smem:$0x7FC]  }
0x6f: {  	[sflag:s10] =	ssyncset.done @p0 $0x0  }
0x70: {  	[sflag:s10] =	ssyncadd.s32 @p0 $0xFFFFF000  }
0x71: {  	[spmem:s18] =	stream.linear.scatter @p0 [tilespmem:s9], [sflag:$0x9], $0x1000, $0x38;
	[tilespmem:$0x19400] =	vst v63  }
0x72: {  	_ =	swait.ge @p0 [sflag:s10], $0x1000  }
0x73: {  	s18 =	sld [smem:$0x7FD]  }
0x74: {  	[sflag:s10] =	ssyncset.done @p0 $0x0  }
0x75: {  	[sflag:s10] =	ssyncadd.s32 @p0 $0xFFFFF000  }
0x76: {  	[spmem:s18] =	stream.linear.scatter @p0 [tilespmem:s9], [sflag:$0x9], $0xC00, $0x38;
	[tilespmem:$0x19400] =	vst v63  }
0x77: {  	_ =	swait.ge @p0 [sflag:s10], $0xC00  }
0x78: {  	s26 =	sld [smem:$0x7F9]  }
0x79: {  	s23 =	simm.s32 @!p0 $0x10;
	s9 =	simm.s32 @!p0 $0x1;
	[sflag:s10] =	ssyncset.done @p0 $0x0  }
0x7a: {  	s18 =	rddreg [dreg:$0x7];
	[sflag:s10] =	ssyncadd.s32 @p0 $0xFFFFF400;
	s10 =	simm.s32 @!p0 $0x8  }
0x7b: {  	[spmem:s26@s10], [sflag:s8] =	dma.strided @!p0 [hbm:s18@s23], $0x780, s9, $0x8   }
0x7c: {  	s9 =	simm.s32 @!p0 $0x9  }
0x7d: {  	_ =	swait.ge @!p0 [sflag:s9], $0x780  }
0x7e: {  	[sflag:s9] =	ssyncset.done @!p0 $0x0  }
0x7f: {  	[sflag:s9] =	ssyncadd.s32 @!p0 $0xFFFFF880  }
0x80: {  	[spmem:s21] =	stream.linear.scatter [tilespmem:s14], [sflag:$0x9], $0x1000, $0x38;
	[tilespmem:$0x19400] =	vst v63  }
0x81: {  	_ =	swait.ge [sflag:s13], $0x1000  }
0x82: {  	[sflag:s13] =	ssyncset.done $0x0  }
0x83: {  	s23 =	rddreg [dreg:$0x18];
	[sflag:s13] =	ssyncadd.s32 $0xFFFFF000  }
0x84: {  	[spmem:s23] =	stream.linear.scatter [tilespmem:s14], [sflag:$0x9], $0x1000, $0x38;
	[tilespmem:$0x19400] =	vst v63  }
0x85: {  	_ =	swait.ge [sflag:s13], $0x1000  }
0x86: {  	[sflag:s13] =	ssyncset.done $0x0  }
0x87: {  	s26 =	rddreg [dreg:$0x19];
	[sflag:s13] =	ssyncadd.s32 $0xFFFFF000  }
0x88: {  	[spmem:s26] =	stream.linear.scatter [tilespmem:s14], [sflag:$0x9], $0x1000, $0x38;
	[tilespmem:$0x19400] =	vst v63  }
0x89: {  	_ =	swait.ge [sflag:s13], $0x1000  }
0x8a: {  	[sflag:s13] =	ssyncset.done $0x0  }
0x8b: {  	s10 =	rddreg [dreg:$0x1a];
	[sflag:s13] =	ssyncadd.s32 $0xFFFFF000  }
0x8c: {  	[spmem:s10] =	stream.linear.scatter [tilespmem:s14], [sflag:$0x9], $0x1000, $0x38;
	[tilespmem:$0x19400] =	vst v63  }
0x8d: {  	_ =	swait.ge [sflag:s13], $0x1000  }
0x8e: {  	[sflag:s13] =	ssyncset.done $0x0  }
0x8f: {  	s18 =	smov.u32 s21;
	s21 =	rddreg [dreg:$0x1b];
	[sflag:s13] =	ssyncadd.s32 $0xFFFFF000  }
0x90: {  	[spmem:s21] =	stream.linear.scatter [tilespmem:s14], [sflag:$0x9], $0x1000, $0x38;
	[tilespmem:$0x19400] =	vst v63  }
0x91: {  	_ =	swait.ge [sflag:s13], $0x1000  }
0x92: {  	[sflag:s13] =	ssyncset.done $0x0  }
0x93: {  	s23 =	rddreg [dreg:$0x1c];
	[sflag:s13] =	ssyncadd.s32 $0xFFFFF000  }
0x94: {  	[spmem:s23] =	stream.linear.scatter [tilespmem:s14], [sflag:$0x9], $0x1000, $0x38;
	[tilespmem:$0x19400] =	vst v63  }
0x95: {  	_ =	swait.ge [sflag:s13], $0x1000  }
0x96: {  	[sflag:s13] =	ssyncset.done $0x0  }
0x97: {  	s26 =	rddreg [dreg:$0x1d];
	[sflag:s13] =	ssyncadd.s32 $0xFFFFF000  }
0x98: {  	[spmem:s26] =	stream.linear.scatter [tilespmem:s14], [sflag:$0x9], $0x1000, $0x38;
	[tilespmem:$0x19400] =	vst v63  }
0x99: {  	_ =	swait.ge [sflag:s13], $0x1000  }
0x9a: {  	[sflag:s13] =	ssyncset.done $0x0  }
0x9b: {  	s10 =	rddreg [dreg:$0x1e];
	[sflag:s13] =	ssyncadd.s32 $0xFFFFF000  }
0x9c: {  	[spmem:s10] =	stream.linear.scatter [tilespmem:s14], [sflag:$0x9], $0x1000, $0x38;
	[tilespmem:$0x19400] =	vst v63  }
0x9d: {  	_ =	swait.ge [sflag:s13], $0x1000  }
0x9e: {  	[sflag:s13] =	ssyncset.done $0x0  }
0x9f: {  	s21 =	rddreg [dreg:$0x1f];
	[sflag:s13] =	ssyncadd.s32 $0xFFFFF000  }
0xa0: {  	[spmem:s21] =	stream.linear.scatter [tilespmem:s14], [sflag:$0x9], $0x1000, $0x38;
	[tilespmem:$0x19400] =	vst v63  }
0xa1: {  	_ =	swait.ge [sflag:s13], $0x1000  }
0xa2: {  	s23 =	sld [smem:$0x7F5]  }
0xa3: {  	[sflag:s13] =	ssyncset.done $0x0  }
0xa4: {  	[sflag:s13] =	ssyncadd.s32 $0xFFFFF000  }
0xa5: {  	[spmem:s23] =	stream.linear.scatter [tilespmem:s14], [sflag:$0x9], $0x1000, $0x38;
	[tilespmem:$0x19400] =	vst v63  }
0xa6: {  	_ =	swait.ge [sflag:s13], $0x1000  }
0xa7: {  	[sflag:s13] =	ssyncset.done $0x0  }
0xa8: {  	[sflag:s13] =	ssyncadd.s32 $0xFFFFF000  }
0xa9: {  	_ =	strace $0x8000004A  }
0xaa: {  	[bflag:$0x0] =	sbarrier.arrive $0xFFFF  }
0xab: {  	_ =	strace $0x9000004A  }
0xac: {  	s9 =	simm.s32 $0x0;
	s26 =	rddreg [dreg:$0x8]  }
0xad: {  	[tilespmem:s15], [sflag:$0x9] =	stream.linear.gather [hbm4b:s26+s9], $0xA00, $0x38;
	[tilespmem:$0x19400] =	vst v63  }
0xae: {  	_ =	swait.ge [sflag:s13], $0xA00  }
0xaf: {  	[sflag:s13] =	ssyncset.done $0x0  }
0xb0: {  	s21 =	rddreg [dreg:$0x9];
	[sflag:s13] =	ssyncadd.s32 $0xFFFFF600  }
0xb1: {  	[tilespmem:s16], [sflag:$0x9] =	stream.linear.gather [hbm4b:s21+s9], $0xA00, $0x38;
	[tilespmem:$0x19400] =	vst v63  }
0xb2: {  	_ =	swait.ge [sflag:s13], $0xA00  }
0xb3: {  	[sflag:s13] =	ssyncset.done $0x0  }
0xb4: {  	[sflag:s13] =	ssyncadd.s32 $0xFFFFF600  }
0xb5: {  	[tilespmem:s14], [sflag:$0x1] =	stream.indirect.gather [spmem:s1], $0x40, s15, s17, $0xb8;
	[tilespmem:$0x19400] =	vst v63  }
0xb6: {  	s21 =	simm.s32 $0x14040  }
0xb7: {  	[tilespmem:s20], [sflag:$0x2] =	stream.indirect.gather [spmem:s1], $0x40, s21, s17, $0xb8;
	[tilespmem:$0x19400] =	vst v63  }
0xb8: {  	_ =	strace $0x8000004B  }
0xb9: {  	_ =	swait.ge [sflag:s11], $0x1000  }
0xba: {  	[sflag:s11] =	ssyncset.done $0x0  }
0xbb: {  	[sflag:s11] =	ssyncadd.s32 $0xFFFFF000  }
0xbc: {  	[spmem:s22] =	stream.indirect.scatter.add.f32 [tilespmem:s14], [sflag:$0x5], $0x40, s16, s17, $0x2000b8;
	[tilespmem:$0x19400] =	vst v63  }
0xbd: {  	s26 =	simm.s32 $0x14080  }
0xbe: {  	[tilespmem:s24], [sflag:$0x3] =	stream.indirect.gather [spmem:s1], $0x40, s26, s17, $0x2000b8;
	[tilespmem:$0x19400] =	vst v63  }
0xbf: {  	_ =	swait.ge [sflag:s25], $0x1000  }
0xc0: {  	[sflag:s25] =	ssyncset.done $0x0  }
0xc1: {  	s23 =	simm.s32 $0x14A40;
	[sflag:s25] =	ssyncadd.s32 $0xFFFFF000  }
0xc2: {  	[spmem:s22] =	stream.indirect.scatter.add.f32 [tilespmem:s20], [sflag:$0x6], $0x40, s23, s17, $0x2000b8;
	[tilespmem:$0x19400] =	vst v63  }
0xc3: {  	_ = 	snop  }
0xc4: {  	[tilespmem:s29], [sflag:$0x4] =	stream.indirect.gather [spmem:s1], $0x40, s28, s17, $0x2000b8;
	[tilespmem:$0x19400] =	vst v63  }
0xc5: {  	_ =	swait.ge [sflag:s30], $0x1000  }
0xc6: {  	[sflag:s30] =	ssyncset.done $0x0  }
0xc7: {  	[sflag:s30] =	ssyncadd.s32 $0xFFFFF000  }
0xc8: {  	_ =	swait.ge [sflag:s31], $0x1000  }
0xc9: {  	[sflag:s31] =	ssyncset.done $0x0  }
0xca: {  	[sflag:s31] =	ssyncadd.s32 $0xFFFFF000  }
0xcb: {  	[spmem:s22] =	stream.indirect.scatter.add.f32 [tilespmem:s24], [sflag:$0x7], $0x40, s19, s17, $0x2000b8;
	[tilespmem:$0x19400] =	vst v63  }
0xcc: {  	_ = 	snop  }
0xcd: {  	[tilespmem:s14], [sflag:$0x1] =	stream.indirect.gather [spmem:s1], $0x40, s0, s17, $0x2000b8;
	[tilespmem:$0x19400] =	vst v63  }
0xce: {  	_ =	swait.ge [sflag:s3], $0x1000  }
0xcf: {  	[sflag:s3] =	ssyncset.done $0x0  }
0xd0: {  	[sflag:s3] =	ssyncadd.s32 $0xFFFFF000  }
0xd1: {  	_ =	swait.ge [sflag:s4], $0x1000  }
0xd2: {  	[sflag:s4] =	ssyncset.done $0x0  }
0xd3: {  	[sflag:s4] =	ssyncadd.s32 $0xFFFFF000  }
0xd4: {  	[spmem:s22] =	stream.indirect.scatter.add.f32 [tilespmem:s29], [sflag:$0x8], $0x40, s5, s17, $0x2000b8;
	[tilespmem:$0x19400] =	vst v63  }
0xd5: {  	_ = 	snop  }
0xd6: {  	[tilespmem:s20], [sflag:$0x2] =	stream.indirect.gather [spmem:s1], $0x40, s6, s17, $0x2000b8;
	[tilespmem:$0x19400] =	vst v63  }
.LBB2_4:
0xd7: {  	_ =	swait.ge [sflag:s11], $0x1000  }
0xd8: {  	[sflag:s11] =	ssyncset.done $0x0  }
0xd9: {  	[sflag:s11] =	ssyncadd.s32 $0xFFFFF000  }
0xda: {  	_ =	swait.ge [sflag:s7], $0x1000  }
0xdb: {  	s10 =	sshra.s32 s9, $0x2;
	[sflag:s7] =	ssyncset.done $0x0  }
0xdc: {  	s23 =	sadd.s32 $0x14B00, s10;
	[sflag:s7] =	ssyncadd.s32 $0xFFFFF000  }
0xdd: {  	[spmem:s22] =	stream.indirect.scatter.add.f32 [tilespmem:s14], [sflag:$0x5], $0x40, s23, s17, $0x2000b8;
	[tilespmem:$0x19400] =	vst v63  }
0xde: {  	s23 =	sadd.s32 $0x14180, s10  }
0xdf: {  	[tilespmem:s24], [sflag:$0x3] =	stream.indirect.gather [spmem:s1], $0x40, s23, s17, $0x2000b8;
	[tilespmem:$0x19400] =	vst v63  }
0xe0: {  	_ =	swait.ge [sflag:s25], $0x1000  }
0xe1: {  	[sflag:s25] =	ssyncset.done $0x0  }
0xe2: {  	[sflag:s25] =	ssyncadd.s32 $0xFFFFF000  }
0xe3: {  	_ =	swait.ge [sflag:s12], $0x1000  }
0xe4: {  	[sflag:s12] =	ssyncset.done $0x0  }
0xe5: {  	s23 =	sadd.s32 $0x14B40, s10;
	[sflag:s12] =	ssyncadd.s32 $0xFFFFF000  }
0xe6: {  	[spmem:s22] =	stream.indirect.scatter.add.f32 [tilespmem:s20], [sflag:$0x6], $0x40, s23, s17, $0x2000b8;
	[tilespmem:$0x19400] =	vst v63  }
0xe7: {  	s23 =	sadd.s32 $0x141C0, s10  }
0xe8: {  	[tilespmem:s29], [sflag:$0x4] =	stream.indirect.gather [spmem:s1], $0x40, s23, s17, $0x2000b8;
	[tilespmem:$0x19400] =	vst v63  }
0xe9: {  	_ =	swait.ge [sflag:s30], $0x1000  }
0xea: {  	p1 =	seq.s32 s9, $0x2000;
	[sflag:s30] =	ssyncset.done $0x0  }
.Ltmp3:
0xeb: {  	[sflag:s30] =	ssyncadd.s32 $0xFFFFF000;
	(pc) =	sbr.rel @p1 .LBB2_6-.Ltmp3, $4  }
0xec: {  	_ =	swait.ge [sflag:s31], $0x1000  }
0xed: {  	[sflag:s31] =	ssyncset.done $0x0  }
0xee: {  	s23 =	sadd.s32 $0x14B80, s10;
	[sflag:s31] =	ssyncadd.s32 $0xFFFFF000  }
0xef: {  	[spmem:s22] =	stream.indirect.scatter.add.f32 [tilespmem:s24], [sflag:$0x7], $0x40, s23, s17, $0x2000b8;
	[tilespmem:$0x19400] =	vst v63  }
0xf0: {  	s23 =	sadd.s32 $0x14200, s10  }
0xf1: {  	[tilespmem:s14], [sflag:$0x1] =	stream.indirect.gather [spmem:s1], $0x40, s23, s17, $0x2000b8;
	[tilespmem:$0x19400] =	vst v63  }
0xf2: {  	_ =	swait.ge [sflag:s3], $0x1000  }
0xf3: {  	[sflag:s3] =	ssyncset.done $0x0  }
0xf4: {  	[sflag:s3] =	ssyncadd.s32 $0xFFFFF000  }
0xf5: {  	_ =	swait.ge [sflag:s4], $0x1000  }
.Ltmp4:
0xf6: {  	[sflag:s4] =	ssyncset.done $0x0;
	(pc) =	sbr.rel .LBB2_4-.Ltmp4, $4  }
0xf7: {  	s23 =	sadd.s32 $0x14BC0, s10;
	[sflag:s4] =	ssyncadd.s32 $0xFFFFF000  }
0xf8: {  	[spmem:s22] =	stream.indirect.scatter.add.f32 [tilespmem:s29], [sflag:$0x8], $0x40, s23, s17, $0x2000b8;
	[tilespmem:$0x19400] =	vst v63  }
0xf9: {  	s9 =	sadd.s32 $0x400, s9;
	s23 =	sadd.s32 $0x14240, s10  }
0xfa: {  	[tilespmem:s20], [sflag:$0x2] =	stream.indirect.gather [spmem:s1], $0x40, s23, s17, $0x2000b8;
	[tilespmem:$0x19400] =	vst v63  }
.LBB2_6:
0xfb: {  	_ =	swait.ge [sflag:s3], $0x1000  }
0xfc: {  	[sflag:s3] =	ssyncset.done $0x0  }
0xfd: {  	[sflag:s3] =	ssyncadd.s32 $0xFFFFF000  }
0xfe: {  	_ =	swait.ge [sflag:s4], $0x1000  }
0xff: {  	[sflag:s4] =	ssyncset.done $0x0  }
0x100: {  	s9 =	sadd.s32 $0x14BC0, s10;
	[sflag:s4] =	ssyncadd.s32 $0xFFFFF000  }
0x101: {  	[spmem:s22] =	stream.indirect.scatter.add.f32 [tilespmem:s29], [sflag:$0x8], $0x40, s9, s17, $0x2000b8;
	[tilespmem:$0x19400] =	vst v63  }
0x102: {  	_ =	strace $0x9000004B  }
0x103: {  	_ =	swait.ge [sflag:s7], $0x1000  }
0x104: {  	[sflag:s7] =	ssyncset.done $0x0  }
0x105: {  	[sflag:s7] =	ssyncadd.s32 $0xFFFFF000  }
0x106: {  	_ =	swait.ge [sflag:s12], $0x1000  }
0x107: {  	[sflag:s12] =	ssyncset.done $0x0  }
0x108: {  	s9 =	simm.s32 $0x0;
	s23 =	rddreg [dreg:$0xa];
	[sflag:s12] =	ssyncadd.s32 $0xFFFFF000  }
0x109: {  	[tilespmem:s15], [sflag:$0x9] =	stream.linear.gather [hbm4b:s23+s9], $0xA00, $0x38;
	[tilespmem:$0x19400] =	vst v63  }
0x10a: {  	_ =	swait.ge [sflag:s13], $0xA00  }
0x10b: {  	[sflag:s13] =	ssyncset.done $0x0  }
0x10c: {  	s23 =	rddreg [dreg:$0xb];
	[sflag:s13] =	ssyncadd.s32 $0xFFFFF600  }
0x10d: {  	[tilespmem:s16], [sflag:$0x9] =	stream.linear.gather [hbm4b:s23+s9], $0xA00, $0x38;
	[tilespmem:$0x19400] =	vst v63  }
0x10e: {  	_ =	swait.ge [sflag:s13], $0xA00  }
0x10f: {  	[sflag:s13] =	ssyncset.done $0x0  }
0x110: {  	[sflag:s13] =	ssyncadd.s32 $0xFFFFF600  }
0x111: {  	[tilespmem:s14], [sflag:$0x1] =	stream.indirect.gather [spmem:s1], $0x40, s15, s17, $0xb8;
	[tilespmem:$0x19400] =	vst v63  }
0x112: {  	_ = 	snop  }
0x113: {  	[tilespmem:s20], [sflag:$0x2] =	stream.indirect.gather [spmem:s1], $0x40, s21, s17, $0xb8;
	[tilespmem:$0x19400] =	vst v63  }
0x114: {  	_ =	strace $0x8000004C  }
0x115: {  	_ =	swait.ge [sflag:s11], $0x1000  }
0x116: {  	[sflag:s11] =	ssyncset.done $0x0  }
0x117: {  	[sflag:s11] =	ssyncadd.s32 $0xFFFFF000  }
0x118: {  	[spmem:s22] =	stream.indirect.scatter.add.f32 [tilespmem:s14], [sflag:$0x5], $0x40, s16, s17, $0x2000b8;
	[tilespmem:$0x19400] =	vst v63  }
0x119: {  	_ = 	snop  }
0x11a: {  	[tilespmem:s24], [sflag:$0x3] =	stream.indirect.gather [spmem:s1], $0x40, s26, s17, $0x2000b8;
	[tilespmem:$0x19400] =	vst v63  }
0x11b: {  	_ =	swait.ge [sflag:s25], $0x1000  }
0x11c: {  	[sflag:s25] =	ssyncset.done $0x0  }
0x11d: {  	s23 =	simm.s32 $0x14A40;
	[sflag:s25] =	ssyncadd.s32 $0xFFFFF000  }
0x11e: {  	[spmem:s22] =	stream.indirect.scatter.add.f32 [tilespmem:s20], [sflag:$0x6], $0x40, s23, s17, $0x2000b8;
	[tilespmem:$0x19400] =	vst v63  }
0x11f: {  	_ = 	snop  }
0x120: {  	[tilespmem:s29], [sflag:$0x4] =	stream.indirect.gather [spmem:s1], $0x40, s28, s17, $0x2000b8;
	[tilespmem:$0x19400] =	vst v63  }
0x121: {  	_ =	swait.ge [sflag:s30], $0x1000  }
0x122: {  	[sflag:s30] =	ssyncset.done $0x0  }
0x123: {  	[sflag:s30] =	ssyncadd.s32 $0xFFFFF000  }
0x124: {  	_ =	swait.ge [sflag:s31], $0x1000  }
0x125: {  	[sflag:s31] =	ssyncset.done $0x0  }
0x126: {  	[sflag:s31] =	ssyncadd.s32 $0xFFFFF000  }
0x127: {  	[spmem:s22] =	stream.indirect.scatter.add.f32 [tilespmem:s24], [sflag:$0x7], $0x40, s19, s17, $0x2000b8;
	[tilespmem:$0x19400] =	vst v63  }
0x128: {  	_ = 	snop  }
0x129: {  	[tilespmem:s14], [sflag:$0x1] =	stream.indirect.gather [spmem:s1], $0x40, s0, s17, $0x2000b8;
	[tilespmem:$0x19400] =	vst v63  }
0x12a: {  	_ =	swait.ge [sflag:s3], $0x1000  }
0x12b: {  	[sflag:s3] =	ssyncset.done $0x0  }
0x12c: {  	[sflag:s3] =	ssyncadd.s32 $0xFFFFF000  }
0x12d: {  	_ =	swait.ge [sflag:s4], $0x1000  }
0x12e: {  	[sflag:s4] =	ssyncset.done $0x0  }
0x12f: {  	[sflag:s4] =	ssyncadd.s32 $0xFFFFF000  }
0x130: {  	[spmem:s22] =	stream.indirect.scatter.add.f32 [tilespmem:s29], [sflag:$0x8], $0x40, s5, s17, $0x2000b8;
	[tilespmem:$0x19400] =	vst v63  }
0x131: {  	_ = 	snop  }
0x132: {  	[tilespmem:s20], [sflag:$0x2] =	stream.indirect.gather [spmem:s1], $0x40, s6, s17, $0x2000b8;
	[tilespmem:$0x19400] =	vst v63  }
.LBB2_7:
0x133: {  	_ =	swait.ge [sflag:s11], $0x1000  }
0x134: {  	[sflag:s11] =	ssyncset.done $0x0  }
0x135: {  	[sflag:s11] =	ssyncadd.s32 $0xFFFFF000  }
0x136: {  	_ =	swait.ge [sflag:s7], $0x1000  }
0x137: {  	s10 =	sshra.s32 s9, $0x2;
	[sflag:s7] =	ssyncset.done $0x0  }
0x138: {  	s23 =	sadd.s32 $0x14B00, s10;
	[sflag:s7] =	ssyncadd.s32 $0xFFFFF000  }
0x139: {  	[spmem:s22] =	stream.indirect.scatter.add.f32 [tilespmem:s14], [sflag:$0x5], $0x40, s23, s17, $0x2000b8;
	[tilespmem:$0x19400] =	vst v63  }
0x13a: {  	s23 =	sadd.s32 $0x14180, s10  }
0x13b: {  	[tilespmem:s24], [sflag:$0x3] =	stream.indirect.gather [spmem:s1], $0x40, s23, s17, $0x2000b8;
	[tilespmem:$0x19400] =	vst v63  }
0x13c: {  	_ =	swait.ge [sflag:s25], $0x1000  }
0x13d: {  	[sflag:s25] =	ssyncset.done $0x0  }
0x13e: {  	[sflag:s25] =	ssyncadd.s32 $0xFFFFF000  }
0x13f: {  	_ =	swait.ge [sflag:s12], $0x1000  }
0x140: {  	[sflag:s12] =	ssyncset.done $0x0  }
0x141: {  	s23 =	sadd.s32 $0x14B40, s10;
	[sflag:s12] =	ssyncadd.s32 $0xFFFFF000  }
0x142: {  	[spmem:s22] =	stream.indirect.scatter.add.f32 [tilespmem:s20], [sflag:$0x6], $0x40, s23, s17, $0x2000b8;
	[tilespmem:$0x19400] =	vst v63  }
0x143: {  	s23 =	sadd.s32 $0x141C0, s10  }
0x144: {  	[tilespmem:s29], [sflag:$0x4] =	stream.indirect.gather [spmem:s1], $0x40, s23, s17, $0x2000b8;
	[tilespmem:$0x19400] =	vst v63  }
0x145: {  	_ =	swait.ge [sflag:s30], $0x1000  }
0x146: {  	p1 =	seq.s32 s9, $0x2000;
	[sflag:s30] =	ssyncset.done $0x0  }
.Ltmp5:
0x147: {  	[sflag:s30] =	ssyncadd.s32 $0xFFFFF000;
	(pc) =	sbr.rel @p1 .LBB2_9-.Ltmp5, $4  }
0x148: {  	_ =	swait.ge [sflag:s31], $0x1000  }
0x149: {  	[sflag:s31] =	ssyncset.done $0x0  }
0x14a: {  	s23 =	sadd.s32 $0x14B80, s10;
	[sflag:s31] =	ssyncadd.s32 $0xFFFFF000  }
0x14b: {  	[spmem:s22] =	stream.indirect.scatter.add.f32 [tilespmem:s24], [sflag:$0x7], $0x40, s23, s17, $0x2000b8;
	[tilespmem:$0x19400] =	vst v63  }
0x14c: {  	s23 =	sadd.s32 $0x14200, s10  }
0x14d: {  	[tilespmem:s14], [sflag:$0x1] =	stream.indirect.gather [spmem:s1], $0x40, s23, s17, $0x2000b8;
	[tilespmem:$0x19400] =	vst v63  }
0x14e: {  	_ =	swait.ge [sflag:s3], $0x1000  }
0x14f: {  	[sflag:s3] =	ssyncset.done $0x0  }
0x150: {  	[sflag:s3] =	ssyncadd.s32 $0xFFFFF000  }
0x151: {  	_ =	swait.ge [sflag:s4], $0x1000  }
.Ltmp6:
0x152: {  	[sflag:s4] =	ssyncset.done $0x0;
	(pc) =	sbr.rel .LBB2_7-.Ltmp6, $4  }
0x153: {  	s23 =	sadd.s32 $0x14BC0, s10;
	[sflag:s4] =	ssyncadd.s32 $0xFFFFF000  }
0x154: {  	[spmem:s22] =	stream.indirect.scatter.add.f32 [tilespmem:s29], [sflag:$0x8], $0x40, s23, s17, $0x2000b8;
	[tilespmem:$0x19400] =	vst v63  }
0x155: {  	s9 =	sadd.s32 $0x400, s9;
	s23 =	sadd.s32 $0x14240, s10  }
0x156: {  	[tilespmem:s20], [sflag:$0x2] =	stream.indirect.gather [spmem:s1], $0x40, s23, s17, $0x2000b8;
	[tilespmem:$0x19400] =	vst v63  }
.LBB2_9:
0x157: {  	_ =	swait.ge [sflag:s3], $0x1000  }
0x158: {  	[sflag:s3] =	ssyncset.done $0x0  }
0x159: {  	[sflag:s3] =	ssyncadd.s32 $0xFFFFF000  }
0x15a: {  	_ =	swait.ge [sflag:s4], $0x1000  }
0x15b: {  	[sflag:s4] =	ssyncset.done $0x0  }
0x15c: {  	s9 =	sadd.s32 $0x14BC0, s10;
	[sflag:s4] =	ssyncadd.s32 $0xFFFFF000  }
0x15d: {  	[spmem:s22] =	stream.indirect.scatter.add.f32 [tilespmem:s29], [sflag:$0x8], $0x40, s9, s17, $0x2000b8;
	[tilespmem:$0x19400] =	vst v63  }
0x15e: {  	_ =	strace $0x9000004C  }
0x15f: {  	_ =	swait.ge [sflag:s7], $0x1000  }
0x160: {  	[sflag:s7] =	ssyncset.done $0x0  }
0x161: {  	[sflag:s7] =	ssyncadd.s32 $0xFFFFF000  }
0x162: {  	_ =	swait.ge [sflag:s12], $0x1000  }
0x163: {  	[sflag:s12] =	ssyncset.done $0x0  }
0x164: {  	s9 =	simm.s32 $0x0;
	s23 =	rddreg [dreg:$0xc];
	[sflag:s12] =	ssyncadd.s32 $0xFFFFF000  }
0x165: {  	[tilespmem:s15], [sflag:$0x9] =	stream.linear.gather [hbm4b:s23+s9], $0xA00, $0x38;
	[tilespmem:$0x19400] =	vst v63  }
0x166: {  	_ =	swait.ge [sflag:s13], $0xA00  }
0x167: {  	[sflag:s13] =	ssyncset.done $0x0  }
0x168: {  	s23 =	rddreg [dreg:$0xd];
	[sflag:s13] =	ssyncadd.s32 $0xFFFFF600  }
0x169: {  	[tilespmem:s16], [sflag:$0x9] =	stream.linear.gather [hbm4b:s23+s9], $0xA00, $0x38;
	[tilespmem:$0x19400] =	vst v63  }
0x16a: {  	_ =	swait.ge [sflag:s13], $0xA00  }
0x16b: {  	[sflag:s13] =	ssyncset.done $0x0  }
0x16c: {  	[sflag:s13] =	ssyncadd.s32 $0xFFFFF600  }
0x16d: {  	[tilespmem:s14], [sflag:$0x1] =	stream.indirect.gather [spmem:s1], $0x40, s15, s17, $0xb8;
	[tilespmem:$0x19400] =	vst v63  }
0x16e: {  	_ = 	snop  }
0x16f: {  	[tilespmem:s20], [sflag:$0x2] =	stream.indirect.gather [spmem:s1], $0x40, s21, s17, $0xb8;
	[tilespmem:$0x19400] =	vst v63  }
0x170: {  	_ =	strace $0x8000004D  }
0x171: {  	_ =	swait.ge [sflag:s11], $0x1000  }
0x172: {  	[sflag:s11] =	ssyncset.done $0x0  }
0x173: {  	[sflag:s11] =	ssyncadd.s32 $0xFFFFF000  }
0x174: {  	[spmem:s22] =	stream.indirect.scatter.add.f32 [tilespmem:s14], [sflag:$0x5], $0x40, s16, s17, $0x2000b8;
	[tilespmem:$0x19400] =	vst v63  }
0x175: {  	_ = 	snop  }
0x176: {  	[tilespmem:s24], [sflag:$0x3] =	stream.indirect.gather [spmem:s1], $0x40, s26, s17, $0x2000b8;
	[tilespmem:$0x19400] =	vst v63  }
0x177: {  	_ =	swait.ge [sflag:s25], $0x1000  }
0x178: {  	[sflag:s25] =	ssyncset.done $0x0  }
0x179: {  	s23 =	simm.s32 $0x14A40;
	[sflag:s25] =	ssyncadd.s32 $0xFFFFF000  }
0x17a: {  	[spmem:s22] =	stream.indirect.scatter.add.f32 [tilespmem:s20], [sflag:$0x6], $0x40, s23, s17, $0x2000b8;
	[tilespmem:$0x19400] =	vst v63  }
0x17b: {  	_ = 	snop  }
0x17c: {  	[tilespmem:s29], [sflag:$0x4] =	stream.indirect.gather [spmem:s1], $0x40, s28, s17, $0x2000b8;
	[tilespmem:$0x19400] =	vst v63  }
0x17d: {  	_ =	swait.ge [sflag:s30], $0x1000  }
0x17e: {  	[sflag:s30] =	ssyncset.done $0x0  }
0x17f: {  	[sflag:s30] =	ssyncadd.s32 $0xFFFFF000  }
0x180: {  	_ =	swait.ge [sflag:s31], $0x1000  }
0x181: {  	[sflag:s31] =	ssyncset.done $0x0  }
0x182: {  	[sflag:s31] =	ssyncadd.s32 $0xFFFFF000  }
0x183: {  	[spmem:s22] =	stream.indirect.scatter.add.f32 [tilespmem:s24], [sflag:$0x7], $0x40, s19, s17, $0x2000b8;
	[tilespmem:$0x19400] =	vst v63  }
0x184: {  	_ = 	snop  }
0x185: {  	[tilespmem:s14], [sflag:$0x1] =	stream.indirect.gather [spmem:s1], $0x40, s0, s17, $0x2000b8;
	[tilespmem:$0x19400] =	vst v63  }
0x186: {  	_ =	swait.ge [sflag:s3], $0x1000  }
0x187: {  	[sflag:s3] =	ssyncset.done $0x0  }
0x188: {  	[sflag:s3] =	ssyncadd.s32 $0xFFFFF000  }
0x189: {  	_ =	swait.ge [sflag:s4], $0x1000  }
0x18a: {  	[sflag:s4] =	ssyncset.done $0x0  }
0x18b: {  	[sflag:s4] =	ssyncadd.s32 $0xFFFFF000  }
0x18c: {  	[spmem:s22] =	stream.indirect.scatter.add.f32 [tilespmem:s29], [sflag:$0x8], $0x40, s5, s17, $0x2000b8;
	[tilespmem:$0x19400] =	vst v63  }
0x18d: {  	_ = 	snop  }
0x18e: {  	[tilespmem:s20], [sflag:$0x2] =	stream.indirect.gather [spmem:s1], $0x40, s6, s17, $0x2000b8;
	[tilespmem:$0x19400] =	vst v63  }
.LBB2_10:
0x18f: {  	_ =	swait.ge [sflag:s11], $0x1000  }
0x190: {  	[sflag:s11] =	ssyncset.done $0x0  }
0x191: {  	[sflag:s11] =	ssyncadd.s32 $0xFFFFF000  }
0x192: {  	_ =	swait.ge [sflag:s7], $0x1000  }
0x193: {  	s10 =	sshra.s32 s9, $0x2;
	[sflag:s7] =	ssyncset.done $0x0  }
0x194: {  	s23 =	sadd.s32 $0x14B00, s10;
	[sflag:s7] =	ssyncadd.s32 $0xFFFFF000  }
0x195: {  	[spmem:s22] =	stream.indirect.scatter.add.f32 [tilespmem:s14], [sflag:$0x5], $0x40, s23, s17, $0x2000b8;
	[tilespmem:$0x19400] =	vst v63  }
0x196: {  	s23 =	sadd.s32 $0x14180, s10  }
0x197: {  	[tilespmem:s24], [sflag:$0x3] =	stream.indirect.gather [spmem:s1], $0x40, s23, s17, $0x2000b8;
	[tilespmem:$0x19400] =	vst v63  }
0x198: {  	_ =	swait.ge [sflag:s25], $0x1000  }
0x199: {  	[sflag:s25] =	ssyncset.done $0x0  }
0x19a: {  	[sflag:s25] =	ssyncadd.s32 $0xFFFFF000  }
0x19b: {  	_ =	swait.ge [sflag:s12], $0x1000  }
0x19c: {  	[sflag:s12] =	ssyncset.done $0x0  }
0x19d: {  	s23 =	sadd.s32 $0x14B40, s10;
	[sflag:s12] =	ssyncadd.s32 $0xFFFFF000  }
0x19e: {  	[spmem:s22] =	stream.indirect.scatter.add.f32 [tilespmem:s20], [sflag:$0x6], $0x40, s23, s17, $0x2000b8;
	[tilespmem:$0x19400] =	vst v63  }
0x19f: {  	s23 =	sadd.s32 $0x141C0, s10  }
0x1a0: {  	[tilespmem:s29], [sflag:$0x4] =	stream.indirect.gather [spmem:s1], $0x40, s23, s17, $0x2000b8;
	[tilespmem:$0x19400] =	vst v63  }
0x1a1: {  	_ =	swait.ge [sflag:s30], $0x1000  }
0x1a2: {  	p1 =	seq.s32 s9, $0x2000;
	[sflag:s30] =	ssyncset.done $0x0  }
.Ltmp7:
0x1a3: {  	[sflag:s30] =	ssyncadd.s32 $0xFFFFF000;
	(pc) =	sbr.rel @p1 .LBB2_12-.Ltmp7, $4  }
0x1a4: {  	_ =	swait.ge [sflag:s31], $0x1000  }
0x1a5: {  	[sflag:s31] =	ssyncset.done $0x0  }
0x1a6: {  	s23 =	sadd.s32 $0x14B80, s10;
	[sflag:s31] =	ssyncadd.s32 $0xFFFFF000  }
0x1a7: {  	[spmem:s22] =	stream.indirect.scatter.add.f32 [tilespmem:s24], [sflag:$0x7], $0x40, s23, s17, $0x2000b8;
	[tilespmem:$0x19400] =	vst v63  }
0x1a8: {  	s23 =	sadd.s32 $0x14200, s10  }
0x1a9: {  	[tilespmem:s14], [sflag:$0x1] =	stream.indirect.gather [spmem:s1], $0x40, s23, s17, $0x2000b8;
	[tilespmem:$0x19400] =	vst v63  }
0x1aa: {  	_ =	swait.ge [sflag:s3], $0x1000  }
0x1ab: {  	[sflag:s3] =	ssyncset.done $0x0  }
0x1ac: {  	[sflag:s3] =	ssyncadd.s32 $0xFFFFF000  }
0x1ad: {  	_ =	swait.ge [sflag:s4], $0x1000  }
.Ltmp8:
0x1ae: {  	[sflag:s4] =	ssyncset.done $0x0;
	(pc) =	sbr.rel .LBB2_10-.Ltmp8, $4  }
0x1af: {  	s23 =	sadd.s32 $0x14BC0, s10;
	[sflag:s4] =	ssyncadd.s32 $0xFFFFF000  }
0x1b0: {  	[spmem:s22] =	stream.indirect.scatter.add.f32 [tilespmem:s29], [sflag:$0x8], $0x40, s23, s17, $0x2000b8;
	[tilespmem:$0x19400] =	vst v63  }
0x1b1: {  	s9 =	sadd.s32 $0x400, s9;
	s23 =	sadd.s32 $0x14240, s10  }
0x1b2: {  	[tilespmem:s20], [sflag:$0x2] =	stream.indirect.gather [spmem:s1], $0x40, s23, s17, $0x2000b8;
	[tilespmem:$0x19400] =	vst v63  }
.LBB2_12:
0x1b3: {  	_ =	swait.ge [sflag:s3], $0x1000  }
0x1b4: {  	[sflag:s3] =	ssyncset.done $0x0  }
0x1b5: {  	[sflag:s3] =	ssyncadd.s32 $0xFFFFF000  }
0x1b6: {  	_ =	swait.ge [sflag:s4], $0x1000  }
0x1b7: {  	[sflag:s4] =	ssyncset.done $0x0  }
0x1b8: {  	s9 =	sadd.s32 $0x14BC0, s10;
	[sflag:s4] =	ssyncadd.s32 $0xFFFFF000  }
0x1b9: {  	[spmem:s22] =	stream.indirect.scatter.add.f32 [tilespmem:s29], [sflag:$0x8], $0x40, s9, s17, $0x2000b8;
	[tilespmem:$0x19400] =	vst v63  }
0x1ba: {  	_ =	strace $0x9000004D  }
0x1bb: {  	_ =	swait.ge [sflag:s7], $0x1000  }
0x1bc: {  	[sflag:s7] =	ssyncset.done $0x0  }
0x1bd: {  	[sflag:s7] =	ssyncadd.s32 $0xFFFFF000  }
0x1be: {  	_ =	swait.ge [sflag:s12], $0x1000  }
0x1bf: {  	[sflag:s12] =	ssyncset.done $0x0  }
0x1c0: {  	s9 =	simm.s32 $0x0;
	s23 =	rddreg [dreg:$0xe];
	[sflag:s12] =	ssyncadd.s32 $0xFFFFF000  }
0x1c1: {  	[tilespmem:s15], [sflag:$0x9] =	stream.linear.gather [hbm4b:s23+s9], $0xA00, $0x38;
	[tilespmem:$0x19400] =	vst v63  }
0x1c2: {  	_ =	swait.ge [sflag:s13], $0xA00  }
0x1c3: {  	[sflag:s13] =	ssyncset.done $0x0  }
0x1c4: {  	s23 =	rddreg [dreg:$0xf];
	[sflag:s13] =	ssyncadd.s32 $0xFFFFF600  }
0x1c5: {  	[tilespmem:s16], [sflag:$0x9] =	stream.linear.gather [hbm4b:s23+s9], $0xA00, $0x38;
	[tilespmem:$0x19400] =	vst v63  }
0x1c6: {  	_ =	swait.ge [sflag:s13], $0xA00  }
0x1c7: {  	[sflag:s13] =	ssyncset.done $0x0  }
0x1c8: {  	[sflag:s13] =	ssyncadd.s32 $0xFFFFF600  }
0x1c9: {  	[tilespmem:s14], [sflag:$0x1] =	stream.indirect.gather [spmem:s1], $0x40, s15, s17, $0xb8;
	[tilespmem:$0x19400] =	vst v63  }
0x1ca: {  	_ = 	snop  }
0x1cb: {  	[tilespmem:s20], [sflag:$0x2] =	stream.indirect.gather [spmem:s1], $0x40, s21, s17, $0xb8;
	[tilespmem:$0x19400] =	vst v63  }
0x1cc: {  	_ =	strace $0x8000004E  }
0x1cd: {  	_ =	swait.ge [sflag:s11], $0x1000  }
0x1ce: {  	[sflag:s11] =	ssyncset.done $0x0  }
0x1cf: {  	[sflag:s11] =	ssyncadd.s32 $0xFFFFF000  }
0x1d0: {  	[spmem:s22] =	stream.indirect.scatter.add.f32 [tilespmem:s14], [sflag:$0x5], $0x40, s16, s17, $0x2000b8;
	[tilespmem:$0x19400] =	vst v63  }
0x1d1: {  	_ = 	snop  }
0x1d2: {  	[tilespmem:s24], [sflag:$0x3] =	stream.indirect.gather [spmem:s1], $0x40, s26, s17, $0x2000b8;
	[tilespmem:$0x19400] =	vst v63  }
0x1d3: {  	_ =	swait.ge [sflag:s25], $0x1000  }
0x1d4: {  	[sflag:s25] =	ssyncset.done $0x0  }
0x1d5: {  	s23 =	simm.s32 $0x14A40;
	[sflag:s25] =	ssyncadd.s32 $0xFFFFF000  }
0x1d6: {  	[spmem:s22] =	stream.indirect.scatter.add.f32 [tilespmem:s20], [sflag:$0x6], $0x40, s23, s17, $0x2000b8;
	[tilespmem:$0x19400] =	vst v63  }
0x1d7: {  	_ = 	snop  }
0x1d8: {  	[tilespmem:s29], [sflag:$0x4] =	stream.indirect.gather [spmem:s1], $0x40, s28, s17, $0x2000b8;
	[tilespmem:$0x19400] =	vst v63  }
0x1d9: {  	_ =	swait.ge [sflag:s30], $0x1000  }
0x1da: {  	[sflag:s30] =	ssyncset.done $0x0  }
0x1db: {  	[sflag:s30] =	ssyncadd.s32 $0xFFFFF000  }
0x1dc: {  	_ =	swait.ge [sflag:s31], $0x1000  }
0x1dd: {  	[sflag:s31] =	ssyncset.done $0x0  }
0x1de: {  	[sflag:s31] =	ssyncadd.s32 $0xFFFFF000  }
0x1df: {  	[spmem:s22] =	stream.indirect.scatter.add.f32 [tilespmem:s24], [sflag:$0x7], $0x40, s19, s17, $0x2000b8;
	[tilespmem:$0x19400] =	vst v63  }
0x1e0: {  	_ = 	snop  }
0x1e1: {  	[tilespmem:s14], [sflag:$0x1] =	stream.indirect.gather [spmem:s1], $0x40, s0, s17, $0x2000b8;
	[tilespmem:$0x19400] =	vst v63  }
0x1e2: {  	_ =	swait.ge [sflag:s3], $0x1000  }
0x1e3: {  	[sflag:s3] =	ssyncset.done $0x0  }
0x1e4: {  	[sflag:s3] =	ssyncadd.s32 $0xFFFFF000  }
0x1e5: {  	_ =	swait.ge [sflag:s4], $0x1000  }
0x1e6: {  	[sflag:s4] =	ssyncset.done $0x0  }
0x1e7: {  	[sflag:s4] =	ssyncadd.s32 $0xFFFFF000  }
0x1e8: {  	[spmem:s22] =	stream.indirect.scatter.add.f32 [tilespmem:s29], [sflag:$0x8], $0x40, s5, s17, $0x2000b8;
	[tilespmem:$0x19400] =	vst v63  }
0x1e9: {  	_ = 	snop  }
0x1ea: {  	[tilespmem:s20], [sflag:$0x2] =	stream.indirect.gather [spmem:s1], $0x40, s6, s17, $0x2000b8;
	[tilespmem:$0x19400] =	vst v63  }
.LBB2_13:
0x1eb: {  	_ =	swait.ge [sflag:s11], $0x1000  }
0x1ec: {  	[sflag:s11] =	ssyncset.done $0x0  }
0x1ed: {  	[sflag:s11] =	ssyncadd.s32 $0xFFFFF000  }
0x1ee: {  	_ =	swait.ge [sflag:s7], $0x1000  }
0x1ef: {  	s10 =	sshra.s32 s9, $0x2;
	[sflag:s7] =	ssyncset.done $0x0  }
0x1f0: {  	s23 =	sadd.s32 $0x14B00, s10;
	[sflag:s7] =	ssyncadd.s32 $0xFFFFF000  }
0x1f1: {  	[spmem:s22] =	stream.indirect.scatter.add.f32 [tilespmem:s14], [sflag:$0x5], $0x40, s23, s17, $0x2000b8;
	[tilespmem:$0x19400] =	vst v63  }
0x1f2: {  	s23 =	sadd.s32 $0x14180, s10  }
0x1f3: {  	[tilespmem:s24], [sflag:$0x3] =	stream.indirect.gather [spmem:s1], $0x40, s23, s17, $0x2000b8;
	[tilespmem:$0x19400] =	vst v63  }
0x1f4: {  	_ =	swait.ge [sflag:s25], $0x1000  }
0x1f5: {  	[sflag:s25] =	ssyncset.done $0x0  }
0x1f6: {  	[sflag:s25] =	ssyncadd.s32 $0xFFFFF000  }
0x1f7: {  	_ =	swait.ge [sflag:s12], $0x1000  }
0x1f8: {  	[sflag:s12] =	ssyncset.done $0x0  }
0x1f9: {  	s23 =	sadd.s32 $0x14B40, s10;
	[sflag:s12] =	ssyncadd.s32 $0xFFFFF000  }
0x1fa: {  	[spmem:s22] =	stream.indirect.scatter.add.f32 [tilespmem:s20], [sflag:$0x6], $0x40, s23, s17, $0x2000b8;
	[tilespmem:$0x19400] =	vst v63  }
0x1fb: {  	s23 =	sadd.s32 $0x141C0, s10  }
0x1fc: {  	[tilespmem:s29], [sflag:$0x4] =	stream.indirect.gather [spmem:s1], $0x40, s23, s17, $0x2000b8;
	[tilespmem:$0x19400] =	vst v63  }
0x1fd: {  	_ =	swait.ge [sflag:s30], $0x1000  }
0x1fe: {  	p1 =	seq.s32 s9, $0x2000;
	[sflag:s30] =	ssyncset.done $0x0  }
.Ltmp9:
0x1ff: {  	[sflag:s30] =	ssyncadd.s32 $0xFFFFF000;
	(pc) =	sbr.rel @p1 .LBB2_15-.Ltmp9, $4  }
0x200: {  	_ =	swait.ge [sflag:s31], $0x1000  }
0x201: {  	[sflag:s31] =	ssyncset.done $0x0  }
0x202: {  	s23 =	sadd.s32 $0x14B80, s10;
	[sflag:s31] =	ssyncadd.s32 $0xFFFFF000  }
0x203: {  	[spmem:s22] =	stream.indirect.scatter.add.f32 [tilespmem:s24], [sflag:$0x7], $0x40, s23, s17, $0x2000b8;
	[tilespmem:$0x19400] =	vst v63  }
0x204: {  	s23 =	sadd.s32 $0x14200, s10  }
0x205: {  	[tilespmem:s14], [sflag:$0x1] =	stream.indirect.gather [spmem:s1], $0x40, s23, s17, $0x2000b8;
	[tilespmem:$0x19400] =	vst v63  }
0x206: {  	_ =	swait.ge [sflag:s3], $0x1000  }
0x207: {  	[sflag:s3] =	ssyncset.done $0x0  }
0x208: {  	[sflag:s3] =	ssyncadd.s32 $0xFFFFF000  }
0x209: {  	_ =	swait.ge [sflag:s4], $0x1000  }
.Ltmp10:
0x20a: {  	[sflag:s4] =	ssyncset.done $0x0;
	(pc) =	sbr.rel .LBB2_13-.Ltmp10, $4  }
0x20b: {  	s23 =	sadd.s32 $0x14BC0, s10;
	[sflag:s4] =	ssyncadd.s32 $0xFFFFF000  }
0x20c: {  	[spmem:s22] =	stream.indirect.scatter.add.f32 [tilespmem:s29], [sflag:$0x8], $0x40, s23, s17, $0x2000b8;
	[tilespmem:$0x19400] =	vst v63  }
0x20d: {  	s9 =	sadd.s32 $0x400, s9;
	s23 =	sadd.s32 $0x14240, s10  }
0x20e: {  	[tilespmem:s20], [sflag:$0x2] =	stream.indirect.gather [spmem:s1], $0x40, s23, s17, $0x2000b8;
	[tilespmem:$0x19400] =	vst v63  }
.LBB2_15:
0x20f: {  	_ =	swait.ge [sflag:s3], $0x1000  }
0x210: {  	[sflag:s3] =	ssyncset.done $0x0  }
0x211: {  	[sflag:s3] =	ssyncadd.s32 $0xFFFFF000  }
0x212: {  	_ =	swait.ge [sflag:s4], $0x1000  }
0x213: {  	[sflag:s4] =	ssyncset.done $0x0  }
0x214: {  	s9 =	sadd.s32 $0x14BC0, s10;
	[sflag:s4] =	ssyncadd.s32 $0xFFFFF000  }
0x215: {  	[spmem:s22] =	stream.indirect.scatter.add.f32 [tilespmem:s29], [sflag:$0x8], $0x40, s9, s17, $0x2000b8;
	[tilespmem:$0x19400] =	vst v63  }
0x216: {  	_ =	strace $0x9000004E  }
0x217: {  	_ =	swait.ge [sflag:s7], $0x1000  }
0x218: {  	[sflag:s7] =	ssyncset.done $0x0  }
0x219: {  	[sflag:s7] =	ssyncadd.s32 $0xFFFFF000  }
0x21a: {  	_ =	swait.ge [sflag:s12], $0x1000  }
0x21b: {  	[sflag:s12] =	ssyncset.done $0x0  }
0x21c: {  	s9 =	simm.s32 $0x0;
	s23 =	rddreg [dreg:$0x10];
	[sflag:s12] =	ssyncadd.s32 $0xFFFFF000  }
0x21d: {  	[tilespmem:s15], [sflag:$0x9] =	stream.linear.gather [hbm4b:s23+s9], $0xA00, $0x38;
	[tilespmem:$0x19400] =	vst v63  }
0x21e: {  	_ =	swait.ge [sflag:s13], $0xA00  }
0x21f: {  	[sflag:s13] =	ssyncset.done $0x0  }
0x220: {  	s23 =	rddreg [dreg:$0x11];
	[sflag:s13] =	ssyncadd.s32 $0xFFFFF600  }
0x221: {  	[tilespmem:s16], [sflag:$0x9] =	stream.linear.gather [hbm4b:s23+s9], $0xA00, $0x38;
	[tilespmem:$0x19400] =	vst v63  }
0x222: {  	_ =	swait.ge [sflag:s13], $0xA00  }
0x223: {  	[sflag:s13] =	ssyncset.done $0x0  }
0x224: {  	[sflag:s13] =	ssyncadd.s32 $0xFFFFF600  }
0x225: {  	[tilespmem:s14], [sflag:$0x1] =	stream.indirect.gather [spmem:s1], $0x40, s15, s17, $0xb8;
	[tilespmem:$0x19400] =	vst v63  }
0x226: {  	_ = 	snop  }
0x227: {  	[tilespmem:s20], [sflag:$0x2] =	stream.indirect.gather [spmem:s1], $0x40, s21, s17, $0xb8;
	[tilespmem:$0x19400] =	vst v63  }
0x228: {  	_ =	strace $0x8000004F  }
0x229: {  	_ =	swait.ge [sflag:s11], $0x1000  }
0x22a: {  	[sflag:s11] =	ssyncset.done $0x0  }
0x22b: {  	[sflag:s11] =	ssyncadd.s32 $0xFFFFF000  }
0x22c: {  	[spmem:s22] =	stream.indirect.scatter.add.f32 [tilespmem:s14], [sflag:$0x5], $0x40, s16, s17, $0x2000b8;
	[tilespmem:$0x19400] =	vst v63  }
0x22d: {  	_ = 	snop  }
0x22e: {  	[tilespmem:s24], [sflag:$0x3] =	stream.indirect.gather [spmem:s1], $0x40, s26, s17, $0x2000b8;
	[tilespmem:$0x19400] =	vst v63  }
0x22f: {  	_ =	swait.ge [sflag:s25], $0x1000  }
0x230: {  	[sflag:s25] =	ssyncset.done $0x0  }
0x231: {  	s23 =	simm.s32 $0x14A40;
	[sflag:s25] =	ssyncadd.s32 $0xFFFFF000  }
0x232: {  	[spmem:s22] =	stream.indirect.scatter.add.f32 [tilespmem:s20], [sflag:$0x6], $0x40, s23, s17, $0x2000b8;
	[tilespmem:$0x19400] =	vst v63  }
0x233: {  	_ = 	snop  }
0x234: {  	[tilespmem:s29], [sflag:$0x4] =	stream.indirect.gather [spmem:s1], $0x40, s28, s17, $0x2000b8;
	[tilespmem:$0x19400] =	vst v63  }
0x235: {  	_ =	swait.ge [sflag:s30], $0x1000  }
0x236: {  	[sflag:s30] =	ssyncset.done $0x0  }
0x237: {  	[sflag:s30] =	ssyncadd.s32 $0xFFFFF000  }
0x238: {  	_ =	swait.ge [sflag:s31], $0x1000  }
0x239: {  	[sflag:s31] =	ssyncset.done $0x0  }
0x23a: {  	[sflag:s31] =	ssyncadd.s32 $0xFFFFF000  }
0x23b: {  	[spmem:s22] =	stream.indirect.scatter.add.f32 [tilespmem:s24], [sflag:$0x7], $0x40, s19, s17, $0x2000b8;
	[tilespmem:$0x19400] =	vst v63  }
0x23c: {  	_ = 	snop  }
0x23d: {  	[tilespmem:s14], [sflag:$0x1] =	stream.indirect.gather [spmem:s1], $0x40, s0, s17, $0x2000b8;
	[tilespmem:$0x19400] =	vst v63  }
0x23e: {  	_ =	swait.ge [sflag:s3], $0x1000  }
0x23f: {  	[sflag:s3] =	ssyncset.done $0x0  }
0x240: {  	[sflag:s3] =	ssyncadd.s32 $0xFFFFF000  }
0x241: {  	_ =	swait.ge [sflag:s4], $0x1000  }
0x242: {  	[sflag:s4] =	ssyncset.done $0x0  }
0x243: {  	[sflag:s4] =	ssyncadd.s32 $0xFFFFF000  }
0x244: {  	[spmem:s22] =	stream.indirect.scatter.add.f32 [tilespmem:s29], [sflag:$0x8], $0x40, s5, s17, $0x2000b8;
	[tilespmem:$0x19400] =	vst v63  }
0x245: {  	_ = 	snop  }
0x246: {  	[tilespmem:s20], [sflag:$0x2] =	stream.indirect.gather [spmem:s1], $0x40, s6, s17, $0x2000b8;
	[tilespmem:$0x19400] =	vst v63  }
.LBB2_16:
0x247: {  	_ =	swait.ge [sflag:s11], $0x1000  }
0x248: {  	[sflag:s11] =	ssyncset.done $0x0  }
0x249: {  	[sflag:s11] =	ssyncadd.s32 $0xFFFFF000  }
0x24a: {  	_ =	swait.ge [sflag:s7], $0x1000  }
0x24b: {  	s10 =	sshra.s32 s9, $0x2;
	[sflag:s7] =	ssyncset.done $0x0  }
0x24c: {  	s23 =	sadd.s32 $0x14B00, s10;
	[sflag:s7] =	ssyncadd.s32 $0xFFFFF000  }
0x24d: {  	[spmem:s22] =	stream.indirect.scatter.add.f32 [tilespmem:s14], [sflag:$0x5], $0x40, s23, s17, $0x2000b8;
	[tilespmem:$0x19400] =	vst v63  }
0x24e: {  	s23 =	sadd.s32 $0x14180, s10  }
0x24f: {  	[tilespmem:s24], [sflag:$0x3] =	stream.indirect.gather [spmem:s1], $0x40, s23, s17, $0x2000b8;
	[tilespmem:$0x19400] =	vst v63  }
0x250: {  	_ =	swait.ge [sflag:s25], $0x1000  }
0x251: {  	[sflag:s25] =	ssyncset.done $0x0  }
0x252: {  	[sflag:s25] =	ssyncadd.s32 $0xFFFFF000  }
0x253: {  	_ =	swait.ge [sflag:s12], $0x1000  }
0x254: {  	[sflag:s12] =	ssyncset.done $0x0  }
0x255: {  	s23 =	sadd.s32 $0x14B40, s10;
	[sflag:s12] =	ssyncadd.s32 $0xFFFFF000  }
0x256: {  	[spmem:s22] =	stream.indirect.scatter.add.f32 [tilespmem:s20], [sflag:$0x6], $0x40, s23, s17, $0x2000b8;
	[tilespmem:$0x19400] =	vst v63  }
0x257: {  	s23 =	sadd.s32 $0x141C0, s10  }
0x258: {  	[tilespmem:s29], [sflag:$0x4] =	stream.indirect.gather [spmem:s1], $0x40, s23, s17, $0x2000b8;
	[tilespmem:$0x19400] =	vst v63  }
0x259: {  	_ =	swait.ge [sflag:s30], $0x1000  }
0x25a: {  	p1 =	seq.s32 s9, $0x2000;
	[sflag:s30] =	ssyncset.done $0x0  }
.Ltmp11:
0x25b: {  	[sflag:s30] =	ssyncadd.s32 $0xFFFFF000;
	(pc) =	sbr.rel @p1 .LBB2_18-.Ltmp11, $4  }
0x25c: {  	_ =	swait.ge [sflag:s31], $0x1000  }
0x25d: {  	[sflag:s31] =	ssyncset.done $0x0  }
0x25e: {  	s23 =	sadd.s32 $0x14B80, s10;
	[sflag:s31] =	ssyncadd.s32 $0xFFFFF000  }
0x25f: {  	[spmem:s22] =	stream.indirect.scatter.add.f32 [tilespmem:s24], [sflag:$0x7], $0x40, s23, s17, $0x2000b8;
	[tilespmem:$0x19400] =	vst v63  }
0x260: {  	s23 =	sadd.s32 $0x14200, s10  }
0x261: {  	[tilespmem:s14], [sflag:$0x1] =	stream.indirect.gather [spmem:s1], $0x40, s23, s17, $0x2000b8;
	[tilespmem:$0x19400] =	vst v63  }
0x262: {  	_ =	swait.ge [sflag:s3], $0x1000  }
0x263: {  	[sflag:s3] =	ssyncset.done $0x0  }
0x264: {  	[sflag:s3] =	ssyncadd.s32 $0xFFFFF000  }
0x265: {  	_ =	swait.ge [sflag:s4], $0x1000  }
.Ltmp12:
0x266: {  	[sflag:s4] =	ssyncset.done $0x0;
	(pc) =	sbr.rel .LBB2_16-.Ltmp12, $4  }
0x267: {  	s23 =	sadd.s32 $0x14BC0, s10;
	[sflag:s4] =	ssyncadd.s32 $0xFFFFF000  }
0x268: {  	[spmem:s22] =	stream.indirect.scatter.add.f32 [tilespmem:s29], [sflag:$0x8], $0x40, s23, s17, $0x2000b8;
	[tilespmem:$0x19400] =	vst v63  }
0x269: {  	s9 =	sadd.s32 $0x400, s9;
	s23 =	sadd.s32 $0x14240, s10  }
0x26a: {  	[tilespmem:s20], [sflag:$0x2] =	stream.indirect.gather [spmem:s1], $0x40, s23, s17, $0x2000b8;
	[tilespmem:$0x19400] =	vst v63  }
.LBB2_18:
0x26b: {  	_ =	swait.ge [sflag:s3], $0x1000  }
0x26c: {  	[sflag:s3] =	ssyncset.done $0x0  }
0x26d: {  	[sflag:s3] =	ssyncadd.s32 $0xFFFFF000  }
0x26e: {  	_ =	swait.ge [sflag:s4], $0x1000  }
0x26f: {  	[sflag:s4] =	ssyncset.done $0x0  }
0x270: {  	s9 =	sadd.s32 $0x14BC0, s10;
	[sflag:s4] =	ssyncadd.s32 $0xFFFFF000  }
0x271: {  	[spmem:s22] =	stream.indirect.scatter.add.f32 [tilespmem:s29], [sflag:$0x8], $0x40, s9, s17, $0x2000b8;
	[tilespmem:$0x19400] =	vst v63  }
0x272: {  	_ =	strace $0x9000004F  }
0x273: {  	_ =	swait.ge [sflag:s7], $0x1000  }
0x274: {  	[sflag:s7] =	ssyncset.done $0x0  }
0x275: {  	[sflag:s7] =	ssyncadd.s32 $0xFFFFF000  }
0x276: {  	_ =	swait.ge [sflag:s12], $0x1000  }
0x277: {  	[sflag:s12] =	ssyncset.done $0x0  }
0x278: {  	s9 =	simm.s32 $0x0;
	s23 =	rddreg [dreg:$0x12];
	[sflag:s12] =	ssyncadd.s32 $0xFFFFF000  }
0x279: {  	[tilespmem:s15], [sflag:$0x9] =	stream.linear.gather [hbm4b:s23+s9], $0xA00, $0x38;
	[tilespmem:$0x19400] =	vst v63  }
0x27a: {  	_ =	swait.ge [sflag:s13], $0xA00  }
0x27b: {  	[sflag:s13] =	ssyncset.done $0x0  }
0x27c: {  	s23 =	rddreg [dreg:$0x13];
	[sflag:s13] =	ssyncadd.s32 $0xFFFFF600  }
0x27d: {  	[tilespmem:s16], [sflag:$0x9] =	stream.linear.gather [hbm4b:s23+s9], $0xA00, $0x38;
	[tilespmem:$0x19400] =	vst v63  }
0x27e: {  	_ =	swait.ge [sflag:s13], $0xA00  }
0x27f: {  	[sflag:s13] =	ssyncset.done $0x0  }
0x280: {  	[sflag:s13] =	ssyncadd.s32 $0xFFFFF600  }
0x281: {  	[tilespmem:s14], [sflag:$0x1] =	stream.indirect.gather [spmem:s1], $0x40, s15, s17, $0xb8;
	[tilespmem:$0x19400] =	vst v63  }
0x282: {  	_ = 	snop  }
0x283: {  	[tilespmem:s20], [sflag:$0x2] =	stream.indirect.gather [spmem:s1], $0x40, s21, s17, $0xb8;
	[tilespmem:$0x19400] =	vst v63  }
0x284: {  	_ =	strace $0x80000050  }
0x285: {  	_ =	swait.ge [sflag:s11], $0x1000  }
0x286: {  	[sflag:s11] =	ssyncset.done $0x0  }
0x287: {  	[sflag:s11] =	ssyncadd.s32 $0xFFFFF000  }
0x288: {  	[spmem:s22] =	stream.indirect.scatter.add.f32 [tilespmem:s14], [sflag:$0x5], $0x40, s16, s17, $0x2000b8;
	[tilespmem:$0x19400] =	vst v63  }
0x289: {  	_ = 	snop  }
0x28a: {  	[tilespmem:s24], [sflag:$0x3] =	stream.indirect.gather [spmem:s1], $0x40, s26, s17, $0x2000b8;
	[tilespmem:$0x19400] =	vst v63  }
0x28b: {  	_ =	swait.ge [sflag:s25], $0x1000  }
0x28c: {  	[sflag:s25] =	ssyncset.done $0x0  }
0x28d: {  	s23 =	simm.s32 $0x14A40;
	[sflag:s25] =	ssyncadd.s32 $0xFFFFF000  }
0x28e: {  	[spmem:s22] =	stream.indirect.scatter.add.f32 [tilespmem:s20], [sflag:$0x6], $0x40, s23, s17, $0x2000b8;
	[tilespmem:$0x19400] =	vst v63  }
0x28f: {  	_ = 	snop  }
0x290: {  	[tilespmem:s29], [sflag:$0x4] =	stream.indirect.gather [spmem:s1], $0x40, s28, s17, $0x2000b8;
	[tilespmem:$0x19400] =	vst v63  }
0x291: {  	_ =	swait.ge [sflag:s30], $0x1000  }
0x292: {  	[sflag:s30] =	ssyncset.done $0x0  }
0x293: {  	[sflag:s30] =	ssyncadd.s32 $0xFFFFF000  }
0x294: {  	_ =	swait.ge [sflag:s31], $0x1000  }
0x295: {  	[sflag:s31] =	ssyncset.done $0x0  }
0x296: {  	[sflag:s31] =	ssyncadd.s32 $0xFFFFF000  }
0x297: {  	[spmem:s22] =	stream.indirect.scatter.add.f32 [tilespmem:s24], [sflag:$0x7], $0x40, s19, s17, $0x2000b8;
	[tilespmem:$0x19400] =	vst v63  }
0x298: {  	_ = 	snop  }
0x299: {  	[tilespmem:s14], [sflag:$0x1] =	stream.indirect.gather [spmem:s1], $0x40, s0, s17, $0x2000b8;
	[tilespmem:$0x19400] =	vst v63  }
0x29a: {  	_ =	swait.ge [sflag:s3], $0x1000  }
0x29b: {  	[sflag:s3] =	ssyncset.done $0x0  }
0x29c: {  	[sflag:s3] =	ssyncadd.s32 $0xFFFFF000  }
0x29d: {  	_ =	swait.ge [sflag:s4], $0x1000  }
0x29e: {  	[sflag:s4] =	ssyncset.done $0x0  }
0x29f: {  	[sflag:s4] =	ssyncadd.s32 $0xFFFFF000  }
0x2a0: {  	[spmem:s22] =	stream.indirect.scatter.add.f32 [tilespmem:s29], [sflag:$0x8], $0x40, s5, s17, $0x2000b8;
	[tilespmem:$0x19400] =	vst v63  }
0x2a1: {  	_ = 	snop  }
0x2a2: {  	[tilespmem:s20], [sflag:$0x2] =	stream.indirect.gather [spmem:s1], $0x40, s6, s17, $0x2000b8;
	[tilespmem:$0x19400] =	vst v63  }
.LBB2_19:
0x2a3: {  	_ =	swait.ge [sflag:s11], $0x1000  }
0x2a4: {  	[sflag:s11] =	ssyncset.done $0x0  }
0x2a5: {  	[sflag:s11] =	ssyncadd.s32 $0xFFFFF000  }
0x2a6: {  	_ =	swait.ge [sflag:s7], $0x1000  }
0x2a7: {  	s10 =	sshra.s32 s9, $0x2;
	[sflag:s7] =	ssyncset.done $0x0  }
0x2a8: {  	s23 =	sadd.s32 $0x14B00, s10;
	[sflag:s7] =	ssyncadd.s32 $0xFFFFF000  }
0x2a9: {  	[spmem:s22] =	stream.indirect.scatter.add.f32 [tilespmem:s14], [sflag:$0x5], $0x40, s23, s17, $0x2000b8;
	[tilespmem:$0x19400] =	vst v63  }
0x2aa: {  	s23 =	sadd.s32 $0x14180, s10  }
0x2ab: {  	[tilespmem:s24], [sflag:$0x3] =	stream.indirect.gather [spmem:s1], $0x40, s23, s17, $0x2000b8;
	[tilespmem:$0x19400] =	vst v63  }
0x2ac: {  	_ =	swait.ge [sflag:s25], $0x1000  }
0x2ad: {  	[sflag:s25] =	ssyncset.done $0x0  }
0x2ae: {  	[sflag:s25] =	ssyncadd.s32 $0xFFFFF000  }
0x2af: {  	_ =	swait.ge [sflag:s12], $0x1000  }
0x2b0: {  	[sflag:s12] =	ssyncset.done $0x0  }
0x2b1: {  	s23 =	sadd.s32 $0x14B40, s10;
	[sflag:s12] =	ssyncadd.s32 $0xFFFFF000  }
0x2b2: {  	[spmem:s22] =	stream.indirect.scatter.add.f32 [tilespmem:s20], [sflag:$0x6], $0x40, s23, s17, $0x2000b8;
	[tilespmem:$0x19400] =	vst v63  }
0x2b3: {  	s23 =	sadd.s32 $0x141C0, s10  }
0x2b4: {  	[tilespmem:s29], [sflag:$0x4] =	stream.indirect.gather [spmem:s1], $0x40, s23, s17, $0x2000b8;
	[tilespmem:$0x19400] =	vst v63  }
0x2b5: {  	_ =	swait.ge [sflag:s30], $0x1000  }
0x2b6: {  	p1 =	seq.s32 s9, $0x2000;
	[sflag:s30] =	ssyncset.done $0x0  }
.Ltmp13:
0x2b7: {  	[sflag:s30] =	ssyncadd.s32 $0xFFFFF000;
	(pc) =	sbr.rel @p1 .LBB2_21-.Ltmp13, $4  }
0x2b8: {  	_ =	swait.ge [sflag:s31], $0x1000  }
0x2b9: {  	[sflag:s31] =	ssyncset.done $0x0  }
0x2ba: {  	s23 =	sadd.s32 $0x14B80, s10;
	[sflag:s31] =	ssyncadd.s32 $0xFFFFF000  }
0x2bb: {  	[spmem:s22] =	stream.indirect.scatter.add.f32 [tilespmem:s24], [sflag:$0x7], $0x40, s23, s17, $0x2000b8;
	[tilespmem:$0x19400] =	vst v63  }
0x2bc: {  	s23 =	sadd.s32 $0x14200, s10  }
0x2bd: {  	[tilespmem:s14], [sflag:$0x1] =	stream.indirect.gather [spmem:s1], $0x40, s23, s17, $0x2000b8;
	[tilespmem:$0x19400] =	vst v63  }
0x2be: {  	_ =	swait.ge [sflag:s3], $0x1000  }
0x2bf: {  	[sflag:s3] =	ssyncset.done $0x0  }
0x2c0: {  	[sflag:s3] =	ssyncadd.s32 $0xFFFFF000  }
0x2c1: {  	_ =	swait.ge [sflag:s4], $0x1000  }
.Ltmp14:
0x2c2: {  	[sflag:s4] =	ssyncset.done $0x0;
	(pc) =	sbr.rel .LBB2_19-.Ltmp14, $4  }
0x2c3: {  	s23 =	sadd.s32 $0x14BC0, s10;
	[sflag:s4] =	ssyncadd.s32 $0xFFFFF000  }
0x2c4: {  	[spmem:s22] =	stream.indirect.scatter.add.f32 [tilespmem:s29], [sflag:$0x8], $0x40, s23, s17, $0x2000b8;
	[tilespmem:$0x19400] =	vst v63  }
0x2c5: {  	s9 =	sadd.s32 $0x400, s9;
	s23 =	sadd.s32 $0x14240, s10  }
0x2c6: {  	[tilespmem:s20], [sflag:$0x2] =	stream.indirect.gather [spmem:s1], $0x40, s23, s17, $0x2000b8;
	[tilespmem:$0x19400] =	vst v63  }
.LBB2_21:
0x2c7: {  	_ =	swait.ge [sflag:s3], $0x1000  }
0x2c8: {  	[sflag:s3] =	ssyncset.done $0x0  }
0x2c9: {  	[sflag:s3] =	ssyncadd.s32 $0xFFFFF000  }
0x2ca: {  	_ =	swait.ge [sflag:s4], $0x1000  }
0x2cb: {  	[sflag:s4] =	ssyncset.done $0x0  }
0x2cc: {  	s9 =	sadd.s32 $0x14BC0, s10;
	[sflag:s4] =	ssyncadd.s32 $0xFFFFF000  }
0x2cd: {  	[spmem:s22] =	stream.indirect.scatter.add.f32 [tilespmem:s29], [sflag:$0x8], $0x40, s9, s17, $0x2000b8;
	[tilespmem:$0x19400] =	vst v63  }
0x2ce: {  	_ =	strace $0x90000050  }
0x2cf: {  	_ =	swait.ge [sflag:s7], $0x1000  }
0x2d0: {  	[sflag:s7] =	ssyncset.done $0x0  }
0x2d1: {  	[sflag:s7] =	ssyncadd.s32 $0xFFFFF000  }
0x2d2: {  	_ =	swait.ge [sflag:s12], $0x1000  }
0x2d3: {  	[sflag:s12] =	ssyncset.done $0x0  }
0x2d4: {  	s9 =	simm.s32 $0x0;
	s23 =	rddreg [dreg:$0x14];
	[sflag:s12] =	ssyncadd.s32 $0xFFFFF000  }
0x2d5: {  	[tilespmem:s15], [sflag:$0x9] =	stream.linear.gather [hbm4b:s23+s9], $0xA00, $0x38;
	[tilespmem:$0x19400] =	vst v63  }
0x2d6: {  	_ =	swait.ge [sflag:s13], $0xA00  }
0x2d7: {  	[sflag:s13] =	ssyncset.done $0x0  }
0x2d8: {  	s23 =	rddreg [dreg:$0x15];
	[sflag:s13] =	ssyncadd.s32 $0xFFFFF600  }
0x2d9: {  	[tilespmem:s16], [sflag:$0x9] =	stream.linear.gather [hbm4b:s23+s9], $0xA00, $0x38;
	[tilespmem:$0x19400] =	vst v63  }
0x2da: {  	_ =	swait.ge [sflag:s13], $0xA00  }
0x2db: {  	[sflag:s13] =	ssyncset.done $0x0  }
0x2dc: {  	[sflag:s13] =	ssyncadd.s32 $0xFFFFF600  }
0x2dd: {  	[tilespmem:s14], [sflag:$0x1] =	stream.indirect.gather [spmem:s1], $0x40, s15, s17, $0xb8;
	[tilespmem:$0x19400] =	vst v63  }
0x2de: {  	_ = 	snop  }
0x2df: {  	[tilespmem:s20], [sflag:$0x2] =	stream.indirect.gather [spmem:s1], $0x40, s21, s17, $0xb8;
	[tilespmem:$0x19400] =	vst v63  }
0x2e0: {  	_ =	strace $0x80000051  }
0x2e1: {  	_ =	swait.ge [sflag:s11], $0x1000  }
0x2e2: {  	[sflag:s11] =	ssyncset.done $0x0  }
0x2e3: {  	[sflag:s11] =	ssyncadd.s32 $0xFFFFF000  }
0x2e4: {  	[spmem:s22] =	stream.indirect.scatter.add.f32 [tilespmem:s14], [sflag:$0x5], $0x40, s16, s17, $0x2000b8;
	[tilespmem:$0x19400] =	vst v63  }
0x2e5: {  	_ = 	snop  }
0x2e6: {  	[tilespmem:s24], [sflag:$0x3] =	stream.indirect.gather [spmem:s1], $0x40, s26, s17, $0x2000b8;
	[tilespmem:$0x19400] =	vst v63  }
0x2e7: {  	_ =	swait.ge [sflag:s25], $0x1000  }
0x2e8: {  	[sflag:s25] =	ssyncset.done $0x0  }
0x2e9: {  	s23 =	simm.s32 $0x14A40;
	[sflag:s25] =	ssyncadd.s32 $0xFFFFF000  }
0x2ea: {  	[spmem:s22] =	stream.indirect.scatter.add.f32 [tilespmem:s20], [sflag:$0x6], $0x40, s23, s17, $0x2000b8;
	[tilespmem:$0x19400] =	vst v63  }
0x2eb: {  	_ = 	snop  }
0x2ec: {  	[tilespmem:s29], [sflag:$0x4] =	stream.indirect.gather [spmem:s1], $0x40, s28, s17, $0x2000b8;
	[tilespmem:$0x19400] =	vst v63  }
0x2ed: {  	_ =	swait.ge [sflag:s30], $0x1000  }
0x2ee: {  	[sflag:s30] =	ssyncset.done $0x0  }
0x2ef: {  	[sflag:s30] =	ssyncadd.s32 $0xFFFFF000  }
0x2f0: {  	_ =	swait.ge [sflag:s31], $0x1000  }
0x2f1: {  	[sflag:s31] =	ssyncset.done $0x0  }
0x2f2: {  	[sflag:s31] =	ssyncadd.s32 $0xFFFFF000  }
0x2f3: {  	[spmem:s22] =	stream.indirect.scatter.add.f32 [tilespmem:s24], [sflag:$0x7], $0x40, s19, s17, $0x2000b8;
	[tilespmem:$0x19400] =	vst v63  }
0x2f4: {  	_ = 	snop  }
0x2f5: {  	[tilespmem:s14], [sflag:$0x1] =	stream.indirect.gather [spmem:s1], $0x40, s0, s17, $0x2000b8;
	[tilespmem:$0x19400] =	vst v63  }
0x2f6: {  	_ =	swait.ge [sflag:s3], $0x1000  }
0x2f7: {  	[sflag:s3] =	ssyncset.done $0x0  }
0x2f8: {  	[sflag:s3] =	ssyncadd.s32 $0xFFFFF000  }
0x2f9: {  	_ =	swait.ge [sflag:s4], $0x1000  }
0x2fa: {  	[sflag:s4] =	ssyncset.done $0x0  }
0x2fb: {  	[sflag:s4] =	ssyncadd.s32 $0xFFFFF000  }
0x2fc: {  	[spmem:s22] =	stream.indirect.scatter.add.f32 [tilespmem:s29], [sflag:$0x8], $0x40, s5, s17, $0x2000b8;
	[tilespmem:$0x19400] =	vst v63  }
0x2fd: {  	_ = 	snop  }
0x2fe: {  	[tilespmem:s20], [sflag:$0x2] =	stream.indirect.gather [spmem:s1], $0x40, s6, s17, $0x2000b8;
	[tilespmem:$0x19400] =	vst v63  }
.LBB2_22:
0x2ff: {  	_ =	swait.ge [sflag:s11], $0x1000  }
0x300: {  	[sflag:s11] =	ssyncset.done $0x0  }
0x301: {  	[sflag:s11] =	ssyncadd.s32 $0xFFFFF000  }
0x302: {  	_ =	swait.ge [sflag:s7], $0x1000  }
0x303: {  	s10 =	sshra.s32 s9, $0x2;
	[sflag:s7] =	ssyncset.done $0x0  }
0x304: {  	s23 =	sadd.s32 $0x14B00, s10;
	[sflag:s7] =	ssyncadd.s32 $0xFFFFF000  }
0x305: {  	[spmem:s22] =	stream.indirect.scatter.add.f32 [tilespmem:s14], [sflag:$0x5], $0x40, s23, s17, $0x2000b8;
	[tilespmem:$0x19400] =	vst v63  }
0x306: {  	s23 =	sadd.s32 $0x14180, s10  }
0x307: {  	[tilespmem:s24], [sflag:$0x3] =	stream.indirect.gather [spmem:s1], $0x40, s23, s17, $0x2000b8;
	[tilespmem:$0x19400] =	vst v63  }
0x308: {  	_ =	swait.ge [sflag:s25], $0x1000  }
0x309: {  	[sflag:s25] =	ssyncset.done $0x0  }
0x30a: {  	[sflag:s25] =	ssyncadd.s32 $0xFFFFF000  }
0x30b: {  	_ =	swait.ge [sflag:s12], $0x1000  }
0x30c: {  	[sflag:s12] =	ssyncset.done $0x0  }
0x30d: {  	s23 =	sadd.s32 $0x14B40, s10;
	[sflag:s12] =	ssyncadd.s32 $0xFFFFF000  }
0x30e: {  	[spmem:s22] =	stream.indirect.scatter.add.f32 [tilespmem:s20], [sflag:$0x6], $0x40, s23, s17, $0x2000b8;
	[tilespmem:$0x19400] =	vst v63  }
0x30f: {  	s23 =	sadd.s32 $0x141C0, s10  }
0x310: {  	[tilespmem:s29], [sflag:$0x4] =	stream.indirect.gather [spmem:s1], $0x40, s23, s17, $0x2000b8;
	[tilespmem:$0x19400] =	vst v63  }
0x311: {  	_ =	swait.ge [sflag:s30], $0x1000  }
0x312: {  	p1 =	seq.s32 s9, $0x2000;
	[sflag:s30] =	ssyncset.done $0x0  }
.Ltmp15:
0x313: {  	[sflag:s30] =	ssyncadd.s32 $0xFFFFF000;
	(pc) =	sbr.rel @p1 .LBB2_24-.Ltmp15, $4  }
0x314: {  	_ =	swait.ge [sflag:s31], $0x1000  }
0x315: {  	[sflag:s31] =	ssyncset.done $0x0  }
0x316: {  	s23 =	sadd.s32 $0x14B80, s10;
	[sflag:s31] =	ssyncadd.s32 $0xFFFFF000  }
0x317: {  	[spmem:s22] =	stream.indirect.scatter.add.f32 [tilespmem:s24], [sflag:$0x7], $0x40, s23, s17, $0x2000b8;
	[tilespmem:$0x19400] =	vst v63  }
0x318: {  	s23 =	sadd.s32 $0x14200, s10  }
0x319: {  	[tilespmem:s14], [sflag:$0x1] =	stream.indirect.gather [spmem:s1], $0x40, s23, s17, $0x2000b8;
	[tilespmem:$0x19400] =	vst v63  }
0x31a: {  	_ =	swait.ge [sflag:s3], $0x1000  }
0x31b: {  	[sflag:s3] =	ssyncset.done $0x0  }
0x31c: {  	[sflag:s3] =	ssyncadd.s32 $0xFFFFF000  }
0x31d: {  	_ =	swait.ge [sflag:s4], $0x1000  }
.Ltmp16:
0x31e: {  	[sflag:s4] =	ssyncset.done $0x0;
	(pc) =	sbr.rel .LBB2_22-.Ltmp16, $4  }
0x31f: {  	s23 =	sadd.s32 $0x14BC0, s10;
	[sflag:s4] =	ssyncadd.s32 $0xFFFFF000  }
0x320: {  	[spmem:s22] =	stream.indirect.scatter.add.f32 [tilespmem:s29], [sflag:$0x8], $0x40, s23, s17, $0x2000b8;
	[tilespmem:$0x19400] =	vst v63  }
0x321: {  	s9 =	sadd.s32 $0x400, s9;
	s23 =	sadd.s32 $0x14240, s10  }
0x322: {  	[tilespmem:s20], [sflag:$0x2] =	stream.indirect.gather [spmem:s1], $0x40, s23, s17, $0x2000b8;
	[tilespmem:$0x19400] =	vst v63  }
.LBB2_24:
0x323: {  	_ =	swait.ge [sflag:s3], $0x1000  }
0x324: {  	[sflag:s3] =	ssyncset.done $0x0  }
0x325: {  	[sflag:s3] =	ssyncadd.s32 $0xFFFFF000  }
0x326: {  	_ =	swait.ge [sflag:s4], $0x1000  }
0x327: {  	[sflag:s4] =	ssyncset.done $0x0  }
0x328: {  	s9 =	sadd.s32 $0x14BC0, s10;
	[sflag:s4] =	ssyncadd.s32 $0xFFFFF000  }
0x329: {  	[spmem:s22] =	stream.indirect.scatter.add.f32 [tilespmem:s29], [sflag:$0x8], $0x40, s9, s17, $0x2000b8;
	[tilespmem:$0x19400] =	vst v63  }
0x32a: {  	_ =	strace $0x90000051  }
0x32b: {  	_ =	swait.ge [sflag:s7], $0x1000  }
0x32c: {  	[sflag:s7] =	ssyncset.done $0x0  }
0x32d: {  	[sflag:s7] =	ssyncadd.s32 $0xFFFFF000  }
0x32e: {  	_ =	swait.ge [sflag:s12], $0x1000  }
0x32f: {  	[sflag:s12] =	ssyncset.done $0x0  }
0x330: {  	s9 =	simm.s32 $0x0;
	s23 =	rddreg [dreg:$0x16];
	[sflag:s12] =	ssyncadd.s32 $0xFFFFF000  }
0x331: {  	[tilespmem:s15], [sflag:$0x9] =	stream.linear.gather [hbm4b:s23+s9], $0xA00, $0x38;
	[tilespmem:$0x19400] =	vst v63  }
0x332: {  	_ =	swait.ge [sflag:s13], $0xA00  }
0x333: {  	[sflag:s13] =	ssyncset.done $0x0  }
0x334: {  	s23 =	rddreg [dreg:$0x17];
	[sflag:s13] =	ssyncadd.s32 $0xFFFFF600  }
0x335: {  	[tilespmem:s16], [sflag:$0x9] =	stream.linear.gather [hbm4b:s23+s9], $0xA00, $0x38;
	[tilespmem:$0x19400] =	vst v63  }
0x336: {  	_ =	swait.ge [sflag:s13], $0xA00  }
0x337: {  	[sflag:s13] =	ssyncset.done $0x0  }
0x338: {  	[sflag:s13] =	ssyncadd.s32 $0xFFFFF600  }
0x339: {  	[tilespmem:s14], [sflag:$0x1] =	stream.indirect.gather [spmem:s1], $0x40, s15, s17, $0xb8;
	[tilespmem:$0x19400] =	vst v63  }
0x33a: {  	_ = 	snop  }
0x33b: {  	[tilespmem:s20], [sflag:$0x2] =	stream.indirect.gather [spmem:s1], $0x40, s21, s17, $0xb8;
	[tilespmem:$0x19400] =	vst v63  }
0x33c: {  	_ =	strace $0x80000052  }
0x33d: {  	_ =	swait.ge [sflag:s11], $0x1000  }
0x33e: {  	[sflag:s11] =	ssyncset.done $0x0  }
0x33f: {  	[sflag:s11] =	ssyncadd.s32 $0xFFFFF000  }
0x340: {  	[spmem:s22] =	stream.indirect.scatter.add.f32 [tilespmem:s14], [sflag:$0x5], $0x40, s16, s17, $0x2000b8;
	[tilespmem:$0x19400] =	vst v63  }
0x341: {  	_ = 	snop  }
0x342: {  	[tilespmem:s24], [sflag:$0x3] =	stream.indirect.gather [spmem:s1], $0x40, s26, s17, $0x2000b8;
	[tilespmem:$0x19400] =	vst v63  }
0x343: {  	_ =	swait.ge [sflag:s25], $0x1000  }
0x344: {  	[sflag:s25] =	ssyncset.done $0x0  }
0x345: {  	s26 =	simm.s32 $0x14A40;
	[sflag:s25] =	ssyncadd.s32 $0xFFFFF000  }
0x346: {  	[spmem:s22] =	stream.indirect.scatter.add.f32 [tilespmem:s20], [sflag:$0x6], $0x40, s26, s17, $0x2000b8;
	[tilespmem:$0x19400] =	vst v63  }
0x347: {  	_ = 	snop  }
0x348: {  	[tilespmem:s29], [sflag:$0x4] =	stream.indirect.gather [spmem:s1], $0x40, s28, s17, $0x2000b8;
	[tilespmem:$0x19400] =	vst v63  }
0x349: {  	_ =	swait.ge [sflag:s30], $0x1000  }
0x34a: {  	[sflag:s30] =	ssyncset.done $0x0  }
0x34b: {  	[sflag:s30] =	ssyncadd.s32 $0xFFFFF000  }
0x34c: {  	_ =	swait.ge [sflag:s31], $0x1000  }
0x34d: {  	[sflag:s31] =	ssyncset.done $0x0  }
0x34e: {  	[sflag:s31] =	ssyncadd.s32 $0xFFFFF000  }
0x34f: {  	[spmem:s22] =	stream.indirect.scatter.add.f32 [tilespmem:s24], [sflag:$0x7], $0x40, s19, s17, $0x2000b8;
	[tilespmem:$0x19400] =	vst v63  }
0x350: {  	_ = 	snop  }
0x351: {  	[tilespmem:s14], [sflag:$0x1] =	stream.indirect.gather [spmem:s1], $0x40, s0, s17, $0x2000b8;
	[tilespmem:$0x19400] =	vst v63  }
0x352: {  	_ =	swait.ge [sflag:s3], $0x1000  }
0x353: {  	[sflag:s3] =	ssyncset.done $0x0  }
0x354: {  	[sflag:s3] =	ssyncadd.s32 $0xFFFFF000  }
0x355: {  	_ =	swait.ge [sflag:s4], $0x1000  }
0x356: {  	[sflag:s4] =	ssyncset.done $0x0  }
0x357: {  	[sflag:s4] =	ssyncadd.s32 $0xFFFFF000  }
0x358: {  	[spmem:s22] =	stream.indirect.scatter.add.f32 [tilespmem:s29], [sflag:$0x8], $0x40, s5, s17, $0x2000b8;
	[tilespmem:$0x19400] =	vst v63  }
0x359: {  	_ = 	snop  }
0x35a: {  	[tilespmem:s20], [sflag:$0x2] =	stream.indirect.gather [spmem:s1], $0x40, s6, s17, $0x2000b8;
	[tilespmem:$0x19400] =	vst v63  }
.LBB2_25:
0x35b: {  	_ =	swait.ge [sflag:s11], $0x1000  }
0x35c: {  	[sflag:s11] =	ssyncset.done $0x0  }
0x35d: {  	[sflag:s11] =	ssyncadd.s32 $0xFFFFF000  }
0x35e: {  	_ =	swait.ge [sflag:s7], $0x1000  }
0x35f: {  	s10 =	sshra.s32 s9, $0x2;
	[sflag:s7] =	ssyncset.done $0x0  }
0x360: {  	s23 =	sadd.s32 $0x14B00, s10;
	[sflag:s7] =	ssyncadd.s32 $0xFFFFF000  }
0x361: {  	[spmem:s22] =	stream.indirect.scatter.add.f32 [tilespmem:s14], [sflag:$0x5], $0x40, s23, s17, $0x2000b8;
	[tilespmem:$0x19400] =	vst v63  }
0x362: {  	s21 =	sadd.s32 $0x14180, s10  }
0x363: {  	[tilespmem:s24], [sflag:$0x3] =	stream.indirect.gather [spmem:s1], $0x40, s21, s17, $0x2000b8;
	[tilespmem:$0x19400] =	vst v63  }
0x364: {  	_ =	swait.ge [sflag:s25], $0x1000  }
0x365: {  	[sflag:s25] =	ssyncset.done $0x0  }
0x366: {  	[sflag:s25] =	ssyncadd.s32 $0xFFFFF000  }
0x367: {  	_ =	swait.ge [sflag:s12], $0x1000  }
0x368: {  	[sflag:s12] =	ssyncset.done $0x0  }
0x369: {  	s26 =	sadd.s32 $0x14B40, s10;
	[sflag:s12] =	ssyncadd.s32 $0xFFFFF000  }
0x36a: {  	[spmem:s22] =	stream.indirect.scatter.add.f32 [tilespmem:s20], [sflag:$0x6], $0x40, s26, s17, $0x2000b8;
	[tilespmem:$0x19400] =	vst v63  }
0x36b: {  	s21 =	sadd.s32 $0x141C0, s10  }
0x36c: {  	[tilespmem:s29], [sflag:$0x4] =	stream.indirect.gather [spmem:s1], $0x40, s21, s17, $0x2000b8;
	[tilespmem:$0x19400] =	vst v63  }
0x36d: {  	_ =	swait.ge [sflag:s30], $0x1000  }
0x36e: {  	p1 =	seq.s32 s9, $0x2000;
	[sflag:s30] =	ssyncset.done $0x0  }
.Ltmp17:
0x36f: {  	[sflag:s30] =	ssyncadd.s32 $0xFFFFF000;
	(pc) =	sbr.rel @p1 .LBB2_27-.Ltmp17, $4  }
0x370: {  	_ =	swait.ge [sflag:s31], $0x1000  }
0x371: {  	[sflag:s31] =	ssyncset.done $0x0  }
0x372: {  	s26 =	sadd.s32 $0x14B80, s10;
	[sflag:s31] =	ssyncadd.s32 $0xFFFFF000  }
0x373: {  	[spmem:s22] =	stream.indirect.scatter.add.f32 [tilespmem:s24], [sflag:$0x7], $0x40, s26, s17, $0x2000b8;
	[tilespmem:$0x19400] =	vst v63  }
0x374: {  	s23 =	sadd.s32 $0x14200, s10  }
0x375: {  	[tilespmem:s14], [sflag:$0x1] =	stream.indirect.gather [spmem:s1], $0x40, s23, s17, $0x2000b8;
	[tilespmem:$0x19400] =	vst v63  }
0x376: {  	_ =	swait.ge [sflag:s3], $0x1000  }
0x377: {  	[sflag:s3] =	ssyncset.done $0x0  }
0x378: {  	[sflag:s3] =	ssyncadd.s32 $0xFFFFF000  }
0x379: {  	_ =	swait.ge [sflag:s4], $0x1000  }
.Ltmp18:
0x37a: {  	[sflag:s4] =	ssyncset.done $0x0;
	(pc) =	sbr.rel .LBB2_25-.Ltmp18, $4  }
0x37b: {  	s21 =	sadd.s32 $0x14BC0, s10;
	[sflag:s4] =	ssyncadd.s32 $0xFFFFF000  }
0x37c: {  	[spmem:s22] =	stream.indirect.scatter.add.f32 [tilespmem:s29], [sflag:$0x8], $0x40, s21, s17, $0x2000b8;
	[tilespmem:$0x19400] =	vst v63  }
0x37d: {  	s26 =	sadd.s32 $0x14240, s10;
	s9 =	sadd.s32 $0x400, s9  }
0x37e: {  	[tilespmem:s20], [sflag:$0x2] =	stream.indirect.gather [spmem:s1], $0x40, s26, s17, $0x2000b8;
	[tilespmem:$0x19400] =	vst v63  }
.LBB2_28:
0x37f: {  	_ =	sfence.sel $0x180000  }
0x380: {  	[bflag:$0x0] =	sbarrier.arrive $0xFFFF  }
0x381: {  	_ =	strace $0x90000047  }
0x382: {  	s0 =	stileid.u32;
	[bflag:$0x2] =	sbarrier.arrive $0xFFFF  }
0x383: {  	p0 =	sne.s32 s0, $0x0;
	s0 =	rddreg [dreg:$0x5]  }
0x384: {  	s0 =	sadd.s32 @!p0 $0x100000, s0  }
0x385: {  	[sflag:s0] =	ssyncadd.tile.s32 @!p0 $0x1;
	_ =	shalt  }
.Lfunc_end2:
_tile_overlayer_lowered:
.L_overlay_start_2:
0x386: {  	(tag) =	ssettag $0x2  }
0x387: {  	s0 =	rddreg [dreg:$0x0];
	s2 =	stileid.u32  }
0x388: {  	s1 =	rddreg [dreg:$0x1];
	p0 =	sne.s32 s2, $0x0  }
0x389: {  	s3 =	rddreg [dreg:$0x2];
	[bflag:$0x3] =	sbarrier.arrive $0xFFFF;
	s2 =	simm.s32 @!p0 $0x1C09  }
0x38a: {  	[timem:s3], [sflag:s2] =	dma.local @!p0 [hbm:s0], s1  }
0x38b: {  	s0 =	simm.s32 @!p0 $0x9  }
0x38c: {  	_ =	swait.ge @!p0 [sflag:s0], s1  }
0x38d: {  	s1 =	ssub.s32 @!p0 $0x0, s1;
	[sflag:s0] =	ssyncset.done @!p0 $0x0  }
0x38e: {  	[sflag:s0] =	ssyncadd.s32 @!p0 s1  }
0x38f: {  	[bflag:$0x3] =	sbarrier.arrive $0xFFFF  }
0x390: {  	_ =	shalt  }

</sc_bundles>
